<compile_context>
chip_gen: v7x
topology: tpu7x:2x2x1
jax: 0.10.2.dev20260603
libtpu: 0.0.44.dev20260713+nightly
codegen_flags: <defaults>
</compile_context>

<pallas_src>
import functools

import jax
import jax.numpy as jnp
from jax import lax
from jax.experimental import pallas as pl
from jax.experimental.pallas import tpu as pltpu
from jax.experimental.pallas import tpu_sc as plsc

B = 32
N = 16384
S = 64
V = S * S * S
SLABS = 4
SLAB_ROWS = S // SLABS
SLAB_V = SLAB_ROWS * S * S
ROW_V = S * S
GV = (SLAB_ROWS + 1) * ROW_V
NITER = N // 16
BKT_CAP = N + 16 * SLABS + 32


def _floor(p):
    t = p.astype(jnp.int32)
    return jnp.where(t.astype(jnp.float32) > p, t - 1, t)


def _body(xs_hbm, ys_hbm, zs_hbm, out_hbm, ba, bb, gv, s0, s1, s2):
    c = lax.axis_index("c")
    s = lax.axis_index("s")
    wid = s * 2 + c

    zeros16 = jnp.zeros((16,), jnp.float32)
    lane = lax.broadcasted_iota(jnp.int32, (16,), 0)

    hx = pltpu.async_copy(xs_hbm.at[wid], gv.at[pl.ds(0, N)], s0)
    hy = pltpu.async_copy(ys_hbm.at[wid], gv.at[pl.ds(N, N)], s1)
    hz = pltpu.async_copy(zs_hbm.at[wid], gv.at[pl.ds(2 * N, N)], s2)
    hx.wait()

    QN = N // 4
    QIT = QN // 16
    qcounts = []
    for k in range(4):
        @plsc.parallel_loop(0, QIT, unroll=4,
                            carry=(jnp.zeros((16,), jnp.int32),) * SLABS)
        def _count_in(i, parts, k=k):
            px = gv[pl.ds(k * QN + i * 16, 16)] * 32.0
            q = (_floor(px) + 32) >> 4
            return tuple(parts[qq] + (q == qq).astype(jnp.int32)
                         for qq in range(SLABS))

        qcounts.append([jnp.sum(p) for p in _count_in])

    counts = [qcounts[0][qq] + qcounts[1][qq] + qcounts[2][qq]
              + qcounts[3][qq] for qq in range(SLABS)]

    bases = [jnp.int32(0)]
    for qq in range(1, SLABS):
        bases.append(bases[-1] + ((counts[qq - 1] + 15) & ~15))
    starts = []
    for k in range(4):
        row = []
        for qq in range(SLABS):
            cur = bases[qq]
            for j in range(k):
                cur = cur + qcounts[j][qq]
            row.append(cur)
        starts.append(row)

    hy.wait()
    hz.wait()

    init = tuple(starts[0] + starts[1] + starts[2] + starts[3]) + (
        jnp.zeros((16,), jnp.int32),)

    @plsc.parallel_loop(0, QIT, carry=init)
    def _bin_in(i, carry):
        nzparts = carry[4 * SLABS]
        out = [None] * (4 * SLABS)
        for k in range(4):
            cursors = carry[k * SLABS:(k + 1) * SLABS]
            off = k * QN + i * 16
            x = gv[pl.ds(off, 16)]
            y = gv[pl.ds(N + off, 16)]
            z = gv[pl.ds(2 * N + off, 16)]
            px = x * 32.0
            py = y * 32.0
            pz = z * 32.0
            lx = _floor(px)
            ly = _floor(py)
            lz = _floor(pz)
            fx = px - lx.astype(jnp.float32)
            fy = py - ly.astype(jnp.float32)
            fz = pz - lz.astype(jnp.float32)
            vx = lx + 32
            q = vx >> 4
            bidx = (vx << 12) + ((ly + 32) << 6) + (lz + 32)
            fxs = jnp.minimum((fx * 65536.0).astype(jnp.int32), 65535) << 16
            fyq = jnp.minimum((fy * 65536.0).astype(jnp.int32), 65535)
            fzq = jnp.minimum((fz * 65536.0).astype(jnp.int32), 65535)
            bpk = fyq | (fzq << 16)
            nzparts = nzparts + (
                (jnp.abs(x) + jnp.abs(y) + jnp.abs(z)) == 0.0
            ).astype(jnp.int32)
            for qq in range(SLABS):
                m = q == qq
                cur = cursors[qq]
                plsc.store_compressed(ba.at[pl.ds(cur, 16)],
                                      (bidx - qq * SLAB_V) | fxs, mask=m)
                plsc.store_compressed(bb.at[pl.ds(cur, 16)], bpk, mask=m)
                pc = plsc.all_reduce_population_count(m)
                if pc.ndim > 0:
                    pc = pc[0]
                out[k * SLABS + qq] = cur + pc
        return tuple(out) + (nzparts,)

    cursors = _bin_in
    nzc = jnp.sum(cursors[4 * SLABS]).astype(jnp.float32)

    @plsc.parallel_loop(0, GV // 16, unroll=16)
    def _zero_all(j):
        gv[pl.ds(j * 16, 16)] = zeros16

    fsc = jnp.float32(1.0 / 65536.0)
    for q in range(SLABS):
        base = bases[q]
        nq = counts[q]

        @pl.loop(0, (nq + 31) >> 5)
        def _splat_loop(i):
            for u in range(2):
                off = base + i * 32 + u * 16
                sl = pl.ds(off, 16)
                av = ba[sl]
                bv = bb[sl]
                m = (i * 32 + u * 16 + lane) < nq
                b = av & 0xFFFF
                fx = lax.shift_right_logical(av, 16).astype(jnp.float32) * fsc
                fy = (bv & 0xFFFF).astype(jnp.float32) * fsc
                fz = lax.shift_right_logical(bv, 16).astype(jnp.float32) * fsc
                wx1 = fx
                wx0 = 1.0 - fx
                wy1 = fy
                wy0 = 1.0 - fy
                wz1 = fz
                wz0 = 1.0 - fz
                w00 = wx0 * wy0
                w01 = wx0 * wy1
                w10 = wx1 * wy0
                w11 = wx1 * wy1
                for db, wv in ((0, w00), (64, w01), (4096, w10), (4160, w11)):
                    plsc.addupdate_scatter(gv, [b + db], wv * wz0, mask=m)
                    plsc.addupdate_scatter(gv, [b + (db + 1)], wv * wz1,
                                           mask=m)

        if q == 2:
            cell = (32 << 6) + 32
            hot = ((lane + (cell & ~15)) == cell).astype(jnp.float32)
            csl = pl.ds(cell & ~15, 16)
            gv[csl] = gv[csl] - nzc * hot

        pltpu.sync_copy(gv.at[pl.ds(0, SLAB_V)],
                        out_hbm.at[wid, pl.ds(q * SLAB_V, SLAB_V)])

        if q + 1 < SLABS:
            @plsc.parallel_loop(0, ROW_V // 16, unroll=8)
            def _rot(j):
                gv[pl.ds(j * 16, 16)] = gv[pl.ds(SLAB_V + j * 16, 16)]

            @plsc.parallel_loop(0, SLAB_V // 16, unroll=16)
            def _zero(j):
                gv[pl.ds(ROW_V + j * 16, 16)] = zeros16


@jax.jit
def kernel(ptcloud):
    xs = ptcloud[:, :, 0]
    ys = ptcloud[:, :, 1]
    zs = ptcloud[:, :, 2]
    mesh = plsc.VectorSubcoreMesh(core_axis_name="c", subcore_axis_name="s")
    k = pl.kernel(
        _body,
        out_type=jax.ShapeDtypeStruct((B, V), jnp.float32),
        mesh=mesh,
        scratch_types=[
            pltpu.VMEM((BKT_CAP,), jnp.int32),
            pltpu.VMEM((BKT_CAP,), jnp.int32),
            pltpu.VMEM((GV,), jnp.float32),
            pltpu.SemaphoreType.DMA,
            pltpu.SemaphoreType.DMA,
            pltpu.SemaphoreType.DMA,
        ],
        compiler_params=pltpu.CompilerParams(needs_layout_passes=False),
    )
    return k(xs, ys, zs)

# --- scband reference (transcript-rebuilt; emitter-appended) ---
"""Pipeline reference for scband-gridding-39891656245673 (READ-ONLY COPY).

The authoritative reference and input builder live on the scoring server;
editing this copy changes nothing except your own understanding.
"""

import jax, jax.numpy as jnp
import numpy as np

SCALES = (64, 64, 64)


def setup_inputs(seed: int = 0) -> dict:
    key = jax.random.key(seed)
    # point cloud in (-1, 1), kept slightly inside so scaled coords stay in valid voxel range
    ptcloud = jax.random.uniform(key, (32, 16384, 3), dtype=jnp.float32, minval=-0.95, maxval=0.95)
    return {"ptcloud": ptcloud}


def _gridding(ptcloud):
    # Faithful jax translation of Gridding.forward + the gridding CUDA kernel:
    # scale points by scales/2, trilinearly splat each point onto the 8 surrounding
    # grid vertices of a scale_x*scale_y*scale_z voxel grid (scatter-add of weights).
    sx, sy, sz = SCALES
    sf = jnp.array([sx / 2.0, sy / 2.0, sz / 2.0], dtype=ptcloud.dtype)
    B, N, _ = ptcloud.shape
    # zero points are filtered out in the torch module; replicate by masking their weights
    mask = jax.lax.stop_gradient((jnp.sum(jnp.abs(ptcloud), axis=2) != 0).astype(ptcloud.dtype))  # [B, N]
    p = ptcloud * sf[None, None, :]  # scaled coords in [-scale/2, scale/2)
    lo = jnp.floor(p)
    frac = p - lo  # fractional offset within the cell, in [0, 1)
    lo_i = lo.astype(jnp.int32)
    min_xyz = jnp.array([-(sx // 2), -(sy // 2), -(sz // 2)], dtype=jnp.int32)
    corners = jnp.array([[dx, dy, dz] for dx in (0, 1) for dy in (0, 1) for dz in (0, 1)], dtype=jnp.int32)  # [8,3]
    vert = lo_i[:, :, None, :] + corners[None, None, :, :]  # [B, N, 8, 3] absolute vertex coords
    vidx = vert - min_xyz[None, None, None, :]  # shift to [0, scale)
    vidx = jnp.clip(vidx, 0, jnp.array([sx - 1, sy - 1, sz - 1], dtype=jnp.int32)[None, None, None, :])
    flat_idx = (vidx[..., 0] * sy + vidx[..., 1]) * sz + vidx[..., 2]  # [B, N, 8]
    cf = corners.astype(ptcloud.dtype)  # [8,3]
    # trilinear weight per axis: frac for the +1 corner, (1-frac) for the 0 corner
    w3 = cf[None, None, :, :] * frac[:, :, None, :] + (1.0 - cf)[None, None, :, :] * (1.0 - frac[:, :, None, :])
    w = w3[..., 0] * w3[..., 1] * w3[..., 2] * mask[:, :, None]  # [B, N, 8]
    V = sx * sy * sz
    grid = jnp.zeros((B, V), dtype=ptcloud.dtype)
    bidx = jnp.broadcast_to(jnp.arange(B, dtype=jnp.int32)[:, None, None], flat_idx.shape)
    grid = grid.at[bidx, flat_idx].add(w)  # scatter-add splat
    return grid  # [B, n_grid_vertices], matching torch output layout


def reference(ptcloud):
    return _gridding(ptcloud)

if __name__ == "__main__":
    import jax
    _d = setup_inputs()
    print(jax.jit(kernel)(*tuple(_d.values())))

</pallas_src>

<mosaic_0001>
#map = affine_map<(d0, d1) -> (0, 0)>
module attributes {stable_mosaic.version = 14 : i64} {
  func.func @_body(%arg0: i32, %arg1: i32, %arg2: memref<32x16384xf32, #tpu.memory_space<hbm>>, %arg3: memref<32x16384xf32, #tpu.memory_space<hbm>>, %arg4: memref<32x16384xf32, #tpu.memory_space<hbm>>, %arg5: memref<32x262144xf32, #tpu.memory_space<hbm>>, %arg6: memref<16480xi32, #tpu.memory_space<vmem>>, %arg7: memref<16480xi32, #tpu.memory_space<vmem>>, %arg8: memref<69632xf32, #tpu.memory_space<vmem>>, %arg9: memref<!tpu.dma_semaphore, #tpu.memory_space<semaphore_mem>>, %arg10: memref<!tpu.dma_semaphore, #tpu.memory_space<semaphore_mem>>, %arg11: memref<!tpu.dma_semaphore, #tpu.memory_space<semaphore_mem>>) attributes {dimension_semantics = [#tpu.dimension_semantics<core_parallel>, #tpu.dimension_semantics<subcore_parallel>], iteration_bounds = array<i64: 2, 16>, scalar_prefetch = 0 : i64, scratch_operands = 6 : i64, tpu.core_type = #tpu.core_type<sc_vector_subcore>, window_params = [{transform_indices = #map}, {transform_indices = #map}, {transform_indices = #map}, {transform_indices = #map}]} {
    %mul3A = arith.constant 2 : i32
    %mul3A_0 = arith.muli %arg1, %mul3A : i32
    %add3A = arith.addi %mul3A_0, %arg0 : i32
    %broadcast_in_dim3A = arith.constant 0.000000e+00 : f32
    %broadcast_in_dim3A_1 = vector.broadcast %broadcast_in_dim3A : f32 to vector<16xf32>
    %iota3A = tpu.iota {dimensions = array<i32: 0>} : vector<16xi32>
    %dma_start3A = arith.constant 0 : i32
    %dma_start3A_2 = tpu.memref_slice %arg8[%dma_start3A] : memref<69632xf32, #tpu.memory_space<vmem>> -> memref<16384xf32, #tpu.memory_space<vmem>>
    %dma_start3A_3 = arith.constant 0 : i32
    %dma_start3A_4 = tpu.memref_slice %arg2[%add3A, %dma_start3A_3] : memref<32x16384xf32, #tpu.memory_space<hbm>> -> memref<1x16384xf32, #tpu.memory_space<hbm>>
    %dma_start3A_5 = tpu.memref_squeeze %dma_start3A_4 : memref<1x16384xf32, #tpu.memory_space<hbm>> -> memref<16384xf32, #tpu.memory_space<hbm>>
    %dma_start3A_6 = arith.constant 0 : i32
    %dma_start3A_7 = tpu.memref_slice %arg8[%dma_start3A_6] : memref<69632xf32, #tpu.memory_space<vmem>> -> memref<16384xf32, #tpu.memory_space<vmem>>
    %dma_start3A_8 = arith.constant 0 : i32
    %dma_start3A_9 = tpu.memref_slice %arg2[%add3A, %dma_start3A_8] : memref<32x16384xf32, #tpu.memory_space<hbm>> -> memref<1x16384xf32, #tpu.memory_space<hbm>>
    %dma_start3A_10 = tpu.memref_squeeze %dma_start3A_9 : memref<1x16384xf32, #tpu.memory_space<hbm>> -> memref<16384xf32, #tpu.memory_space<hbm>>
    tpu.enqueue_dma source(%dma_start3A_10 : memref<16384xf32, #tpu.memory_space<hbm>>) target(%dma_start3A_7 : memref<16384xf32, #tpu.memory_space<vmem>>) target_semaphore(%arg9 : memref<!tpu.dma_semaphore, #tpu.memory_space<semaphore_mem>>)
    %dma_start3A_11 = arith.constant 16384 : i32
    %dma_start3A_12 = tpu.memref_slice %arg8[%dma_start3A_11] : memref<69632xf32, #tpu.memory_space<vmem>> -> memref<16384xf32, #tpu.memory_space<vmem>>
    %dma_start3A_13 = arith.constant 0 : i32
    %dma_start3A_14 = tpu.memref_slice %arg3[%add3A, %dma_start3A_13] : memref<32x16384xf32, #tpu.memory_space<hbm>> -> memref<1x16384xf32, #tpu.memory_space<hbm>>
    %dma_start3A_15 = tpu.memref_squeeze %dma_start3A_14 : memref<1x16384xf32, #tpu.memory_space<hbm>> -> memref<16384xf32, #tpu.memory_space<hbm>>
    %dma_start3A_16 = arith.constant 16384 : i32
    %dma_start3A_17 = tpu.memref_slice %arg8[%dma_start3A_16] : memref<69632xf32, #tpu.memory_space<vmem>> -> memref<16384xf32, #tpu.memory_space<vmem>>
    %dma_start3A_18 = arith.constant 0 : i32
    %dma_start3A_19 = tpu.memref_slice %arg3[%add3A, %dma_start3A_18] : memref<32x16384xf32, #tpu.memory_space<hbm>> -> memref<1x16384xf32, #tpu.memory_space<hbm>>
    %dma_start3A_20 = tpu.memref_squeeze %dma_start3A_19 : memref<1x16384xf32, #tpu.memory_space<hbm>> -> memref<16384xf32, #tpu.memory_space<hbm>>
    tpu.enqueue_dma source(%dma_start3A_20 : memref<16384xf32, #tpu.memory_space<hbm>>) target(%dma_start3A_17 : memref<16384xf32, #tpu.memory_space<vmem>>) target_semaphore(%arg10 : memref<!tpu.dma_semaphore, #tpu.memory_space<semaphore_mem>>)
    %dma_start3A_21 = arith.constant 32768 : i32
    %dma_start3A_22 = tpu.memref_slice %arg8[%dma_start3A_21] : memref<69632xf32, #tpu.memory_space<vmem>> -> memref<16384xf32, #tpu.memory_space<vmem>>
    %dma_start3A_23 = arith.constant 0 : i32
    %dma_start3A_24 = tpu.memref_slice %arg4[%add3A, %dma_start3A_23] : memref<32x16384xf32, #tpu.memory_space<hbm>> -> memref<1x16384xf32, #tpu.memory_space<hbm>>
    %dma_start3A_25 = tpu.memref_squeeze %dma_start3A_24 : memref<1x16384xf32, #tpu.memory_space<hbm>> -> memref<16384xf32, #tpu.memory_space<hbm>>
    %dma_start3A_26 = arith.constant 32768 : i32
    %dma_start3A_27 = tpu.memref_slice %arg8[%dma_start3A_26] : memref<69632xf32, #tpu.memory_space<vmem>> -> memref<16384xf32, #tpu.memory_space<vmem>>
    %dma_start3A_28 = arith.constant 0 : i32
    %dma_start3A_29 = tpu.memref_slice %arg4[%add3A, %dma_start3A_28] : memref<32x16384xf32, #tpu.memory_space<hbm>> -> memref<1x16384xf32, #tpu.memory_space<hbm>>
    %dma_start3A_30 = tpu.memref_squeeze %dma_start3A_29 : memref<1x16384xf32, #tpu.memory_space<hbm>> -> memref<16384xf32, #tpu.memory_space<hbm>>
    tpu.enqueue_dma source(%dma_start3A_30 : memref<16384xf32, #tpu.memory_space<hbm>>) target(%dma_start3A_27 : memref<16384xf32, #tpu.memory_space<vmem>>) target_semaphore(%arg11 : memref<!tpu.dma_semaphore, #tpu.memory_space<semaphore_mem>>)
    %dma_wait3A = arith.constant 0 : i32
    %dma_wait3A_31 = tpu.memref_slice %arg8[%dma_wait3A] : memref<69632xf32, #tpu.memory_space<vmem>> -> memref<16384xf32, #tpu.memory_space<vmem>>
    %dma_wait3A_32 = arith.constant 0 : i32
    %dma_wait3A_33 = tpu.memref_slice %arg2[%add3A, %dma_wait3A_32] : memref<32x16384xf32, #tpu.memory_space<hbm>> -> memref<1x16384xf32, #tpu.memory_space<hbm>>
    %dma_wait3A_34 = tpu.memref_squeeze %dma_wait3A_33 : memref<1x16384xf32, #tpu.memory_space<hbm>> -> memref<16384xf32, #tpu.memory_space<hbm>>
    %dma_wait3A_35 = arith.constant 0 : i32
    %dma_wait3A_36 = tpu.memref_slice %arg8[%dma_wait3A_35] : memref<69632xf32, #tpu.memory_space<vmem>> -> memref<16384xf32, #tpu.memory_space<vmem>>
    %dma_wait3A_37 = arith.constant 0 : i32
    %dma_wait3A_38 = tpu.memref_slice %arg2[%add3A, %dma_wait3A_37] : memref<32x16384xf32, #tpu.memory_space<hbm>> -> memref<1x16384xf32, #tpu.memory_space<hbm>>
    %dma_wait3A_39 = tpu.memref_squeeze %dma_wait3A_38 : memref<1x16384xf32, #tpu.memory_space<hbm>> -> memref<16384xf32, #tpu.memory_space<hbm>>
    tpu.wait_dma2 semaphore(%arg9 : memref<!tpu.dma_semaphore, #tpu.memory_space<semaphore_mem>>) src(%dma_wait3A_39 : memref<16384xf32, #tpu.memory_space<hbm>>) dst(%dma_wait3A_36 : memref<16384xf32, #tpu.memory_space<vmem>>)
    %broadcast_in_dim3A_40 = arith.constant 0 : i32
    %broadcast_in_dim3A_41 = vector.broadcast %broadcast_in_dim3A_40 : i32 to vector<16xi32>
    %parallel_loop3A = arith.constant 0 : i32
    %parallel_loop3A_42 = arith.constant 256 : i32
    %parallel_loop3A_43 = arith.constant 1 : i32
    %parallel_loop3A_44:4 = scf.for %parallel_loop3A_337 = %parallel_loop3A to %parallel_loop3A_42 step %parallel_loop3A_43 iter_args(%parallel_loop3A_338 = %broadcast_in_dim3A_41, %parallel_loop3A_339 = %broadcast_in_dim3A_41, %parallel_loop3A_340 = %broadcast_in_dim3A_41, %parallel_loop3A_341 = %broadcast_in_dim3A_41) -> (vector<16xi32>, vector<16xi32>, vector<16xi32>, vector<16xi32>)  : i32 {
      %parallel_loop3A_342 = arith.constant 16 : i32
      %parallel_loop3A_343 = arith.muli %parallel_loop3A_337, %parallel_loop3A_342 : i32
      %parallel_loop3A_344 = arith.constant 0 : i32
      %parallel_loop3A_345 = arith.addi %parallel_loop3A_344, %parallel_loop3A_343 : i32
      %parallel_loop3A_346 = arith.index_cast %parallel_loop3A_345 : i32 to index
      %parallel_loop3A_347 = tpu.vector_load %arg8[%parallel_loop3A_346] {strides = array<i32>} : memref<69632xf32, #tpu.memory_space<vmem>>, vector<16xf32>,
      %parallel_loop3A_348 = arith.constant 3.200000e+01 : f32
      %parallel_loop3A_349 = vector.broadcast %parallel_loop3A_348 : f32 to vector<16xf32>
      %parallel_loop3A_350 = arith.mulf %parallel_loop3A_347, %parallel_loop3A_349 : vector<16xf32>
      %parallel_loop3A_351 = arith.fptosi %parallel_loop3A_350 : vector<16xf32> to vector<16xi32>
      %parallel_loop3A_352 = arith.sitofp %parallel_loop3A_351 : vector<16xi32> to vector<16xf32>
      %parallel_loop3A_353 = arith.cmpf ogt, %parallel_loop3A_352, %parallel_loop3A_350 : vector<16xf32>
      %parallel_loop3A_354 = arith.constant 1 : i32
      %parallel_loop3A_355 = vector.broadcast %parallel_loop3A_354 : i32 to vector<16xi32>
      %parallel_loop3A_356 = arith.subi %parallel_loop3A_351, %parallel_loop3A_355 : vector<16xi32>
      %parallel_loop3A_357 = arith.select %parallel_loop3A_353, %parallel_loop3A_356, %parallel_loop3A_351 : vector<16xi1>, vector<16xi32>
      %parallel_loop3A_358 = arith.constant 32 : i32
      %parallel_loop3A_359 = vector.broadcast %parallel_loop3A_358 : i32 to vector<16xi32>
      %parallel_loop3A_360 = arith.addi %parallel_loop3A_357, %parallel_loop3A_359 : vector<16xi32>
      %parallel_loop3A_361 = arith.constant 4 : i32
      %parallel_loop3A_362 = vector.broadcast %parallel_loop3A_361 : i32 to vector<16xi32>
      %parallel_loop3A_363 = arith.shrsi %parallel_loop3A_360, %parallel_loop3A_362 : vector<16xi32>
      %parallel_loop3A_364 = arith.constant 0 : i32
      %parallel_loop3A_365 = vector.broadcast %parallel_loop3A_364 : i32 to vector<16xi32>
      %parallel_loop3A_366 = arith.cmpi eq, %parallel_loop3A_363, %parallel_loop3A_365 : vector<16xi32>
      %parallel_loop3A_367 = arith.extui %parallel_loop3A_366 : vector<16xi1> to vector<16xi32>
      %parallel_loop3A_368 = arith.addi %parallel_loop3A_338, %parallel_loop3A_367 : vector<16xi32>
      %parallel_loop3A_369 = arith.constant 1 : i32
      %parallel_loop3A_370 = vector.broadcast %parallel_loop3A_369 : i32 to vector<16xi32>
      %parallel_loop3A_371 = arith.cmpi eq, %parallel_loop3A_363, %parallel_loop3A_370 : vector<16xi32>
      %parallel_loop3A_372 = arith.extui %parallel_loop3A_371 : vector<16xi1> to vector<16xi32>
      %parallel_loop3A_373 = arith.addi %parallel_loop3A_339, %parallel_loop3A_372 : vector<16xi32>
      %parallel_loop3A_374 = arith.constant 2 : i32
      %parallel_loop3A_375 = vector.broadcast %parallel_loop3A_374 : i32 to vector<16xi32>
      %parallel_loop3A_376 = arith.cmpi eq, %parallel_loop3A_363, %parallel_loop3A_375 : vector<16xi32>
      %parallel_loop3A_377 = arith.extui %parallel_loop3A_376 : vector<16xi1> to vector<16xi32>
      %parallel_loop3A_378 = arith.addi %parallel_loop3A_340, %parallel_loop3A_377 : vector<16xi32>
      %parallel_loop3A_379 = arith.constant 3 : i32
      %parallel_loop3A_380 = vector.broadcast %parallel_loop3A_379 : i32 to vector<16xi32>
      %parallel_loop3A_381 = arith.cmpi eq, %parallel_loop3A_363, %parallel_loop3A_380 : vector<16xi32>
      %parallel_loop3A_382 = arith.extui %parallel_loop3A_381 : vector<16xi1> to vector<16xi32>
      %parallel_loop3A_383 = arith.addi %parallel_loop3A_341, %parallel_loop3A_382 : vector<16xi32>
      scf.yield %parallel_loop3A_368, %parallel_loop3A_373, %parallel_loop3A_378, %parallel_loop3A_383 : vector<16xi32>, vector<16xi32>, vector<16xi32>, vector<16xi32>
    } {sc.loop_unroll_factor = 4 : i64, sc.parallel_access}
    %reduce_sum3A = arith.constant true
    %reduce_sum3A_45 = vector.broadcast %reduce_sum3A : i1 to vector<16xi1>
    %reduce_sum3A_46 = tpu.scan <sum>, %parallel_loop3A_44#0 masked %reduce_sum3A_45 : vector<16xi32>, vector<16xi1> -> vector<16xi32>
    %reduce_sum3A_47 = vector.extract %reduce_sum3A_46[15] : i32 from vector<16xi32>
    %reduce_sum3A_48 = arith.constant true
    %reduce_sum3A_49 = vector.broadcast %reduce_sum3A_48 : i1 to vector<16xi1>
    %reduce_sum3A_50 = tpu.scan <sum>, %parallel_loop3A_44#1 masked %reduce_sum3A_49 : vector<16xi32>, vector<16xi1> -> vector<16xi32>
    %reduce_sum3A_51 = vector.extract %reduce_sum3A_50[15] : i32 from vector<16xi32>
    %reduce_sum3A_52 = arith.constant true
    %reduce_sum3A_53 = vector.broadcast %reduce_sum3A_52 : i1 to vector<16xi1>
    %reduce_sum3A_54 = tpu.scan <sum>, %parallel_loop3A_44#2 masked %reduce_sum3A_53 : vector<16xi32>, vector<16xi1> -> vector<16xi32>
    %reduce_sum3A_55 = vector.extract %reduce_sum3A_54[15] : i32 from vector<16xi32>
    %reduce_sum3A_56 = arith.constant true
    %reduce_sum3A_57 = vector.broadcast %reduce_sum3A_56 : i1 to vector<16xi1>
    %reduce_sum3A_58 = tpu.scan <sum>, %parallel_loop3A_44#3 masked %reduce_sum3A_57 : vector<16xi32>, vector<16xi1> -> vector<16xi32>
    %reduce_sum3A_59 = vector.extract %reduce_sum3A_58[15] : i32 from vector<16xi32>
    %broadcast_in_dim3A_60 = arith.constant 0 : i32
    %broadcast_in_dim3A_61 = vector.broadcast %broadcast_in_dim3A_60 : i32 to vector<16xi32>
    %parallel_loop3A_62 = arith.constant 0 : i32
    %parallel_loop3A_63 = arith.constant 256 : i32
    %parallel_loop3A_64 = arith.constant 1 : i32
    %parallel_loop3A_65:4 = scf.for %parallel_loop3A_337 = %parallel_loop3A_62 to %parallel_loop3A_63 step %parallel_loop3A_64 iter_args(%parallel_loop3A_338 = %broadcast_in_dim3A_61, %parallel_loop3A_339 = %broadcast_in_dim3A_61, %parallel_loop3A_340 = %broadcast_in_dim3A_61, %parallel_loop3A_341 = %broadcast_in_dim3A_61) -> (vector<16xi32>, vector<16xi32>, vector<16xi32>, vector<16xi32>)  : i32 {
      %parallel_loop3A_342 = arith.constant 16 : i32
      %parallel_loop3A_343 = arith.muli %parallel_loop3A_337, %parallel_loop3A_342 : i32
      %parallel_loop3A_344 = arith.constant 4096 : i32
      %parallel_loop3A_345 = arith.addi %parallel_loop3A_344, %parallel_loop3A_343 : i32
      %parallel_loop3A_346 = arith.index_cast %parallel_loop3A_345 : i32 to index
      %parallel_loop3A_347 = tpu.vector_load %arg8[%parallel_loop3A_346] {strides = array<i32>} : memref<69632xf32, #tpu.memory_space<vmem>>, vector<16xf32>,
      %parallel_loop3A_348 = arith.constant 3.200000e+01 : f32
      %parallel_loop3A_349 = vector.broadcast %parallel_loop3A_348 : f32 to vector<16xf32>
      %parallel_loop3A_350 = arith.mulf %parallel_loop3A_347, %parallel_loop3A_349 : vector<16xf32>
      %parallel_loop3A_351 = arith.fptosi %parallel_loop3A_350 : vector<16xf32> to vector<16xi32>
      %parallel_loop3A_352 = arith.sitofp %parallel_loop3A_351 : vector<16xi32> to vector<16xf32>
      %parallel_loop3A_353 = arith.cmpf ogt, %parallel_loop3A_352, %parallel_loop3A_350 : vector<16xf32>
      %parallel_loop3A_354 = arith.constant 1 : i32
      %parallel_loop3A_355 = vector.broadcast %parallel_loop3A_354 : i32 to vector<16xi32>
      %parallel_loop3A_356 = arith.subi %parallel_loop3A_351, %parallel_loop3A_355 : vector<16xi32>
      %parallel_loop3A_357 = arith.select %parallel_loop3A_353, %parallel_loop3A_356, %parallel_loop3A_351 : vector<16xi1>, vector<16xi32>
      %parallel_loop3A_358 = arith.constant 32 : i32
      %parallel_loop3A_359 = vector.broadcast %parallel_loop3A_358 : i32 to vector<16xi32>
      %parallel_loop3A_360 = arith.addi %parallel_loop3A_357, %parallel_loop3A_359 : vector<16xi32>
      %parallel_loop3A_361 = arith.constant 4 : i32
      %parallel_loop3A_362 = vector.broadcast %parallel_loop3A_361 : i32 to vector<16xi32>
      %parallel_loop3A_363 = arith.shrsi %parallel_loop3A_360, %parallel_loop3A_362 : vector<16xi32>
      %parallel_loop3A_364 = arith.constant 0 : i32
      %parallel_loop3A_365 = vector.broadcast %parallel_loop3A_364 : i32 to vector<16xi32>
      %parallel_loop3A_366 = arith.cmpi eq, %parallel_loop3A_363, %parallel_loop3A_365 : vector<16xi32>
      %parallel_loop3A_367 = arith.extui %parallel_loop3A_366 : vector<16xi1> to vector<16xi32>
      %parallel_loop3A_368 = arith.addi %parallel_loop3A_338, %parallel_loop3A_367 : vector<16xi32>
      %parallel_loop3A_369 = arith.constant 1 : i32
      %parallel_loop3A_370 = vector.broadcast %parallel_loop3A_369 : i32 to vector<16xi32>
      %parallel_loop3A_371 = arith.cmpi eq, %parallel_loop3A_363, %parallel_loop3A_370 : vector<16xi32>
      %parallel_loop3A_372 = arith.extui %parallel_loop3A_371 : vector<16xi1> to vector<16xi32>
      %parallel_loop3A_373 = arith.addi %parallel_loop3A_339, %parallel_loop3A_372 : vector<16xi32>
      %parallel_loop3A_374 = arith.constant 2 : i32
      %parallel_loop3A_375 = vector.broadcast %parallel_loop3A_374 : i32 to vector<16xi32>
      %parallel_loop3A_376 = arith.cmpi eq, %parallel_loop3A_363, %parallel_loop3A_375 : vector<16xi32>
      %parallel_loop3A_377 = arith.extui %parallel_loop3A_376 : vector<16xi1> to vector<16xi32>
      %parallel_loop3A_378 = arith.addi %parallel_loop3A_340, %parallel_loop3A_377 : vector<16xi32>
      %parallel_loop3A_379 = arith.constant 3 : i32
      %parallel_loop3A_380 = vector.broadcast %parallel_loop3A_379 : i32 to vector<16xi32>
      %parallel_loop3A_381 = arith.cmpi eq, %parallel_loop3A_363, %parallel_loop3A_380 : vector<16xi32>
      %parallel_loop3A_382 = arith.extui %parallel_loop3A_381 : vector<16xi1> to vector<16xi32>
      %parallel_loop3A_383 = arith.addi %parallel_loop3A_341, %parallel_loop3A_382 : vector<16xi32>
      scf.yield %parallel_loop3A_368, %parallel_loop3A_373, %parallel_loop3A_378, %parallel_loop3A_383 : vector<16xi32>, vector<16xi32>, vector<16xi32>, vector<16xi32>
    } {sc.loop_unroll_factor = 4 : i64, sc.parallel_access}
    %reduce_sum3A_66 = arith.constant true
    %reduce_sum3A_67 = vector.broadcast %reduce_sum3A_66 : i1 to vector<16xi1>
    %reduce_sum3A_68 = tpu.scan <sum>, %parallel_loop3A_65#0 masked %reduce_sum3A_67 : vector<16xi32>, vector<16xi1> -> vector<16xi32>
    %reduce_sum3A_69 = vector.extract %reduce_sum3A_68[15] : i32 from vector<16xi32>
    %reduce_sum3A_70 = arith.constant true
    %reduce_sum3A_71 = vector.broadcast %reduce_sum3A_70 : i1 to vector<16xi1>
    %reduce_sum3A_72 = tpu.scan <sum>, %parallel_loop3A_65#1 masked %reduce_sum3A_71 : vector<16xi32>, vector<16xi1> -> vector<16xi32>
    %reduce_sum3A_73 = vector.extract %reduce_sum3A_72[15] : i32 from vector<16xi32>
    %reduce_sum3A_74 = arith.constant true
    %reduce_sum3A_75 = vector.broadcast %reduce_sum3A_74 : i1 to vector<16xi1>
    %reduce_sum3A_76 = tpu.scan <sum>, %parallel_loop3A_65#2 masked %reduce_sum3A_75 : vector<16xi32>, vector<16xi1> -> vector<16xi32>
    %reduce_sum3A_77 = vector.extract %reduce_sum3A_76[15] : i32 from vector<16xi32>
    %reduce_sum3A_78 = arith.constant true
    %reduce_sum3A_79 = vector.broadcast %reduce_sum3A_78 : i1 to vector<16xi1>
    %reduce_sum3A_80 = tpu.scan <sum>, %parallel_loop3A_65#3 masked %reduce_sum3A_79 : vector<16xi32>, vector<16xi1> -> vector<16xi32>
    %reduce_sum3A_81 = vector.extract %reduce_sum3A_80[15] : i32 from vector<16xi32>
    %broadcast_in_dim3A_82 = arith.constant 0 : i32
    %broadcast_in_dim3A_83 = vector.broadcast %broadcast_in_dim3A_82 : i32 to vector<16xi32>
    %parallel_loop3A_84 = arith.constant 0 : i32
    %parallel_loop3A_85 = arith.constant 256 : i32
    %parallel_loop3A_86 = arith.constant 1 : i32
    %parallel_loop3A_87:4 = scf.for %parallel_loop3A_337 = %parallel_loop3A_84 to %parallel_loop3A_85 step %parallel_loop3A_86 iter_args(%parallel_loop3A_338 = %broadcast_in_dim3A_83, %parallel_loop3A_339 = %broadcast_in_dim3A_83, %parallel_loop3A_340 = %broadcast_in_dim3A_83, %parallel_loop3A_341 = %broadcast_in_dim3A_83) -> (vector<16xi32>, vector<16xi32>, vector<16xi32>, vector<16xi32>)  : i32 {
      %parallel_loop3A_342 = arith.constant 16 : i32
      %parallel_loop3A_343 = arith.muli %parallel_loop3A_337, %parallel_loop3A_342 : i32
      %parallel_loop3A_344 = arith.constant 8192 : i32
      %parallel_loop3A_345 = arith.addi %parallel_loop3A_344, %parallel_loop3A_343 : i32
      %parallel_loop3A_346 = arith.index_cast %parallel_loop3A_345 : i32 to index
      %parallel_loop3A_347 = tpu.vector_load %arg8[%parallel_loop3A_346] {strides = array<i32>} : memref<69632xf32, #tpu.memory_space<vmem>>, vector<16xf32>,
      %parallel_loop3A_348 = arith.constant 3.200000e+01 : f32
      %parallel_loop3A_349 = vector.broadcast %parallel_loop3A_348 : f32 to vector<16xf32>
      %parallel_loop3A_350 = arith.mulf %parallel_loop3A_347, %parallel_loop3A_349 : vector<16xf32>
      %parallel_loop3A_351 = arith.fptosi %parallel_loop3A_350 : vector<16xf32> to vector<16xi32>
      %parallel_loop3A_352 = arith.sitofp %parallel_loop3A_351 : vector<16xi32> to vector<16xf32>
      %parallel_loop3A_353 = arith.cmpf ogt, %parallel_loop3A_352, %parallel_loop3A_350 : vector<16xf32>
      %parallel_loop3A_354 = arith.constant 1 : i32
      %parallel_loop3A_355 = vector.broadcast %parallel_loop3A_354 : i32 to vector<16xi32>
      %parallel_loop3A_356 = arith.subi %parallel_loop3A_351, %parallel_loop3A_355 : vector<16xi32>
      %parallel_loop3A_357 = arith.select %parallel_loop3A_353, %parallel_loop3A_356, %parallel_loop3A_351 : vector<16xi1>, vector<16xi32>
      %parallel_loop3A_358 = arith.constant 32 : i32
      %parallel_loop3A_359 = vector.broadcast %parallel_loop3A_358 : i32 to vector<16xi32>
      %parallel_loop3A_360 = arith.addi %parallel_loop3A_357, %parallel_loop3A_359 : vector<16xi32>
      %parallel_loop3A_361 = arith.constant 4 : i32
      %parallel_loop3A_362 = vector.broadcast %parallel_loop3A_361 : i32 to vector<16xi32>
      %parallel_loop3A_363 = arith.shrsi %parallel_loop3A_360, %parallel_loop3A_362 : vector<16xi32>
      %parallel_loop3A_364 = arith.constant 0 : i32
      %parallel_loop3A_365 = vector.broadcast %parallel_loop3A_364 : i32 to vector<16xi32>
      %parallel_loop3A_366 = arith.cmpi eq, %parallel_loop3A_363, %parallel_loop3A_365 : vector<16xi32>
      %parallel_loop3A_367 = arith.extui %parallel_loop3A_366 : vector<16xi1> to vector<16xi32>
      %parallel_loop3A_368 = arith.addi %parallel_loop3A_338, %parallel_loop3A_367 : vector<16xi32>
      %parallel_loop3A_369 = arith.constant 1 : i32
      %parallel_loop3A_370 = vector.broadcast %parallel_loop3A_369 : i32 to vector<16xi32>
      %parallel_loop3A_371 = arith.cmpi eq, %parallel_loop3A_363, %parallel_loop3A_370 : vector<16xi32>
      %parallel_loop3A_372 = arith.extui %parallel_loop3A_371 : vector<16xi1> to vector<16xi32>
      %parallel_loop3A_373 = arith.addi %parallel_loop3A_339, %parallel_loop3A_372 : vector<16xi32>
      %parallel_loop3A_374 = arith.constant 2 : i32
      %parallel_loop3A_375 = vector.broadcast %parallel_loop3A_374 : i32 to vector<16xi32>
      %parallel_loop3A_376 = arith.cmpi eq, %parallel_loop3A_363, %parallel_loop3A_375 : vector<16xi32>
      %parallel_loop3A_377 = arith.extui %parallel_loop3A_376 : vector<16xi1> to vector<16xi32>
      %parallel_loop3A_378 = arith.addi %parallel_loop3A_340, %parallel_loop3A_377 : vector<16xi32>
      %parallel_loop3A_379 = arith.constant 3 : i32
      %parallel_loop3A_380 = vector.broadcast %parallel_loop3A_379 : i32 to vector<16xi32>
      %parallel_loop3A_381 = arith.cmpi eq, %parallel_loop3A_363, %parallel_loop3A_380 : vector<16xi32>
      %parallel_loop3A_382 = arith.extui %parallel_loop3A_381 : vector<16xi1> to vector<16xi32>
      %parallel_loop3A_383 = arith.addi %parallel_loop3A_341, %parallel_loop3A_382 : vector<16xi32>
      scf.yield %parallel_loop3A_368, %parallel_loop3A_373, %parallel_loop3A_378, %parallel_loop3A_383 : vector<16xi32>, vector<16xi32>, vector<16xi32>, vector<16xi32>
    } {sc.loop_unroll_factor = 4 : i64, sc.parallel_access}
    %reduce_sum3A_88 = arith.constant true
    %reduce_sum3A_89 = vector.broadcast %reduce_sum3A_88 : i1 to vector<16xi1>
    %reduce_sum3A_90 = tpu.scan <sum>, %parallel_loop3A_87#0 masked %reduce_sum3A_89 : vector<16xi32>, vector<16xi1> -> vector<16xi32>
    %reduce_sum3A_91 = vector.extract %reduce_sum3A_90[15] : i32 from vector<16xi32>
    %reduce_sum3A_92 = arith.constant true
    %reduce_sum3A_93 = vector.broadcast %reduce_sum3A_92 : i1 to vector<16xi1>
    %reduce_sum3A_94 = tpu.scan <sum>, %parallel_loop3A_87#1 masked %reduce_sum3A_93 : vector<16xi32>, vector<16xi1> -> vector<16xi32>
    %reduce_sum3A_95 = vector.extract %reduce_sum3A_94[15] : i32 from vector<16xi32>
    %reduce_sum3A_96 = arith.constant true
    %reduce_sum3A_97 = vector.broadcast %reduce_sum3A_96 : i1 to vector<16xi1>
    %reduce_sum3A_98 = tpu.scan <sum>, %parallel_loop3A_87#2 masked %reduce_sum3A_97 : vector<16xi32>, vector<16xi1> -> vector<16xi32>
    %reduce_sum3A_99 = vector.extract %reduce_sum3A_98[15] : i32 from vector<16xi32>
    %reduce_sum3A_100 = arith.constant true
    %reduce_sum3A_101 = vector.broadcast %reduce_sum3A_100 : i1 to vector<16xi1>
    %reduce_sum3A_102 = tpu.scan <sum>, %parallel_loop3A_87#3 masked %reduce_sum3A_101 : vector<16xi32>, vector<16xi1> -> vector<16xi32>
    %reduce_sum3A_103 = vector.extract %reduce_sum3A_102[15] : i32 from vector<16xi32>
    %broadcast_in_dim3A_104 = arith.constant 0 : i32
    %broadcast_in_dim3A_105 = vector.broadcast %broadcast_in_dim3A_104 : i32 to vector<16xi32>
    %parallel_loop3A_106 = arith.constant 0 : i32
    %parallel_loop3A_107 = arith.constant 256 : i32
    %parallel_loop3A_108 = arith.constant 1 : i32
    %parallel_loop3A_109:4 = scf.for %parallel_loop3A_337 = %parallel_loop3A_106 to %parallel_loop3A_107 step %parallel_loop3A_108 iter_args(%parallel_loop3A_338 = %broadcast_in_dim3A_105, %parallel_loop3A_339 = %broadcast_in_dim3A_105, %parallel_loop3A_340 = %broadcast_in_dim3A_105, %parallel_loop3A_341 = %broadcast_in_dim3A_105) -> (vector<16xi32>, vector<16xi32>, vector<16xi32>, vector<16xi32>)  : i32 {
      %parallel_loop3A_342 = arith.constant 16 : i32
      %parallel_loop3A_343 = arith.muli %parallel_loop3A_337, %parallel_loop3A_342 : i32
      %parallel_loop3A_344 = arith.constant 12288 : i32
      %parallel_loop3A_345 = arith.addi %parallel_loop3A_344, %parallel_loop3A_343 : i32
      %parallel_loop3A_346 = arith.index_cast %parallel_loop3A_345 : i32 to index
      %parallel_loop3A_347 = tpu.vector_load %arg8[%parallel_loop3A_346] {strides = array<i32>} : memref<69632xf32, #tpu.memory_space<vmem>>, vector<16xf32>,
      %parallel_loop3A_348 = arith.constant 3.200000e+01 : f32
      %parallel_loop3A_349 = vector.broadcast %parallel_loop3A_348 : f32 to vector<16xf32>
      %parallel_loop3A_350 = arith.mulf %parallel_loop3A_347, %parallel_loop3A_349 : vector<16xf32>
      %parallel_loop3A_351 = arith.fptosi %parallel_loop3A_350 : vector<16xf32> to vector<16xi32>
      %parallel_loop3A_352 = arith.sitofp %parallel_loop3A_351 : vector<16xi32> to vector<16xf32>
      %parallel_loop3A_353 = arith.cmpf ogt, %parallel_loop3A_352, %parallel_loop3A_350 : vector<16xf32>
      %parallel_loop3A_354 = arith.constant 1 : i32
      %parallel_loop3A_355 = vector.broadcast %parallel_loop3A_354 : i32 to vector<16xi32>
      %parallel_loop3A_356 = arith.subi %parallel_loop3A_351, %parallel_loop3A_355 : vector<16xi32>
      %parallel_loop3A_357 = arith.select %parallel_loop3A_353, %parallel_loop3A_356, %parallel_loop3A_351 : vector<16xi1>, vector<16xi32>
      %parallel_loop3A_358 = arith.constant 32 : i32
      %parallel_loop3A_359 = vector.broadcast %parallel_loop3A_358 : i32 to vector<16xi32>
      %parallel_loop3A_360 = arith.addi %parallel_loop3A_357, %parallel_loop3A_359 : vector<16xi32>
      %parallel_loop3A_361 = arith.constant 4 : i32
      %parallel_loop3A_362 = vector.broadcast %parallel_loop3A_361 : i32 to vector<16xi32>
      %parallel_loop3A_363 = arith.shrsi %parallel_loop3A_360, %parallel_loop3A_362 : vector<16xi32>
      %parallel_loop3A_364 = arith.constant 0 : i32
      %parallel_loop3A_365 = vector.broadcast %parallel_loop3A_364 : i32 to vector<16xi32>
      %parallel_loop3A_366 = arith.cmpi eq, %parallel_loop3A_363, %parallel_loop3A_365 : vector<16xi32>
      %parallel_loop3A_367 = arith.extui %parallel_loop3A_366 : vector<16xi1> to vector<16xi32>
      %parallel_loop3A_368 = arith.addi %parallel_loop3A_338, %parallel_loop3A_367 : vector<16xi32>
      %parallel_loop3A_369 = arith.constant 1 : i32
      %parallel_loop3A_370 = vector.broadcast %parallel_loop3A_369 : i32 to vector<16xi32>
      %parallel_loop3A_371 = arith.cmpi eq, %parallel_loop3A_363, %parallel_loop3A_370 : vector<16xi32>
      %parallel_loop3A_372 = arith.extui %parallel_loop3A_371 : vector<16xi1> to vector<16xi32>
      %parallel_loop3A_373 = arith.addi %parallel_loop3A_339, %parallel_loop3A_372 : vector<16xi32>
      %parallel_loop3A_374 = arith.constant 2 : i32
      %parallel_loop3A_375 = vector.broadcast %parallel_loop3A_374 : i32 to vector<16xi32>
      %parallel_loop3A_376 = arith.cmpi eq, %parallel_loop3A_363, %parallel_loop3A_375 : vector<16xi32>
      %parallel_loop3A_377 = arith.extui %parallel_loop3A_376 : vector<16xi1> to vector<16xi32>
      %parallel_loop3A_378 = arith.addi %parallel_loop3A_340, %parallel_loop3A_377 : vector<16xi32>
      %parallel_loop3A_379 = arith.constant 3 : i32
      %parallel_loop3A_380 = vector.broadcast %parallel_loop3A_379 : i32 to vector<16xi32>
      %parallel_loop3A_381 = arith.cmpi eq, %parallel_loop3A_363, %parallel_loop3A_380 : vector<16xi32>
      %parallel_loop3A_382 = arith.extui %parallel_loop3A_381 : vector<16xi1> to vector<16xi32>
      %parallel_loop3A_383 = arith.addi %parallel_loop3A_341, %parallel_loop3A_382 : vector<16xi32>
      scf.yield %parallel_loop3A_368, %parallel_loop3A_373, %parallel_loop3A_378, %parallel_loop3A_383 : vector<16xi32>, vector<16xi32>, vector<16xi32>, vector<16xi32>
    } {sc.loop_unroll_factor = 4 : i64, sc.parallel_access}
    %reduce_sum3A_110 = arith.constant true
    %reduce_sum3A_111 = vector.broadcast %reduce_sum3A_110 : i1 to vector<16xi1>
    %reduce_sum3A_112 = tpu.scan <sum>, %parallel_loop3A_109#0 masked %reduce_sum3A_111 : vector<16xi32>, vector<16xi1> -> vector<16xi32>
    %reduce_sum3A_113 = vector.extract %reduce_sum3A_112[15] : i32 from vector<16xi32>
    %reduce_sum3A_114 = arith.constant true
    %reduce_sum3A_115 = vector.broadcast %reduce_sum3A_114 : i1 to vector<16xi1>
    %reduce_sum3A_116 = tpu.scan <sum>, %parallel_loop3A_109#1 masked %reduce_sum3A_115 : vector<16xi32>, vector<16xi1> -> vector<16xi32>
    %reduce_sum3A_117 = vector.extract %reduce_sum3A_116[15] : i32 from vector<16xi32>
    %reduce_sum3A_118 = arith.constant true
    %reduce_sum3A_119 = vector.broadcast %reduce_sum3A_118 : i1 to vector<16xi1>
    %reduce_sum3A_120 = tpu.scan <sum>, %parallel_loop3A_109#2 masked %reduce_sum3A_119 : vector<16xi32>, vector<16xi1> -> vector<16xi32>
    %reduce_sum3A_121 = vector.extract %reduce_sum3A_120[15] : i32 from vector<16xi32>
    %reduce_sum3A_122 = arith.constant true
    %reduce_sum3A_123 = vector.broadcast %reduce_sum3A_122 : i1 to vector<16xi1>
    %reduce_sum3A_124 = tpu.scan <sum>, %parallel_loop3A_109#3 masked %reduce_sum3A_123 : vector<16xi32>, vector<16xi1> -> vector<16xi32>
    %reduce_sum3A_125 = vector.extract %reduce_sum3A_124[15] : i32 from vector<16xi32>
    %add3A_126 = arith.addi %reduce_sum3A_47, %reduce_sum3A_69 : i32
    %add3A_127 = arith.addi %add3A_126, %reduce_sum3A_91 : i32
    %add3A_128 = arith.addi %add3A_127, %reduce_sum3A_113 : i32
    %add3A_129 = arith.addi %reduce_sum3A_51, %reduce_sum3A_73 : i32
    %add3A_130 = arith.addi %add3A_129, %reduce_sum3A_95 : i32
    %add3A_131 = arith.addi %add3A_130, %reduce_sum3A_117 : i32
    %add3A_132 = arith.addi %reduce_sum3A_55, %reduce_sum3A_77 : i32
    %add3A_133 = arith.addi %add3A_132, %reduce_sum3A_99 : i32
    %add3A_134 = arith.addi %add3A_133, %reduce_sum3A_121 : i32
    %add3A_135 = arith.addi %reduce_sum3A_59, %reduce_sum3A_81 : i32
    %add3A_136 = arith.addi %add3A_135, %reduce_sum3A_103 : i32
    %add3A_137 = arith.addi %add3A_136, %reduce_sum3A_125 : i32
    %add3A_138 = arith.constant 15 : i32
    %add3A_139 = arith.addi %add3A_128, %add3A_138 : i32
    %and3A = arith.constant -16 : i32
    %and3A_140 = arith.andi %add3A_139, %and3A : i32
    %add3A_141 = arith.constant 0 : i32
    %add3A_142 = arith.addi %add3A_141, %and3A_140 : i32
    %add3A_143 = arith.constant 15 : i32
    %add3A_144 = arith.addi %add3A_131, %add3A_143 : i32
    %and3A_145 = arith.constant -16 : i32
    %and3A_146 = arith.andi %add3A_144, %and3A_145 : i32
    %add3A_147 = arith.addi %add3A_142, %and3A_146 : i32
    %add3A_148 = arith.constant 15 : i32
    %add3A_149 = arith.addi %add3A_134, %add3A_148 : i32
    %and3A_150 = arith.constant -16 : i32
    %and3A_151 = arith.andi %add3A_149, %and3A_150 : i32
    %add3A_152 = arith.addi %add3A_147, %and3A_151 : i32
    %add3A_153 = arith.constant 0 : i32
    %add3A_154 = arith.addi %add3A_153, %reduce_sum3A_47 : i32
    %add3A_155 = arith.addi %add3A_142, %reduce_sum3A_51 : i32
    %add3A_156 = arith.addi %add3A_147, %reduce_sum3A_55 : i32
    %add3A_157 = arith.addi %add3A_152, %reduce_sum3A_59 : i32
    %add3A_158 = arith.constant 0 : i32
    %add3A_159 = arith.addi %add3A_158, %reduce_sum3A_47 : i32
    %add3A_160 = arith.addi %add3A_159, %reduce_sum3A_69 : i32
    %add3A_161 = arith.addi %add3A_142, %reduce_sum3A_51 : i32
    %add3A_162 = arith.addi %add3A_161, %reduce_sum3A_73 : i32
    %add3A_163 = arith.addi %add3A_147, %reduce_sum3A_55 : i32
    %add3A_164 = arith.addi %add3A_163, %reduce_sum3A_77 : i32
    %add3A_165 = arith.addi %add3A_152, %reduce_sum3A_59 : i32
    %add3A_166 = arith.addi %add3A_165, %reduce_sum3A_81 : i32
    %add3A_167 = arith.constant 0 : i32
    %add3A_168 = arith.addi %add3A_167, %reduce_sum3A_47 : i32
    %add3A_169 = arith.addi %add3A_168, %reduce_sum3A_69 : i32
    %add3A_170 = arith.addi %add3A_169, %reduce_sum3A_91 : i32
    %add3A_171 = arith.addi %add3A_142, %reduce_sum3A_51 : i32
    %add3A_172 = arith.addi %add3A_171, %reduce_sum3A_73 : i32
    %add3A_173 = arith.addi %add3A_172, %reduce_sum3A_95 : i32
    %add3A_174 = arith.addi %add3A_147, %reduce_sum3A_55 : i32
    %add3A_175 = arith.addi %add3A_174, %reduce_sum3A_77 : i32
    %add3A_176 = arith.addi %add3A_175, %reduce_sum3A_99 : i32
    %add3A_177 = arith.addi %add3A_152, %reduce_sum3A_59 : i32
    %add3A_178 = arith.addi %add3A_177, %reduce_sum3A_81 : i32
    %add3A_179 = arith.addi %add3A_178, %reduce_sum3A_103 : i32
    %dma_wait3A_180 = arith.constant 16384 : i32
    %dma_wait3A_181 = tpu.memref_slice %arg8[%dma_wait3A_180] : memref<69632xf32, #tpu.memory_space<vmem>> -> memref<16384xf32, #tpu.memory_space<vmem>>
    %dma_wait3A_182 = arith.constant 0 : i32
    %dma_wait3A_183 = tpu.memref_slice %arg3[%add3A, %dma_wait3A_182] : memref<32x16384xf32, #tpu.memory_space<hbm>> -> memref<1x16384xf32, #tpu.memory_space<hbm>>
    %dma_wait3A_184 = tpu.memref_squeeze %dma_wait3A_183 : memref<1x16384xf32, #tpu.memory_space<hbm>> -> memref<16384xf32, #tpu.memory_space<hbm>>
    %dma_wait3A_185 = arith.constant 16384 : i32
    %dma_wait3A_186 = tpu.memref_slice %arg8[%dma_wait3A_185] : memref<69632xf32, #tpu.memory_space<vmem>> -> memref<16384xf32, #tpu.memory_space<vmem>>
    %dma_wait3A_187 = arith.constant 0 : i32
    %dma_wait3A_188 = tpu.memref_slice %arg3[%add3A, %dma_wait3A_187] : memref<32x16384xf32, #tpu.memory_space<hbm>> -> memref<1x16384xf32, #tpu.memory_space<hbm>>
    %dma_wait3A_189 = tpu.memref_squeeze %dma_wait3A_188 : memref<1x16384xf32, #tpu.memory_space<hbm>> -> memref<16384xf32, #tpu.memory_space<hbm>>
    tpu.wait_dma2 semaphore(%arg10 : memref<!tpu.dma_semaphore, #tpu.memory_space<semaphore_mem>>) src(%dma_wait3A_189 : memref<16384xf32, #tpu.memory_space<hbm>>) dst(%dma_wait3A_186 : memref<16384xf32, #tpu.memory_space<vmem>>)
    %dma_wait3A_190 = arith.constant 32768 : i32
    %dma_wait3A_191 = tpu.memref_slice %arg8[%dma_wait3A_190] : memref<69632xf32, #tpu.memory_space<vmem>> -> memref<16384xf32, #tpu.memory_space<vmem>>
    %dma_wait3A_192 = arith.constant 0 : i32
    %dma_wait3A_193 = tpu.memref_slice %arg4[%add3A, %dma_wait3A_192] : memref<32x16384xf32, #tpu.memory_space<hbm>> -> memref<1x16384xf32, #tpu.memory_space<hbm>>
    %dma_wait3A_194 = tpu.memref_squeeze %dma_wait3A_193 : memref<1x16384xf32, #tpu.memory_space<hbm>> -> memref<16384xf32, #tpu.memory_space<hbm>>
    %dma_wait3A_195 = arith.constant 32768 : i32
    %dma_wait3A_196 = tpu.memref_slice %arg8[%dma_wait3A_195] : memref<69632xf32, #tpu.memory_space<vmem>> -> memref<16384xf32, #tpu.memory_space<vmem>>
    %dma_wait3A_197 = arith.constant 0 : i32
    %dma_wait3A_198 = tpu.memref_slice %arg4[%add3A, %dma_wait3A_197] : memref<32x16384xf32, #tpu.memory_space<hbm>> -> memref<1x16384xf32, #tpu.memory_space<hbm>>
    %dma_wait3A_199 = tpu.memref_squeeze %dma_wait3A_198 : memref<1x16384xf32, #tpu.memory_space<hbm>> -> memref<16384xf32, #tpu.memory_space<hbm>>
    tpu.wait_dma2 semaphore(%arg11 : memref<!tpu.dma_semaphore, #tpu.memory_space<semaphore_mem>>) src(%dma_wait3A_199 : memref<16384xf32, #tpu.memory_space<hbm>>) dst(%dma_wait3A_196 : memref<16384xf32, #tpu.memory_space<vmem>>)
    %broadcast_in_dim3A_200 = arith.constant 0 : i32
    %broadcast_in_dim3A_201 = vector.broadcast %broadcast_in_dim3A_200 : i32 to vector<16xi32>
    %parallel_loop3A_202 = arith.constant 0 : i32
    %parallel_loop3A_203 = arith.constant 256 : i32
    %parallel_loop3A_204 = arith.constant 1 : i32
    %parallel_loop3A_205 = arith.constant 0 : i32
    %parallel_loop3A_206:17 = scf.for %parallel_loop3A_337 = %parallel_loop3A_202 to %parallel_loop3A_203 step %parallel_loop3A_204 iter_args(%parallel_loop3A_338 = %parallel_loop3A_205, %parallel_loop3A_339 = %add3A_142, %parallel_loop3A_340 = %add3A_147, %parallel_loop3A_341 = %add3A_152, %parallel_loop3A_342 = %add3A_154, %parallel_loop3A_343 = %add3A_155, %parallel_loop3A_344 = %add3A_156, %parallel_loop3A_345 = %add3A_157, %parallel_loop3A_346 = %add3A_160, %parallel_loop3A_347 = %add3A_162, %parallel_loop3A_348 = %add3A_164, %parallel_loop3A_349 = %add3A_166, %parallel_loop3A_350 = %add3A_170, %parallel_loop3A_351 = %add3A_173, %parallel_loop3A_352 = %add3A_176, %parallel_loop3A_353 = %add3A_179, %parallel_loop3A_354 = %broadcast_in_dim3A_201) -> (i32, i32, i32, i32, i32, i32, i32, i32, i32, i32, i32, i32, i32, i32, i32, i32, vector<16xi32>)  : i32 {
      %parallel_loop3A_355 = arith.constant 16 : i32
      %parallel_loop3A_356 = arith.muli %parallel_loop3A_337, %parallel_loop3A_355 : i32
      %parallel_loop3A_357 = arith.constant 0 : i32
      %parallel_loop3A_358 = arith.addi %parallel_loop3A_357, %parallel_loop3A_356 : i32
      %parallel_loop3A_359 = arith.index_cast %parallel_loop3A_358 : i32 to index
      %parallel_loop3A_360 = tpu.vector_load %arg8[%parallel_loop3A_359] {strides = array<i32>} : memref<69632xf32, #tpu.memory_space<vmem>>, vector<16xf32>,
      %parallel_loop3A_361 = arith.constant 16384 : i32
      %parallel_loop3A_362 = arith.addi %parallel_loop3A_361, %parallel_loop3A_358 : i32
      %parallel_loop3A_363 = arith.index_cast %parallel_loop3A_362 : i32 to index
      %parallel_loop3A_364 = tpu.vector_load %arg8[%parallel_loop3A_363] {strides = array<i32>} : memref<69632xf32, #tpu.memory_space<vmem>>, vector<16xf32>,
      %parallel_loop3A_365 = arith.constant 32768 : i32
      %parallel_loop3A_366 = arith.addi %parallel_loop3A_365, %parallel_loop3A_358 : i32
      %parallel_loop3A_367 = arith.index_cast %parallel_loop3A_366 : i32 to index
      %parallel_loop3A_368 = tpu.vector_load %arg8[%parallel_loop3A_367] {strides = array<i32>} : memref<69632xf32, #tpu.memory_space<vmem>>, vector<16xf32>,
      %parallel_loop3A_369 = arith.constant 3.200000e+01 : f32
      %parallel_loop3A_370 = vector.broadcast %parallel_loop3A_369 : f32 to vector<16xf32>
      %parallel_loop3A_371 = arith.mulf %parallel_loop3A_360, %parallel_loop3A_370 : vector<16xf32>
      %parallel_loop3A_372 = arith.constant 3.200000e+01 : f32
      %parallel_loop3A_373 = vector.broadcast %parallel_loop3A_372 : f32 to vector<16xf32>
      %parallel_loop3A_374 = arith.mulf %parallel_loop3A_364, %parallel_loop3A_373 : vector<16xf32>
      %parallel_loop3A_375 = arith.constant 3.200000e+01 : f32
      %parallel_loop3A_376 = vector.broadcast %parallel_loop3A_375 : f32 to vector<16xf32>
      %parallel_loop3A_377 = arith.mulf %parallel_loop3A_368, %parallel_loop3A_376 : vector<16xf32>
      %parallel_loop3A_378 = arith.fptosi %parallel_loop3A_371 : vector<16xf32> to vector<16xi32>
      %parallel_loop3A_379 = arith.sitofp %parallel_loop3A_378 : vector<16xi32> to vector<16xf32>
      %parallel_loop3A_380 = arith.cmpf ogt, %parallel_loop3A_379, %parallel_loop3A_371 : vector<16xf32>
      %parallel_loop3A_381 = arith.constant 1 : i32
      %parallel_loop3A_382 = vector.broadcast %parallel_loop3A_381 : i32 to vector<16xi32>
      %parallel_loop3A_383 = arith.subi %parallel_loop3A_378, %parallel_loop3A_382 : vector<16xi32>
      %parallel_loop3A_384 = arith.select %parallel_loop3A_380, %parallel_loop3A_383, %parallel_loop3A_378 : vector<16xi1>, vector<16xi32>
      %parallel_loop3A_385 = arith.fptosi %parallel_loop3A_374 : vector<16xf32> to vector<16xi32>
      %parallel_loop3A_386 = arith.sitofp %parallel_loop3A_385 : vector<16xi32> to vector<16xf32>
      %parallel_loop3A_387 = arith.cmpf ogt, %parallel_loop3A_386, %parallel_loop3A_374 : vector<16xf32>
      %parallel_loop3A_388 = arith.constant 1 : i32
      %parallel_loop3A_389 = vector.broadcast %parallel_loop3A_388 : i32 to vector<16xi32>
      %parallel_loop3A_390 = arith.subi %parallel_loop3A_385, %parallel_loop3A_389 : vector<16xi32>
      %parallel_loop3A_391 = arith.select %parallel_loop3A_387, %parallel_loop3A_390, %parallel_loop3A_385 : vector<16xi1>, vector<16xi32>
      %parallel_loop3A_392 = arith.fptosi %parallel_loop3A_377 : vector<16xf32> to vector<16xi32>
      %parallel_loop3A_393 = arith.sitofp %parallel_loop3A_392 : vector<16xi32> to vector<16xf32>
      %parallel_loop3A_394 = arith.cmpf ogt, %parallel_loop3A_393, %parallel_loop3A_377 : vector<16xf32>
      %parallel_loop3A_395 = arith.constant 1 : i32
      %parallel_loop3A_396 = vector.broadcast %parallel_loop3A_395 : i32 to vector<16xi32>
      %parallel_loop3A_397 = arith.subi %parallel_loop3A_392, %parallel_loop3A_396 : vector<16xi32>
      %parallel_loop3A_398 = arith.select %parallel_loop3A_394, %parallel_loop3A_397, %parallel_loop3A_392 : vector<16xi1>, vector<16xi32>
      %parallel_loop3A_399 = arith.sitofp %parallel_loop3A_384 : vector<16xi32> to vector<16xf32>
      %parallel_loop3A_400 = arith.subf %parallel_loop3A_371, %parallel_loop3A_399 : vector<16xf32>
      %parallel_loop3A_401 = arith.sitofp %parallel_loop3A_391 : vector<16xi32> to vector<16xf32>
      %parallel_loop3A_402 = arith.subf %parallel_loop3A_374, %parallel_loop3A_401 : vector<16xf32>
      %parallel_loop3A_403 = arith.sitofp %parallel_loop3A_398 : vector<16xi32> to vector<16xf32>
      %parallel_loop3A_404 = arith.subf %parallel_loop3A_377, %parallel_loop3A_403 : vector<16xf32>
      %parallel_loop3A_405 = arith.constant 32 : i32
      %parallel_loop3A_406 = vector.broadcast %parallel_loop3A_405 : i32 to vector<16xi32>
      %parallel_loop3A_407 = arith.addi %parallel_loop3A_384, %parallel_loop3A_406 : vector<16xi32>
      %parallel_loop3A_408 = arith.constant 4 : i32
      %parallel_loop3A_409 = vector.broadcast %parallel_loop3A_408 : i32 to vector<16xi32>
      %parallel_loop3A_410 = arith.shrsi %parallel_loop3A_407, %parallel_loop3A_409 : vector<16xi32>
      %parallel_loop3A_411 = arith.constant 12 : i32
      %parallel_loop3A_412 = vector.broadcast %parallel_loop3A_411 : i32 to vector<16xi32>
      %parallel_loop3A_413 = arith.shli %parallel_loop3A_407, %parallel_loop3A_412 : vector<16xi32>
      %parallel_loop3A_414 = arith.constant 32 : i32
      %parallel_loop3A_415 = vector.broadcast %parallel_loop3A_414 : i32 to vector<16xi32>
      %parallel_loop3A_416 = arith.addi %parallel_loop3A_391, %parallel_loop3A_415 : vector<16xi32>
      %parallel_loop3A_417 = arith.constant 6 : i32
      %parallel_loop3A_418 = vector.broadcast %parallel_loop3A_417 : i32 to vector<16xi32>
      %parallel_loop3A_419 = arith.shli %parallel_loop3A_416, %parallel_loop3A_418 : vector<16xi32>
      %parallel_loop3A_420 = arith.addi %parallel_loop3A_413, %parallel_loop3A_419 : vector<16xi32>
      %parallel_loop3A_421 = arith.constant 32 : i32
      %parallel_loop3A_422 = vector.broadcast %parallel_loop3A_421 : i32 to vector<16xi32>
      %parallel_loop3A_423 = arith.addi %parallel_loop3A_398, %parallel_loop3A_422 : vector<16xi32>
      %parallel_loop3A_424 = arith.addi %parallel_loop3A_420, %parallel_loop3A_423 : vector<16xi32>
      %parallel_loop3A_425 = arith.constant 6.553600e+04 : f32
      %parallel_loop3A_426 = vector.broadcast %parallel_loop3A_425 : f32 to vector<16xf32>
      %parallel_loop3A_427 = arith.mulf %parallel_loop3A_400, %parallel_loop3A_426 : vector<16xf32>
      %parallel_loop3A_428 = arith.fptosi %parallel_loop3A_427 : vector<16xf32> to vector<16xi32>
      %parallel_loop3A_429 = arith.constant 65535 : i32
      %parallel_loop3A_430 = vector.broadcast %parallel_loop3A_429 : i32 to vector<16xi32>
      %parallel_loop3A_431 = arith.minsi %parallel_loop3A_428, %parallel_loop3A_430 : vector<16xi32>
      %parallel_loop3A_432 = arith.constant 16 : i32
      %parallel_loop3A_433 = vector.broadcast %parallel_loop3A_432 : i32 to vector<16xi32>
      %parallel_loop3A_434 = arith.shli %parallel_loop3A_431, %parallel_loop3A_433 : vector<16xi32>
      %parallel_loop3A_435 = arith.constant 6.553600e+04 : f32
      %parallel_loop3A_436 = vector.broadcast %parallel_loop3A_435 : f32 to vector<16xf32>
      %parallel_loop3A_437 = arith.mulf %parallel_loop3A_402, %parallel_loop3A_436 : vector<16xf32>
      %parallel_loop3A_438 = arith.fptosi %parallel_loop3A_437 : vector<16xf32> to vector<16xi32>
      %parallel_loop3A_439 = arith.constant 65535 : i32
      %parallel_loop3A_440 = vector.broadcast %parallel_loop3A_439 : i32 to vector<16xi32>
      %parallel_loop3A_441 = arith.minsi %parallel_loop3A_438, %parallel_loop3A_440 : vector<16xi32>
      %parallel_loop3A_442 = arith.constant 6.553600e+04 : f32
      %parallel_loop3A_443 = vector.broadcast %parallel_loop3A_442 : f32 to vector<16xf32>
      %parallel_loop3A_444 = arith.mulf %parallel_loop3A_404, %parallel_loop3A_443 : vector<16xf32>
      %parallel_loop3A_445 = arith.fptosi %parallel_loop3A_444 : vector<16xf32> to vector<16xi32>
      %parallel_loop3A_446 = arith.constant 65535 : i32
      %parallel_loop3A_447 = vector.broadcast %parallel_loop3A_446 : i32 to vector<16xi32>
      %parallel_loop3A_448 = arith.minsi %parallel_loop3A_445, %parallel_loop3A_447 : vector<16xi32>
      %parallel_loop3A_449 = arith.constant 16 : i32
      %parallel_loop3A_450 = vector.broadcast %parallel_loop3A_449 : i32 to vector<16xi32>
      %parallel_loop3A_451 = arith.shli %parallel_loop3A_448, %parallel_loop3A_450 : vector<16xi32>
      %parallel_loop3A_452 = arith.ori %parallel_loop3A_441, %parallel_loop3A_451 : vector<16xi32>
      %parallel_loop3A_453 = math.absf %parallel_loop3A_360 : vector<16xf32>
      %parallel_loop3A_454 = math.absf %parallel_loop3A_364 : vector<16xf32>
      %parallel_loop3A_455 = arith.addf %parallel_loop3A_453, %parallel_loop3A_454 : vector<16xf32>
      %parallel_loop3A_456 = math.absf %parallel_loop3A_368 : vector<16xf32>
      %parallel_loop3A_457 = arith.addf %parallel_loop3A_455, %parallel_loop3A_456 : vector<16xf32>
      %parallel_loop3A_458 = arith.constant 0.000000e+00 : f32
      %parallel_loop3A_459 = vector.broadcast %parallel_loop3A_458 : f32 to vector<16xf32>
      %parallel_loop3A_460 = arith.cmpf oeq, %parallel_loop3A_457, %parallel_loop3A_459 : vector<16xf32>
      %parallel_loop3A_461 = arith.extui %parallel_loop3A_460 : vector<16xi1> to vector<16xi32>
      %parallel_loop3A_462 = arith.addi %parallel_loop3A_354, %parallel_loop3A_461 : vector<16xi32>
      %parallel_loop3A_463 = arith.constant 0 : i32
      %parallel_loop3A_464 = vector.broadcast %parallel_loop3A_463 : i32 to vector<16xi32>
      %parallel_loop3A_465 = arith.cmpi eq, %parallel_loop3A_410, %parallel_loop3A_464 : vector<16xi32>
      %parallel_loop3A_466 = arith.constant 0 : i32
      %parallel_loop3A_467 = vector.broadcast %parallel_loop3A_466 : i32 to vector<16xi32>
      %parallel_loop3A_468 = arith.subi %parallel_loop3A_424, %parallel_loop3A_467 : vector<16xi32>
      %parallel_loop3A_469 = arith.ori %parallel_loop3A_468, %parallel_loop3A_434 : vector<16xi32>
      %parallel_loop3A_470 = arith.index_cast %parallel_loop3A_338 : i32 to index
      %parallel_loop3A_471 = tpu.vector_load %arg6[%parallel_loop3A_470] masked %parallel_loop3A_465 {strides = array<i32>} : memref<16480xi32, #tpu.memory_space<vmem>>, vector<16xi32>, vector<16xi1>
      tpu.vector_store %arg6[%parallel_loop3A_470], %parallel_loop3A_469 masked %parallel_loop3A_465 {strides = array<i32>} : memref<16480xi32, #tpu.memory_space<vmem>>, vector<16xi32>, vector<16xi1>
      %parallel_loop3A_472 = arith.index_cast %parallel_loop3A_338 : i32 to index
      %parallel_loop3A_473 = tpu.vector_load %arg7[%parallel_loop3A_472] masked %parallel_loop3A_465 {strides = array<i32>} : memref<16480xi32, #tpu.memory_space<vmem>>, vector<16xi32>, vector<16xi1>
      tpu.vector_store %arg7[%parallel_loop3A_472], %parallel_loop3A_452 masked %parallel_loop3A_465 {strides = array<i32>} : memref<16480xi32, #tpu.memory_space<vmem>>, vector<16xi32>, vector<16xi1>
      %parallel_loop3A_474 = tpu.all_reduce %parallel_loop3A_465 {dim = 0 : i64, kind = #tpu.reduction_kind<sum>} : vector<16xi1> -> vector<16xi32>
      %parallel_loop3A_475 = vector.extract_strided_slice %parallel_loop3A_474 {offsets = [0], sizes = [1], strides = [1]} : vector<16xi32> to vector<1xi32>
      %parallel_loop3A_476 = vector.extract %parallel_loop3A_475[0] : i32 from vector<1xi32>
      %parallel_loop3A_477 = arith.addi %parallel_loop3A_338, %parallel_loop3A_476 : i32
      %parallel_loop3A_478 = arith.constant 1 : i32
      %parallel_loop3A_479 = vector.broadcast %parallel_loop3A_478 : i32 to vector<16xi32>
      %parallel_loop3A_480 = arith.cmpi eq, %parallel_loop3A_410, %parallel_loop3A_479 : vector<16xi32>
      %parallel_loop3A_481 = arith.constant 65536 : i32
      %parallel_loop3A_482 = vector.broadcast %parallel_loop3A_481 : i32 to vector<16xi32>
      %parallel_loop3A_483 = arith.subi %parallel_loop3A_424, %parallel_loop3A_482 : vector<16xi32>
      %parallel_loop3A_484 = arith.ori %parallel_loop3A_483, %parallel_loop3A_434 : vector<16xi32>
      %parallel_loop3A_485 = arith.index_cast %parallel_loop3A_339 : i32 to index
      %parallel_loop3A_486 = tpu.vector_load %arg6[%parallel_loop3A_485] masked %parallel_loop3A_480 {strides = array<i32>} : memref<16480xi32, #tpu.memory_space<vmem>>, vector<16xi32>, vector<16xi1>
      tpu.vector_store %arg6[%parallel_loop3A_485], %parallel_loop3A_484 masked %parallel_loop3A_480 {strides = array<i32>} : memref<16480xi32, #tpu.memory_space<vmem>>, vector<16xi32>, vector<16xi1>
      %parallel_loop3A_487 = arith.index_cast %parallel_loop3A_339 : i32 to index
      %parallel_loop3A_488 = tpu.vector_load %arg7[%parallel_loop3A_487] masked %parallel_loop3A_480 {strides = array<i32>} : memref<16480xi32, #tpu.memory_space<vmem>>, vector<16xi32>, vector<16xi1>
      tpu.vector_store %arg7[%parallel_loop3A_487], %parallel_loop3A_452 masked %parallel_loop3A_480 {strides = array<i32>} : memref<16480xi32, #tpu.memory_space<vmem>>, vector<16xi32>, vector<16xi1>
      %parallel_loop3A_489 = tpu.all_reduce %parallel_loop3A_480 {dim = 0 : i64, kind = #tpu.reduction_kind<sum>} : vector<16xi1> -> vector<16xi32>
      %parallel_loop3A_490 = vector.extract_strided_slice %parallel_loop3A_489 {offsets = [0], sizes = [1], strides = [1]} : vector<16xi32> to vector<1xi32>
      %parallel_loop3A_491 = vector.extract %parallel_loop3A_490[0] : i32 from vector<1xi32>
      %parallel_loop3A_492 = arith.addi %parallel_loop3A_339, %parallel_loop3A_491 : i32
      %parallel_loop3A_493 = arith.constant 2 : i32
      %parallel_loop3A_494 = vector.broadcast %parallel_loop3A_493 : i32 to vector<16xi32>
      %parallel_loop3A_495 = arith.cmpi eq, %parallel_loop3A_410, %parallel_loop3A_494 : vector<16xi32>
      %parallel_loop3A_496 = arith.constant 131072 : i32
      %parallel_loop3A_497 = vector.broadcast %parallel_loop3A_496 : i32 to vector<16xi32>
      %parallel_loop3A_498 = arith.subi %parallel_loop3A_424, %parallel_loop3A_497 : vector<16xi32>
      %parallel_loop3A_499 = arith.ori %parallel_loop3A_498, %parallel_loop3A_434 : vector<16xi32>
      %parallel_loop3A_500 = arith.index_cast %parallel_loop3A_340 : i32 to index
      %parallel_loop3A_501 = tpu.vector_load %arg6[%parallel_loop3A_500] masked %parallel_loop3A_495 {strides = array<i32>} : memref<16480xi32, #tpu.memory_space<vmem>>, vector<16xi32>, vector<16xi1>
      tpu.vector_store %arg6[%parallel_loop3A_500], %parallel_loop3A_499 masked %parallel_loop3A_495 {strides = array<i32>} : memref<16480xi32, #tpu.memory_space<vmem>>, vector<16xi32>, vector<16xi1>
      %parallel_loop3A_502 = arith.index_cast %parallel_loop3A_340 : i32 to index
      %parallel_loop3A_503 = tpu.vector_load %arg7[%parallel_loop3A_502] masked %parallel_loop3A_495 {strides = array<i32>} : memref<16480xi32, #tpu.memory_space<vmem>>, vector<16xi32>, vector<16xi1>
      tpu.vector_store %arg7[%parallel_loop3A_502], %parallel_loop3A_452 masked %parallel_loop3A_495 {strides = array<i32>} : memref<16480xi32, #tpu.memory_space<vmem>>, vector<16xi32>, vector<16xi1>
      %parallel_loop3A_504 = tpu.all_reduce %parallel_loop3A_495 {dim = 0 : i64, kind = #tpu.reduction_kind<sum>} : vector<16xi1> -> vector<16xi32>
      %parallel_loop3A_505 = vector.extract_strided_slice %parallel_loop3A_504 {offsets = [0], sizes = [1], strides = [1]} : vector<16xi32> to vector<1xi32>
      %parallel_loop3A_506 = vector.extract %parallel_loop3A_505[0] : i32 from vector<1xi32>
      %parallel_loop3A_507 = arith.addi %parallel_loop3A_340, %parallel_loop3A_506 : i32
      %parallel_loop3A_508 = arith.constant 3 : i32
      %parallel_loop3A_509 = vector.broadcast %parallel_loop3A_508 : i32 to vector<16xi32>
      %parallel_loop3A_510 = arith.cmpi eq, %parallel_loop3A_410, %parallel_loop3A_509 : vector<16xi32>
      %parallel_loop3A_511 = arith.constant 196608 : i32
      %parallel_loop3A_512 = vector.broadcast %parallel_loop3A_511 : i32 to vector<16xi32>
      %parallel_loop3A_513 = arith.subi %parallel_loop3A_424, %parallel_loop3A_512 : vector<16xi32>
      %parallel_loop3A_514 = arith.ori %parallel_loop3A_513, %parallel_loop3A_434 : vector<16xi32>
      %parallel_loop3A_515 = arith.index_cast %parallel_loop3A_341 : i32 to index
      %parallel_loop3A_516 = tpu.vector_load %arg6[%parallel_loop3A_515] masked %parallel_loop3A_510 {strides = array<i32>} : memref<16480xi32, #tpu.memory_space<vmem>>, vector<16xi32>, vector<16xi1>
      tpu.vector_store %arg6[%parallel_loop3A_515], %parallel_loop3A_514 masked %parallel_loop3A_510 {strides = array<i32>} : memref<16480xi32, #tpu.memory_space<vmem>>, vector<16xi32>, vector<16xi1>
      %parallel_loop3A_517 = arith.index_cast %parallel_loop3A_341 : i32 to index
      %parallel_loop3A_518 = tpu.vector_load %arg7[%parallel_loop3A_517] masked %parallel_loop3A_510 {strides = array<i32>} : memref<16480xi32, #tpu.memory_space<vmem>>, vector<16xi32>, vector<16xi1>
      tpu.vector_store %arg7[%parallel_loop3A_517], %parallel_loop3A_452 masked %parallel_loop3A_510 {strides = array<i32>} : memref<16480xi32, #tpu.memory_space<vmem>>, vector<16xi32>, vector<16xi1>
      %parallel_loop3A_519 = tpu.all_reduce %parallel_loop3A_510 {dim = 0 : i64, kind = #tpu.reduction_kind<sum>} : vector<16xi1> -> vector<16xi32>
      %parallel_loop3A_520 = vector.extract_strided_slice %parallel_loop3A_519 {offsets = [0], sizes = [1], strides = [1]} : vector<16xi32> to vector<1xi32>
      %parallel_loop3A_521 = vector.extract %parallel_loop3A_520[0] : i32 from vector<1xi32>
      %parallel_loop3A_522 = arith.addi %parallel_loop3A_341, %parallel_loop3A_521 : i32
      %parallel_loop3A_523 = arith.constant 16 : i32
      %parallel_loop3A_524 = arith.muli %parallel_loop3A_337, %parallel_loop3A_523 : i32
      %parallel_loop3A_525 = arith.constant 4096 : i32
      %parallel_loop3A_526 = arith.addi %parallel_loop3A_525, %parallel_loop3A_524 : i32
      %parallel_loop3A_527 = arith.index_cast %parallel_loop3A_526 : i32 to index
      %parallel_loop3A_528 = tpu.vector_load %arg8[%parallel_loop3A_527] {strides = array<i32>} : memref<69632xf32, #tpu.memory_space<vmem>>, vector<16xf32>,
      %parallel_loop3A_529 = arith.constant 16384 : i32
      %parallel_loop3A_530 = arith.addi %parallel_loop3A_529, %parallel_loop3A_526 : i32
      %parallel_loop3A_531 = arith.index_cast %parallel_loop3A_530 : i32 to index
      %parallel_loop3A_532 = tpu.vector_load %arg8[%parallel_loop3A_531] {strides = array<i32>} : memref<69632xf32, #tpu.memory_space<vmem>>, vector<16xf32>,
      %parallel_loop3A_533 = arith.constant 32768 : i32
      %parallel_loop3A_534 = arith.addi %parallel_loop3A_533, %parallel_loop3A_526 : i32
      %parallel_loop3A_535 = arith.index_cast %parallel_loop3A_534 : i32 to index
      %parallel_loop3A_536 = tpu.vector_load %arg8[%parallel_loop3A_535] {strides = array<i32>} : memref<69632xf32, #tpu.memory_space<vmem>>, vector<16xf32>,
      %parallel_loop3A_537 = arith.constant 3.200000e+01 : f32
      %parallel_loop3A_538 = vector.broadcast %parallel_loop3A_537 : f32 to vector<16xf32>
      %parallel_loop3A_539 = arith.mulf %parallel_loop3A_528, %parallel_loop3A_538 : vector<16xf32>
      %parallel_loop3A_540 = arith.constant 3.200000e+01 : f32
      %parallel_loop3A_541 = vector.broadcast %parallel_loop3A_540 : f32 to vector<16xf32>
      %parallel_loop3A_542 = arith.mulf %parallel_loop3A_532, %parallel_loop3A_541 : vector<16xf32>
      %parallel_loop3A_543 = arith.constant 3.200000e+01 : f32
      %parallel_loop3A_544 = vector.broadcast %parallel_loop3A_543 : f32 to vector<16xf32>
      %parallel_loop3A_545 = arith.mulf %parallel_loop3A_536, %parallel_loop3A_544 : vector<16xf32>
      %parallel_loop3A_546 = arith.fptosi %parallel_loop3A_539 : vector<16xf32> to vector<16xi32>
      %parallel_loop3A_547 = arith.sitofp %parallel_loop3A_546 : vector<16xi32> to vector<16xf32>
      %parallel_loop3A_548 = arith.cmpf ogt, %parallel_loop3A_547, %parallel_loop3A_539 : vector<16xf32>
      %parallel_loop3A_549 = arith.constant 1 : i32
      %parallel_loop3A_550 = vector.broadcast %parallel_loop3A_549 : i32 to vector<16xi32>
      %parallel_loop3A_551 = arith.subi %parallel_loop3A_546, %parallel_loop3A_550 : vector<16xi32>
      %parallel_loop3A_552 = arith.select %parallel_loop3A_548, %parallel_loop3A_551, %parallel_loop3A_546 : vector<16xi1>, vector<16xi32>
      %parallel_loop3A_553 = arith.fptosi %parallel_loop3A_542 : vector<16xf32> to vector<16xi32>
      %parallel_loop3A_554 = arith.sitofp %parallel_loop3A_553 : vector<16xi32> to vector<16xf32>
      %parallel_loop3A_555 = arith.cmpf ogt, %parallel_loop3A_554, %parallel_loop3A_542 : vector<16xf32>
      %parallel_loop3A_556 = arith.constant 1 : i32
      %parallel_loop3A_557 = vector.broadcast %parallel_loop3A_556 : i32 to vector<16xi32>
      %parallel_loop3A_558 = arith.subi %parallel_loop3A_553, %parallel_loop3A_557 : vector<16xi32>
      %parallel_loop3A_559 = arith.select %parallel_loop3A_555, %parallel_loop3A_558, %parallel_loop3A_553 : vector<16xi1>, vector<16xi32>
      %parallel_loop3A_560 = arith.fptosi %parallel_loop3A_545 : vector<16xf32> to vector<16xi32>
      %parallel_loop3A_561 = arith.sitofp %parallel_loop3A_560 : vector<16xi32> to vector<16xf32>
      %parallel_loop3A_562 = arith.cmpf ogt, %parallel_loop3A_561, %parallel_loop3A_545 : vector<16xf32>
      %parallel_loop3A_563 = arith.constant 1 : i32
      %parallel_loop3A_564 = vector.broadcast %parallel_loop3A_563 : i32 to vector<16xi32>
      %parallel_loop3A_565 = arith.subi %parallel_loop3A_560, %parallel_loop3A_564 : vector<16xi32>
      %parallel_loop3A_566 = arith.select %parallel_loop3A_562, %parallel_loop3A_565, %parallel_loop3A_560 : vector<16xi1>, vector<16xi32>
      %parallel_loop3A_567 = arith.sitofp %parallel_loop3A_552 : vector<16xi32> to vector<16xf32>
      %parallel_loop3A_568 = arith.subf %parallel_loop3A_539, %parallel_loop3A_567 : vector<16xf32>
      %parallel_loop3A_569 = arith.sitofp %parallel_loop3A_559 : vector<16xi32> to vector<16xf32>
      %parallel_loop3A_570 = arith.subf %parallel_loop3A_542, %parallel_loop3A_569 : vector<16xf32>
      %parallel_loop3A_571 = arith.sitofp %parallel_loop3A_566 : vector<16xi32> to vector<16xf32>
      %parallel_loop3A_572 = arith.subf %parallel_loop3A_545, %parallel_loop3A_571 : vector<16xf32>
      %parallel_loop3A_573 = arith.constant 32 : i32
      %parallel_loop3A_574 = vector.broadcast %parallel_loop3A_573 : i32 to vector<16xi32>
      %parallel_loop3A_575 = arith.addi %parallel_loop3A_552, %parallel_loop3A_574 : vector<16xi32>
      %parallel_loop3A_576 = arith.constant 4 : i32
      %parallel_loop3A_577 = vector.broadcast %parallel_loop3A_576 : i32 to vector<16xi32>
      %parallel_loop3A_578 = arith.shrsi %parallel_loop3A_575, %parallel_loop3A_577 : vector<16xi32>
      %parallel_loop3A_579 = arith.constant 12 : i32
      %parallel_loop3A_580 = vector.broadcast %parallel_loop3A_579 : i32 to vector<16xi32>
      %parallel_loop3A_581 = arith.shli %parallel_loop3A_575, %parallel_loop3A_580 : vector<16xi32>
      %parallel_loop3A_582 = arith.constant 32 : i32
      %parallel_loop3A_583 = vector.broadcast %parallel_loop3A_582 : i32 to vector<16xi32>
      %parallel_loop3A_584 = arith.addi %parallel_loop3A_559, %parallel_loop3A_583 : vector<16xi32>
      %parallel_loop3A_585 = arith.constant 6 : i32
      %parallel_loop3A_586 = vector.broadcast %parallel_loop3A_585 : i32 to vector<16xi32>
      %parallel_loop3A_587 = arith.shli %parallel_loop3A_584, %parallel_loop3A_586 : vector<16xi32>
      %parallel_loop3A_588 = arith.addi %parallel_loop3A_581, %parallel_loop3A_587 : vector<16xi32>
      %parallel_loop3A_589 = arith.constant 32 : i32
      %parallel_loop3A_590 = vector.broadcast %parallel_loop3A_589 : i32 to vector<16xi32>
      %parallel_loop3A_591 = arith.addi %parallel_loop3A_566, %parallel_loop3A_590 : vector<16xi32>
      %parallel_loop3A_592 = arith.addi %parallel_loop3A_588, %parallel_loop3A_591 : vector<16xi32>
      %parallel_loop3A_593 = arith.constant 6.553600e+04 : f32
      %parallel_loop3A_594 = vector.broadcast %parallel_loop3A_593 : f32 to vector<16xf32>
      %parallel_loop3A_595 = arith.mulf %parallel_loop3A_568, %parallel_loop3A_594 : vector<16xf32>
      %parallel_loop3A_596 = arith.fptosi %parallel_loop3A_595 : vector<16xf32> to vector<16xi32>
      %parallel_loop3A_597 = arith.constant 65535 : i32
      %parallel_loop3A_598 = vector.broadcast %parallel_loop3A_597 : i32 to vector<16xi32>
      %parallel_loop3A_599 = arith.minsi %parallel_loop3A_596, %parallel_loop3A_598 : vector<16xi32>
      %parallel_loop3A_600 = arith.constant 16 : i32
      %parallel_loop3A_601 = vector.broadcast %parallel_loop3A_600 : i32 to vector<16xi32>
      %parallel_loop3A_602 = arith.shli %parallel_loop3A_599, %parallel_loop3A_601 : vector<16xi32>
      %parallel_loop3A_603 = arith.constant 6.553600e+04 : f32
      %parallel_loop3A_604 = vector.broadcast %parallel_loop3A_603 : f32 to vector<16xf32>
      %parallel_loop3A_605 = arith.mulf %parallel_loop3A_570, %parallel_loop3A_604 : vector<16xf32>
      %parallel_loop3A_606 = arith.fptosi %parallel_loop3A_605 : vector<16xf32> to vector<16xi32>
      %parallel_loop3A_607 = arith.constant 65535 : i32
      %parallel_loop3A_608 = vector.broadcast %parallel_loop3A_607 : i32 to vector<16xi32>
      %parallel_loop3A_609 = arith.minsi %parallel_loop3A_606, %parallel_loop3A_608 : vector<16xi32>
      %parallel_loop3A_610 = arith.constant 6.553600e+04 : f32
      %parallel_loop3A_611 = vector.broadcast %parallel_loop3A_610 : f32 to vector<16xf32>
      %parallel_loop3A_612 = arith.mulf %parallel_loop3A_572, %parallel_loop3A_611 : vector<16xf32>
      %parallel_loop3A_613 = arith.fptosi %parallel_loop3A_612 : vector<16xf32> to vector<16xi32>
      %parallel_loop3A_614 = arith.constant 65535 : i32
      %parallel_loop3A_615 = vector.broadcast %parallel_loop3A_614 : i32 to vector<16xi32>
      %parallel_loop3A_616 = arith.minsi %parallel_loop3A_613, %parallel_loop3A_615 : vector<16xi32>
      %parallel_loop3A_617 = arith.constant 16 : i32
      %parallel_loop3A_618 = vector.broadcast %parallel_loop3A_617 : i32 to vector<16xi32>
      %parallel_loop3A_619 = arith.shli %parallel_loop3A_616, %parallel_loop3A_618 : vector<16xi32>
      %parallel_loop3A_620 = arith.ori %parallel_loop3A_609, %parallel_loop3A_619 : vector<16xi32>
      %parallel_loop3A_621 = math.absf %parallel_loop3A_528 : vector<16xf32>
      %parallel_loop3A_622 = math.absf %parallel_loop3A_532 : vector<16xf32>
      %parallel_loop3A_623 = arith.addf %parallel_loop3A_621, %parallel_loop3A_622 : vector<16xf32>
      %parallel_loop3A_624 = math.absf %parallel_loop3A_536 : vector<16xf32>
      %parallel_loop3A_625 = arith.addf %parallel_loop3A_623, %parallel_loop3A_624 : vector<16xf32>
      %parallel_loop3A_626 = arith.constant 0.000000e+00 : f32
      %parallel_loop3A_627 = vector.broadcast %parallel_loop3A_626 : f32 to vector<16xf32>
      %parallel_loop3A_628 = arith.cmpf oeq, %parallel_loop3A_625, %parallel_loop3A_627 : vector<16xf32>
      %parallel_loop3A_629 = arith.extui %parallel_loop3A_628 : vector<16xi1> to vector<16xi32>
      %parallel_loop3A_630 = arith.addi %parallel_loop3A_462, %parallel_loop3A_629 : vector<16xi32>
      %parallel_loop3A_631 = arith.constant 0 : i32
      %parallel_loop3A_632 = vector.broadcast %parallel_loop3A_631 : i32 to vector<16xi32>
      %parallel_loop3A_633 = arith.cmpi eq, %parallel_loop3A_578, %parallel_loop3A_632 : vector<16xi32>
      %parallel_loop3A_634 = arith.constant 0 : i32
      %parallel_loop3A_635 = vector.broadcast %parallel_loop3A_634 : i32 to vector<16xi32>
      %parallel_loop3A_636 = arith.subi %parallel_loop3A_592, %parallel_loop3A_635 : vector<16xi32>
      %parallel_loop3A_637 = arith.ori %parallel_loop3A_636, %parallel_loop3A_602 : vector<16xi32>
      %parallel_loop3A_638 = arith.index_cast %parallel_loop3A_342 : i32 to index
      %parallel_loop3A_639 = tpu.vector_load %arg6[%parallel_loop3A_638] masked %parallel_loop3A_633 {strides = array<i32>} : memref<16480xi32, #tpu.memory_space<vmem>>, vector<16xi32>, vector<16xi1>
      tpu.vector_store %arg6[%parallel_loop3A_638], %parallel_loop3A_637 masked %parallel_loop3A_633 {strides = array<i32>} : memref<16480xi32, #tpu.memory_space<vmem>>, vector<16xi32>, vector<16xi1>
      %parallel_loop3A_640 = arith.index_cast %parallel_loop3A_342 : i32 to index
      %parallel_loop3A_641 = tpu.vector_load %arg7[%parallel_loop3A_640] masked %parallel_loop3A_633 {strides = array<i32>} : memref<16480xi32, #tpu.memory_space<vmem>>, vector<16xi32>, vector<16xi1>
      tpu.vector_store %arg7[%parallel_loop3A_640], %parallel_loop3A_620 masked %parallel_loop3A_633 {strides = array<i32>} : memref<16480xi32, #tpu.memory_space<vmem>>, vector<16xi32>, vector<16xi1>
      %parallel_loop3A_642 = tpu.all_reduce %parallel_loop3A_633 {dim = 0 : i64, kind = #tpu.reduction_kind<sum>} : vector<16xi1> -> vector<16xi32>
      %parallel_loop3A_643 = vector.extract_strided_slice %parallel_loop3A_642 {offsets = [0], sizes = [1], strides = [1]} : vector<16xi32> to vector<1xi32>
      %parallel_loop3A_644 = vector.extract %parallel_loop3A_643[0] : i32 from vector<1xi32>
      %parallel_loop3A_645 = arith.addi %parallel_loop3A_342, %parallel_loop3A_644 : i32
      %parallel_loop3A_646 = arith.constant 1 : i32
      %parallel_loop3A_647 = vector.broadcast %parallel_loop3A_646 : i32 to vector<16xi32>
      %parallel_loop3A_648 = arith.cmpi eq, %parallel_loop3A_578, %parallel_loop3A_647 : vector<16xi32>
      %parallel_loop3A_649 = arith.constant 65536 : i32
      %parallel_loop3A_650 = vector.broadcast %parallel_loop3A_649 : i32 to vector<16xi32>
      %parallel_loop3A_651 = arith.subi %parallel_loop3A_592, %parallel_loop3A_650 : vector<16xi32>
      %parallel_loop3A_652 = arith.ori %parallel_loop3A_651, %parallel_loop3A_602 : vector<16xi32>
      %parallel_loop3A_653 = arith.index_cast %parallel_loop3A_343 : i32 to index
      %parallel_loop3A_654 = tpu.vector_load %arg6[%parallel_loop3A_653] masked %parallel_loop3A_648 {strides = array<i32>} : memref<16480xi32, #tpu.memory_space<vmem>>, vector<16xi32>, vector<16xi1>
      tpu.vector_store %arg6[%parallel_loop3A_653], %parallel_loop3A_652 masked %parallel_loop3A_648 {strides = array<i32>} : memref<16480xi32, #tpu.memory_space<vmem>>, vector<16xi32>, vector<16xi1>
      %parallel_loop3A_655 = arith.index_cast %parallel_loop3A_343 : i32 to index
      %parallel_loop3A_656 = tpu.vector_load %arg7[%parallel_loop3A_655] masked %parallel_loop3A_648 {strides = array<i32>} : memref<16480xi32, #tpu.memory_space<vmem>>, vector<16xi32>, vector<16xi1>
      tpu.vector_store %arg7[%parallel_loop3A_655], %parallel_loop3A_620 masked %parallel_loop3A_648 {strides = array<i32>} : memref<16480xi32, #tpu.memory_space<vmem>>, vector<16xi32>, vector<16xi1>
      %parallel_loop3A_657 = tpu.all_reduce %parallel_loop3A_648 {dim = 0 : i64, kind = #tpu.reduction_kind<sum>} : vector<16xi1> -> vector<16xi32>
      %parallel_loop3A_658 = vector.extract_strided_slice %parallel_loop3A_657 {offsets = [0], sizes = [1], strides = [1]} : vector<16xi32> to vector<1xi32>
      %parallel_loop3A_659 = vector.extract %parallel_loop3A_658[0] : i32 from vector<1xi32>
      %parallel_loop3A_660 = arith.addi %parallel_loop3A_343, %parallel_loop3A_659 : i32
      %parallel_loop3A_661 = arith.constant 2 : i32
      %parallel_loop3A_662 = vector.broadcast %parallel_loop3A_661 : i32 to vector<16xi32>
      %parallel_loop3A_663 = arith.cmpi eq, %parallel_loop3A_578, %parallel_loop3A_662 : vector<16xi32>
      %parallel_loop3A_664 = arith.constant 131072 : i32
      %parallel_loop3A_665 = vector.broadcast %parallel_loop3A_664 : i32 to vector<16xi32>
      %parallel_loop3A_666 = arith.subi %parallel_loop3A_592, %parallel_loop3A_665 : vector<16xi32>
      %parallel_loop3A_667 = arith.ori %parallel_loop3A_666, %parallel_loop3A_602 : vector<16xi32>
      %parallel_loop3A_668 = arith.index_cast %parallel_loop3A_344 : i32 to index
      %parallel_loop3A_669 = tpu.vector_load %arg6[%parallel_loop3A_668] masked %parallel_loop3A_663 {strides = array<i32>} : memref<16480xi32, #tpu.memory_space<vmem>>, vector<16xi32>, vector<16xi1>
      tpu.vector_store %arg6[%parallel_loop3A_668], %parallel_loop3A_667 masked %parallel_loop3A_663 {strides = array<i32>} : memref<16480xi32, #tpu.memory_space<vmem>>, vector<16xi32>, vector<16xi1>
      %parallel_loop3A_670 = arith.index_cast %parallel_loop3A_344 : i32 to index
      %parallel_loop3A_671 = tpu.vector_load %arg7[%parallel_loop3A_670] masked %parallel_loop3A_663 {strides = array<i32>} : memref<16480xi32, #tpu.memory_space<vmem>>, vector<16xi32>, vector<16xi1>
      tpu.vector_store %arg7[%parallel_loop3A_670], %parallel_loop3A_620 masked %parallel_loop3A_663 {strides = array<i32>} : memref<16480xi32, #tpu.memory_space<vmem>>, vector<16xi32>, vector<16xi1>
      %parallel_loop3A_672 = tpu.all_reduce %parallel_loop3A_663 {dim = 0 : i64, kind = #tpu.reduction_kind<sum>} : vector<16xi1> -> vector<16xi32>
      %parallel_loop3A_673 = vector.extract_strided_slice %parallel_loop3A_672 {offsets = [0], sizes = [1], strides = [1]} : vector<16xi32> to vector<1xi32>
      %parallel_loop3A_674 = vector.extract %parallel_loop3A_673[0] : i32 from vector<1xi32>
      %parallel_loop3A_675 = arith.addi %parallel_loop3A_344, %parallel_loop3A_674 : i32
      %parallel_loop3A_676 = arith.constant 3 : i32
      %parallel_loop3A_677 = vector.broadcast %parallel_loop3A_676 : i32 to vector<16xi32>
      %parallel_loop3A_678 = arith.cmpi eq, %parallel_loop3A_578, %parallel_loop3A_677 : vector<16xi32>
      %parallel_loop3A_679 = arith.constant 196608 : i32
      %parallel_loop3A_680 = vector.broadcast %parallel_loop3A_679 : i32 to vector<16xi32>
      %parallel_loop3A_681 = arith.subi %parallel_loop3A_592, %parallel_loop3A_680 : vector<16xi32>
      %parallel_loop3A_682 = arith.ori %parallel_loop3A_681, %parallel_loop3A_602 : vector<16xi32>
      %parallel_loop3A_683 = arith.index_cast %parallel_loop3A_345 : i32 to index
      %parallel_loop3A_684 = tpu.vector_load %arg6[%parallel_loop3A_683] masked %parallel_loop3A_678 {strides = array<i32>} : memref<16480xi32, #tpu.memory_space<vmem>>, vector<16xi32>, vector<16xi1>
      tpu.vector_store %arg6[%parallel_loop3A_683], %parallel_loop3A_682 masked %parallel_loop3A_678 {strides = array<i32>} : memref<16480xi32, #tpu.memory_space<vmem>>, vector<16xi32>, vector<16xi1>
      %parallel_loop3A_685 = arith.index_cast %parallel_loop3A_345 : i32 to index
      %parallel_loop3A_686 = tpu.vector_load %arg7[%parallel_loop3A_685] masked %parallel_loop3A_678 {strides = array<i32>} : memref<16480xi32, #tpu.memory_space<vmem>>, vector<16xi32>, vector<16xi1>
      tpu.vector_store %arg7[%parallel_loop3A_685], %parallel_loop3A_620 masked %parallel_loop3A_678 {strides = array<i32>} : memref<16480xi32, #tpu.memory_space<vmem>>, vector<16xi32>, vector<16xi1>
      %parallel_loop3A_687 = tpu.all_reduce %parallel_loop3A_678 {dim = 0 : i64, kind = #tpu.reduction_kind<sum>} : vector<16xi1> -> vector<16xi32>
      %parallel_loop3A_688 = vector.extract_strided_slice %parallel_loop3A_687 {offsets = [0], sizes = [1], strides = [1]} : vector<16xi32> to vector<1xi32>
      %parallel_loop3A_689 = vector.extract %parallel_loop3A_688[0] : i32 from vector<1xi32>
      %parallel_loop3A_690 = arith.addi %parallel_loop3A_345, %parallel_loop3A_689 : i32
      %parallel_loop3A_691 = arith.constant 16 : i32
      %parallel_loop3A_692 = arith.muli %parallel_loop3A_337, %parallel_loop3A_691 : i32
      %parallel_loop3A_693 = arith.constant 8192 : i32
      %parallel_loop3A_694 = arith.addi %parallel_loop3A_693, %parallel_loop3A_692 : i32
      %parallel_loop3A_695 = arith.index_cast %parallel_loop3A_694 : i32 to index
      %parallel_loop3A_696 = tpu.vector_load %arg8[%parallel_loop3A_695] {strides = array<i32>} : memref<69632xf32, #tpu.memory_space<vmem>>, vector<16xf32>,
      %parallel_loop3A_697 = arith.constant 16384 : i32
      %parallel_loop3A_698 = arith.addi %parallel_loop3A_697, %parallel_loop3A_694 : i32
      %parallel_loop3A_699 = arith.index_cast %parallel_loop3A_698 : i32 to index
      %parallel_loop3A_700 = tpu.vector_load %arg8[%parallel_loop3A_699] {strides = array<i32>} : memref<69632xf32, #tpu.memory_space<vmem>>, vector<16xf32>,
      %parallel_loop3A_701 = arith.constant 32768 : i32
      %parallel_loop3A_702 = arith.addi %parallel_loop3A_701, %parallel_loop3A_694 : i32
      %parallel_loop3A_703 = arith.index_cast %parallel_loop3A_702 : i32 to index
      %parallel_loop3A_704 = tpu.vector_load %arg8[%parallel_loop3A_703] {strides = array<i32>} : memref<69632xf32, #tpu.memory_space<vmem>>, vector<16xf32>,
      %parallel_loop3A_705 = arith.constant 3.200000e+01 : f32
      %parallel_loop3A_706 = vector.broadcast %parallel_loop3A_705 : f32 to vector<16xf32>
      %parallel_loop3A_707 = arith.mulf %parallel_loop3A_696, %parallel_loop3A_706 : vector<16xf32>
      %parallel_loop3A_708 = arith.constant 3.200000e+01 : f32
      %parallel_loop3A_709 = vector.broadcast %parallel_loop3A_708 : f32 to vector<16xf32>
      %parallel_loop3A_710 = arith.mulf %parallel_loop3A_700, %parallel_loop3A_709 : vector<16xf32>
      %parallel_loop3A_711 = arith.constant 3.200000e+01 : f32
      %parallel_loop3A_712 = vector.broadcast %parallel_loop3A_711 : f32 to vector<16xf32>
      %parallel_loop3A_713 = arith.mulf %parallel_loop3A_704, %parallel_loop3A_712 : vector<16xf32>
      %parallel_loop3A_714 = arith.fptosi %parallel_loop3A_707 : vector<16xf32> to vector<16xi32>
      %parallel_loop3A_715 = arith.sitofp %parallel_loop3A_714 : vector<16xi32> to vector<16xf32>
      %parallel_loop3A_716 = arith.cmpf ogt, %parallel_loop3A_715, %parallel_loop3A_707 : vector<16xf32>
      %parallel_loop3A_717 = arith.constant 1 : i32
      %parallel_loop3A_718 = vector.broadcast %parallel_loop3A_717 : i32 to vector<16xi32>
      %parallel_loop3A_719 = arith.subi %parallel_loop3A_714, %parallel_loop3A_718 : vector<16xi32>
      %parallel_loop3A_720 = arith.select %parallel_loop3A_716, %parallel_loop3A_719, %parallel_loop3A_714 : vector<16xi1>, vector<16xi32>
      %parallel_loop3A_721 = arith.fptosi %parallel_loop3A_710 : vector<16xf32> to vector<16xi32>
      %parallel_loop3A_722 = arith.sitofp %parallel_loop3A_721 : vector<16xi32> to vector<16xf32>
      %parallel_loop3A_723 = arith.cmpf ogt, %parallel_loop3A_722, %parallel_loop3A_710 : vector<16xf32>
      %parallel_loop3A_724 = arith.constant 1 : i32
      %parallel_loop3A_725 = vector.broadcast %parallel_loop3A_724 : i32 to vector<16xi32>
      %parallel_loop3A_726 = arith.subi %parallel_loop3A_721, %parallel_loop3A_725 : vector<16xi32>
      %parallel_loop3A_727 = arith.select %parallel_loop3A_723, %parallel_loop3A_726, %parallel_loop3A_721 : vector<16xi1>, vector<16xi32>
      %parallel_loop3A_728 = arith.fptosi %parallel_loop3A_713 : vector<16xf32> to vector<16xi32>
      %parallel_loop3A_729 = arith.sitofp %parallel_loop3A_728 : vector<16xi32> to vector<16xf32>
      %parallel_loop3A_730 = arith.cmpf ogt, %parallel_loop3A_729, %parallel_loop3A_713 : vector<16xf32>
      %parallel_loop3A_731 = arith.constant 1 : i32
      %parallel_loop3A_732 = vector.broadcast %parallel_loop3A_731 : i32 to vector<16xi32>
      %parallel_loop3A_733 = arith.subi %parallel_loop3A_728, %parallel_loop3A_732 : vector<16xi32>
      %parallel_loop3A_734 = arith.select %parallel_loop3A_730, %parallel_loop3A_733, %parallel_loop3A_728 : vector<16xi1>, vector<16xi32>
      %parallel_loop3A_735 = arith.sitofp %parallel_loop3A_720 : vector<16xi32> to vector<16xf32>
      %parallel_loop3A_736 = arith.subf %parallel_loop3A_707, %parallel_loop3A_735 : vector<16xf32>
      %parallel_loop3A_737 = arith.sitofp %parallel_loop3A_727 : vector<16xi32> to vector<16xf32>
      %parallel_loop3A_738 = arith.subf %parallel_loop3A_710, %parallel_loop3A_737 : vector<16xf32>
      %parallel_loop3A_739 = arith.sitofp %parallel_loop3A_734 : vector<16xi32> to vector<16xf32>
      %parallel_loop3A_740 = arith.subf %parallel_loop3A_713, %parallel_loop3A_739 : vector<16xf32>
      %parallel_loop3A_741 = arith.constant 32 : i32
      %parallel_loop3A_742 = vector.broadcast %parallel_loop3A_741 : i32 to vector<16xi32>
      %parallel_loop3A_743 = arith.addi %parallel_loop3A_720, %parallel_loop3A_742 : vector<16xi32>
      %parallel_loop3A_744 = arith.constant 4 : i32
      %parallel_loop3A_745 = vector.broadcast %parallel_loop3A_744 : i32 to vector<16xi32>
      %parallel_loop3A_746 = arith.shrsi %parallel_loop3A_743, %parallel_loop3A_745 : vector<16xi32>
      %parallel_loop3A_747 = arith.constant 12 : i32
      %parallel_loop3A_748 = vector.broadcast %parallel_loop3A_747 : i32 to vector<16xi32>
      %parallel_loop3A_749 = arith.shli %parallel_loop3A_743, %parallel_loop3A_748 : vector<16xi32>
      %parallel_loop3A_750 = arith.constant 32 : i32
      %parallel_loop3A_751 = vector.broadcast %parallel_loop3A_750 : i32 to vector<16xi32>
      %parallel_loop3A_752 = arith.addi %parallel_loop3A_727, %parallel_loop3A_751 : vector<16xi32>
      %parallel_loop3A_753 = arith.constant 6 : i32
      %parallel_loop3A_754 = vector.broadcast %parallel_loop3A_753 : i32 to vector<16xi32>
      %parallel_loop3A_755 = arith.shli %parallel_loop3A_752, %parallel_loop3A_754 : vector<16xi32>
      %parallel_loop3A_756 = arith.addi %parallel_loop3A_749, %parallel_loop3A_755 : vector<16xi32>
      %parallel_loop3A_757 = arith.constant 32 : i32
      %parallel_loop3A_758 = vector.broadcast %parallel_loop3A_757 : i32 to vector<16xi32>
      %parallel_loop3A_759 = arith.addi %parallel_loop3A_734, %parallel_loop3A_758 : vector<16xi32>
      %parallel_loop3A_760 = arith.addi %parallel_loop3A_756, %parallel_loop3A_759 : vector<16xi32>
      %parallel_loop3A_761 = arith.constant 6.553600e+04 : f32
      %parallel_loop3A_762 = vector.broadcast %parallel_loop3A_761 : f32 to vector<16xf32>
      %parallel_loop3A_763 = arith.mulf %parallel_loop3A_736, %parallel_loop3A_762 : vector<16xf32>
      %parallel_loop3A_764 = arith.fptosi %parallel_loop3A_763 : vector<16xf32> to vector<16xi32>
      %parallel_loop3A_765 = arith.constant 65535 : i32
      %parallel_loop3A_766 = vector.broadcast %parallel_loop3A_765 : i32 to vector<16xi32>
      %parallel_loop3A_767 = arith.minsi %parallel_loop3A_764, %parallel_loop3A_766 : vector<16xi32>
      %parallel_loop3A_768 = arith.constant 16 : i32
      %parallel_loop3A_769 = vector.broadcast %parallel_loop3A_768 : i32 to vector<16xi32>
      %parallel_loop3A_770 = arith.shli %parallel_loop3A_767, %parallel_loop3A_769 : vector<16xi32>
      %parallel_loop3A_771 = arith.constant 6.553600e+04 : f32
      %parallel_loop3A_772 = vector.broadcast %parallel_loop3A_771 : f32 to vector<16xf32>
      %parallel_loop3A_773 = arith.mulf %parallel_loop3A_738, %parallel_loop3A_772 : vector<16xf32>
      %parallel_loop3A_774 = arith.fptosi %parallel_loop3A_773 : vector<16xf32> to vector<16xi32>
      %parallel_loop3A_775 = arith.constant 65535 : i32
      %parallel_loop3A_776 = vector.broadcast %parallel_loop3A_775 : i32 to vector<16xi32>
      %parallel_loop3A_777 = arith.minsi %parallel_loop3A_774, %parallel_loop3A_776 : vector<16xi32>
      %parallel_loop3A_778 = arith.constant 6.553600e+04 : f32
      %parallel_loop3A_779 = vector.broadcast %parallel_loop3A_778 : f32 to vector<16xf32>
      %parallel_loop3A_780 = arith.mulf %parallel_loop3A_740, %parallel_loop3A_779 : vector<16xf32>
      %parallel_loop3A_781 = arith.fptosi %parallel_loop3A_780 : vector<16xf32> to vector<16xi32>
      %parallel_loop3A_782 = arith.constant 65535 : i32
      %parallel_loop3A_783 = vector.broadcast %parallel_loop3A_782 : i32 to vector<16xi32>
      %parallel_loop3A_784 = arith.minsi %parallel_loop3A_781, %parallel_loop3A_783 : vector<16xi32>
      %parallel_loop3A_785 = arith.constant 16 : i32
      %parallel_loop3A_786 = vector.broadcast %parallel_loop3A_785 : i32 to vector<16xi32>
      %parallel_loop3A_787 = arith.shli %parallel_loop3A_784, %parallel_loop3A_786 : vector<16xi32>
      %parallel_loop3A_788 = arith.ori %parallel_loop3A_777, %parallel_loop3A_787 : vector<16xi32>
      %parallel_loop3A_789 = math.absf %parallel_loop3A_696 : vector<16xf32>
      %parallel_loop3A_790 = math.absf %parallel_loop3A_700 : vector<16xf32>
      %parallel_loop3A_791 = arith.addf %parallel_loop3A_789, %parallel_loop3A_790 : vector<16xf32>
      %parallel_loop3A_792 = math.absf %parallel_loop3A_704 : vector<16xf32>
      %parallel_loop3A_793 = arith.addf %parallel_loop3A_791, %parallel_loop3A_792 : vector<16xf32>
      %parallel_loop3A_794 = arith.constant 0.000000e+00 : f32
      %parallel_loop3A_795 = vector.broadcast %parallel_loop3A_794 : f32 to vector<16xf32>
      %parallel_loop3A_796 = arith.cmpf oeq, %parallel_loop3A_793, %parallel_loop3A_795 : vector<16xf32>
      %parallel_loop3A_797 = arith.extui %parallel_loop3A_796 : vector<16xi1> to vector<16xi32>
      %parallel_loop3A_798 = arith.addi %parallel_loop3A_630, %parallel_loop3A_797 : vector<16xi32>
      %parallel_loop3A_799 = arith.constant 0 : i32
      %parallel_loop3A_800 = vector.broadcast %parallel_loop3A_799 : i32 to vector<16xi32>
      %parallel_loop3A_801 = arith.cmpi eq, %parallel_loop3A_746, %parallel_loop3A_800 : vector<16xi32>
      %parallel_loop3A_802 = arith.constant 0 : i32
      %parallel_loop3A_803 = vector.broadcast %parallel_loop3A_802 : i32 to vector<16xi32>
      %parallel_loop3A_804 = arith.subi %parallel_loop3A_760, %parallel_loop3A_803 : vector<16xi32>
      %parallel_loop3A_805 = arith.ori %parallel_loop3A_804, %parallel_loop3A_770 : vector<16xi32>
      %parallel_loop3A_806 = arith.index_cast %parallel_loop3A_346 : i32 to index
      %parallel_loop3A_807 = tpu.vector_load %arg6[%parallel_loop3A_806] masked %parallel_loop3A_801 {strides = array<i32>} : memref<16480xi32, #tpu.memory_space<vmem>>, vector<16xi32>, vector<16xi1>
      tpu.vector_store %arg6[%parallel_loop3A_806], %parallel_loop3A_805 masked %parallel_loop3A_801 {strides = array<i32>} : memref<16480xi32, #tpu.memory_space<vmem>>, vector<16xi32>, vector<16xi1>
      %parallel_loop3A_808 = arith.index_cast %parallel_loop3A_346 : i32 to index
      %parallel_loop3A_809 = tpu.vector_load %arg7[%parallel_loop3A_808] masked %parallel_loop3A_801 {strides = array<i32>} : memref<16480xi32, #tpu.memory_space<vmem>>, vector<16xi32>, vector<16xi1>
      tpu.vector_store %arg7[%parallel_loop3A_808], %parallel_loop3A_788 masked %parallel_loop3A_801 {strides = array<i32>} : memref<16480xi32, #tpu.memory_space<vmem>>, vector<16xi32>, vector<16xi1>
      %parallel_loop3A_810 = tpu.all_reduce %parallel_loop3A_801 {dim = 0 : i64, kind = #tpu.reduction_kind<sum>} : vector<16xi1> -> vector<16xi32>
      %parallel_loop3A_811 = vector.extract_strided_slice %parallel_loop3A_810 {offsets = [0], sizes = [1], strides = [1]} : vector<16xi32> to vector<1xi32>
      %parallel_loop3A_812 = vector.extract %parallel_loop3A_811[0] : i32 from vector<1xi32>
      %parallel_loop3A_813 = arith.addi %parallel_loop3A_346, %parallel_loop3A_812 : i32
      %parallel_loop3A_814 = arith.constant 1 : i32
      %parallel_loop3A_815 = vector.broadcast %parallel_loop3A_814 : i32 to vector<16xi32>
      %parallel_loop3A_816 = arith.cmpi eq, %parallel_loop3A_746, %parallel_loop3A_815 : vector<16xi32>
      %parallel_loop3A_817 = arith.constant 65536 : i32
      %parallel_loop3A_818 = vector.broadcast %parallel_loop3A_817 : i32 to vector<16xi32>
      %parallel_loop3A_819 = arith.subi %parallel_loop3A_760, %parallel_loop3A_818 : vector<16xi32>
      %parallel_loop3A_820 = arith.ori %parallel_loop3A_819, %parallel_loop3A_770 : vector<16xi32>
      %parallel_loop3A_821 = arith.index_cast %parallel_loop3A_347 : i32 to index
      %parallel_loop3A_822 = tpu.vector_load %arg6[%parallel_loop3A_821] masked %parallel_loop3A_816 {strides = array<i32>} : memref<16480xi32, #tpu.memory_space<vmem>>, vector<16xi32>, vector<16xi1>
      tpu.vector_store %arg6[%parallel_loop3A_821], %parallel_loop3A_820 masked %parallel_loop3A_816 {strides = array<i32>} : memref<16480xi32, #tpu.memory_space<vmem>>, vector<16xi32>, vector<16xi1>
      %parallel_loop3A_823 = arith.index_cast %parallel_loop3A_347 : i32 to index
      %parallel_loop3A_824 = tpu.vector_load %arg7[%parallel_loop3A_823] masked %parallel_loop3A_816 {strides = array<i32>} : memref<16480xi32, #tpu.memory_space<vmem>>, vector<16xi32>, vector<16xi1>
      tpu.vector_store %arg7[%parallel_loop3A_823], %parallel_loop3A_788 masked %parallel_loop3A_816 {strides = array<i32>} : memref<16480xi32, #tpu.memory_space<vmem>>, vector<16xi32>, vector<16xi1>
      %parallel_loop3A_825 = tpu.all_reduce %parallel_loop3A_816 {dim = 0 : i64, kind = #tpu.reduction_kind<sum>} : vector<16xi1> -> vector<16xi32>
      %parallel_loop3A_826 = vector.extract_strided_slice %parallel_loop3A_825 {offsets = [0], sizes = [1], strides = [1]} : vector<16xi32> to vector<1xi32>
      %parallel_loop3A_827 = vector.extract %parallel_loop3A_826[0] : i32 from vector<1xi32>
      %parallel_loop3A_828 = arith.addi %parallel_loop3A_347, %parallel_loop3A_827 : i32
      %parallel_loop3A_829 = arith.constant 2 : i32
      %parallel_loop3A_830 = vector.broadcast %parallel_loop3A_829 : i32 to vector<16xi32>
      %parallel_loop3A_831 = arith.cmpi eq, %parallel_loop3A_746, %parallel_loop3A_830 : vector<16xi32>
      %parallel_loop3A_832 = arith.constant 131072 : i32
      %parallel_loop3A_833 = vector.broadcast %parallel_loop3A_832 : i32 to vector<16xi32>
      %parallel_loop3A_834 = arith.subi %parallel_loop3A_760, %parallel_loop3A_833 : vector<16xi32>
      %parallel_loop3A_835 = arith.ori %parallel_loop3A_834, %parallel_loop3A_770 : vector<16xi32>
      %parallel_loop3A_836 = arith.index_cast %parallel_loop3A_348 : i32 to index
      %parallel_loop3A_837 = tpu.vector_load %arg6[%parallel_loop3A_836] masked %parallel_loop3A_831 {strides = array<i32>} : memref<16480xi32, #tpu.memory_space<vmem>>, vector<16xi32>, vector<16xi1>
      tpu.vector_store %arg6[%parallel_loop3A_836], %parallel_loop3A_835 masked %parallel_loop3A_831 {strides = array<i32>} : memref<16480xi32, #tpu.memory_space<vmem>>, vector<16xi32>, vector<16xi1>
      %parallel_loop3A_838 = arith.index_cast %parallel_loop3A_348 : i32 to index
      %parallel_loop3A_839 = tpu.vector_load %arg7[%parallel_loop3A_838] masked %parallel_loop3A_831 {strides = array<i32>} : memref<16480xi32, #tpu.memory_space<vmem>>, vector<16xi32>, vector<16xi1>
      tpu.vector_store %arg7[%parallel_loop3A_838], %parallel_loop3A_788 masked %parallel_loop3A_831 {strides = array<i32>} : memref<16480xi32, #tpu.memory_space<vmem>>, vector<16xi32>, vector<16xi1>
      %parallel_loop3A_840 = tpu.all_reduce %parallel_loop3A_831 {dim = 0 : i64, kind = #tpu.reduction_kind<sum>} : vector<16xi1> -> vector<16xi32>
      %parallel_loop3A_841 = vector.extract_strided_slice %parallel_loop3A_840 {offsets = [0], sizes = [1], strides = [1]} : vector<16xi32> to vector<1xi32>
      %parallel_loop3A_842 = vector.extract %parallel_loop3A_841[0] : i32 from vector<1xi32>
      %parallel_loop3A_843 = arith.addi %parallel_loop3A_348, %parallel_loop3A_842 : i32
      %parallel_loop3A_844 = arith.constant 3 : i32
      %parallel_loop3A_845 = vector.broadcast %parallel_loop3A_844 : i32 to vector<16xi32>
      %parallel_loop3A_846 = arith.cmpi eq, %parallel_loop3A_746, %parallel_loop3A_845 : vector<16xi32>
      %parallel_loop3A_847 = arith.constant 196608 : i32
      %parallel_loop3A_848 = vector.broadcast %parallel_loop3A_847 : i32 to vector<16xi32>
      %parallel_loop3A_849 = arith.subi %parallel_loop3A_760, %parallel_loop3A_848 : vector<16xi32>
      %parallel_loop3A_850 = arith.ori %parallel_loop3A_849, %parallel_loop3A_770 : vector<16xi32>
      %parallel_loop3A_851 = arith.index_cast %parallel_loop3A_349 : i32 to index
      %parallel_loop3A_852 = tpu.vector_load %arg6[%parallel_loop3A_851] masked %parallel_loop3A_846 {strides = array<i32>} : memref<16480xi32, #tpu.memory_space<vmem>>, vector<16xi32>, vector<16xi1>
      tpu.vector_store %arg6[%parallel_loop3A_851], %parallel_loop3A_850 masked %parallel_loop3A_846 {strides = array<i32>} : memref<16480xi32, #tpu.memory_space<vmem>>, vector<16xi32>, vector<16xi1>
      %parallel_loop3A_853 = arith.index_cast %parallel_loop3A_349 : i32 to index
      %parallel_loop3A_854 = tpu.vector_load %arg7[%parallel_loop3A_853] masked %parallel_loop3A_846 {strides = array<i32>} : memref<16480xi32, #tpu.memory_space<vmem>>, vector<16xi32>, vector<16xi1>
      tpu.vector_store %arg7[%parallel_loop3A_853], %parallel_loop3A_788 masked %parallel_loop3A_846 {strides = array<i32>} : memref<16480xi32, #tpu.memory_space<vmem>>, vector<16xi32>, vector<16xi1>
      %parallel_loop3A_855 = tpu.all_reduce %parallel_loop3A_846 {dim = 0 : i64, kind = #tpu.reduction_kind<sum>} : vector<16xi1> -> vector<16xi32>
      %parallel_loop3A_856 = vector.extract_strided_slice %parallel_loop3A_855 {offsets = [0], sizes = [1], strides = [1]} : vector<16xi32> to vector<1xi32>
      %parallel_loop3A_857 = vector.extract %parallel_loop3A_856[0] : i32 from vector<1xi32>
      %parallel_loop3A_858 = arith.addi %parallel_loop3A_349, %parallel_loop3A_857 : i32
      %parallel_loop3A_859 = arith.constant 16 : i32
      %parallel_loop3A_860 = arith.muli %parallel_loop3A_337, %parallel_loop3A_859 : i32
      %parallel_loop3A_861 = arith.constant 12288 : i32
      %parallel_loop3A_862 = arith.addi %parallel_loop3A_861, %parallel_loop3A_860 : i32
      %parallel_loop3A_863 = arith.index_cast %parallel_loop3A_862 : i32 to index
      %parallel_loop3A_864 = tpu.vector_load %arg8[%parallel_loop3A_863] {strides = array<i32>} : memref<69632xf32, #tpu.memory_space<vmem>>, vector<16xf32>,
      %parallel_loop3A_865 = arith.constant 16384 : i32
      %parallel_loop3A_866 = arith.addi %parallel_loop3A_865, %parallel_loop3A_862 : i32
      %parallel_loop3A_867 = arith.index_cast %parallel_loop3A_866 : i32 to index
      %parallel_loop3A_868 = tpu.vector_load %arg8[%parallel_loop3A_867] {strides = array<i32>} : memref<69632xf32, #tpu.memory_space<vmem>>, vector<16xf32>,
      %parallel_loop3A_869 = arith.constant 32768 : i32
      %parallel_loop3A_870 = arith.addi %parallel_loop3A_869, %parallel_loop3A_862 : i32
      %parallel_loop3A_871 = arith.index_cast %parallel_loop3A_870 : i32 to index
      %parallel_loop3A_872 = tpu.vector_load %arg8[%parallel_loop3A_871] {strides = array<i32>} : memref<69632xf32, #tpu.memory_space<vmem>>, vector<16xf32>,
      %parallel_loop3A_873 = arith.constant 3.200000e+01 : f32
      %parallel_loop3A_874 = vector.broadcast %parallel_loop3A_873 : f32 to vector<16xf32>
      %parallel_loop3A_875 = arith.mulf %parallel_loop3A_864, %parallel_loop3A_874 : vector<16xf32>
      %parallel_loop3A_876 = arith.constant 3.200000e+01 : f32
      %parallel_loop3A_877 = vector.broadcast %parallel_loop3A_876 : f32 to vector<16xf32>
      %parallel_loop3A_878 = arith.mulf %parallel_loop3A_868, %parallel_loop3A_877 : vector<16xf32>
      %parallel_loop3A_879 = arith.constant 3.200000e+01 : f32
      %parallel_loop3A_880 = vector.broadcast %parallel_loop3A_879 : f32 to vector<16xf32>
      %parallel_loop3A_881 = arith.mulf %parallel_loop3A_872, %parallel_loop3A_880 : vector<16xf32>
      %parallel_loop3A_882 = arith.fptosi %parallel_loop3A_875 : vector<16xf32> to vector<16xi32>
      %parallel_loop3A_883 = arith.sitofp %parallel_loop3A_882 : vector<16xi32> to vector<16xf32>
      %parallel_loop3A_884 = arith.cmpf ogt, %parallel_loop3A_883, %parallel_loop3A_875 : vector<16xf32>
      %parallel_loop3A_885 = arith.constant 1 : i32
      %parallel_loop3A_886 = vector.broadcast %parallel_loop3A_885 : i32 to vector<16xi32>
      %parallel_loop3A_887 = arith.subi %parallel_loop3A_882, %parallel_loop3A_886 : vector<16xi32>
      %parallel_loop3A_888 = arith.select %parallel_loop3A_884, %parallel_loop3A_887, %parallel_loop3A_882 : vector<16xi1>, vector<16xi32>
      %parallel_loop3A_889 = arith.fptosi %parallel_loop3A_878 : vector<16xf32> to vector<16xi32>
      %parallel_loop3A_890 = arith.sitofp %parallel_loop3A_889 : vector<16xi32> to vector<16xf32>
      %parallel_loop3A_891 = arith.cmpf ogt, %parallel_loop3A_890, %parallel_loop3A_878 : vector<16xf32>
      %parallel_loop3A_892 = arith.constant 1 : i32
      %parallel_loop3A_893 = vector.broadcast %parallel_loop3A_892 : i32 to vector<16xi32>
      %parallel_loop3A_894 = arith.subi %parallel_loop3A_889, %parallel_loop3A_893 : vector<16xi32>
      %parallel_loop3A_895 = arith.select %parallel_loop3A_891, %parallel_loop3A_894, %parallel_loop3A_889 : vector<16xi1>, vector<16xi32>
      %parallel_loop3A_896 = arith.fptosi %parallel_loop3A_881 : vector<16xf32> to vector<16xi32>
      %parallel_loop3A_897 = arith.sitofp %parallel_loop3A_896 : vector<16xi32> to vector<16xf32>
      %parallel_loop3A_898 = arith.cmpf ogt, %parallel_loop3A_897, %parallel_loop3A_881 : vector<16xf32>
      %parallel_loop3A_899 = arith.constant 1 : i32
      %parallel_loop3A_900 = vector.broadcast %parallel_loop3A_899 : i32 to vector<16xi32>
      %parallel_loop3A_901 = arith.subi %parallel_loop3A_896, %parallel_loop3A_900 : vector<16xi32>
      %parallel_loop3A_902 = arith.select %parallel_loop3A_898, %parallel_loop3A_901, %parallel_loop3A_896 : vector<16xi1>, vector<16xi32>
      %parallel_loop3A_903 = arith.sitofp %parallel_loop3A_888 : vector<16xi32> to vector<16xf32>
      %parallel_loop3A_904 = arith.subf %parallel_loop3A_875, %parallel_loop3A_903 : vector<16xf32>
      %parallel_loop3A_905 = arith.sitofp %parallel_loop3A_895 : vector<16xi32> to vector<16xf32>
      %parallel_loop3A_906 = arith.subf %parallel_loop3A_878, %parallel_loop3A_905 : vector<16xf32>
      %parallel_loop3A_907 = arith.sitofp %parallel_loop3A_902 : vector<16xi32> to vector<16xf32>
      %parallel_loop3A_908 = arith.subf %parallel_loop3A_881, %parallel_loop3A_907 : vector<16xf32>
      %parallel_loop3A_909 = arith.constant 32 : i32
      %parallel_loop3A_910 = vector.broadcast %parallel_loop3A_909 : i32 to vector<16xi32>
      %parallel_loop3A_911 = arith.addi %parallel_loop3A_888, %parallel_loop3A_910 : vector<16xi32>
      %parallel_loop3A_912 = arith.constant 4 : i32
      %parallel_loop3A_913 = vector.broadcast %parallel_loop3A_912 : i32 to vector<16xi32>
      %parallel_loop3A_914 = arith.shrsi %parallel_loop3A_911, %parallel_loop3A_913 : vector<16xi32>
      %parallel_loop3A_915 = arith.constant 12 : i32
      %parallel_loop3A_916 = vector.broadcast %parallel_loop3A_915 : i32 to vector<16xi32>
      %parallel_loop3A_917 = arith.shli %parallel_loop3A_911, %parallel_loop3A_916 : vector<16xi32>
      %parallel_loop3A_918 = arith.constant 32 : i32
      %parallel_loop3A_919 = vector.broadcast %parallel_loop3A_918 : i32 to vector<16xi32>
      %parallel_loop3A_920 = arith.addi %parallel_loop3A_895, %parallel_loop3A_919 : vector<16xi32>
      %parallel_loop3A_921 = arith.constant 6 : i32
      %parallel_loop3A_922 = vector.broadcast %parallel_loop3A_921 : i32 to vector<16xi32>
      %parallel_loop3A_923 = arith.shli %parallel_loop3A_920, %parallel_loop3A_922 : vector<16xi32>
      %parallel_loop3A_924 = arith.addi %parallel_loop3A_917, %parallel_loop3A_923 : vector<16xi32>
      %parallel_loop3A_925 = arith.constant 32 : i32
      %parallel_loop3A_926 = vector.broadcast %parallel_loop3A_925 : i32 to vector<16xi32>
      %parallel_loop3A_927 = arith.addi %parallel_loop3A_902, %parallel_loop3A_926 : vector<16xi32>
      %parallel_loop3A_928 = arith.addi %parallel_loop3A_924, %parallel_loop3A_927 : vector<16xi32>
      %parallel_loop3A_929 = arith.constant 6.553600e+04 : f32
      %parallel_loop3A_930 = vector.broadcast %parallel_loop3A_929 : f32 to vector<16xf32>
      %parallel_loop3A_931 = arith.mulf %parallel_loop3A_904, %parallel_loop3A_930 : vector<16xf32>
      %parallel_loop3A_932 = arith.fptosi %parallel_loop3A_931 : vector<16xf32> to vector<16xi32>
      %parallel_loop3A_933 = arith.constant 65535 : i32
      %parallel_loop3A_934 = vector.broadcast %parallel_loop3A_933 : i32 to vector<16xi32>
      %parallel_loop3A_935 = arith.minsi %parallel_loop3A_932, %parallel_loop3A_934 : vector<16xi32>
      %parallel_loop3A_936 = arith.constant 16 : i32
      %parallel_loop3A_937 = vector.broadcast %parallel_loop3A_936 : i32 to vector<16xi32>
      %parallel_loop3A_938 = arith.shli %parallel_loop3A_935, %parallel_loop3A_937 : vector<16xi32>
      %parallel_loop3A_939 = arith.constant 6.553600e+04 : f32
      %parallel_loop3A_940 = vector.broadcast %parallel_loop3A_939 : f32 to vector<16xf32>
      %parallel_loop3A_941 = arith.mulf %parallel_loop3A_906, %parallel_loop3A_940 : vector<16xf32>
      %parallel_loop3A_942 = arith.fptosi %parallel_loop3A_941 : vector<16xf32> to vector<16xi32>
      %parallel_loop3A_943 = arith.constant 65535 : i32
      %parallel_loop3A_944 = vector.broadcast %parallel_loop3A_943 : i32 to vector<16xi32>
      %parallel_loop3A_945 = arith.minsi %parallel_loop3A_942, %parallel_loop3A_944 : vector<16xi32>
      %parallel_loop3A_946 = arith.constant 6.553600e+04 : f32
      %parallel_loop3A_947 = vector.broadcast %parallel_loop3A_946 : f32 to vector<16xf32>
      %parallel_loop3A_948 = arith.mulf %parallel_loop3A_908, %parallel_loop3A_947 : vector<16xf32>
      %parallel_loop3A_949 = arith.fptosi %parallel_loop3A_948 : vector<16xf32> to vector<16xi32>
      %parallel_loop3A_950 = arith.constant 65535 : i32
      %parallel_loop3A_951 = vector.broadcast %parallel_loop3A_950 : i32 to vector<16xi32>
      %parallel_loop3A_952 = arith.minsi %parallel_loop3A_949, %parallel_loop3A_951 : vector<16xi32>
      %parallel_loop3A_953 = arith.constant 16 : i32
      %parallel_loop3A_954 = vector.broadcast %parallel_loop3A_953 : i32 to vector<16xi32>
      %parallel_loop3A_955 = arith.shli %parallel_loop3A_952, %parallel_loop3A_954 : vector<16xi32>
      %parallel_loop3A_956 = arith.ori %parallel_loop3A_945, %parallel_loop3A_955 : vector<16xi32>
      %parallel_loop3A_957 = math.absf %parallel_loop3A_864 : vector<16xf32>
      %parallel_loop3A_958 = math.absf %parallel_loop3A_868 : vector<16xf32>
      %parallel_loop3A_959 = arith.addf %parallel_loop3A_957, %parallel_loop3A_958 : vector<16xf32>
      %parallel_loop3A_960 = math.absf %parallel_loop3A_872 : vector<16xf32>
      %parallel_loop3A_961 = arith.addf %parallel_loop3A_959, %parallel_loop3A_960 : vector<16xf32>
      %parallel_loop3A_962 = arith.constant 0.000000e+00 : f32
      %parallel_loop3A_963 = vector.broadcast %parallel_loop3A_962 : f32 to vector<16xf32>
      %parallel_loop3A_964 = arith.cmpf oeq, %parallel_loop3A_961, %parallel_loop3A_963 : vector<16xf32>
      %parallel_loop3A_965 = arith.extui %parallel_loop3A_964 : vector<16xi1> to vector<16xi32>
      %parallel_loop3A_966 = arith.addi %parallel_loop3A_798, %parallel_loop3A_965 : vector<16xi32>
      %parallel_loop3A_967 = arith.constant 0 : i32
      %parallel_loop3A_968 = vector.broadcast %parallel_loop3A_967 : i32 to vector<16xi32>
      %parallel_loop3A_969 = arith.cmpi eq, %parallel_loop3A_914, %parallel_loop3A_968 : vector<16xi32>
      %parallel_loop3A_970 = arith.constant 0 : i32
      %parallel_loop3A_971 = vector.broadcast %parallel_loop3A_970 : i32 to vector<16xi32>
      %parallel_loop3A_972 = arith.subi %parallel_loop3A_928, %parallel_loop3A_971 : vector<16xi32>
      %parallel_loop3A_973 = arith.ori %parallel_loop3A_972, %parallel_loop3A_938 : vector<16xi32>
      %parallel_loop3A_974 = arith.index_cast %parallel_loop3A_350 : i32 to index
      %parallel_loop3A_975 = tpu.vector_load %arg6[%parallel_loop3A_974] masked %parallel_loop3A_969 {strides = array<i32>} : memref<16480xi32, #tpu.memory_space<vmem>>, vector<16xi32>, vector<16xi1>
      tpu.vector_store %arg6[%parallel_loop3A_974], %parallel_loop3A_973 masked %parallel_loop3A_969 {strides = array<i32>} : memref<16480xi32, #tpu.memory_space<vmem>>, vector<16xi32>, vector<16xi1>
      %parallel_loop3A_976 = arith.index_cast %parallel_loop3A_350 : i32 to index
      %parallel_loop3A_977 = tpu.vector_load %arg7[%parallel_loop3A_976] masked %parallel_loop3A_969 {strides = array<i32>} : memref<16480xi32, #tpu.memory_space<vmem>>, vector<16xi32>, vector<16xi1>
      tpu.vector_store %arg7[%parallel_loop3A_976], %parallel_loop3A_956 masked %parallel_loop3A_969 {strides = array<i32>} : memref<16480xi32, #tpu.memory_space<vmem>>, vector<16xi32>, vector<16xi1>
      %parallel_loop3A_978 = tpu.all_reduce %parallel_loop3A_969 {dim = 0 : i64, kind = #tpu.reduction_kind<sum>} : vector<16xi1> -> vector<16xi32>
      %parallel_loop3A_979 = vector.extract_strided_slice %parallel_loop3A_978 {offsets = [0], sizes = [1], strides = [1]} : vector<16xi32> to vector<1xi32>
      %parallel_loop3A_980 = vector.extract %parallel_loop3A_979[0] : i32 from vector<1xi32>
      %parallel_loop3A_981 = arith.addi %parallel_loop3A_350, %parallel_loop3A_980 : i32
      %parallel_loop3A_982 = arith.constant 1 : i32
      %parallel_loop3A_983 = vector.broadcast %parallel_loop3A_982 : i32 to vector<16xi32>
      %parallel_loop3A_984 = arith.cmpi eq, %parallel_loop3A_914, %parallel_loop3A_983 : vector<16xi32>
      %parallel_loop3A_985 = arith.constant 65536 : i32
      %parallel_loop3A_986 = vector.broadcast %parallel_loop3A_985 : i32 to vector<16xi32>
      %parallel_loop3A_987 = arith.subi %parallel_loop3A_928, %parallel_loop3A_986 : vector<16xi32>
      %parallel_loop3A_988 = arith.ori %parallel_loop3A_987, %parallel_loop3A_938 : vector<16xi32>
      %parallel_loop3A_989 = arith.index_cast %parallel_loop3A_351 : i32 to index
      %parallel_loop3A_990 = tpu.vector_load %arg6[%parallel_loop3A_989] masked %parallel_loop3A_984 {strides = array<i32>} : memref<16480xi32, #tpu.memory_space<vmem>>, vector<16xi32>, vector<16xi1>
      tpu.vector_store %arg6[%parallel_loop3A_989], %parallel_loop3A_988 masked %parallel_loop3A_984 {strides = array<i32>} : memref<16480xi32, #tpu.memory_space<vmem>>, vector<16xi32>, vector<16xi1>
      %parallel_loop3A_991 = arith.index_cast %parallel_loop3A_351 : i32 to index
      %parallel_loop3A_992 = tpu.vector_load %arg7[%parallel_loop3A_991] masked %parallel_loop3A_984 {strides = array<i32>} : memref<16480xi32, #tpu.memory_space<vmem>>, vector<16xi32>, vector<16xi1>
      tpu.vector_store %arg7[%parallel_loop3A_991], %parallel_loop3A_956 masked %parallel_loop3A_984 {strides = array<i32>} : memref<16480xi32, #tpu.memory_space<vmem>>, vector<16xi32>, vector<16xi1>
      %parallel_loop3A_993 = tpu.all_reduce %parallel_loop3A_984 {dim = 0 : i64, kind = #tpu.reduction_kind<sum>} : vector<16xi1> -> vector<16xi32>
      %parallel_loop3A_994 = vector.extract_strided_slice %parallel_loop3A_993 {offsets = [0], sizes = [1], strides = [1]} : vector<16xi32> to vector<1xi32>
      %parallel_loop3A_995 = vector.extract %parallel_loop3A_994[0] : i32 from vector<1xi32>
      %parallel_loop3A_996 = arith.addi %parallel_loop3A_351, %parallel_loop3A_995 : i32
      %parallel_loop3A_997 = arith.constant 2 : i32
      %parallel_loop3A_998 = vector.broadcast %parallel_loop3A_997 : i32 to vector<16xi32>
      %parallel_loop3A_999 = arith.cmpi eq, %parallel_loop3A_914, %parallel_loop3A_998 : vector<16xi32>
      %parallel_loop3A_1000 = arith.constant 131072 : i32
      %parallel_loop3A_1001 = vector.broadcast %parallel_loop3A_1000 : i32 to vector<16xi32>
      %parallel_loop3A_1002 = arith.subi %parallel_loop3A_928, %parallel_loop3A_1001 : vector<16xi32>
      %parallel_loop3A_1003 = arith.ori %parallel_loop3A_1002, %parallel_loop3A_938 : vector<16xi32>
      %parallel_loop3A_1004 = arith.index_cast %parallel_loop3A_352 : i32 to index
      %parallel_loop3A_1005 = tpu.vector_load %arg6[%parallel_loop3A_1004] masked %parallel_loop3A_999 {strides = array<i32>} : memref<16480xi32, #tpu.memory_space<vmem>>, vector<16xi32>, vector<16xi1>
      tpu.vector_store %arg6[%parallel_loop3A_1004], %parallel_loop3A_1003 masked %parallel_loop3A_999 {strides = array<i32>} : memref<16480xi32, #tpu.memory_space<vmem>>, vector<16xi32>, vector<16xi1>
      %parallel_loop3A_1006 = arith.index_cast %parallel_loop3A_352 : i32 to index
      %parallel_loop3A_1007 = tpu.vector_load %arg7[%parallel_loop3A_1006] masked %parallel_loop3A_999 {strides = array<i32>} : memref<16480xi32, #tpu.memory_space<vmem>>, vector<16xi32>, vector<16xi1>
      tpu.vector_store %arg7[%parallel_loop3A_1006], %parallel_loop3A_956 masked %parallel_loop3A_999 {strides = array<i32>} : memref<16480xi32, #tpu.memory_space<vmem>>, vector<16xi32>, vector<16xi1>
      %parallel_loop3A_1008 = tpu.all_reduce %parallel_loop3A_999 {dim = 0 : i64, kind = #tpu.reduction_kind<sum>} : vector<16xi1> -> vector<16xi32>
      %parallel_loop3A_1009 = vector.extract_strided_slice %parallel_loop3A_1008 {offsets = [0], sizes = [1], strides = [1]} : vector<16xi32> to vector<1xi32>
      %parallel_loop3A_1010 = vector.extract %parallel_loop3A_1009[0] : i32 from vector<1xi32>
      %parallel_loop3A_1011 = arith.addi %parallel_loop3A_352, %parallel_loop3A_1010 : i32
      %parallel_loop3A_1012 = arith.constant 3 : i32
      %parallel_loop3A_1013 = vector.broadcast %parallel_loop3A_1012 : i32 to vector<16xi32>
      %parallel_loop3A_1014 = arith.cmpi eq, %parallel_loop3A_914, %parallel_loop3A_1013 : vector<16xi32>
      %parallel_loop3A_1015 = arith.constant 196608 : i32
      %parallel_loop3A_1016 = vector.broadcast %parallel_loop3A_1015 : i32 to vector<16xi32>
      %parallel_loop3A_1017 = arith.subi %parallel_loop3A_928, %parallel_loop3A_1016 : vector<16xi32>
      %parallel_loop3A_1018 = arith.ori %parallel_loop3A_1017, %parallel_loop3A_938 : vector<16xi32>
      %parallel_loop3A_1019 = arith.index_cast %parallel_loop3A_353 : i32 to index
      %parallel_loop3A_1020 = tpu.vector_load %arg6[%parallel_loop3A_1019] masked %parallel_loop3A_1014 {strides = array<i32>} : memref<16480xi32, #tpu.memory_space<vmem>>, vector<16xi32>, vector<16xi1>
      tpu.vector_store %arg6[%parallel_loop3A_1019], %parallel_loop3A_1018 masked %parallel_loop3A_1014 {strides = array<i32>} : memref<16480xi32, #tpu.memory_space<vmem>>, vector<16xi32>, vector<16xi1>
      %parallel_loop3A_1021 = arith.index_cast %parallel_loop3A_353 : i32 to index
      %parallel_loop3A_1022 = tpu.vector_load %arg7[%parallel_loop3A_1021] masked %parallel_loop3A_1014 {strides = array<i32>} : memref<16480xi32, #tpu.memory_space<vmem>>, vector<16xi32>, vector<16xi1>
      tpu.vector_store %arg7[%parallel_loop3A_1021], %parallel_loop3A_956 masked %parallel_loop3A_1014 {strides = array<i32>} : memref<16480xi32, #tpu.memory_space<vmem>>, vector<16xi32>, vector<16xi1>
      %parallel_loop3A_1023 = tpu.all_reduce %parallel_loop3A_1014 {dim = 0 : i64, kind = #tpu.reduction_kind<sum>} : vector<16xi1> -> vector<16xi32>
      %parallel_loop3A_1024 = vector.extract_strided_slice %parallel_loop3A_1023 {offsets = [0], sizes = [1], strides = [1]} : vector<16xi32> to vector<1xi32>
      %parallel_loop3A_1025 = vector.extract %parallel_loop3A_1024[0] : i32 from vector<1xi32>
      %parallel_loop3A_1026 = arith.addi %parallel_loop3A_353, %parallel_loop3A_1025 : i32
      scf.yield %parallel_loop3A_477, %parallel_loop3A_492, %parallel_loop3A_507, %parallel_loop3A_522, %parallel_loop3A_645, %parallel_loop3A_660, %parallel_loop3A_675, %parallel_loop3A_690, %parallel_loop3A_813, %parallel_loop3A_828, %parallel_loop3A_843, %parallel_loop3A_858, %parallel_loop3A_981, %parallel_loop3A_996, %parallel_loop3A_1011, %parallel_loop3A_1026, %parallel_loop3A_966 : i32, i32, i32, i32, i32, i32, i32, i32, i32, i32, i32, i32, i32, i32, i32, i32, vector<16xi32>
    } {sc.loop_unroll_factor = 1 : i64, sc.parallel_access}
    %reduce_sum3A_207 = arith.constant true
    %reduce_sum3A_208 = vector.broadcast %reduce_sum3A_207 : i1 to vector<16xi1>
    %reduce_sum3A_209 = tpu.scan <sum>, %parallel_loop3A_206#16 masked %reduce_sum3A_208 : vector<16xi32>, vector<16xi1> -> vector<16xi32>
    %reduce_sum3A_210 = vector.extract %reduce_sum3A_209[15] : i32 from vector<16xi32>
    %convert_element_type3A = arith.sitofp %reduce_sum3A_210 : i32 to f32
    %parallel_loop3A_211 = arith.constant 0 : i32
    %parallel_loop3A_212 = arith.constant 4352 : i32
    %parallel_loop3A_213 = arith.constant 1 : i32
    scf.for %parallel_loop3A_337 = %parallel_loop3A_211 to %parallel_loop3A_212 step %parallel_loop3A_213  : i32 {
      %parallel_loop3A_338 = arith.constant 16 : i32
      %parallel_loop3A_339 = arith.muli %parallel_loop3A_337, %parallel_loop3A_338 : i32
      %parallel_loop3A_340 = arith.index_cast %parallel_loop3A_339 : i32 to index
      %parallel_loop3A_341 = tpu.vector_load %arg8[%parallel_loop3A_340] {strides = array<i32>} : memref<69632xf32, #tpu.memory_space<vmem>>, vector<16xf32>,
      tpu.vector_store %arg8[%parallel_loop3A_340], %broadcast_in_dim3A_1 {strides = array<i32>} : memref<69632xf32, #tpu.memory_space<vmem>>, vector<16xf32>,
    } {sc.loop_unroll_factor = 16 : i64, sc.parallel_access}
    %add3A_214 = arith.constant 31 : i32
    %add3A_215 = arith.addi %add3A_128, %add3A_214 : i32
    %shift_right_arithmetic3A = arith.constant 5 : i32
    %shift_right_arithmetic3A_216 = arith.shrsi %add3A_215, %shift_right_arithmetic3A : i32
    %sub3A = arith.constant 0 : i32
    %sub3A_217 = arith.subi %shift_right_arithmetic3A_216, %sub3A : i32
    %sub3A_218 = arith.constant 1 : i32
    %sub3A_219 = arith.constant 1 : i32
    %sub3A_220 = arith.subi %sub3A_218, %sub3A_219 : i32
    %add3A_221 = arith.addi %sub3A_217, %sub3A_220 : i32
    %div3A = arith.constant 1 : i32
    %div3A_222 = arith.divsi %add3A_221, %div3A : i32
    %while3A = arith.constant 1 : i32
    %while3A_223 = arith.constant 0 : i32
    %while3A_224 = arith.constant 0 : i32
    %while3A_225 = arith.constant 1.52587891E-5 : f32
    %while3A_226 = arith.constant 0 : i32
    %while3A_227 = arith.subi %div3A_222, %while3A_226 : i32
    %while3A_228 = arith.addi %while3A_226, %while3A_227 : i32
    %while3A_229 = arith.constant 1 : i32
    %while3A_230 = arith.divsi %while3A_227, %while3A_229 : i32
    %while3A_231 = arith.muli %while3A_230, %while3A_229 : i32
    %while3A_232 = arith.addi %while3A_226, %while3A_231 : i32
    %while3A_233 = arith.constant 1 : i32
    scf.for %while3A_337 = %while3A_226 to %while3A_232 step %while3A_233  : i32 {
      %mul3A_338 = arith.muli %while3A_337, %while3A : i32
      %add3A_339 = arith.addi %while3A_223, %mul3A_338 : i32
      %mul3A_340 = arith.constant 32 : i32
      %mul3A_341 = arith.muli %add3A_339, %mul3A_340 : i32
      %add3A_342 = arith.addi %while3A_224, %mul3A_341 : i32
      %add3A_343 = arith.constant 0 : i32
      %add3A_344 = arith.addi %add3A_342, %add3A_343 : i32
      %get3A_345 = arith.index_cast %add3A_344 : i32 to index
      %get3A_346 = tpu.vector_load %arg6[%get3A_345] {strides = array<i32>} : memref<16480xi32, #tpu.memory_space<vmem>>, vector<16xi32>,
      %get3A_347 = arith.index_cast %add3A_344 : i32 to index
      %get3A_348 = tpu.vector_load %arg7[%get3A_347] {strides = array<i32>} : memref<16480xi32, #tpu.memory_space<vmem>>, vector<16xi32>,
      %mul3A_349 = arith.constant 32 : i32
      %mul3A_350 = arith.muli %add3A_339, %mul3A_349 : i32
      %add3A_351 = arith.constant 0 : i32
      %add3A_352 = arith.addi %mul3A_350, %add3A_351 : i32
      %add3A_353 = vector.broadcast %add3A_352 : i32 to vector<16xi32>
      %add3A_354 = arith.addi %add3A_353, %iota3A : vector<16xi32>
      %lt3A = vector.broadcast %add3A_128 : i32 to vector<16xi32>
      %lt3A_355 = arith.cmpi slt, %add3A_354, %lt3A : vector<16xi32>
      %and3A_356 = arith.constant 65535 : i32
      %and3A_357 = vector.broadcast %and3A_356 : i32 to vector<16xi32>
      %and3A_358 = arith.andi %get3A_346, %and3A_357 : vector<16xi32>
      %shift_right_logical3A = arith.constant 16 : i32
      %shift_right_logical3A_359 = vector.broadcast %shift_right_logical3A : i32 to vector<16xi32>
      %shift_right_logical3A_360 = arith.shrui %get3A_346, %shift_right_logical3A_359 : vector<16xi32>
      %convert_element_type3A_361 = arith.sitofp %shift_right_logical3A_360 : vector<16xi32> to vector<16xf32>
      %mul3A_362 = vector.broadcast %while3A_225 : f32 to vector<16xf32>
      %mul3A_363 = arith.mulf %convert_element_type3A_361, %mul3A_362 : vector<16xf32>
      %and3A_364 = arith.constant 65535 : i32
      %and3A_365 = vector.broadcast %and3A_364 : i32 to vector<16xi32>
      %and3A_366 = arith.andi %get3A_348, %and3A_365 : vector<16xi32>
      %convert_element_type3A_367 = arith.sitofp %and3A_366 : vector<16xi32> to vector<16xf32>
      %mul3A_368 = vector.broadcast %while3A_225 : f32 to vector<16xf32>
      %mul3A_369 = arith.mulf %convert_element_type3A_367, %mul3A_368 : vector<16xf32>
      %shift_right_logical3A_370 = arith.constant 16 : i32
      %shift_right_logical3A_371 = vector.broadcast %shift_right_logical3A_370 : i32 to vector<16xi32>
      %shift_right_logical3A_372 = arith.shrui %get3A_348, %shift_right_logical3A_371 : vector<16xi32>
      %convert_element_type3A_373 = arith.sitofp %shift_right_logical3A_372 : vector<16xi32> to vector<16xf32>
      %mul3A_374 = vector.broadcast %while3A_225 : f32 to vector<16xf32>
      %mul3A_375 = arith.mulf %convert_element_type3A_373, %mul3A_374 : vector<16xf32>
      %sub3A_376 = arith.constant 1.000000e+00 : f32
      %sub3A_377 = vector.broadcast %sub3A_376 : f32 to vector<16xf32>
      %sub3A_378 = arith.subf %sub3A_377, %mul3A_363 : vector<16xf32>
      %sub3A_379 = arith.constant 1.000000e+00 : f32
      %sub3A_380 = vector.broadcast %sub3A_379 : f32 to vector<16xf32>
      %sub3A_381 = arith.subf %sub3A_380, %mul3A_369 : vector<16xf32>
      %sub3A_382 = arith.constant 1.000000e+00 : f32
      %sub3A_383 = vector.broadcast %sub3A_382 : f32 to vector<16xf32>
      %sub3A_384 = arith.subf %sub3A_383, %mul3A_375 : vector<16xf32>
      %mul3A_385 = arith.mulf %sub3A_378, %sub3A_381 : vector<16xf32>
      %mul3A_386 = arith.mulf %sub3A_378, %mul3A_369 : vector<16xf32>
      %mul3A_387 = arith.mulf %mul3A_363, %sub3A_381 : vector<16xf32>
      %mul3A_388 = arith.mulf %mul3A_363, %mul3A_369 : vector<16xf32>
      %add3A_389 = arith.constant 0 : i32
      %add3A_390 = vector.broadcast %add3A_389 : i32 to vector<16xi32>
      %add3A_391 = arith.addi %and3A_358, %add3A_390 : vector<16xi32>
      %mul3A_392 = arith.mulf %mul3A_385, %sub3A_384 : vector<16xf32>
      tpu.vector_store_idx %arg8[%add3A_391], %mul3A_392 masked %lt3A_355 {add = true} : memref<69632xf32, #tpu.memory_space<vmem>>[vector<16xi32>], vector<16xf32>, vector<16xi1>
      %add3A_393 = arith.constant 1 : i32
      %add3A_394 = vector.broadcast %add3A_393 : i32 to vector<16xi32>
      %add3A_395 = arith.addi %and3A_358, %add3A_394 : vector<16xi32>
      %mul3A_396 = arith.mulf %mul3A_385, %mul3A_375 : vector<16xf32>
      tpu.vector_store_idx %arg8[%add3A_395], %mul3A_396 masked %lt3A_355 {add = true} : memref<69632xf32, #tpu.memory_space<vmem>>[vector<16xi32>], vector<16xf32>, vector<16xi1>
      %add3A_397 = arith.constant 64 : i32
      %add3A_398 = vector.broadcast %add3A_397 : i32 to vector<16xi32>
      %add3A_399 = arith.addi %and3A_358, %add3A_398 : vector<16xi32>
      %mul3A_400 = arith.mulf %mul3A_386, %sub3A_384 : vector<16xf32>
      tpu.vector_store_idx %arg8[%add3A_399], %mul3A_400 masked %lt3A_355 {add = true} : memref<69632xf32, #tpu.memory_space<vmem>>[vector<16xi32>], vector<16xf32>, vector<16xi1>
      %add3A_401 = arith.constant 65 : i32
      %add3A_402 = vector.broadcast %add3A_401 : i32 to vector<16xi32>
      %add3A_403 = arith.addi %and3A_358, %add3A_402 : vector<16xi32>
      %mul3A_404 = arith.mulf %mul3A_386, %mul3A_375 : vector<16xf32>
      tpu.vector_store_idx %arg8[%add3A_403], %mul3A_404 masked %lt3A_355 {add = true} : memref<69632xf32, #tpu.memory_space<vmem>>[vector<16xi32>], vector<16xf32>, vector<16xi1>
      %add3A_405 = arith.constant 4096 : i32
      %add3A_406 = vector.broadcast %add3A_405 : i32 to vector<16xi32>
      %add3A_407 = arith.addi %and3A_358, %add3A_406 : vector<16xi32>
      %mul3A_408 = arith.mulf %mul3A_387, %sub3A_384 : vector<16xf32>
      tpu.vector_store_idx %arg8[%add3A_407], %mul3A_408 masked %lt3A_355 {add = true} : memref<69632xf32, #tpu.memory_space<vmem>>[vector<16xi32>], vector<16xf32>, vector<16xi1>
      %add3A_409 = arith.constant 4097 : i32
      %add3A_410 = vector.broadcast %add3A_409 : i32 to vector<16xi32>
      %add3A_411 = arith.addi %and3A_358, %add3A_410 : vector<16xi32>
      %mul3A_412 = arith.mulf %mul3A_387, %mul3A_375 : vector<16xf32>
      tpu.vector_store_idx %arg8[%add3A_411], %mul3A_412 masked %lt3A_355 {add = true} : memref<69632xf32, #tpu.memory_space<vmem>>[vector<16xi32>], vector<16xf32>, vector<16xi1>
      %add3A_413 = arith.constant 4160 : i32
      %add3A_414 = vector.broadcast %add3A_413 : i32 to vector<16xi32>
      %add3A_415 = arith.addi %and3A_358, %add3A_414 : vector<16xi32>
      %mul3A_416 = arith.mulf %mul3A_388, %sub3A_384 : vector<16xf32>
      tpu.vector_store_idx %arg8[%add3A_415], %mul3A_416 masked %lt3A_355 {add = true} : memref<69632xf32, #tpu.memory_space<vmem>>[vector<16xi32>], vector<16xf32>, vector<16xi1>
      %add3A_417 = arith.constant 4161 : i32
      %add3A_418 = vector.broadcast %add3A_417 : i32 to vector<16xi32>
      %add3A_419 = arith.addi %and3A_358, %add3A_418 : vector<16xi32>
      %mul3A_420 = arith.mulf %mul3A_388, %mul3A_375 : vector<16xf32>
      tpu.vector_store_idx %arg8[%add3A_419], %mul3A_420 masked %lt3A_355 {add = true} : memref<69632xf32, #tpu.memory_space<vmem>>[vector<16xi32>], vector<16xf32>, vector<16xi1>
      %mul3A_421 = arith.constant 32 : i32
      %mul3A_422 = arith.muli %add3A_339, %mul3A_421 : i32
      %add3A_423 = arith.addi %while3A_224, %mul3A_422 : i32
      %add3A_424 = arith.constant 16 : i32
      %add3A_425 = arith.addi %add3A_423, %add3A_424 : i32
      %get3A_426 = arith.index_cast %add3A_425 : i32 to index
      %get3A_427 = tpu.vector_load %arg6[%get3A_426] {strides = array<i32>} : memref<16480xi32, #tpu.memory_space<vmem>>, vector<16xi32>,
      %get3A_428 = arith.index_cast %add3A_425 : i32 to index
      %get3A_429 = tpu.vector_load %arg7[%get3A_428] {strides = array<i32>} : memref<16480xi32, #tpu.memory_space<vmem>>, vector<16xi32>,
      %mul3A_430 = arith.constant 32 : i32
      %mul3A_431 = arith.muli %add3A_339, %mul3A_430 : i32
      %add3A_432 = arith.constant 16 : i32
      %add3A_433 = arith.addi %mul3A_431, %add3A_432 : i32
      %add3A_434 = vector.broadcast %add3A_433 : i32 to vector<16xi32>
      %add3A_435 = arith.addi %add3A_434, %iota3A : vector<16xi32>
      %lt3A_436 = vector.broadcast %add3A_128 : i32 to vector<16xi32>
      %lt3A_437 = arith.cmpi slt, %add3A_435, %lt3A_436 : vector<16xi32>
      %and3A_438 = arith.constant 65535 : i32
      %and3A_439 = vector.broadcast %and3A_438 : i32 to vector<16xi32>
      %and3A_440 = arith.andi %get3A_427, %and3A_439 : vector<16xi32>
      %shift_right_logical3A_441 = arith.constant 16 : i32
      %shift_right_logical3A_442 = vector.broadcast %shift_right_logical3A_441 : i32 to vector<16xi32>
      %shift_right_logical3A_443 = arith.shrui %get3A_427, %shift_right_logical3A_442 : vector<16xi32>
      %convert_element_type3A_444 = arith.sitofp %shift_right_logical3A_443 : vector<16xi32> to vector<16xf32>
      %mul3A_445 = vector.broadcast %while3A_225 : f32 to vector<16xf32>
      %mul3A_446 = arith.mulf %convert_element_type3A_444, %mul3A_445 : vector<16xf32>
      %and3A_447 = arith.constant 65535 : i32
      %and3A_448 = vector.broadcast %and3A_447 : i32 to vector<16xi32>
      %and3A_449 = arith.andi %get3A_429, %and3A_448 : vector<16xi32>
      %convert_element_type3A_450 = arith.sitofp %and3A_449 : vector<16xi32> to vector<16xf32>
      %mul3A_451 = vector.broadcast %while3A_225 : f32 to vector<16xf32>
      %mul3A_452 = arith.mulf %convert_element_type3A_450, %mul3A_451 : vector<16xf32>
      %shift_right_logical3A_453 = arith.constant 16 : i32
      %shift_right_logical3A_454 = vector.broadcast %shift_right_logical3A_453 : i32 to vector<16xi32>
      %shift_right_logical3A_455 = arith.shrui %get3A_429, %shift_right_logical3A_454 : vector<16xi32>
      %convert_element_type3A_456 = arith.sitofp %shift_right_logical3A_455 : vector<16xi32> to vector<16xf32>
      %mul3A_457 = vector.broadcast %while3A_225 : f32 to vector<16xf32>
      %mul3A_458 = arith.mulf %convert_element_type3A_456, %mul3A_457 : vector<16xf32>
      %sub3A_459 = arith.constant 1.000000e+00 : f32
      %sub3A_460 = vector.broadcast %sub3A_459 : f32 to vector<16xf32>
      %sub3A_461 = arith.subf %sub3A_460, %mul3A_446 : vector<16xf32>
      %sub3A_462 = arith.constant 1.000000e+00 : f32
      %sub3A_463 = vector.broadcast %sub3A_462 : f32 to vector<16xf32>
      %sub3A_464 = arith.subf %sub3A_463, %mul3A_452 : vector<16xf32>
      %sub3A_465 = arith.constant 1.000000e+00 : f32
      %sub3A_466 = vector.broadcast %sub3A_465 : f32 to vector<16xf32>
      %sub3A_467 = arith.subf %sub3A_466, %mul3A_458 : vector<16xf32>
      %mul3A_468 = arith.mulf %sub3A_461, %sub3A_464 : vector<16xf32>
      %mul3A_469 = arith.mulf %sub3A_461, %mul3A_452 : vector<16xf32>
      %mul3A_470 = arith.mulf %mul3A_446, %sub3A_464 : vector<16xf32>
      %mul3A_471 = arith.mulf %mul3A_446, %mul3A_452 : vector<16xf32>
      %add3A_472 = arith.constant 0 : i32
      %add3A_473 = vector.broadcast %add3A_472 : i32 to vector<16xi32>
      %add3A_474 = arith.addi %and3A_440, %add3A_473 : vector<16xi32>
      %mul3A_475 = arith.mulf %mul3A_468, %sub3A_467 : vector<16xf32>
      tpu.vector_store_idx %arg8[%add3A_474], %mul3A_475 masked %lt3A_437 {add = true} : memref<69632xf32, #tpu.memory_space<vmem>>[vector<16xi32>], vector<16xf32>, vector<16xi1>
      %add3A_476 = arith.constant 1 : i32
      %add3A_477 = vector.broadcast %add3A_476 : i32 to vector<16xi32>
      %add3A_478 = arith.addi %and3A_440, %add3A_477 : vector<16xi32>
      %mul3A_479 = arith.mulf %mul3A_468, %mul3A_458 : vector<16xf32>
      tpu.vector_store_idx %arg8[%add3A_478], %mul3A_479 masked %lt3A_437 {add = true} : memref<69632xf32, #tpu.memory_space<vmem>>[vector<16xi32>], vector<16xf32>, vector<16xi1>
      %add3A_480 = arith.constant 64 : i32
      %add3A_481 = vector.broadcast %add3A_480 : i32 to vector<16xi32>
      %add3A_482 = arith.addi %and3A_440, %add3A_481 : vector<16xi32>
      %mul3A_483 = arith.mulf %mul3A_469, %sub3A_467 : vector<16xf32>
      tpu.vector_store_idx %arg8[%add3A_482], %mul3A_483 masked %lt3A_437 {add = true} : memref<69632xf32, #tpu.memory_space<vmem>>[vector<16xi32>], vector<16xf32>, vector<16xi1>
      %add3A_484 = arith.constant 65 : i32
      %add3A_485 = vector.broadcast %add3A_484 : i32 to vector<16xi32>
      %add3A_486 = arith.addi %and3A_440, %add3A_485 : vector<16xi32>
      %mul3A_487 = arith.mulf %mul3A_469, %mul3A_458 : vector<16xf32>
      tpu.vector_store_idx %arg8[%add3A_486], %mul3A_487 masked %lt3A_437 {add = true} : memref<69632xf32, #tpu.memory_space<vmem>>[vector<16xi32>], vector<16xf32>, vector<16xi1>
      %add3A_488 = arith.constant 4096 : i32
      %add3A_489 = vector.broadcast %add3A_488 : i32 to vector<16xi32>
      %add3A_490 = arith.addi %and3A_440, %add3A_489 : vector<16xi32>
      %mul3A_491 = arith.mulf %mul3A_470, %sub3A_467 : vector<16xf32>
      tpu.vector_store_idx %arg8[%add3A_490], %mul3A_491 masked %lt3A_437 {add = true} : memref<69632xf32, #tpu.memory_space<vmem>>[vector<16xi32>], vector<16xf32>, vector<16xi1>
      %add3A_492 = arith.constant 4097 : i32
      %add3A_493 = vector.broadcast %add3A_492 : i32 to vector<16xi32>
      %add3A_494 = arith.addi %and3A_440, %add3A_493 : vector<16xi32>
      %mul3A_495 = arith.mulf %mul3A_470, %mul3A_458 : vector<16xf32>
      tpu.vector_store_idx %arg8[%add3A_494], %mul3A_495 masked %lt3A_437 {add = true} : memref<69632xf32, #tpu.memory_space<vmem>>[vector<16xi32>], vector<16xf32>, vector<16xi1>
      %add3A_496 = arith.constant 4160 : i32
      %add3A_497 = vector.broadcast %add3A_496 : i32 to vector<16xi32>
      %add3A_498 = arith.addi %and3A_440, %add3A_497 : vector<16xi32>
      %mul3A_499 = arith.mulf %mul3A_471, %sub3A_467 : vector<16xf32>
      tpu.vector_store_idx %arg8[%add3A_498], %mul3A_499 masked %lt3A_437 {add = true} : memref<69632xf32, #tpu.memory_space<vmem>>[vector<16xi32>], vector<16xf32>, vector<16xi1>
      %add3A_500 = arith.constant 4161 : i32
      %add3A_501 = vector.broadcast %add3A_500 : i32 to vector<16xi32>
      %add3A_502 = arith.addi %and3A_440, %add3A_501 : vector<16xi32>
      %mul3A_503 = arith.mulf %mul3A_471, %mul3A_458 : vector<16xf32>
      tpu.vector_store_idx %arg8[%add3A_502], %mul3A_503 masked %lt3A_437 {add = true} : memref<69632xf32, #tpu.memory_space<vmem>>[vector<16xi32>], vector<16xf32>, vector<16xi1>
    }
    %while3A_234 = arith.constant 1 : i32
    scf.for %while3A_337 = %while3A_232 to %while3A_228 step %while3A_234  : i32 {
      %mul3A_338 = arith.muli %while3A_337, %while3A : i32
      %add3A_339 = arith.addi %while3A_223, %mul3A_338 : i32
      %mul3A_340 = arith.constant 32 : i32
      %mul3A_341 = arith.muli %add3A_339, %mul3A_340 : i32
      %add3A_342 = arith.addi %while3A_224, %mul3A_341 : i32
      %add3A_343 = arith.constant 0 : i32
      %add3A_344 = arith.addi %add3A_342, %add3A_343 : i32
      %get3A_345 = arith.index_cast %add3A_344 : i32 to index
      %get3A_346 = tpu.vector_load %arg6[%get3A_345] {strides = array<i32>} : memref<16480xi32, #tpu.memory_space<vmem>>, vector<16xi32>,
      %get3A_347 = arith.index_cast %add3A_344 : i32 to index
      %get3A_348 = tpu.vector_load %arg7[%get3A_347] {strides = array<i32>} : memref<16480xi32, #tpu.memory_space<vmem>>, vector<16xi32>,
      %mul3A_349 = arith.constant 32 : i32
      %mul3A_350 = arith.muli %add3A_339, %mul3A_349 : i32
      %add3A_351 = arith.constant 0 : i32
      %add3A_352 = arith.addi %mul3A_350, %add3A_351 : i32
      %add3A_353 = vector.broadcast %add3A_352 : i32 to vector<16xi32>
      %add3A_354 = arith.addi %add3A_353, %iota3A : vector<16xi32>
      %lt3A = vector.broadcast %add3A_128 : i32 to vector<16xi32>
      %lt3A_355 = arith.cmpi slt, %add3A_354, %lt3A : vector<16xi32>
      %and3A_356 = arith.constant 65535 : i32
      %and3A_357 = vector.broadcast %and3A_356 : i32 to vector<16xi32>
      %and3A_358 = arith.andi %get3A_346, %and3A_357 : vector<16xi32>
      %shift_right_logical3A = arith.constant 16 : i32
      %shift_right_logical3A_359 = vector.broadcast %shift_right_logical3A : i32 to vector<16xi32>
      %shift_right_logical3A_360 = arith.shrui %get3A_346, %shift_right_logical3A_359 : vector<16xi32>
      %convert_element_type3A_361 = arith.sitofp %shift_right_logical3A_360 : vector<16xi32> to vector<16xf32>
      %mul3A_362 = vector.broadcast %while3A_225 : f32 to vector<16xf32>
      %mul3A_363 = arith.mulf %convert_element_type3A_361, %mul3A_362 : vector<16xf32>
      %and3A_364 = arith.constant 65535 : i32
      %and3A_365 = vector.broadcast %and3A_364 : i32 to vector<16xi32>
      %and3A_366 = arith.andi %get3A_348, %and3A_365 : vector<16xi32>
      %convert_element_type3A_367 = arith.sitofp %and3A_366 : vector<16xi32> to vector<16xf32>
      %mul3A_368 = vector.broadcast %while3A_225 : f32 to vector<16xf32>
      %mul3A_369 = arith.mulf %convert_element_type3A_367, %mul3A_368 : vector<16xf32>
      %shift_right_logical3A_370 = arith.constant 16 : i32
      %shift_right_logical3A_371 = vector.broadcast %shift_right_logical3A_370 : i32 to vector<16xi32>
      %shift_right_logical3A_372 = arith.shrui %get3A_348, %shift_right_logical3A_371 : vector<16xi32>
      %convert_element_type3A_373 = arith.sitofp %shift_right_logical3A_372 : vector<16xi32> to vector<16xf32>
      %mul3A_374 = vector.broadcast %while3A_225 : f32 to vector<16xf32>
      %mul3A_375 = arith.mulf %convert_element_type3A_373, %mul3A_374 : vector<16xf32>
      %sub3A_376 = arith.constant 1.000000e+00 : f32
      %sub3A_377 = vector.broadcast %sub3A_376 : f32 to vector<16xf32>
      %sub3A_378 = arith.subf %sub3A_377, %mul3A_363 : vector<16xf32>
      %sub3A_379 = arith.constant 1.000000e+00 : f32
      %sub3A_380 = vector.broadcast %sub3A_379 : f32 to vector<16xf32>
      %sub3A_381 = arith.subf %sub3A_380, %mul3A_369 : vector<16xf32>
      %sub3A_382 = arith.constant 1.000000e+00 : f32
      %sub3A_383 = vector.broadcast %sub3A_382 : f32 to vector<16xf32>
      %sub3A_384 = arith.subf %sub3A_383, %mul3A_375 : vector<16xf32>
      %mul3A_385 = arith.mulf %sub3A_378, %sub3A_381 : vector<16xf32>
      %mul3A_386 = arith.mulf %sub3A_378, %mul3A_369 : vector<16xf32>
      %mul3A_387 = arith.mulf %mul3A_363, %sub3A_381 : vector<16xf32>
      %mul3A_388 = arith.mulf %mul3A_363, %mul3A_369 : vector<16xf32>
      %add3A_389 = arith.constant 0 : i32
      %add3A_390 = vector.broadcast %add3A_389 : i32 to vector<16xi32>
      %add3A_391 = arith.addi %and3A_358, %add3A_390 : vector<16xi32>
      %mul3A_392 = arith.mulf %mul3A_385, %sub3A_384 : vector<16xf32>
      tpu.vector_store_idx %arg8[%add3A_391], %mul3A_392 masked %lt3A_355 {add = true} : memref<69632xf32, #tpu.memory_space<vmem>>[vector<16xi32>], vector<16xf32>, vector<16xi1>
      %add3A_393 = arith.constant 1 : i32
      %add3A_394 = vector.broadcast %add3A_393 : i32 to vector<16xi32>
      %add3A_395 = arith.addi %and3A_358, %add3A_394 : vector<16xi32>
      %mul3A_396 = arith.mulf %mul3A_385, %mul3A_375 : vector<16xf32>
      tpu.vector_store_idx %arg8[%add3A_395], %mul3A_396 masked %lt3A_355 {add = true} : memref<69632xf32, #tpu.memory_space<vmem>>[vector<16xi32>], vector<16xf32>, vector<16xi1>
      %add3A_397 = arith.constant 64 : i32
      %add3A_398 = vector.broadcast %add3A_397 : i32 to vector<16xi32>
      %add3A_399 = arith.addi %and3A_358, %add3A_398 : vector<16xi32>
      %mul3A_400 = arith.mulf %mul3A_386, %sub3A_384 : vector<16xf32>
      tpu.vector_store_idx %arg8[%add3A_399], %mul3A_400 masked %lt3A_355 {add = true} : memref<69632xf32, #tpu.memory_space<vmem>>[vector<16xi32>], vector<16xf32>, vector<16xi1>
      %add3A_401 = arith.constant 65 : i32
      %add3A_402 = vector.broadcast %add3A_401 : i32 to vector<16xi32>
      %add3A_403 = arith.addi %and3A_358, %add3A_402 : vector<16xi32>
      %mul3A_404 = arith.mulf %mul3A_386, %mul3A_375 : vector<16xf32>
      tpu.vector_store_idx %arg8[%add3A_403], %mul3A_404 masked %lt3A_355 {add = true} : memref<69632xf32, #tpu.memory_space<vmem>>[vector<16xi32>], vector<16xf32>, vector<16xi1>
      %add3A_405 = arith.constant 4096 : i32
      %add3A_406 = vector.broadcast %add3A_405 : i32 to vector<16xi32>
      %add3A_407 = arith.addi %and3A_358, %add3A_406 : vector<16xi32>
      %mul3A_408 = arith.mulf %mul3A_387, %sub3A_384 : vector<16xf32>
      tpu.vector_store_idx %arg8[%add3A_407], %mul3A_408 masked %lt3A_355 {add = true} : memref<69632xf32, #tpu.memory_space<vmem>>[vector<16xi32>], vector<16xf32>, vector<16xi1>
      %add3A_409 = arith.constant 4097 : i32
      %add3A_410 = vector.broadcast %add3A_409 : i32 to vector<16xi32>
      %add3A_411 = arith.addi %and3A_358, %add3A_410 : vector<16xi32>
      %mul3A_412 = arith.mulf %mul3A_387, %mul3A_375 : vector<16xf32>
      tpu.vector_store_idx %arg8[%add3A_411], %mul3A_412 masked %lt3A_355 {add = true} : memref<69632xf32, #tpu.memory_space<vmem>>[vector<16xi32>], vector<16xf32>, vector<16xi1>
      %add3A_413 = arith.constant 4160 : i32
      %add3A_414 = vector.broadcast %add3A_413 : i32 to vector<16xi32>
      %add3A_415 = arith.addi %and3A_358, %add3A_414 : vector<16xi32>
      %mul3A_416 = arith.mulf %mul3A_388, %sub3A_384 : vector<16xf32>
      tpu.vector_store_idx %arg8[%add3A_415], %mul3A_416 masked %lt3A_355 {add = true} : memref<69632xf32, #tpu.memory_space<vmem>>[vector<16xi32>], vector<16xf32>, vector<16xi1>
      %add3A_417 = arith.constant 4161 : i32
      %add3A_418 = vector.broadcast %add3A_417 : i32 to vector<16xi32>
      %add3A_419 = arith.addi %and3A_358, %add3A_418 : vector<16xi32>
      %mul3A_420 = arith.mulf %mul3A_388, %mul3A_375 : vector<16xf32>
      tpu.vector_store_idx %arg8[%add3A_419], %mul3A_420 masked %lt3A_355 {add = true} : memref<69632xf32, #tpu.memory_space<vmem>>[vector<16xi32>], vector<16xf32>, vector<16xi1>
      %mul3A_421 = arith.constant 32 : i32
      %mul3A_422 = arith.muli %add3A_339, %mul3A_421 : i32
      %add3A_423 = arith.addi %while3A_224, %mul3A_422 : i32
      %add3A_424 = arith.constant 16 : i32
      %add3A_425 = arith.addi %add3A_423, %add3A_424 : i32
      %get3A_426 = arith.index_cast %add3A_425 : i32 to index
      %get3A_427 = tpu.vector_load %arg6[%get3A_426] {strides = array<i32>} : memref<16480xi32, #tpu.memory_space<vmem>>, vector<16xi32>,
      %get3A_428 = arith.index_cast %add3A_425 : i32 to index
      %get3A_429 = tpu.vector_load %arg7[%get3A_428] {strides = array<i32>} : memref<16480xi32, #tpu.memory_space<vmem>>, vector<16xi32>,
      %mul3A_430 = arith.constant 32 : i32
      %mul3A_431 = arith.muli %add3A_339, %mul3A_430 : i32
      %add3A_432 = arith.constant 16 : i32
      %add3A_433 = arith.addi %mul3A_431, %add3A_432 : i32
      %add3A_434 = vector.broadcast %add3A_433 : i32 to vector<16xi32>
      %add3A_435 = arith.addi %add3A_434, %iota3A : vector<16xi32>
      %lt3A_436 = vector.broadcast %add3A_128 : i32 to vector<16xi32>
      %lt3A_437 = arith.cmpi slt, %add3A_435, %lt3A_436 : vector<16xi32>
      %and3A_438 = arith.constant 65535 : i32
      %and3A_439 = vector.broadcast %and3A_438 : i32 to vector<16xi32>
      %and3A_440 = arith.andi %get3A_427, %and3A_439 : vector<16xi32>
      %shift_right_logical3A_441 = arith.constant 16 : i32
      %shift_right_logical3A_442 = vector.broadcast %shift_right_logical3A_441 : i32 to vector<16xi32>
      %shift_right_logical3A_443 = arith.shrui %get3A_427, %shift_right_logical3A_442 : vector<16xi32>
      %convert_element_type3A_444 = arith.sitofp %shift_right_logical3A_443 : vector<16xi32> to vector<16xf32>
      %mul3A_445 = vector.broadcast %while3A_225 : f32 to vector<16xf32>
      %mul3A_446 = arith.mulf %convert_element_type3A_444, %mul3A_445 : vector<16xf32>
      %and3A_447 = arith.constant 65535 : i32
      %and3A_448 = vector.broadcast %and3A_447 : i32 to vector<16xi32>
      %and3A_449 = arith.andi %get3A_429, %and3A_448 : vector<16xi32>
      %convert_element_type3A_450 = arith.sitofp %and3A_449 : vector<16xi32> to vector<16xf32>
      %mul3A_451 = vector.broadcast %while3A_225 : f32 to vector<16xf32>
      %mul3A_452 = arith.mulf %convert_element_type3A_450, %mul3A_451 : vector<16xf32>
      %shift_right_logical3A_453 = arith.constant 16 : i32
      %shift_right_logical3A_454 = vector.broadcast %shift_right_logical3A_453 : i32 to vector<16xi32>
      %shift_right_logical3A_455 = arith.shrui %get3A_429, %shift_right_logical3A_454 : vector<16xi32>
      %convert_element_type3A_456 = arith.sitofp %shift_right_logical3A_455 : vector<16xi32> to vector<16xf32>
      %mul3A_457 = vector.broadcast %while3A_225 : f32 to vector<16xf32>
      %mul3A_458 = arith.mulf %convert_element_type3A_456, %mul3A_457 : vector<16xf32>
      %sub3A_459 = arith.constant 1.000000e+00 : f32
      %sub3A_460 = vector.broadcast %sub3A_459 : f32 to vector<16xf32>
      %sub3A_461 = arith.subf %sub3A_460, %mul3A_446 : vector<16xf32>
      %sub3A_462 = arith.constant 1.000000e+00 : f32
      %sub3A_463 = vector.broadcast %sub3A_462 : f32 to vector<16xf32>
      %sub3A_464 = arith.subf %sub3A_463, %mul3A_452 : vector<16xf32>
      %sub3A_465 = arith.constant 1.000000e+00 : f32
      %sub3A_466 = vector.broadcast %sub3A_465 : f32 to vector<16xf32>
      %sub3A_467 = arith.subf %sub3A_466, %mul3A_458 : vector<16xf32>
      %mul3A_468 = arith.mulf %sub3A_461, %sub3A_464 : vector<16xf32>
      %mul3A_469 = arith.mulf %sub3A_461, %mul3A_452 : vector<16xf32>
      %mul3A_470 = arith.mulf %mul3A_446, %sub3A_464 : vector<16xf32>
      %mul3A_471 = arith.mulf %mul3A_446, %mul3A_452 : vector<16xf32>
      %add3A_472 = arith.constant 0 : i32
      %add3A_473 = vector.broadcast %add3A_472 : i32 to vector<16xi32>
      %add3A_474 = arith.addi %and3A_440, %add3A_473 : vector<16xi32>
      %mul3A_475 = arith.mulf %mul3A_468, %sub3A_467 : vector<16xf32>
      tpu.vector_store_idx %arg8[%add3A_474], %mul3A_475 masked %lt3A_437 {add = true} : memref<69632xf32, #tpu.memory_space<vmem>>[vector<16xi32>], vector<16xf32>, vector<16xi1>
      %add3A_476 = arith.constant 1 : i32
      %add3A_477 = vector.broadcast %add3A_476 : i32 to vector<16xi32>
      %add3A_478 = arith.addi %and3A_440, %add3A_477 : vector<16xi32>
      %mul3A_479 = arith.mulf %mul3A_468, %mul3A_458 : vector<16xf32>
      tpu.vector_store_idx %arg8[%add3A_478], %mul3A_479 masked %lt3A_437 {add = true} : memref<69632xf32, #tpu.memory_space<vmem>>[vector<16xi32>], vector<16xf32>, vector<16xi1>
      %add3A_480 = arith.constant 64 : i32
      %add3A_481 = vector.broadcast %add3A_480 : i32 to vector<16xi32>
      %add3A_482 = arith.addi %and3A_440, %add3A_481 : vector<16xi32>
      %mul3A_483 = arith.mulf %mul3A_469, %sub3A_467 : vector<16xf32>
      tpu.vector_store_idx %arg8[%add3A_482], %mul3A_483 masked %lt3A_437 {add = true} : memref<69632xf32, #tpu.memory_space<vmem>>[vector<16xi32>], vector<16xf32>, vector<16xi1>
      %add3A_484 = arith.constant 65 : i32
      %add3A_485 = vector.broadcast %add3A_484 : i32 to vector<16xi32>
      %add3A_486 = arith.addi %and3A_440, %add3A_485 : vector<16xi32>
      %mul3A_487 = arith.mulf %mul3A_469, %mul3A_458 : vector<16xf32>
      tpu.vector_store_idx %arg8[%add3A_486], %mul3A_487 masked %lt3A_437 {add = true} : memref<69632xf32, #tpu.memory_space<vmem>>[vector<16xi32>], vector<16xf32>, vector<16xi1>
      %add3A_488 = arith.constant 4096 : i32
      %add3A_489 = vector.broadcast %add3A_488 : i32 to vector<16xi32>
      %add3A_490 = arith.addi %and3A_440, %add3A_489 : vector<16xi32>
      %mul3A_491 = arith.mulf %mul3A_470, %sub3A_467 : vector<16xf32>
      tpu.vector_store_idx %arg8[%add3A_490], %mul3A_491 masked %lt3A_437 {add = true} : memref<69632xf32, #tpu.memory_space<vmem>>[vector<16xi32>], vector<16xf32>, vector<16xi1>
      %add3A_492 = arith.constant 4097 : i32
      %add3A_493 = vector.broadcast %add3A_492 : i32 to vector<16xi32>
      %add3A_494 = arith.addi %and3A_440, %add3A_493 : vector<16xi32>
      %mul3A_495 = arith.mulf %mul3A_470, %mul3A_458 : vector<16xf32>
      tpu.vector_store_idx %arg8[%add3A_494], %mul3A_495 masked %lt3A_437 {add = true} : memref<69632xf32, #tpu.memory_space<vmem>>[vector<16xi32>], vector<16xf32>, vector<16xi1>
      %add3A_496 = arith.constant 4160 : i32
      %add3A_497 = vector.broadcast %add3A_496 : i32 to vector<16xi32>
      %add3A_498 = arith.addi %and3A_440, %add3A_497 : vector<16xi32>
      %mul3A_499 = arith.mulf %mul3A_471, %sub3A_467 : vector<16xf32>
      tpu.vector_store_idx %arg8[%add3A_498], %mul3A_499 masked %lt3A_437 {add = true} : memref<69632xf32, #tpu.memory_space<vmem>>[vector<16xi32>], vector<16xf32>, vector<16xi1>
      %add3A_500 = arith.constant 4161 : i32
      %add3A_501 = vector.broadcast %add3A_500 : i32 to vector<16xi32>
      %add3A_502 = arith.addi %and3A_440, %add3A_501 : vector<16xi32>
      %mul3A_503 = arith.mulf %mul3A_471, %mul3A_458 : vector<16xf32>
      tpu.vector_store_idx %arg8[%add3A_502], %mul3A_503 masked %lt3A_437 {add = true} : memref<69632xf32, #tpu.memory_space<vmem>>[vector<16xi32>], vector<16xf32>, vector<16xi1>
    }
    "tpu.region"() ({
      %run_scoped3A = tpu.sem_alloc : memref<!tpu.dma_semaphore, #tpu.memory_space<semaphore_mem>>
      %dma_start3A_337 = arith.constant 0 : i32
      %dma_start3A_338 = tpu.memref_slice %arg8[%dma_start3A_337] : memref<69632xf32, #tpu.memory_space<vmem>> -> memref<65536xf32, #tpu.memory_space<vmem>>
      %dma_start3A_339 = arith.constant 0 : i32
      %dma_start3A_340 = tpu.memref_slice %arg5[%add3A, %dma_start3A_339] : memref<32x262144xf32, #tpu.memory_space<hbm>> -> memref<1x65536xf32, #tpu.memory_space<hbm>>
      %dma_start3A_341 = tpu.memref_squeeze %dma_start3A_340 : memref<1x65536xf32, #tpu.memory_space<hbm>> -> memref<65536xf32, #tpu.memory_space<hbm>>
      %dma_start3A_342 = arith.constant 0 : i32
      %dma_start3A_343 = tpu.memref_slice %arg5[%add3A, %dma_start3A_342] : memref<32x262144xf32, #tpu.memory_space<hbm>> -> memref<1x65536xf32, #tpu.memory_space<hbm>>
      %dma_start3A_344 = tpu.memref_squeeze %dma_start3A_343 : memref<1x65536xf32, #tpu.memory_space<hbm>> -> memref<65536xf32, #tpu.memory_space<hbm>>
      %dma_start3A_345 = arith.constant 0 : i32
      %dma_start3A_346 = tpu.memref_slice %arg8[%dma_start3A_345] : memref<69632xf32, #tpu.memory_space<vmem>> -> memref<65536xf32, #tpu.memory_space<vmem>>
      tpu.enqueue_dma source(%dma_start3A_346 : memref<65536xf32, #tpu.memory_space<vmem>>) target(%dma_start3A_344 : memref<65536xf32, #tpu.memory_space<hbm>>) target_semaphore(%run_scoped3A : memref<!tpu.dma_semaphore, #tpu.memory_space<semaphore_mem>>)
      %dma_wait3A_347 = arith.constant 0 : i32
      %dma_wait3A_348 = tpu.memref_slice %arg8[%dma_wait3A_347] : memref<69632xf32, #tpu.memory_space<vmem>> -> memref<65536xf32, #tpu.memory_space<vmem>>
      %dma_wait3A_349 = arith.constant 0 : i32
      %dma_wait3A_350 = tpu.memref_slice %arg5[%add3A, %dma_wait3A_349] : memref<32x262144xf32, #tpu.memory_space<hbm>> -> memref<1x65536xf32, #tpu.memory_space<hbm>>
      %dma_wait3A_351 = tpu.memref_squeeze %dma_wait3A_350 : memref<1x65536xf32, #tpu.memory_space<hbm>> -> memref<65536xf32, #tpu.memory_space<hbm>>
      %dma_wait3A_352 = arith.constant 0 : i32
      %dma_wait3A_353 = tpu.memref_slice %arg5[%add3A, %dma_wait3A_352] : memref<32x262144xf32, #tpu.memory_space<hbm>> -> memref<1x65536xf32, #tpu.memory_space<hbm>>
      %dma_wait3A_354 = tpu.memref_squeeze %dma_wait3A_353 : memref<1x65536xf32, #tpu.memory_space<hbm>> -> memref<65536xf32, #tpu.memory_space<hbm>>
      %dma_wait3A_355 = arith.constant 0 : i32
      %dma_wait3A_356 = tpu.memref_slice %arg8[%dma_wait3A_355] : memref<69632xf32, #tpu.memory_space<vmem>> -> memref<65536xf32, #tpu.memory_space<vmem>>
      tpu.wait_dma2 semaphore(%run_scoped3A : memref<!tpu.dma_semaphore, #tpu.memory_space<semaphore_mem>>) src(%dma_wait3A_356 : memref<65536xf32, #tpu.memory_space<vmem>>) dst(%dma_wait3A_354 : memref<65536xf32, #tpu.memory_space<hbm>>)
      tpu.yield
    }) : () -> ()
    %parallel_loop3A_235 = arith.constant 0 : i32
    %parallel_loop3A_236 = arith.constant 256 : i32
    %parallel_loop3A_237 = arith.constant 1 : i32
    scf.for %parallel_loop3A_337 = %parallel_loop3A_235 to %parallel_loop3A_236 step %parallel_loop3A_237  : i32 {
      %parallel_loop3A_338 = arith.constant 16 : i32
      %parallel_loop3A_339 = arith.muli %parallel_loop3A_337, %parallel_loop3A_338 : i32
      %parallel_loop3A_340 = arith.constant 65536 : i32
      %parallel_loop3A_341 = arith.addi %parallel_loop3A_340, %parallel_loop3A_339 : i32
      %parallel_loop3A_342 = arith.index_cast %parallel_loop3A_341 : i32 to index
      %parallel_loop3A_343 = tpu.vector_load %arg8[%parallel_loop3A_342] {strides = array<i32>} : memref<69632xf32, #tpu.memory_space<vmem>>, vector<16xf32>,
      %parallel_loop3A_344 = arith.constant 16 : i32
      %parallel_loop3A_345 = arith.muli %parallel_loop3A_337, %parallel_loop3A_344 : i32
      %parallel_loop3A_346 = arith.index_cast %parallel_loop3A_345 : i32 to index
      %parallel_loop3A_347 = tpu.vector_load %arg8[%parallel_loop3A_346] {strides = array<i32>} : memref<69632xf32, #tpu.memory_space<vmem>>, vector<16xf32>,
      tpu.vector_store %arg8[%parallel_loop3A_346], %parallel_loop3A_343 {strides = array<i32>} : memref<69632xf32, #tpu.memory_space<vmem>>, vector<16xf32>,
    } {sc.loop_unroll_factor = 8 : i64, sc.parallel_access}
    %parallel_loop3A_238 = arith.constant 0 : i32
    %parallel_loop3A_239 = arith.constant 4096 : i32
    %parallel_loop3A_240 = arith.constant 1 : i32
    scf.for %parallel_loop3A_337 = %parallel_loop3A_238 to %parallel_loop3A_239 step %parallel_loop3A_240  : i32 {
      %parallel_loop3A_338 = arith.constant 16 : i32
      %parallel_loop3A_339 = arith.muli %parallel_loop3A_337, %parallel_loop3A_338 : i32
      %parallel_loop3A_340 = arith.constant 4096 : i32
      %parallel_loop3A_341 = arith.addi %parallel_loop3A_340, %parallel_loop3A_339 : i32
      %parallel_loop3A_342 = arith.index_cast %parallel_loop3A_341 : i32 to index
      %parallel_loop3A_343 = tpu.vector_load %arg8[%parallel_loop3A_342] {strides = array<i32>} : memref<69632xf32, #tpu.memory_space<vmem>>, vector<16xf32>,
      tpu.vector_store %arg8[%parallel_loop3A_342], %broadcast_in_dim3A_1 {strides = array<i32>} : memref<69632xf32, #tpu.memory_space<vmem>>, vector<16xf32>,
    } {sc.loop_unroll_factor = 16 : i64, sc.parallel_access}
    %add3A_241 = arith.constant 31 : i32
    %add3A_242 = arith.addi %add3A_131, %add3A_241 : i32
    %shift_right_arithmetic3A_243 = arith.constant 5 : i32
    %shift_right_arithmetic3A_244 = arith.shrsi %add3A_242, %shift_right_arithmetic3A_243 : i32
    %sub3A_245 = arith.constant 0 : i32
    %sub3A_246 = arith.subi %shift_right_arithmetic3A_244, %sub3A_245 : i32
    %sub3A_247 = arith.constant 1 : i32
    %sub3A_248 = arith.constant 1 : i32
    %sub3A_249 = arith.subi %sub3A_247, %sub3A_248 : i32
    %add3A_250 = arith.addi %sub3A_246, %sub3A_249 : i32
    %div3A_251 = arith.constant 1 : i32
    %div3A_252 = arith.divsi %add3A_250, %div3A_251 : i32
    %while3A_253 = arith.constant 1 : i32
    %while3A_254 = arith.constant 0 : i32
    %while3A_255 = arith.constant 1.52587891E-5 : f32
    %while3A_256 = arith.constant 0 : i32
    %while3A_257 = arith.subi %div3A_252, %while3A_256 : i32
    %while3A_258 = arith.addi %while3A_256, %while3A_257 : i32
    %while3A_259 = arith.constant 1 : i32
    %while3A_260 = arith.divsi %while3A_257, %while3A_259 : i32
    %while3A_261 = arith.muli %while3A_260, %while3A_259 : i32
    %while3A_262 = arith.addi %while3A_256, %while3A_261 : i32
    %while3A_263 = arith.constant 1 : i32
    scf.for %while3A_337 = %while3A_256 to %while3A_262 step %while3A_263  : i32 {
      %mul3A_338 = arith.muli %while3A_337, %while3A_253 : i32
      %add3A_339 = arith.addi %while3A_254, %mul3A_338 : i32
      %mul3A_340 = arith.constant 32 : i32
      %mul3A_341 = arith.muli %add3A_339, %mul3A_340 : i32
      %add3A_342 = arith.addi %add3A_142, %mul3A_341 : i32
      %add3A_343 = arith.constant 0 : i32
      %add3A_344 = arith.addi %add3A_342, %add3A_343 : i32
      %get3A_345 = arith.index_cast %add3A_344 : i32 to index
      %get3A_346 = tpu.vector_load %arg6[%get3A_345] {strides = array<i32>} : memref<16480xi32, #tpu.memory_space<vmem>>, vector<16xi32>,
      %get3A_347 = arith.index_cast %add3A_344 : i32 to index
      %get3A_348 = tpu.vector_load %arg7[%get3A_347] {strides = array<i32>} : memref<16480xi32, #tpu.memory_space<vmem>>, vector<16xi32>,
      %mul3A_349 = arith.constant 32 : i32
      %mul3A_350 = arith.muli %add3A_339, %mul3A_349 : i32
      %add3A_351 = arith.constant 0 : i32
      %add3A_352 = arith.addi %mul3A_350, %add3A_351 : i32
      %add3A_353 = vector.broadcast %add3A_352 : i32 to vector<16xi32>
      %add3A_354 = arith.addi %add3A_353, %iota3A : vector<16xi32>
      %lt3A = vector.broadcast %add3A_131 : i32 to vector<16xi32>
      %lt3A_355 = arith.cmpi slt, %add3A_354, %lt3A : vector<16xi32>
      %and3A_356 = arith.constant 65535 : i32
      %and3A_357 = vector.broadcast %and3A_356 : i32 to vector<16xi32>
      %and3A_358 = arith.andi %get3A_346, %and3A_357 : vector<16xi32>
      %shift_right_logical3A = arith.constant 16 : i32
      %shift_right_logical3A_359 = vector.broadcast %shift_right_logical3A : i32 to vector<16xi32>
      %shift_right_logical3A_360 = arith.shrui %get3A_346, %shift_right_logical3A_359 : vector<16xi32>
      %convert_element_type3A_361 = arith.sitofp %shift_right_logical3A_360 : vector<16xi32> to vector<16xf32>
      %mul3A_362 = vector.broadcast %while3A_255 : f32 to vector<16xf32>
      %mul3A_363 = arith.mulf %convert_element_type3A_361, %mul3A_362 : vector<16xf32>
      %and3A_364 = arith.constant 65535 : i32
      %and3A_365 = vector.broadcast %and3A_364 : i32 to vector<16xi32>
      %and3A_366 = arith.andi %get3A_348, %and3A_365 : vector<16xi32>
      %convert_element_type3A_367 = arith.sitofp %and3A_366 : vector<16xi32> to vector<16xf32>
      %mul3A_368 = vector.broadcast %while3A_255 : f32 to vector<16xf32>
      %mul3A_369 = arith.mulf %convert_element_type3A_367, %mul3A_368 : vector<16xf32>
      %shift_right_logical3A_370 = arith.constant 16 : i32
      %shift_right_logical3A_371 = vector.broadcast %shift_right_logical3A_370 : i32 to vector<16xi32>
      %shift_right_logical3A_372 = arith.shrui %get3A_348, %shift_right_logical3A_371 : vector<16xi32>
      %convert_element_type3A_373 = arith.sitofp %shift_right_logical3A_372 : vector<16xi32> to vector<16xf32>
      %mul3A_374 = vector.broadcast %while3A_255 : f32 to vector<16xf32>
      %mul3A_375 = arith.mulf %convert_element_type3A_373, %mul3A_374 : vector<16xf32>
      %sub3A_376 = arith.constant 1.000000e+00 : f32
      %sub3A_377 = vector.broadcast %sub3A_376 : f32 to vector<16xf32>
      %sub3A_378 = arith.subf %sub3A_377, %mul3A_363 : vector<16xf32>
      %sub3A_379 = arith.constant 1.000000e+00 : f32
      %sub3A_380 = vector.broadcast %sub3A_379 : f32 to vector<16xf32>
      %sub3A_381 = arith.subf %sub3A_380, %mul3A_369 : vector<16xf32>
      %sub3A_382 = arith.constant 1.000000e+00 : f32
      %sub3A_383 = vector.broadcast %sub3A_382 : f32 to vector<16xf32>
      %sub3A_384 = arith.subf %sub3A_383, %mul3A_375 : vector<16xf32>
      %mul3A_385 = arith.mulf %sub3A_378, %sub3A_381 : vector<16xf32>
      %mul3A_386 = arith.mulf %sub3A_378, %mul3A_369 : vector<16xf32>
      %mul3A_387 = arith.mulf %mul3A_363, %sub3A_381 : vector<16xf32>
      %mul3A_388 = arith.mulf %mul3A_363, %mul3A_369 : vector<16xf32>
      %add3A_389 = arith.constant 0 : i32
      %add3A_390 = vector.broadcast %add3A_389 : i32 to vector<16xi32>
      %add3A_391 = arith.addi %and3A_358, %add3A_390 : vector<16xi32>
      %mul3A_392 = arith.mulf %mul3A_385, %sub3A_384 : vector<16xf32>
      tpu.vector_store_idx %arg8[%add3A_391], %mul3A_392 masked %lt3A_355 {add = true} : memref<69632xf32, #tpu.memory_space<vmem>>[vector<16xi32>], vector<16xf32>, vector<16xi1>
      %add3A_393 = arith.constant 1 : i32
      %add3A_394 = vector.broadcast %add3A_393 : i32 to vector<16xi32>
      %add3A_395 = arith.addi %and3A_358, %add3A_394 : vector<16xi32>
      %mul3A_396 = arith.mulf %mul3A_385, %mul3A_375 : vector<16xf32>
      tpu.vector_store_idx %arg8[%add3A_395], %mul3A_396 masked %lt3A_355 {add = true} : memref<69632xf32, #tpu.memory_space<vmem>>[vector<16xi32>], vector<16xf32>, vector<16xi1>
      %add3A_397 = arith.constant 64 : i32
      %add3A_398 = vector.broadcast %add3A_397 : i32 to vector<16xi32>
      %add3A_399 = arith.addi %and3A_358, %add3A_398 : vector<16xi32>
      %mul3A_400 = arith.mulf %mul3A_386, %sub3A_384 : vector<16xf32>
      tpu.vector_store_idx %arg8[%add3A_399], %mul3A_400 masked %lt3A_355 {add = true} : memref<69632xf32, #tpu.memory_space<vmem>>[vector<16xi32>], vector<16xf32>, vector<16xi1>
      %add3A_401 = arith.constant 65 : i32
      %add3A_402 = vector.broadcast %add3A_401 : i32 to vector<16xi32>
      %add3A_403 = arith.addi %and3A_358, %add3A_402 : vector<16xi32>
      %mul3A_404 = arith.mulf %mul3A_386, %mul3A_375 : vector<16xf32>
      tpu.vector_store_idx %arg8[%add3A_403], %mul3A_404 masked %lt3A_355 {add = true} : memref<69632xf32, #tpu.memory_space<vmem>>[vector<16xi32>], vector<16xf32>, vector<16xi1>
      %add3A_405 = arith.constant 4096 : i32
      %add3A_406 = vector.broadcast %add3A_405 : i32 to vector<16xi32>
      %add3A_407 = arith.addi %and3A_358, %add3A_406 : vector<16xi32>
      %mul3A_408 = arith.mulf %mul3A_387, %sub3A_384 : vector<16xf32>
      tpu.vector_store_idx %arg8[%add3A_407], %mul3A_408 masked %lt3A_355 {add = true} : memref<69632xf32, #tpu.memory_space<vmem>>[vector<16xi32>], vector<16xf32>, vector<16xi1>
      %add3A_409 = arith.constant 4097 : i32
      %add3A_410 = vector.broadcast %add3A_409 : i32 to vector<16xi32>
      %add3A_411 = arith.addi %and3A_358, %add3A_410 : vector<16xi32>
      %mul3A_412 = arith.mulf %mul3A_387, %mul3A_375 : vector<16xf32>
      tpu.vector_store_idx %arg8[%add3A_411], %mul3A_412 masked %lt3A_355 {add = true} : memref<69632xf32, #tpu.memory_space<vmem>>[vector<16xi32>], vector<16xf32>, vector<16xi1>
      %add3A_413 = arith.constant 4160 : i32
      %add3A_414 = vector.broadcast %add3A_413 : i32 to vector<16xi32>
      %add3A_415 = arith.addi %and3A_358, %add3A_414 : vector<16xi32>
      %mul3A_416 = arith.mulf %mul3A_388, %sub3A_384 : vector<16xf32>
      tpu.vector_store_idx %arg8[%add3A_415], %mul3A_416 masked %lt3A_355 {add = true} : memref<69632xf32, #tpu.memory_space<vmem>>[vector<16xi32>], vector<16xf32>, vector<16xi1>
      %add3A_417 = arith.constant 4161 : i32
      %add3A_418 = vector.broadcast %add3A_417 : i32 to vector<16xi32>
      %add3A_419 = arith.addi %and3A_358, %add3A_418 : vector<16xi32>
      %mul3A_420 = arith.mulf %mul3A_388, %mul3A_375 : vector<16xf32>
      tpu.vector_store_idx %arg8[%add3A_419], %mul3A_420 masked %lt3A_355 {add = true} : memref<69632xf32, #tpu.memory_space<vmem>>[vector<16xi32>], vector<16xf32>, vector<16xi1>
      %mul3A_421 = arith.constant 32 : i32
      %mul3A_422 = arith.muli %add3A_339, %mul3A_421 : i32
      %add3A_423 = arith.addi %add3A_142, %mul3A_422 : i32
      %add3A_424 = arith.constant 16 : i32
      %add3A_425 = arith.addi %add3A_423, %add3A_424 : i32
      %get3A_426 = arith.index_cast %add3A_425 : i32 to index
      %get3A_427 = tpu.vector_load %arg6[%get3A_426] {strides = array<i32>} : memref<16480xi32, #tpu.memory_space<vmem>>, vector<16xi32>,
      %get3A_428 = arith.index_cast %add3A_425 : i32 to index
      %get3A_429 = tpu.vector_load %arg7[%get3A_428] {strides = array<i32>} : memref<16480xi32, #tpu.memory_space<vmem>>, vector<16xi32>,
      %mul3A_430 = arith.constant 32 : i32
      %mul3A_431 = arith.muli %add3A_339, %mul3A_430 : i32
      %add3A_432 = arith.constant 16 : i32
      %add3A_433 = arith.addi %mul3A_431, %add3A_432 : i32
      %add3A_434 = vector.broadcast %add3A_433 : i32 to vector<16xi32>
      %add3A_435 = arith.addi %add3A_434, %iota3A : vector<16xi32>
      %lt3A_436 = vector.broadcast %add3A_131 : i32 to vector<16xi32>
      %lt3A_437 = arith.cmpi slt, %add3A_435, %lt3A_436 : vector<16xi32>
      %and3A_438 = arith.constant 65535 : i32
      %and3A_439 = vector.broadcast %and3A_438 : i32 to vector<16xi32>
      %and3A_440 = arith.andi %get3A_427, %and3A_439 : vector<16xi32>
      %shift_right_logical3A_441 = arith.constant 16 : i32
      %shift_right_logical3A_442 = vector.broadcast %shift_right_logical3A_441 : i32 to vector<16xi32>
      %shift_right_logical3A_443 = arith.shrui %get3A_427, %shift_right_logical3A_442 : vector<16xi32>
      %convert_element_type3A_444 = arith.sitofp %shift_right_logical3A_443 : vector<16xi32> to vector<16xf32>
      %mul3A_445 = vector.broadcast %while3A_255 : f32 to vector<16xf32>
      %mul3A_446 = arith.mulf %convert_element_type3A_444, %mul3A_445 : vector<16xf32>
      %and3A_447 = arith.constant 65535 : i32
      %and3A_448 = vector.broadcast %and3A_447 : i32 to vector<16xi32>
      %and3A_449 = arith.andi %get3A_429, %and3A_448 : vector<16xi32>
      %convert_element_type3A_450 = arith.sitofp %and3A_449 : vector<16xi32> to vector<16xf32>
      %mul3A_451 = vector.broadcast %while3A_255 : f32 to vector<16xf32>
      %mul3A_452 = arith.mulf %convert_element_type3A_450, %mul3A_451 : vector<16xf32>
      %shift_right_logical3A_453 = arith.constant 16 : i32
      %shift_right_logical3A_454 = vector.broadcast %shift_right_logical3A_453 : i32 to vector<16xi32>
      %shift_right_logical3A_455 = arith.shrui %get3A_429, %shift_right_logical3A_454 : vector<16xi32>
      %convert_element_type3A_456 = arith.sitofp %shift_right_logical3A_455 : vector<16xi32> to vector<16xf32>
      %mul3A_457 = vector.broadcast %while3A_255 : f32 to vector<16xf32>
      %mul3A_458 = arith.mulf %convert_element_type3A_456, %mul3A_457 : vector<16xf32>
      %sub3A_459 = arith.constant 1.000000e+00 : f32
      %sub3A_460 = vector.broadcast %sub3A_459 : f32 to vector<16xf32>
      %sub3A_461 = arith.subf %sub3A_460, %mul3A_446 : vector<16xf32>
      %sub3A_462 = arith.constant 1.000000e+00 : f32
      %sub3A_463 = vector.broadcast %sub3A_462 : f32 to vector<16xf32>
      %sub3A_464 = arith.subf %sub3A_463, %mul3A_452 : vector<16xf32>
      %sub3A_465 = arith.constant 1.000000e+00 : f32
      %sub3A_466 = vector.broadcast %sub3A_465 : f32 to vector<16xf32>
      %sub3A_467 = arith.subf %sub3A_466, %mul3A_458 : vector<16xf32>
      %mul3A_468 = arith.mulf %sub3A_461, %sub3A_464 : vector<16xf32>
      %mul3A_469 = arith.mulf %sub3A_461, %mul3A_452 : vector<16xf32>
      %mul3A_470 = arith.mulf %mul3A_446, %sub3A_464 : vector<16xf32>
      %mul3A_471 = arith.mulf %mul3A_446, %mul3A_452 : vector<16xf32>
      %add3A_472 = arith.constant 0 : i32
      %add3A_473 = vector.broadcast %add3A_472 : i32 to vector<16xi32>
      %add3A_474 = arith.addi %and3A_440, %add3A_473 : vector<16xi32>
      %mul3A_475 = arith.mulf %mul3A_468, %sub3A_467 : vector<16xf32>
      tpu.vector_store_idx %arg8[%add3A_474], %mul3A_475 masked %lt3A_437 {add = true} : memref<69632xf32, #tpu.memory_space<vmem>>[vector<16xi32>], vector<16xf32>, vector<16xi1>
      %add3A_476 = arith.constant 1 : i32
      %add3A_477 = vector.broadcast %add3A_476 : i32 to vector<16xi32>
      %add3A_478 = arith.addi %and3A_440, %add3A_477 : vector<16xi32>
      %mul3A_479 = arith.mulf %mul3A_468, %mul3A_458 : vector<16xf32>
      tpu.vector_store_idx %arg8[%add3A_478], %mul3A_479 masked %lt3A_437 {add = true} : memref<69632xf32, #tpu.memory_space<vmem>>[vector<16xi32>], vector<16xf32>, vector<16xi1>
      %add3A_480 = arith.constant 64 : i32
      %add3A_481 = vector.broadcast %add3A_480 : i32 to vector<16xi32>
      %add3A_482 = arith.addi %and3A_440, %add3A_481 : vector<16xi32>
      %mul3A_483 = arith.mulf %mul3A_469, %sub3A_467 : vector<16xf32>
      tpu.vector_store_idx %arg8[%add3A_482], %mul3A_483 masked %lt3A_437 {add = true} : memref<69632xf32, #tpu.memory_space<vmem>>[vector<16xi32>], vector<16xf32>, vector<16xi1>
      %add3A_484 = arith.constant 65 : i32
      %add3A_485 = vector.broadcast %add3A_484 : i32 to vector<16xi32>
      %add3A_486 = arith.addi %and3A_440, %add3A_485 : vector<16xi32>
      %mul3A_487 = arith.mulf %mul3A_469, %mul3A_458 : vector<16xf32>
      tpu.vector_store_idx %arg8[%add3A_486], %mul3A_487 masked %lt3A_437 {add = true} : memref<69632xf32, #tpu.memory_space<vmem>>[vector<16xi32>], vector<16xf32>, vector<16xi1>
      %add3A_488 = arith.constant 4096 : i32
      %add3A_489 = vector.broadcast %add3A_488 : i32 to vector<16xi32>
      %add3A_490 = arith.addi %and3A_440, %add3A_489 : vector<16xi32>
      %mul3A_491 = arith.mulf %mul3A_470, %sub3A_467 : vector<16xf32>
      tpu.vector_store_idx %arg8[%add3A_490], %mul3A_491 masked %lt3A_437 {add = true} : memref<69632xf32, #tpu.memory_space<vmem>>[vector<16xi32>], vector<16xf32>, vector<16xi1>
      %add3A_492 = arith.constant 4097 : i32
      %add3A_493 = vector.broadcast %add3A_492 : i32 to vector<16xi32>
      %add3A_494 = arith.addi %and3A_440, %add3A_493 : vector<16xi32>
      %mul3A_495 = arith.mulf %mul3A_470, %mul3A_458 : vector<16xf32>
      tpu.vector_store_idx %arg8[%add3A_494], %mul3A_495 masked %lt3A_437 {add = true} : memref<69632xf32, #tpu.memory_space<vmem>>[vector<16xi32>], vector<16xf32>, vector<16xi1>
      %add3A_496 = arith.constant 4160 : i32
      %add3A_497 = vector.broadcast %add3A_496 : i32 to vector<16xi32>
      %add3A_498 = arith.addi %and3A_440, %add3A_497 : vector<16xi32>
      %mul3A_499 = arith.mulf %mul3A_471, %sub3A_467 : vector<16xf32>
      tpu.vector_store_idx %arg8[%add3A_498], %mul3A_499 masked %lt3A_437 {add = true} : memref<69632xf32, #tpu.memory_space<vmem>>[vector<16xi32>], vector<16xf32>, vector<16xi1>
      %add3A_500 = arith.constant 4161 : i32
      %add3A_501 = vector.broadcast %add3A_500 : i32 to vector<16xi32>
      %add3A_502 = arith.addi %and3A_440, %add3A_501 : vector<16xi32>
      %mul3A_503 = arith.mulf %mul3A_471, %mul3A_458 : vector<16xf32>
      tpu.vector_store_idx %arg8[%add3A_502], %mul3A_503 masked %lt3A_437 {add = true} : memref<69632xf32, #tpu.memory_space<vmem>>[vector<16xi32>], vector<16xf32>, vector<16xi1>
    }
    %while3A_264 = arith.constant 1 : i32
    scf.for %while3A_337 = %while3A_262 to %while3A_258 step %while3A_264  : i32 {
      %mul3A_338 = arith.muli %while3A_337, %while3A_253 : i32
      %add3A_339 = arith.addi %while3A_254, %mul3A_338 : i32
      %mul3A_340 = arith.constant 32 : i32
      %mul3A_341 = arith.muli %add3A_339, %mul3A_340 : i32
      %add3A_342 = arith.addi %add3A_142, %mul3A_341 : i32
      %add3A_343 = arith.constant 0 : i32
      %add3A_344 = arith.addi %add3A_342, %add3A_343 : i32
      %get3A_345 = arith.index_cast %add3A_344 : i32 to index
      %get3A_346 = tpu.vector_load %arg6[%get3A_345] {strides = array<i32>} : memref<16480xi32, #tpu.memory_space<vmem>>, vector<16xi32>,
      %get3A_347 = arith.index_cast %add3A_344 : i32 to index
      %get3A_348 = tpu.vector_load %arg7[%get3A_347] {strides = array<i32>} : memref<16480xi32, #tpu.memory_space<vmem>>, vector<16xi32>,
      %mul3A_349 = arith.constant 32 : i32
      %mul3A_350 = arith.muli %add3A_339, %mul3A_349 : i32
      %add3A_351 = arith.constant 0 : i32
      %add3A_352 = arith.addi %mul3A_350, %add3A_351 : i32
      %add3A_353 = vector.broadcast %add3A_352 : i32 to vector<16xi32>
      %add3A_354 = arith.addi %add3A_353, %iota3A : vector<16xi32>
      %lt3A = vector.broadcast %add3A_131 : i32 to vector<16xi32>
      %lt3A_355 = arith.cmpi slt, %add3A_354, %lt3A : vector<16xi32>
      %and3A_356 = arith.constant 65535 : i32
      %and3A_357 = vector.broadcast %and3A_356 : i32 to vector<16xi32>
      %and3A_358 = arith.andi %get3A_346, %and3A_357 : vector<16xi32>
      %shift_right_logical3A = arith.constant 16 : i32
      %shift_right_logical3A_359 = vector.broadcast %shift_right_logical3A : i32 to vector<16xi32>
      %shift_right_logical3A_360 = arith.shrui %get3A_346, %shift_right_logical3A_359 : vector<16xi32>
      %convert_element_type3A_361 = arith.sitofp %shift_right_logical3A_360 : vector<16xi32> to vector<16xf32>
      %mul3A_362 = vector.broadcast %while3A_255 : f32 to vector<16xf32>
      %mul3A_363 = arith.mulf %convert_element_type3A_361, %mul3A_362 : vector<16xf32>
      %and3A_364 = arith.constant 65535 : i32
      %and3A_365 = vector.broadcast %and3A_364 : i32 to vector<16xi32>
      %and3A_366 = arith.andi %get3A_348, %and3A_365 : vector<16xi32>
      %convert_element_type3A_367 = arith.sitofp %and3A_366 : vector<16xi32> to vector<16xf32>
      %mul3A_368 = vector.broadcast %while3A_255 : f32 to vector<16xf32>
      %mul3A_369 = arith.mulf %convert_element_type3A_367, %mul3A_368 : vector<16xf32>
      %shift_right_logical3A_370 = arith.constant 16 : i32
      %shift_right_logical3A_371 = vector.broadcast %shift_right_logical3A_370 : i32 to vector<16xi32>
      %shift_right_logical3A_372 = arith.shrui %get3A_348, %shift_right_logical3A_371 : vector<16xi32>
      %convert_element_type3A_373 = arith.sitofp %shift_right_logical3A_372 : vector<16xi32> to vector<16xf32>
      %mul3A_374 = vector.broadcast %while3A_255 : f32 to vector<16xf32>
      %mul3A_375 = arith.mulf %convert_element_type3A_373, %mul3A_374 : vector<16xf32>
      %sub3A_376 = arith.constant 1.000000e+00 : f32
      %sub3A_377 = vector.broadcast %sub3A_376 : f32 to vector<16xf32>
      %sub3A_378 = arith.subf %sub3A_377, %mul3A_363 : vector<16xf32>
      %sub3A_379 = arith.constant 1.000000e+00 : f32
      %sub3A_380 = vector.broadcast %sub3A_379 : f32 to vector<16xf32>
      %sub3A_381 = arith.subf %sub3A_380, %mul3A_369 : vector<16xf32>
      %sub3A_382 = arith.constant 1.000000e+00 : f32
      %sub3A_383 = vector.broadcast %sub3A_382 : f32 to vector<16xf32>
      %sub3A_384 = arith.subf %sub3A_383, %mul3A_375 : vector<16xf32>
      %mul3A_385 = arith.mulf %sub3A_378, %sub3A_381 : vector<16xf32>
      %mul3A_386 = arith.mulf %sub3A_378, %mul3A_369 : vector<16xf32>
      %mul3A_387 = arith.mulf %mul3A_363, %sub3A_381 : vector<16xf32>
      %mul3A_388 = arith.mulf %mul3A_363, %mul3A_369 : vector<16xf32>
      %add3A_389 = arith.constant 0 : i32
      %add3A_390 = vector.broadcast %add3A_389 : i32 to vector<16xi32>
      %add3A_391 = arith.addi %and3A_358, %add3A_390 : vector<16xi32>
      %mul3A_392 = arith.mulf %mul3A_385, %sub3A_384 : vector<16xf32>
      tpu.vector_store_idx %arg8[%add3A_391], %mul3A_392 masked %lt3A_355 {add = true} : memref<69632xf32, #tpu.memory_space<vmem>>[vector<16xi32>], vector<16xf32>, vector<16xi1>
      %add3A_393 = arith.constant 1 : i32
      %add3A_394 = vector.broadcast %add3A_393 : i32 to vector<16xi32>
      %add3A_395 = arith.addi %and3A_358, %add3A_394 : vector<16xi32>
      %mul3A_396 = arith.mulf %mul3A_385, %mul3A_375 : vector<16xf32>
      tpu.vector_store_idx %arg8[%add3A_395], %mul3A_396 masked %lt3A_355 {add = true} : memref<69632xf32, #tpu.memory_space<vmem>>[vector<16xi32>], vector<16xf32>, vector<16xi1>
      %add3A_397 = arith.constant 64 : i32
      %add3A_398 = vector.broadcast %add3A_397 : i32 to vector<16xi32>
      %add3A_399 = arith.addi %and3A_358, %add3A_398 : vector<16xi32>
      %mul3A_400 = arith.mulf %mul3A_386, %sub3A_384 : vector<16xf32>
      tpu.vector_store_idx %arg8[%add3A_399], %mul3A_400 masked %lt3A_355 {add = true} : memref<69632xf32, #tpu.memory_space<vmem>>[vector<16xi32>], vector<16xf32>, vector<16xi1>
      %add3A_401 = arith.constant 65 : i32
      %add3A_402 = vector.broadcast %add3A_401 : i32 to vector<16xi32>
      %add3A_403 = arith.addi %and3A_358, %add3A_402 : vector<16xi32>
      %mul3A_404 = arith.mulf %mul3A_386, %mul3A_375 : vector<16xf32>
      tpu.vector_store_idx %arg8[%add3A_403], %mul3A_404 masked %lt3A_355 {add = true} : memref<69632xf32, #tpu.memory_space<vmem>>[vector<16xi32>], vector<16xf32>, vector<16xi1>
      %add3A_405 = arith.constant 4096 : i32
      %add3A_406 = vector.broadcast %add3A_405 : i32 to vector<16xi32>
      %add3A_407 = arith.addi %and3A_358, %add3A_406 : vector<16xi32>
      %mul3A_408 = arith.mulf %mul3A_387, %sub3A_384 : vector<16xf32>
      tpu.vector_store_idx %arg8[%add3A_407], %mul3A_408 masked %lt3A_355 {add = true} : memref<69632xf32, #tpu.memory_space<vmem>>[vector<16xi32>], vector<16xf32>, vector<16xi1>
      %add3A_409 = arith.constant 4097 : i32
      %add3A_410 = vector.broadcast %add3A_409 : i32 to vector<16xi32>
      %add3A_411 = arith.addi %and3A_358, %add3A_410 : vector<16xi32>
      %mul3A_412 = arith.mulf %mul3A_387, %mul3A_375 : vector<16xf32>
      tpu.vector_store_idx %arg8[%add3A_411], %mul3A_412 masked %lt3A_355 {add = true} : memref<69632xf32, #tpu.memory_space<vmem>>[vector<16xi32>], vector<16xf32>, vector<16xi1>
      %add3A_413 = arith.constant 4160 : i32
      %add3A_414 = vector.broadcast %add3A_413 : i32 to vector<16xi32>
      %add3A_415 = arith.addi %and3A_358, %add3A_414 : vector<16xi32>
      %mul3A_416 = arith.mulf %mul3A_388, %sub3A_384 : vector<16xf32>
      tpu.vector_store_idx %arg8[%add3A_415], %mul3A_416 masked %lt3A_355 {add = true} : memref<69632xf32, #tpu.memory_space<vmem>>[vector<16xi32>], vector<16xf32>, vector<16xi1>
      %add3A_417 = arith.constant 4161 : i32
      %add3A_418 = vector.broadcast %add3A_417 : i32 to vector<16xi32>
      %add3A_419 = arith.addi %and3A_358, %add3A_418 : vector<16xi32>
      %mul3A_420 = arith.mulf %mul3A_388, %mul3A_375 : vector<16xf32>
      tpu.vector_store_idx %arg8[%add3A_419], %mul3A_420 masked %lt3A_355 {add = true} : memref<69632xf32, #tpu.memory_space<vmem>>[vector<16xi32>], vector<16xf32>, vector<16xi1>
      %mul3A_421 = arith.constant 32 : i32
      %mul3A_422 = arith.muli %add3A_339, %mul3A_421 : i32
      %add3A_423 = arith.addi %add3A_142, %mul3A_422 : i32
      %add3A_424 = arith.constant 16 : i32
      %add3A_425 = arith.addi %add3A_423, %add3A_424 : i32
      %get3A_426 = arith.index_cast %add3A_425 : i32 to index
      %get3A_427 = tpu.vector_load %arg6[%get3A_426] {strides = array<i32>} : memref<16480xi32, #tpu.memory_space<vmem>>, vector<16xi32>,
      %get3A_428 = arith.index_cast %add3A_425 : i32 to index
      %get3A_429 = tpu.vector_load %arg7[%get3A_428] {strides = array<i32>} : memref<16480xi32, #tpu.memory_space<vmem>>, vector<16xi32>,
      %mul3A_430 = arith.constant 32 : i32
      %mul3A_431 = arith.muli %add3A_339, %mul3A_430 : i32
      %add3A_432 = arith.constant 16 : i32
      %add3A_433 = arith.addi %mul3A_431, %add3A_432 : i32
      %add3A_434 = vector.broadcast %add3A_433 : i32 to vector<16xi32>
      %add3A_435 = arith.addi %add3A_434, %iota3A : vector<16xi32>
      %lt3A_436 = vector.broadcast %add3A_131 : i32 to vector<16xi32>
      %lt3A_437 = arith.cmpi slt, %add3A_435, %lt3A_436 : vector<16xi32>
      %and3A_438 = arith.constant 65535 : i32
      %and3A_439 = vector.broadcast %and3A_438 : i32 to vector<16xi32>
      %and3A_440 = arith.andi %get3A_427, %and3A_439 : vector<16xi32>
      %shift_right_logical3A_441 = arith.constant 16 : i32
      %shift_right_logical3A_442 = vector.broadcast %shift_right_logical3A_441 : i32 to vector<16xi32>
      %shift_right_logical3A_443 = arith.shrui %get3A_427, %shift_right_logical3A_442 : vector<16xi32>
      %convert_element_type3A_444 = arith.sitofp %shift_right_logical3A_443 : vector<16xi32> to vector<16xf32>
      %mul3A_445 = vector.broadcast %while3A_255 : f32 to vector<16xf32>
      %mul3A_446 = arith.mulf %convert_element_type3A_444, %mul3A_445 : vector<16xf32>
      %and3A_447 = arith.constant 65535 : i32
      %and3A_448 = vector.broadcast %and3A_447 : i32 to vector<16xi32>
      %and3A_449 = arith.andi %get3A_429, %and3A_448 : vector<16xi32>
      %convert_element_type3A_450 = arith.sitofp %and3A_449 : vector<16xi32> to vector<16xf32>
      %mul3A_451 = vector.broadcast %while3A_255 : f32 to vector<16xf32>
      %mul3A_452 = arith.mulf %convert_element_type3A_450, %mul3A_451 : vector<16xf32>
      %shift_right_logical3A_453 = arith.constant 16 : i32
      %shift_right_logical3A_454 = vector.broadcast %shift_right_logical3A_453 : i32 to vector<16xi32>
      %shift_right_logical3A_455 = arith.shrui %get3A_429, %shift_right_logical3A_454 : vector<16xi32>
      %convert_element_type3A_456 = arith.sitofp %shift_right_logical3A_455 : vector<16xi32> to vector<16xf32>
      %mul3A_457 = vector.broadcast %while3A_255 : f32 to vector<16xf32>
      %mul3A_458 = arith.mulf %convert_element_type3A_456, %mul3A_457 : vector<16xf32>
      %sub3A_459 = arith.constant 1.000000e+00 : f32
      %sub3A_460 = vector.broadcast %sub3A_459 : f32 to vector<16xf32>
      %sub3A_461 = arith.subf %sub3A_460, %mul3A_446 : vector<16xf32>
      %sub3A_462 = arith.constant 1.000000e+00 : f32
      %sub3A_463 = vector.broadcast %sub3A_462 : f32 to vector<16xf32>
      %sub3A_464 = arith.subf %sub3A_463, %mul3A_452 : vector<16xf32>
      %sub3A_465 = arith.constant 1.000000e+00 : f32
      %sub3A_466 = vector.broadcast %sub3A_465 : f32 to vector<16xf32>
      %sub3A_467 = arith.subf %sub3A_466, %mul3A_458 : vector<16xf32>
      %mul3A_468 = arith.mulf %sub3A_461, %sub3A_464 : vector<16xf32>
      %mul3A_469 = arith.mulf %sub3A_461, %mul3A_452 : vector<16xf32>
      %mul3A_470 = arith.mulf %mul3A_446, %sub3A_464 : vector<16xf32>
      %mul3A_471 = arith.mulf %mul3A_446, %mul3A_452 : vector<16xf32>
      %add3A_472 = arith.constant 0 : i32
      %add3A_473 = vector.broadcast %add3A_472 : i32 to vector<16xi32>
      %add3A_474 = arith.addi %and3A_440, %add3A_473 : vector<16xi32>
      %mul3A_475 = arith.mulf %mul3A_468, %sub3A_467 : vector<16xf32>
      tpu.vector_store_idx %arg8[%add3A_474], %mul3A_475 masked %lt3A_437 {add = true} : memref<69632xf32, #tpu.memory_space<vmem>>[vector<16xi32>], vector<16xf32>, vector<16xi1>
      %add3A_476 = arith.constant 1 : i32
      %add3A_477 = vector.broadcast %add3A_476 : i32 to vector<16xi32>
      %add3A_478 = arith.addi %and3A_440, %add3A_477 : vector<16xi32>
      %mul3A_479 = arith.mulf %mul3A_468, %mul3A_458 : vector<16xf32>
      tpu.vector_store_idx %arg8[%add3A_478], %mul3A_479 masked %lt3A_437 {add = true} : memref<69632xf32, #tpu.memory_space<vmem>>[vector<16xi32>], vector<16xf32>, vector<16xi1>
      %add3A_480 = arith.constant 64 : i32
      %add3A_481 = vector.broadcast %add3A_480 : i32 to vector<16xi32>
      %add3A_482 = arith.addi %and3A_440, %add3A_481 : vector<16xi32>
      %mul3A_483 = arith.mulf %mul3A_469, %sub3A_467 : vector<16xf32>
      tpu.vector_store_idx %arg8[%add3A_482], %mul3A_483 masked %lt3A_437 {add = true} : memref<69632xf32, #tpu.memory_space<vmem>>[vector<16xi32>], vector<16xf32>, vector<16xi1>
      %add3A_484 = arith.constant 65 : i32
      %add3A_485 = vector.broadcast %add3A_484 : i32 to vector<16xi32>
      %add3A_486 = arith.addi %and3A_440, %add3A_485 : vector<16xi32>
      %mul3A_487 = arith.mulf %mul3A_469, %mul3A_458 : vector<16xf32>
      tpu.vector_store_idx %arg8[%add3A_486], %mul3A_487 masked %lt3A_437 {add = true} : memref<69632xf32, #tpu.memory_space<vmem>>[vector<16xi32>], vector<16xf32>, vector<16xi1>
      %add3A_488 = arith.constant 4096 : i32
      %add3A_489 = vector.broadcast %add3A_488 : i32 to vector<16xi32>
      %add3A_490 = arith.addi %and3A_440, %add3A_489 : vector<16xi32>
      %mul3A_491 = arith.mulf %mul3A_470, %sub3A_467 : vector<16xf32>
      tpu.vector_store_idx %arg8[%add3A_490], %mul3A_491 masked %lt3A_437 {add = true} : memref<69632xf32, #tpu.memory_space<vmem>>[vector<16xi32>], vector<16xf32>, vector<16xi1>
      %add3A_492 = arith.constant 4097 : i32
      %add3A_493 = vector.broadcast %add3A_492 : i32 to vector<16xi32>
      %add3A_494 = arith.addi %and3A_440, %add3A_493 : vector<16xi32>
      %mul3A_495 = arith.mulf %mul3A_470, %mul3A_458 : vector<16xf32>
      tpu.vector_store_idx %arg8[%add3A_494], %mul3A_495 masked %lt3A_437 {add = true} : memref<69632xf32, #tpu.memory_space<vmem>>[vector<16xi32>], vector<16xf32>, vector<16xi1>
      %add3A_496 = arith.constant 4160 : i32
      %add3A_497 = vector.broadcast %add3A_496 : i32 to vector<16xi32>
      %add3A_498 = arith.addi %and3A_440, %add3A_497 : vector<16xi32>
      %mul3A_499 = arith.mulf %mul3A_471, %sub3A_467 : vector<16xf32>
      tpu.vector_store_idx %arg8[%add3A_498], %mul3A_499 masked %lt3A_437 {add = true} : memref<69632xf32, #tpu.memory_space<vmem>>[vector<16xi32>], vector<16xf32>, vector<16xi1>
      %add3A_500 = arith.constant 4161 : i32
      %add3A_501 = vector.broadcast %add3A_500 : i32 to vector<16xi32>
      %add3A_502 = arith.addi %and3A_440, %add3A_501 : vector<16xi32>
      %mul3A_503 = arith.mulf %mul3A_471, %mul3A_458 : vector<16xf32>
      tpu.vector_store_idx %arg8[%add3A_502], %mul3A_503 masked %lt3A_437 {add = true} : memref<69632xf32, #tpu.memory_space<vmem>>[vector<16xi32>], vector<16xf32>, vector<16xi1>
    }
    "tpu.region"() ({
      %run_scoped3A = tpu.sem_alloc : memref<!tpu.dma_semaphore, #tpu.memory_space<semaphore_mem>>
      %dma_start3A_337 = arith.constant 0 : i32
      %dma_start3A_338 = tpu.memref_slice %arg8[%dma_start3A_337] : memref<69632xf32, #tpu.memory_space<vmem>> -> memref<65536xf32, #tpu.memory_space<vmem>>
      %dma_start3A_339 = arith.constant 65536 : i32
      %dma_start3A_340 = tpu.memref_slice %arg5[%add3A, %dma_start3A_339] : memref<32x262144xf32, #tpu.memory_space<hbm>> -> memref<1x65536xf32, #tpu.memory_space<hbm>>
      %dma_start3A_341 = tpu.memref_squeeze %dma_start3A_340 : memref<1x65536xf32, #tpu.memory_space<hbm>> -> memref<65536xf32, #tpu.memory_space<hbm>>
      %dma_start3A_342 = arith.constant 65536 : i32
      %dma_start3A_343 = tpu.memref_slice %arg5[%add3A, %dma_start3A_342] : memref<32x262144xf32, #tpu.memory_space<hbm>> -> memref<1x65536xf32, #tpu.memory_space<hbm>>
      %dma_start3A_344 = tpu.memref_squeeze %dma_start3A_343 : memref<1x65536xf32, #tpu.memory_space<hbm>> -> memref<65536xf32, #tpu.memory_space<hbm>>
      %dma_start3A_345 = arith.constant 0 : i32
      %dma_start3A_346 = tpu.memref_slice %arg8[%dma_start3A_345] : memref<69632xf32, #tpu.memory_space<vmem>> -> memref<65536xf32, #tpu.memory_space<vmem>>
      tpu.enqueue_dma source(%dma_start3A_346 : memref<65536xf32, #tpu.memory_space<vmem>>) target(%dma_start3A_344 : memref<65536xf32, #tpu.memory_space<hbm>>) target_semaphore(%run_scoped3A : memref<!tpu.dma_semaphore, #tpu.memory_space<semaphore_mem>>)
      %dma_wait3A_347 = arith.constant 0 : i32
      %dma_wait3A_348 = tpu.memref_slice %arg8[%dma_wait3A_347] : memref<69632xf32, #tpu.memory_space<vmem>> -> memref<65536xf32, #tpu.memory_space<vmem>>
      %dma_wait3A_349 = arith.constant 65536 : i32
      %dma_wait3A_350 = tpu.memref_slice %arg5[%add3A, %dma_wait3A_349] : memref<32x262144xf32, #tpu.memory_space<hbm>> -> memref<1x65536xf32, #tpu.memory_space<hbm>>
      %dma_wait3A_351 = tpu.memref_squeeze %dma_wait3A_350 : memref<1x65536xf32, #tpu.memory_space<hbm>> -> memref<65536xf32, #tpu.memory_space<hbm>>
      %dma_wait3A_352 = arith.constant 65536 : i32
      %dma_wait3A_353 = tpu.memref_slice %arg5[%add3A, %dma_wait3A_352] : memref<32x262144xf32, #tpu.memory_space<hbm>> -> memref<1x65536xf32, #tpu.memory_space<hbm>>
      %dma_wait3A_354 = tpu.memref_squeeze %dma_wait3A_353 : memref<1x65536xf32, #tpu.memory_space<hbm>> -> memref<65536xf32, #tpu.memory_space<hbm>>
      %dma_wait3A_355 = arith.constant 0 : i32
      %dma_wait3A_356 = tpu.memref_slice %arg8[%dma_wait3A_355] : memref<69632xf32, #tpu.memory_space<vmem>> -> memref<65536xf32, #tpu.memory_space<vmem>>
      tpu.wait_dma2 semaphore(%run_scoped3A : memref<!tpu.dma_semaphore, #tpu.memory_space<semaphore_mem>>) src(%dma_wait3A_356 : memref<65536xf32, #tpu.memory_space<vmem>>) dst(%dma_wait3A_354 : memref<65536xf32, #tpu.memory_space<hbm>>)
      tpu.yield
    }) : () -> ()
    %parallel_loop3A_265 = arith.constant 0 : i32
    %parallel_loop3A_266 = arith.constant 256 : i32
    %parallel_loop3A_267 = arith.constant 1 : i32
    scf.for %parallel_loop3A_337 = %parallel_loop3A_265 to %parallel_loop3A_266 step %parallel_loop3A_267  : i32 {
      %parallel_loop3A_338 = arith.constant 16 : i32
      %parallel_loop3A_339 = arith.muli %parallel_loop3A_337, %parallel_loop3A_338 : i32
      %parallel_loop3A_340 = arith.constant 65536 : i32
      %parallel_loop3A_341 = arith.addi %parallel_loop3A_340, %parallel_loop3A_339 : i32
      %parallel_loop3A_342 = arith.index_cast %parallel_loop3A_341 : i32 to index
      %parallel_loop3A_343 = tpu.vector_load %arg8[%parallel_loop3A_342] {strides = array<i32>} : memref<69632xf32, #tpu.memory_space<vmem>>, vector<16xf32>,
      %parallel_loop3A_344 = arith.constant 16 : i32
      %parallel_loop3A_345 = arith.muli %parallel_loop3A_337, %parallel_loop3A_344 : i32
      %parallel_loop3A_346 = arith.index_cast %parallel_loop3A_345 : i32 to index
      %parallel_loop3A_347 = tpu.vector_load %arg8[%parallel_loop3A_346] {strides = array<i32>} : memref<69632xf32, #tpu.memory_space<vmem>>, vector<16xf32>,
      tpu.vector_store %arg8[%parallel_loop3A_346], %parallel_loop3A_343 {strides = array<i32>} : memref<69632xf32, #tpu.memory_space<vmem>>, vector<16xf32>,
    } {sc.loop_unroll_factor = 8 : i64, sc.parallel_access}
    %parallel_loop3A_268 = arith.constant 0 : i32
    %parallel_loop3A_269 = arith.constant 4096 : i32
    %parallel_loop3A_270 = arith.constant 1 : i32
    scf.for %parallel_loop3A_337 = %parallel_loop3A_268 to %parallel_loop3A_269 step %parallel_loop3A_270  : i32 {
      %parallel_loop3A_338 = arith.constant 16 : i32
      %parallel_loop3A_339 = arith.muli %parallel_loop3A_337, %parallel_loop3A_338 : i32
      %parallel_loop3A_340 = arith.constant 4096 : i32
      %parallel_loop3A_341 = arith.addi %parallel_loop3A_340, %parallel_loop3A_339 : i32
      %parallel_loop3A_342 = arith.index_cast %parallel_loop3A_341 : i32 to index
      %parallel_loop3A_343 = tpu.vector_load %arg8[%parallel_loop3A_342] {strides = array<i32>} : memref<69632xf32, #tpu.memory_space<vmem>>, vector<16xf32>,
      tpu.vector_store %arg8[%parallel_loop3A_342], %broadcast_in_dim3A_1 {strides = array<i32>} : memref<69632xf32, #tpu.memory_space<vmem>>, vector<16xf32>,
    } {sc.loop_unroll_factor = 16 : i64, sc.parallel_access}
    %add3A_271 = arith.constant 31 : i32
    %add3A_272 = arith.addi %add3A_134, %add3A_271 : i32
    %shift_right_arithmetic3A_273 = arith.constant 5 : i32
    %shift_right_arithmetic3A_274 = arith.shrsi %add3A_272, %shift_right_arithmetic3A_273 : i32
    %sub3A_275 = arith.constant 0 : i32
    %sub3A_276 = arith.subi %shift_right_arithmetic3A_274, %sub3A_275 : i32
    %sub3A_277 = arith.constant 1 : i32
    %sub3A_278 = arith.constant 1 : i32
    %sub3A_279 = arith.subi %sub3A_277, %sub3A_278 : i32
    %add3A_280 = arith.addi %sub3A_276, %sub3A_279 : i32
    %div3A_281 = arith.constant 1 : i32
    %div3A_282 = arith.divsi %add3A_280, %div3A_281 : i32
    %while3A_283 = arith.constant 1 : i32
    %while3A_284 = arith.constant 0 : i32
    %while3A_285 = arith.constant 1.52587891E-5 : f32
    %while3A_286 = arith.constant 0 : i32
    %while3A_287 = arith.subi %div3A_282, %while3A_286 : i32
    %while3A_288 = arith.addi %while3A_286, %while3A_287 : i32
    %while3A_289 = arith.constant 1 : i32
    %while3A_290 = arith.divsi %while3A_287, %while3A_289 : i32
    %while3A_291 = arith.muli %while3A_290, %while3A_289 : i32
    %while3A_292 = arith.addi %while3A_286, %while3A_291 : i32
    %while3A_293 = arith.constant 1 : i32
    scf.for %while3A_337 = %while3A_286 to %while3A_292 step %while3A_293  : i32 {
      %mul3A_338 = arith.muli %while3A_337, %while3A_283 : i32
      %add3A_339 = arith.addi %while3A_284, %mul3A_338 : i32
      %mul3A_340 = arith.constant 32 : i32
      %mul3A_341 = arith.muli %add3A_339, %mul3A_340 : i32
      %add3A_342 = arith.addi %add3A_147, %mul3A_341 : i32
      %add3A_343 = arith.constant 0 : i32
      %add3A_344 = arith.addi %add3A_342, %add3A_343 : i32
      %get3A_345 = arith.index_cast %add3A_344 : i32 to index
      %get3A_346 = tpu.vector_load %arg6[%get3A_345] {strides = array<i32>} : memref<16480xi32, #tpu.memory_space<vmem>>, vector<16xi32>,
      %get3A_347 = arith.index_cast %add3A_344 : i32 to index
      %get3A_348 = tpu.vector_load %arg7[%get3A_347] {strides = array<i32>} : memref<16480xi32, #tpu.memory_space<vmem>>, vector<16xi32>,
      %mul3A_349 = arith.constant 32 : i32
      %mul3A_350 = arith.muli %add3A_339, %mul3A_349 : i32
      %add3A_351 = arith.constant 0 : i32
      %add3A_352 = arith.addi %mul3A_350, %add3A_351 : i32
      %add3A_353 = vector.broadcast %add3A_352 : i32 to vector<16xi32>
      %add3A_354 = arith.addi %add3A_353, %iota3A : vector<16xi32>
      %lt3A = vector.broadcast %add3A_134 : i32 to vector<16xi32>
      %lt3A_355 = arith.cmpi slt, %add3A_354, %lt3A : vector<16xi32>
      %and3A_356 = arith.constant 65535 : i32
      %and3A_357 = vector.broadcast %and3A_356 : i32 to vector<16xi32>
      %and3A_358 = arith.andi %get3A_346, %and3A_357 : vector<16xi32>
      %shift_right_logical3A = arith.constant 16 : i32
      %shift_right_logical3A_359 = vector.broadcast %shift_right_logical3A : i32 to vector<16xi32>
      %shift_right_logical3A_360 = arith.shrui %get3A_346, %shift_right_logical3A_359 : vector<16xi32>
      %convert_element_type3A_361 = arith.sitofp %shift_right_logical3A_360 : vector<16xi32> to vector<16xf32>
      %mul3A_362 = vector.broadcast %while3A_285 : f32 to vector<16xf32>
      %mul3A_363 = arith.mulf %convert_element_type3A_361, %mul3A_362 : vector<16xf32>
      %and3A_364 = arith.constant 65535 : i32
      %and3A_365 = vector.broadcast %and3A_364 : i32 to vector<16xi32>
      %and3A_366 = arith.andi %get3A_348, %and3A_365 : vector<16xi32>
      %convert_element_type3A_367 = arith.sitofp %and3A_366 : vector<16xi32> to vector<16xf32>
      %mul3A_368 = vector.broadcast %while3A_285 : f32 to vector<16xf32>
      %mul3A_369 = arith.mulf %convert_element_type3A_367, %mul3A_368 : vector<16xf32>
      %shift_right_logical3A_370 = arith.constant 16 : i32
      %shift_right_logical3A_371 = vector.broadcast %shift_right_logical3A_370 : i32 to vector<16xi32>
      %shift_right_logical3A_372 = arith.shrui %get3A_348, %shift_right_logical3A_371 : vector<16xi32>
      %convert_element_type3A_373 = arith.sitofp %shift_right_logical3A_372 : vector<16xi32> to vector<16xf32>
      %mul3A_374 = vector.broadcast %while3A_285 : f32 to vector<16xf32>
      %mul3A_375 = arith.mulf %convert_element_type3A_373, %mul3A_374 : vector<16xf32>
      %sub3A_376 = arith.constant 1.000000e+00 : f32
      %sub3A_377 = vector.broadcast %sub3A_376 : f32 to vector<16xf32>
      %sub3A_378 = arith.subf %sub3A_377, %mul3A_363 : vector<16xf32>
      %sub3A_379 = arith.constant 1.000000e+00 : f32
      %sub3A_380 = vector.broadcast %sub3A_379 : f32 to vector<16xf32>
      %sub3A_381 = arith.subf %sub3A_380, %mul3A_369 : vector<16xf32>
      %sub3A_382 = arith.constant 1.000000e+00 : f32
      %sub3A_383 = vector.broadcast %sub3A_382 : f32 to vector<16xf32>
      %sub3A_384 = arith.subf %sub3A_383, %mul3A_375 : vector<16xf32>
      %mul3A_385 = arith.mulf %sub3A_378, %sub3A_381 : vector<16xf32>
      %mul3A_386 = arith.mulf %sub3A_378, %mul3A_369 : vector<16xf32>
      %mul3A_387 = arith.mulf %mul3A_363, %sub3A_381 : vector<16xf32>
      %mul3A_388 = arith.mulf %mul3A_363, %mul3A_369 : vector<16xf32>
      %add3A_389 = arith.constant 0 : i32
      %add3A_390 = vector.broadcast %add3A_389 : i32 to vector<16xi32>
      %add3A_391 = arith.addi %and3A_358, %add3A_390 : vector<16xi32>
      %mul3A_392 = arith.mulf %mul3A_385, %sub3A_384 : vector<16xf32>
      tpu.vector_store_idx %arg8[%add3A_391], %mul3A_392 masked %lt3A_355 {add = true} : memref<69632xf32, #tpu.memory_space<vmem>>[vector<16xi32>], vector<16xf32>, vector<16xi1>
      %add3A_393 = arith.constant 1 : i32
      %add3A_394 = vector.broadcast %add3A_393 : i32 to vector<16xi32>
      %add3A_395 = arith.addi %and3A_358, %add3A_394 : vector<16xi32>
      %mul3A_396 = arith.mulf %mul3A_385, %mul3A_375 : vector<16xf32>
      tpu.vector_store_idx %arg8[%add3A_395], %mul3A_396 masked %lt3A_355 {add = true} : memref<69632xf32, #tpu.memory_space<vmem>>[vector<16xi32>], vector<16xf32>, vector<16xi1>
      %add3A_397 = arith.constant 64 : i32
      %add3A_398 = vector.broadcast %add3A_397 : i32 to vector<16xi32>
      %add3A_399 = arith.addi %and3A_358, %add3A_398 : vector<16xi32>
      %mul3A_400 = arith.mulf %mul3A_386, %sub3A_384 : vector<16xf32>
      tpu.vector_store_idx %arg8[%add3A_399], %mul3A_400 masked %lt3A_355 {add = true} : memref<69632xf32, #tpu.memory_space<vmem>>[vector<16xi32>], vector<16xf32>, vector<16xi1>
      %add3A_401 = arith.constant 65 : i32
      %add3A_402 = vector.broadcast %add3A_401 : i32 to vector<16xi32>
      %add3A_403 = arith.addi %and3A_358, %add3A_402 : vector<16xi32>
      %mul3A_404 = arith.mulf %mul3A_386, %mul3A_375 : vector<16xf32>
      tpu.vector_store_idx %arg8[%add3A_403], %mul3A_404 masked %lt3A_355 {add = true} : memref<69632xf32, #tpu.memory_space<vmem>>[vector<16xi32>], vector<16xf32>, vector<16xi1>
      %add3A_405 = arith.constant 4096 : i32
      %add3A_406 = vector.broadcast %add3A_405 : i32 to vector<16xi32>
      %add3A_407 = arith.addi %and3A_358, %add3A_406 : vector<16xi32>
      %mul3A_408 = arith.mulf %mul3A_387, %sub3A_384 : vector<16xf32>
      tpu.vector_store_idx %arg8[%add3A_407], %mul3A_408 masked %lt3A_355 {add = true} : memref<69632xf32, #tpu.memory_space<vmem>>[vector<16xi32>], vector<16xf32>, vector<16xi1>
      %add3A_409 = arith.constant 4097 : i32
      %add3A_410 = vector.broadcast %add3A_409 : i32 to vector<16xi32>
      %add3A_411 = arith.addi %and3A_358, %add3A_410 : vector<16xi32>
      %mul3A_412 = arith.mulf %mul3A_387, %mul3A_375 : vector<16xf32>
      tpu.vector_store_idx %arg8[%add3A_411], %mul3A_412 masked %lt3A_355 {add = true} : memref<69632xf32, #tpu.memory_space<vmem>>[vector<16xi32>], vector<16xf32>, vector<16xi1>
      %add3A_413 = arith.constant 4160 : i32
      %add3A_414 = vector.broadcast %add3A_413 : i32 to vector<16xi32>
      %add3A_415 = arith.addi %and3A_358, %add3A_414 : vector<16xi32>
      %mul3A_416 = arith.mulf %mul3A_388, %sub3A_384 : vector<16xf32>
      tpu.vector_store_idx %arg8[%add3A_415], %mul3A_416 masked %lt3A_355 {add = true} : memref<69632xf32, #tpu.memory_space<vmem>>[vector<16xi32>], vector<16xf32>, vector<16xi1>
      %add3A_417 = arith.constant 4161 : i32
      %add3A_418 = vector.broadcast %add3A_417 : i32 to vector<16xi32>
      %add3A_419 = arith.addi %and3A_358, %add3A_418 : vector<16xi32>
      %mul3A_420 = arith.mulf %mul3A_388, %mul3A_375 : vector<16xf32>
      tpu.vector_store_idx %arg8[%add3A_419], %mul3A_420 masked %lt3A_355 {add = true} : memref<69632xf32, #tpu.memory_space<vmem>>[vector<16xi32>], vector<16xf32>, vector<16xi1>
      %mul3A_421 = arith.constant 32 : i32
      %mul3A_422 = arith.muli %add3A_339, %mul3A_421 : i32
      %add3A_423 = arith.addi %add3A_147, %mul3A_422 : i32
      %add3A_424 = arith.constant 16 : i32
      %add3A_425 = arith.addi %add3A_423, %add3A_424 : i32
      %get3A_426 = arith.index_cast %add3A_425 : i32 to index
      %get3A_427 = tpu.vector_load %arg6[%get3A_426] {strides = array<i32>} : memref<16480xi32, #tpu.memory_space<vmem>>, vector<16xi32>,
      %get3A_428 = arith.index_cast %add3A_425 : i32 to index
      %get3A_429 = tpu.vector_load %arg7[%get3A_428] {strides = array<i32>} : memref<16480xi32, #tpu.memory_space<vmem>>, vector<16xi32>,
      %mul3A_430 = arith.constant 32 : i32
      %mul3A_431 = arith.muli %add3A_339, %mul3A_430 : i32
      %add3A_432 = arith.constant 16 : i32
      %add3A_433 = arith.addi %mul3A_431, %add3A_432 : i32
      %add3A_434 = vector.broadcast %add3A_433 : i32 to vector<16xi32>
      %add3A_435 = arith.addi %add3A_434, %iota3A : vector<16xi32>
      %lt3A_436 = vector.broadcast %add3A_134 : i32 to vector<16xi32>
      %lt3A_437 = arith.cmpi slt, %add3A_435, %lt3A_436 : vector<16xi32>
      %and3A_438 = arith.constant 65535 : i32
      %and3A_439 = vector.broadcast %and3A_438 : i32 to vector<16xi32>
      %and3A_440 = arith.andi %get3A_427, %and3A_439 : vector<16xi32>
      %shift_right_logical3A_441 = arith.constant 16 : i32
      %shift_right_logical3A_442 = vector.broadcast %shift_right_logical3A_441 : i32 to vector<16xi32>
      %shift_right_logical3A_443 = arith.shrui %get3A_427, %shift_right_logical3A_442 : vector<16xi32>
      %convert_element_type3A_444 = arith.sitofp %shift_right_logical3A_443 : vector<16xi32> to vector<16xf32>
      %mul3A_445 = vector.broadcast %while3A_285 : f32 to vector<16xf32>
      %mul3A_446 = arith.mulf %convert_element_type3A_444, %mul3A_445 : vector<16xf32>
      %and3A_447 = arith.constant 65535 : i32
      %and3A_448 = vector.broadcast %and3A_447 : i32 to vector<16xi32>
      %and3A_449 = arith.andi %get3A_429, %and3A_448 : vector<16xi32>
      %convert_element_type3A_450 = arith.sitofp %and3A_449 : vector<16xi32> to vector<16xf32>
      %mul3A_451 = vector.broadcast %while3A_285 : f32 to vector<16xf32>
      %mul3A_452 = arith.mulf %convert_element_type3A_450, %mul3A_451 : vector<16xf32>
      %shift_right_logical3A_453 = arith.constant 16 : i32
      %shift_right_logical3A_454 = vector.broadcast %shift_right_logical3A_453 : i32 to vector<16xi32>
      %shift_right_logical3A_455 = arith.shrui %get3A_429, %shift_right_logical3A_454 : vector<16xi32>
      %convert_element_type3A_456 = arith.sitofp %shift_right_logical3A_455 : vector<16xi32> to vector<16xf32>
      %mul3A_457 = vector.broadcast %while3A_285 : f32 to vector<16xf32>
      %mul3A_458 = arith.mulf %convert_element_type3A_456, %mul3A_457 : vector<16xf32>
      %sub3A_459 = arith.constant 1.000000e+00 : f32
      %sub3A_460 = vector.broadcast %sub3A_459 : f32 to vector<16xf32>
      %sub3A_461 = arith.subf %sub3A_460, %mul3A_446 : vector<16xf32>
      %sub3A_462 = arith.constant 1.000000e+00 : f32
      %sub3A_463 = vector.broadcast %sub3A_462 : f32 to vector<16xf32>
      %sub3A_464 = arith.subf %sub3A_463, %mul3A_452 : vector<16xf32>
      %sub3A_465 = arith.constant 1.000000e+00 : f32
      %sub3A_466 = vector.broadcast %sub3A_465 : f32 to vector<16xf32>
      %sub3A_467 = arith.subf %sub3A_466, %mul3A_458 : vector<16xf32>
      %mul3A_468 = arith.mulf %sub3A_461, %sub3A_464 : vector<16xf32>
      %mul3A_469 = arith.mulf %sub3A_461, %mul3A_452 : vector<16xf32>
      %mul3A_470 = arith.mulf %mul3A_446, %sub3A_464 : vector<16xf32>
      %mul3A_471 = arith.mulf %mul3A_446, %mul3A_452 : vector<16xf32>
      %add3A_472 = arith.constant 0 : i32
      %add3A_473 = vector.broadcast %add3A_472 : i32 to vector<16xi32>
      %add3A_474 = arith.addi %and3A_440, %add3A_473 : vector<16xi32>
      %mul3A_475 = arith.mulf %mul3A_468, %sub3A_467 : vector<16xf32>
      tpu.vector_store_idx %arg8[%add3A_474], %mul3A_475 masked %lt3A_437 {add = true} : memref<69632xf32, #tpu.memory_space<vmem>>[vector<16xi32>], vector<16xf32>, vector<16xi1>
      %add3A_476 = arith.constant 1 : i32
      %add3A_477 = vector.broadcast %add3A_476 : i32 to vector<16xi32>
      %add3A_478 = arith.addi %and3A_440, %add3A_477 : vector<16xi32>
      %mul3A_479 = arith.mulf %mul3A_468, %mul3A_458 : vector<16xf32>
      tpu.vector_store_idx %arg8[%add3A_478], %mul3A_479 masked %lt3A_437 {add = true} : memref<69632xf32, #tpu.memory_space<vmem>>[vector<16xi32>], vector<16xf32>, vector<16xi1>
      %add3A_480 = arith.constant 64 : i32
      %add3A_481 = vector.broadcast %add3A_480 : i32 to vector<16xi32>
      %add3A_482 = arith.addi %and3A_440, %add3A_481 : vector<16xi32>
      %mul3A_483 = arith.mulf %mul3A_469, %sub3A_467 : vector<16xf32>
      tpu.vector_store_idx %arg8[%add3A_482], %mul3A_483 masked %lt3A_437 {add = true} : memref<69632xf32, #tpu.memory_space<vmem>>[vector<16xi32>], vector<16xf32>, vector<16xi1>
      %add3A_484 = arith.constant 65 : i32
      %add3A_485 = vector.broadcast %add3A_484 : i32 to vector<16xi32>
      %add3A_486 = arith.addi %and3A_440, %add3A_485 : vector<16xi32>
      %mul3A_487 = arith.mulf %mul3A_469, %mul3A_458 : vector<16xf32>
      tpu.vector_store_idx %arg8[%add3A_486], %mul3A_487 masked %lt3A_437 {add = true} : memref<69632xf32, #tpu.memory_space<vmem>>[vector<16xi32>], vector<16xf32>, vector<16xi1>
      %add3A_488 = arith.constant 4096 : i32
      %add3A_489 = vector.broadcast %add3A_488 : i32 to vector<16xi32>
      %add3A_490 = arith.addi %and3A_440, %add3A_489 : vector<16xi32>
      %mul3A_491 = arith.mulf %mul3A_470, %sub3A_467 : vector<16xf32>
      tpu.vector_store_idx %arg8[%add3A_490], %mul3A_491 masked %lt3A_437 {add = true} : memref<69632xf32, #tpu.memory_space<vmem>>[vector<16xi32>], vector<16xf32>, vector<16xi1>
      %add3A_492 = arith.constant 4097 : i32
      %add3A_493 = vector.broadcast %add3A_492 : i32 to vector<16xi32>
      %add3A_494 = arith.addi %and3A_440, %add3A_493 : vector<16xi32>
      %mul3A_495 = arith.mulf %mul3A_470, %mul3A_458 : vector<16xf32>
      tpu.vector_store_idx %arg8[%add3A_494], %mul3A_495 masked %lt3A_437 {add = true} : memref<69632xf32, #tpu.memory_space<vmem>>[vector<16xi32>], vector<16xf32>, vector<16xi1>
      %add3A_496 = arith.constant 4160 : i32
      %add3A_497 = vector.broadcast %add3A_496 : i32 to vector<16xi32>
      %add3A_498 = arith.addi %and3A_440, %add3A_497 : vector<16xi32>
      %mul3A_499 = arith.mulf %mul3A_471, %sub3A_467 : vector<16xf32>
      tpu.vector_store_idx %arg8[%add3A_498], %mul3A_499 masked %lt3A_437 {add = true} : memref<69632xf32, #tpu.memory_space<vmem>>[vector<16xi32>], vector<16xf32>, vector<16xi1>
      %add3A_500 = arith.constant 4161 : i32
      %add3A_501 = vector.broadcast %add3A_500 : i32 to vector<16xi32>
      %add3A_502 = arith.addi %and3A_440, %add3A_501 : vector<16xi32>
      %mul3A_503 = arith.mulf %mul3A_471, %mul3A_458 : vector<16xf32>
      tpu.vector_store_idx %arg8[%add3A_502], %mul3A_503 masked %lt3A_437 {add = true} : memref<69632xf32, #tpu.memory_space<vmem>>[vector<16xi32>], vector<16xf32>, vector<16xi1>
    }
    %while3A_294 = arith.constant 1 : i32
    scf.for %while3A_337 = %while3A_292 to %while3A_288 step %while3A_294  : i32 {
      %mul3A_338 = arith.muli %while3A_337, %while3A_283 : i32
      %add3A_339 = arith.addi %while3A_284, %mul3A_338 : i32
      %mul3A_340 = arith.constant 32 : i32
      %mul3A_341 = arith.muli %add3A_339, %mul3A_340 : i32
      %add3A_342 = arith.addi %add3A_147, %mul3A_341 : i32
      %add3A_343 = arith.constant 0 : i32
      %add3A_344 = arith.addi %add3A_342, %add3A_343 : i32
      %get3A_345 = arith.index_cast %add3A_344 : i32 to index
      %get3A_346 = tpu.vector_load %arg6[%get3A_345] {strides = array<i32>} : memref<16480xi32, #tpu.memory_space<vmem>>, vector<16xi32>,
      %get3A_347 = arith.index_cast %add3A_344 : i32 to index
      %get3A_348 = tpu.vector_load %arg7[%get3A_347] {strides = array<i32>} : memref<16480xi32, #tpu.memory_space<vmem>>, vector<16xi32>,
      %mul3A_349 = arith.constant 32 : i32
      %mul3A_350 = arith.muli %add3A_339, %mul3A_349 : i32
      %add3A_351 = arith.constant 0 : i32
      %add3A_352 = arith.addi %mul3A_350, %add3A_351 : i32
      %add3A_353 = vector.broadcast %add3A_352 : i32 to vector<16xi32>
      %add3A_354 = arith.addi %add3A_353, %iota3A : vector<16xi32>
      %lt3A = vector.broadcast %add3A_134 : i32 to vector<16xi32>
      %lt3A_355 = arith.cmpi slt, %add3A_354, %lt3A : vector<16xi32>
      %and3A_356 = arith.constant 65535 : i32
      %and3A_357 = vector.broadcast %and3A_356 : i32 to vector<16xi32>
      %and3A_358 = arith.andi %get3A_346, %and3A_357 : vector<16xi32>
      %shift_right_logical3A = arith.constant 16 : i32
      %shift_right_logical3A_359 = vector.broadcast %shift_right_logical3A : i32 to vector<16xi32>
      %shift_right_logical3A_360 = arith.shrui %get3A_346, %shift_right_logical3A_359 : vector<16xi32>
      %convert_element_type3A_361 = arith.sitofp %shift_right_logical3A_360 : vector<16xi32> to vector<16xf32>
      %mul3A_362 = vector.broadcast %while3A_285 : f32 to vector<16xf32>
      %mul3A_363 = arith.mulf %convert_element_type3A_361, %mul3A_362 : vector<16xf32>
      %and3A_364 = arith.constant 65535 : i32
      %and3A_365 = vector.broadcast %and3A_364 : i32 to vector<16xi32>
      %and3A_366 = arith.andi %get3A_348, %and3A_365 : vector<16xi32>
      %convert_element_type3A_367 = arith.sitofp %and3A_366 : vector<16xi32> to vector<16xf32>
      %mul3A_368 = vector.broadcast %while3A_285 : f32 to vector<16xf32>
      %mul3A_369 = arith.mulf %convert_element_type3A_367, %mul3A_368 : vector<16xf32>
      %shift_right_logical3A_370 = arith.constant 16 : i32
      %shift_right_logical3A_371 = vector.broadcast %shift_right_logical3A_370 : i32 to vector<16xi32>
      %shift_right_logical3A_372 = arith.shrui %get3A_348, %shift_right_logical3A_371 : vector<16xi32>
      %convert_element_type3A_373 = arith.sitofp %shift_right_logical3A_372 : vector<16xi32> to vector<16xf32>
      %mul3A_374 = vector.broadcast %while3A_285 : f32 to vector<16xf32>
      %mul3A_375 = arith.mulf %convert_element_type3A_373, %mul3A_374 : vector<16xf32>
      %sub3A_376 = arith.constant 1.000000e+00 : f32
      %sub3A_377 = vector.broadcast %sub3A_376 : f32 to vector<16xf32>
      %sub3A_378 = arith.subf %sub3A_377, %mul3A_363 : vector<16xf32>
      %sub3A_379 = arith.constant 1.000000e+00 : f32
      %sub3A_380 = vector.broadcast %sub3A_379 : f32 to vector<16xf32>
      %sub3A_381 = arith.subf %sub3A_380, %mul3A_369 : vector<16xf32>
      %sub3A_382 = arith.constant 1.000000e+00 : f32
      %sub3A_383 = vector.broadcast %sub3A_382 : f32 to vector<16xf32>
      %sub3A_384 = arith.subf %sub3A_383, %mul3A_375 : vector<16xf32>
      %mul3A_385 = arith.mulf %sub3A_378, %sub3A_381 : vector<16xf32>
      %mul3A_386 = arith.mulf %sub3A_378, %mul3A_369 : vector<16xf32>
      %mul3A_387 = arith.mulf %mul3A_363, %sub3A_381 : vector<16xf32>
      %mul3A_388 = arith.mulf %mul3A_363, %mul3A_369 : vector<16xf32>
      %add3A_389 = arith.constant 0 : i32
      %add3A_390 = vector.broadcast %add3A_389 : i32 to vector<16xi32>
      %add3A_391 = arith.addi %and3A_358, %add3A_390 : vector<16xi32>
      %mul3A_392 = arith.mulf %mul3A_385, %sub3A_384 : vector<16xf32>
      tpu.vector_store_idx %arg8[%add3A_391], %mul3A_392 masked %lt3A_355 {add = true} : memref<69632xf32, #tpu.memory_space<vmem>>[vector<16xi32>], vector<16xf32>, vector<16xi1>
      %add3A_393 = arith.constant 1 : i32
      %add3A_394 = vector.broadcast %add3A_393 : i32 to vector<16xi32>
      %add3A_395 = arith.addi %and3A_358, %add3A_394 : vector<16xi32>
      %mul3A_396 = arith.mulf %mul3A_385, %mul3A_375 : vector<16xf32>
      tpu.vector_store_idx %arg8[%add3A_395], %mul3A_396 masked %lt3A_355 {add = true} : memref<69632xf32, #tpu.memory_space<vmem>>[vector<16xi32>], vector<16xf32>, vector<16xi1>
      %add3A_397 = arith.constant 64 : i32
      %add3A_398 = vector.broadcast %add3A_397 : i32 to vector<16xi32>
      %add3A_399 = arith.addi %and3A_358, %add3A_398 : vector<16xi32>
      %mul3A_400 = arith.mulf %mul3A_386, %sub3A_384 : vector<16xf32>
      tpu.vector_store_idx %arg8[%add3A_399], %mul3A_400 masked %lt3A_355 {add = true} : memref<69632xf32, #tpu.memory_space<vmem>>[vector<16xi32>], vector<16xf32>, vector<16xi1>
      %add3A_401 = arith.constant 65 : i32
      %add3A_402 = vector.broadcast %add3A_401 : i32 to vector<16xi32>
      %add3A_403 = arith.addi %and3A_358, %add3A_402 : vector<16xi32>
      %mul3A_404 = arith.mulf %mul3A_386, %mul3A_375 : vector<16xf32>
      tpu.vector_store_idx %arg8[%add3A_403], %mul3A_404 masked %lt3A_355 {add = true} : memref<69632xf32, #tpu.memory_space<vmem>>[vector<16xi32>], vector<16xf32>, vector<16xi1>
      %add3A_405 = arith.constant 4096 : i32
      %add3A_406 = vector.broadcast %add3A_405 : i32 to vector<16xi32>
      %add3A_407 = arith.addi %and3A_358, %add3A_406 : vector<16xi32>
      %mul3A_408 = arith.mulf %mul3A_387, %sub3A_384 : vector<16xf32>
      tpu.vector_store_idx %arg8[%add3A_407], %mul3A_408 masked %lt3A_355 {add = true} : memref<69632xf32, #tpu.memory_space<vmem>>[vector<16xi32>], vector<16xf32>, vector<16xi1>
      %add3A_409 = arith.constant 4097 : i32
      %add3A_410 = vector.broadcast %add3A_409 : i32 to vector<16xi32>
      %add3A_411 = arith.addi %and3A_358, %add3A_410 : vector<16xi32>
      %mul3A_412 = arith.mulf %mul3A_387, %mul3A_375 : vector<16xf32>
      tpu.vector_store_idx %arg8[%add3A_411], %mul3A_412 masked %lt3A_355 {add = true} : memref<69632xf32, #tpu.memory_space<vmem>>[vector<16xi32>], vector<16xf32>, vector<16xi1>
      %add3A_413 = arith.constant 4160 : i32
      %add3A_414 = vector.broadcast %add3A_413 : i32 to vector<16xi32>
      %add3A_415 = arith.addi %and3A_358, %add3A_414 : vector<16xi32>
      %mul3A_416 = arith.mulf %mul3A_388, %sub3A_384 : vector<16xf32>
      tpu.vector_store_idx %arg8[%add3A_415], %mul3A_416 masked %lt3A_355 {add = true} : memref<69632xf32, #tpu.memory_space<vmem>>[vector<16xi32>], vector<16xf32>, vector<16xi1>
      %add3A_417 = arith.constant 4161 : i32
      %add3A_418 = vector.broadcast %add3A_417 : i32 to vector<16xi32>
      %add3A_419 = arith.addi %and3A_358, %add3A_418 : vector<16xi32>
      %mul3A_420 = arith.mulf %mul3A_388, %mul3A_375 : vector<16xf32>
      tpu.vector_store_idx %arg8[%add3A_419], %mul3A_420 masked %lt3A_355 {add = true} : memref<69632xf32, #tpu.memory_space<vmem>>[vector<16xi32>], vector<16xf32>, vector<16xi1>
      %mul3A_421 = arith.constant 32 : i32
      %mul3A_422 = arith.muli %add3A_339, %mul3A_421 : i32
      %add3A_423 = arith.addi %add3A_147, %mul3A_422 : i32
      %add3A_424 = arith.constant 16 : i32
      %add3A_425 = arith.addi %add3A_423, %add3A_424 : i32
      %get3A_426 = arith.index_cast %add3A_425 : i32 to index
      %get3A_427 = tpu.vector_load %arg6[%get3A_426] {strides = array<i32>} : memref<16480xi32, #tpu.memory_space<vmem>>, vector<16xi32>,
      %get3A_428 = arith.index_cast %add3A_425 : i32 to index
      %get3A_429 = tpu.vector_load %arg7[%get3A_428] {strides = array<i32>} : memref<16480xi32, #tpu.memory_space<vmem>>, vector<16xi32>,
      %mul3A_430 = arith.constant 32 : i32
      %mul3A_431 = arith.muli %add3A_339, %mul3A_430 : i32
      %add3A_432 = arith.constant 16 : i32
      %add3A_433 = arith.addi %mul3A_431, %add3A_432 : i32
      %add3A_434 = vector.broadcast %add3A_433 : i32 to vector<16xi32>
      %add3A_435 = arith.addi %add3A_434, %iota3A : vector<16xi32>
      %lt3A_436 = vector.broadcast %add3A_134 : i32 to vector<16xi32>
      %lt3A_437 = arith.cmpi slt, %add3A_435, %lt3A_436 : vector<16xi32>
      %and3A_438 = arith.constant 65535 : i32
      %and3A_439 = vector.broadcast %and3A_438 : i32 to vector<16xi32>
      %and3A_440 = arith.andi %get3A_427, %and3A_439 : vector<16xi32>
      %shift_right_logical3A_441 = arith.constant 16 : i32
      %shift_right_logical3A_442 = vector.broadcast %shift_right_logical3A_441 : i32 to vector<16xi32>
      %shift_right_logical3A_443 = arith.shrui %get3A_427, %shift_right_logical3A_442 : vector<16xi32>
      %convert_element_type3A_444 = arith.sitofp %shift_right_logical3A_443 : vector<16xi32> to vector<16xf32>
      %mul3A_445 = vector.broadcast %while3A_285 : f32 to vector<16xf32>
      %mul3A_446 = arith.mulf %convert_element_type3A_444, %mul3A_445 : vector<16xf32>
      %and3A_447 = arith.constant 65535 : i32
      %and3A_448 = vector.broadcast %and3A_447 : i32 to vector<16xi32>
      %and3A_449 = arith.andi %get3A_429, %and3A_448 : vector<16xi32>
      %convert_element_type3A_450 = arith.sitofp %and3A_449 : vector<16xi32> to vector<16xf32>
      %mul3A_451 = vector.broadcast %while3A_285 : f32 to vector<16xf32>
      %mul3A_452 = arith.mulf %convert_element_type3A_450, %mul3A_451 : vector<16xf32>
      %shift_right_logical3A_453 = arith.constant 16 : i32
      %shift_right_logical3A_454 = vector.broadcast %shift_right_logical3A_453 : i32 to vector<16xi32>
      %shift_right_logical3A_455 = arith.shrui %get3A_429, %shift_right_logical3A_454 : vector<16xi32>
      %convert_element_type3A_456 = arith.sitofp %shift_right_logical3A_455 : vector<16xi32> to vector<16xf32>
      %mul3A_457 = vector.broadcast %while3A_285 : f32 to vector<16xf32>
      %mul3A_458 = arith.mulf %convert_element_type3A_456, %mul3A_457 : vector<16xf32>
      %sub3A_459 = arith.constant 1.000000e+00 : f32
      %sub3A_460 = vector.broadcast %sub3A_459 : f32 to vector<16xf32>
      %sub3A_461 = arith.subf %sub3A_460, %mul3A_446 : vector<16xf32>
      %sub3A_462 = arith.constant 1.000000e+00 : f32
      %sub3A_463 = vector.broadcast %sub3A_462 : f32 to vector<16xf32>
      %sub3A_464 = arith.subf %sub3A_463, %mul3A_452 : vector<16xf32>
      %sub3A_465 = arith.constant 1.000000e+00 : f32
      %sub3A_466 = vector.broadcast %sub3A_465 : f32 to vector<16xf32>
      %sub3A_467 = arith.subf %sub3A_466, %mul3A_458 : vector<16xf32>
      %mul3A_468 = arith.mulf %sub3A_461, %sub3A_464 : vector<16xf32>
      %mul3A_469 = arith.mulf %sub3A_461, %mul3A_452 : vector<16xf32>
      %mul3A_470 = arith.mulf %mul3A_446, %sub3A_464 : vector<16xf32>
      %mul3A_471 = arith.mulf %mul3A_446, %mul3A_452 : vector<16xf32>
      %add3A_472 = arith.constant 0 : i32
      %add3A_473 = vector.broadcast %add3A_472 : i32 to vector<16xi32>
      %add3A_474 = arith.addi %and3A_440, %add3A_473 : vector<16xi32>
      %mul3A_475 = arith.mulf %mul3A_468, %sub3A_467 : vector<16xf32>
      tpu.vector_store_idx %arg8[%add3A_474], %mul3A_475 masked %lt3A_437 {add = true} : memref<69632xf32, #tpu.memory_space<vmem>>[vector<16xi32>], vector<16xf32>, vector<16xi1>
      %add3A_476 = arith.constant 1 : i32
      %add3A_477 = vector.broadcast %add3A_476 : i32 to vector<16xi32>
      %add3A_478 = arith.addi %and3A_440, %add3A_477 : vector<16xi32>
      %mul3A_479 = arith.mulf %mul3A_468, %mul3A_458 : vector<16xf32>
      tpu.vector_store_idx %arg8[%add3A_478], %mul3A_479 masked %lt3A_437 {add = true} : memref<69632xf32, #tpu.memory_space<vmem>>[vector<16xi32>], vector<16xf32>, vector<16xi1>
      %add3A_480 = arith.constant 64 : i32
      %add3A_481 = vector.broadcast %add3A_480 : i32 to vector<16xi32>
      %add3A_482 = arith.addi %and3A_440, %add3A_481 : vector<16xi32>
      %mul3A_483 = arith.mulf %mul3A_469, %sub3A_467 : vector<16xf32>
      tpu.vector_store_idx %arg8[%add3A_482], %mul3A_483 masked %lt3A_437 {add = true} : memref<69632xf32, #tpu.memory_space<vmem>>[vector<16xi32>], vector<16xf32>, vector<16xi1>
      %add3A_484 = arith.constant 65 : i32
      %add3A_485 = vector.broadcast %add3A_484 : i32 to vector<16xi32>
      %add3A_486 = arith.addi %and3A_440, %add3A_485 : vector<16xi32>
      %mul3A_487 = arith.mulf %mul3A_469, %mul3A_458 : vector<16xf32>
      tpu.vector_store_idx %arg8[%add3A_486], %mul3A_487 masked %lt3A_437 {add = true} : memref<69632xf32, #tpu.memory_space<vmem>>[vector<16xi32>], vector<16xf32>, vector<16xi1>
      %add3A_488 = arith.constant 4096 : i32
      %add3A_489 = vector.broadcast %add3A_488 : i32 to vector<16xi32>
      %add3A_490 = arith.addi %and3A_440, %add3A_489 : vector<16xi32>
      %mul3A_491 = arith.mulf %mul3A_470, %sub3A_467 : vector<16xf32>
      tpu.vector_store_idx %arg8[%add3A_490], %mul3A_491 masked %lt3A_437 {add = true} : memref<69632xf32, #tpu.memory_space<vmem>>[vector<16xi32>], vector<16xf32>, vector<16xi1>
      %add3A_492 = arith.constant 4097 : i32
      %add3A_493 = vector.broadcast %add3A_492 : i32 to vector<16xi32>
      %add3A_494 = arith.addi %and3A_440, %add3A_493 : vector<16xi32>
      %mul3A_495 = arith.mulf %mul3A_470, %mul3A_458 : vector<16xf32>
      tpu.vector_store_idx %arg8[%add3A_494], %mul3A_495 masked %lt3A_437 {add = true} : memref<69632xf32, #tpu.memory_space<vmem>>[vector<16xi32>], vector<16xf32>, vector<16xi1>
      %add3A_496 = arith.constant 4160 : i32
      %add3A_497 = vector.broadcast %add3A_496 : i32 to vector<16xi32>
      %add3A_498 = arith.addi %and3A_440, %add3A_497 : vector<16xi32>
      %mul3A_499 = arith.mulf %mul3A_471, %sub3A_467 : vector<16xf32>
      tpu.vector_store_idx %arg8[%add3A_498], %mul3A_499 masked %lt3A_437 {add = true} : memref<69632xf32, #tpu.memory_space<vmem>>[vector<16xi32>], vector<16xf32>, vector<16xi1>
      %add3A_500 = arith.constant 4161 : i32
      %add3A_501 = vector.broadcast %add3A_500 : i32 to vector<16xi32>
      %add3A_502 = arith.addi %and3A_440, %add3A_501 : vector<16xi32>
      %mul3A_503 = arith.mulf %mul3A_471, %mul3A_458 : vector<16xf32>
      tpu.vector_store_idx %arg8[%add3A_502], %mul3A_503 masked %lt3A_437 {add = true} : memref<69632xf32, #tpu.memory_space<vmem>>[vector<16xi32>], vector<16xf32>, vector<16xi1>
    }
    %add3A_295 = arith.constant 2080 : i32
    %add3A_296 = vector.broadcast %add3A_295 : i32 to vector<16xi32>
    %add3A_297 = arith.addi %iota3A, %add3A_296 : vector<16xi32>
    %eq3A = arith.constant 2080 : i32
    %eq3A_298 = vector.broadcast %eq3A : i32 to vector<16xi32>
    %eq3A_299 = arith.cmpi eq, %add3A_297, %eq3A_298 : vector<16xi32>
    %convert_element_type3A_300 = arith.extui %eq3A_299 : vector<16xi1> to vector<16xi32>
    %convert_element_type3A_301 = arith.sitofp %convert_element_type3A_300 : vector<16xi32> to vector<16xf32>
    %get3A = arith.constant 2080 : index
    %get3A_302 = tpu.vector_load %arg8[%get3A] {strides = array<i32>} : memref<69632xf32, #tpu.memory_space<vmem>>, vector<16xf32>,
    %mul3A_303 = vector.broadcast %convert_element_type3A : f32 to vector<16xf32>
    %mul3A_304 = arith.mulf %mul3A_303, %convert_element_type3A_301 : vector<16xf32>
    %sub3A_305 = arith.subf %get3A_302, %mul3A_304 : vector<16xf32>
    %swap3A = arith.constant 2080 : index
    %swap3A_306 = tpu.vector_load %arg8[%swap3A] {strides = array<i32>} : memref<69632xf32, #tpu.memory_space<vmem>>, vector<16xf32>,
    tpu.vector_store %arg8[%swap3A], %sub3A_305 {strides = array<i32>} : memref<69632xf32, #tpu.memory_space<vmem>>, vector<16xf32>,
    "tpu.region"() ({
      %run_scoped3A = tpu.sem_alloc : memref<!tpu.dma_semaphore, #tpu.memory_space<semaphore_mem>>
      %dma_start3A_337 = arith.constant 0 : i32
      %dma_start3A_338 = tpu.memref_slice %arg8[%dma_start3A_337] : memref<69632xf32, #tpu.memory_space<vmem>> -> memref<65536xf32, #tpu.memory_space<vmem>>
      %dma_start3A_339 = arith.constant 131072 : i32
      %dma_start3A_340 = tpu.memref_slice %arg5[%add3A, %dma_start3A_339] : memref<32x262144xf32, #tpu.memory_space<hbm>> -> memref<1x65536xf32, #tpu.memory_space<hbm>>
      %dma_start3A_341 = tpu.memref_squeeze %dma_start3A_340 : memref<1x65536xf32, #tpu.memory_space<hbm>> -> memref<65536xf32, #tpu.memory_space<hbm>>
      %dma_start3A_342 = arith.constant 131072 : i32
      %dma_start3A_343 = tpu.memref_slice %arg5[%add3A, %dma_start3A_342] : memref<32x262144xf32, #tpu.memory_space<hbm>> -> memref<1x65536xf32, #tpu.memory_space<hbm>>
      %dma_start3A_344 = tpu.memref_squeeze %dma_start3A_343 : memref<1x65536xf32, #tpu.memory_space<hbm>> -> memref<65536xf32, #tpu.memory_space<hbm>>
      %dma_start3A_345 = arith.constant 0 : i32
      %dma_start3A_346 = tpu.memref_slice %arg8[%dma_start3A_345] : memref<69632xf32, #tpu.memory_space<vmem>> -> memref<65536xf32, #tpu.memory_space<vmem>>
      tpu.enqueue_dma source(%dma_start3A_346 : memref<65536xf32, #tpu.memory_space<vmem>>) target(%dma_start3A_344 : memref<65536xf32, #tpu.memory_space<hbm>>) target_semaphore(%run_scoped3A : memref<!tpu.dma_semaphore, #tpu.memory_space<semaphore_mem>>)
      %dma_wait3A_347 = arith.constant 0 : i32
      %dma_wait3A_348 = tpu.memref_slice %arg8[%dma_wait3A_347] : memref<69632xf32, #tpu.memory_space<vmem>> -> memref<65536xf32, #tpu.memory_space<vmem>>
      %dma_wait3A_349 = arith.constant 131072 : i32
      %dma_wait3A_350 = tpu.memref_slice %arg5[%add3A, %dma_wait3A_349] : memref<32x262144xf32, #tpu.memory_space<hbm>> -> memref<1x65536xf32, #tpu.memory_space<hbm>>
      %dma_wait3A_351 = tpu.memref_squeeze %dma_wait3A_350 : memref<1x65536xf32, #tpu.memory_space<hbm>> -> memref<65536xf32, #tpu.memory_space<hbm>>
      %dma_wait3A_352 = arith.constant 131072 : i32
      %dma_wait3A_353 = tpu.memref_slice %arg5[%add3A, %dma_wait3A_352] : memref<32x262144xf32, #tpu.memory_space<hbm>> -> memref<1x65536xf32, #tpu.memory_space<hbm>>
      %dma_wait3A_354 = tpu.memref_squeeze %dma_wait3A_353 : memref<1x65536xf32, #tpu.memory_space<hbm>> -> memref<65536xf32, #tpu.memory_space<hbm>>
      %dma_wait3A_355 = arith.constant 0 : i32
      %dma_wait3A_356 = tpu.memref_slice %arg8[%dma_wait3A_355] : memref<69632xf32, #tpu.memory_space<vmem>> -> memref<65536xf32, #tpu.memory_space<vmem>>
      tpu.wait_dma2 semaphore(%run_scoped3A : memref<!tpu.dma_semaphore, #tpu.memory_space<semaphore_mem>>) src(%dma_wait3A_356 : memref<65536xf32, #tpu.memory_space<vmem>>) dst(%dma_wait3A_354 : memref<65536xf32, #tpu.memory_space<hbm>>)
      tpu.yield
    }) : () -> ()
    %parallel_loop3A_307 = arith.constant 0 : i32
    %parallel_loop3A_308 = arith.constant 256 : i32
    %parallel_loop3A_309 = arith.constant 1 : i32
    scf.for %parallel_loop3A_337 = %parallel_loop3A_307 to %parallel_loop3A_308 step %parallel_loop3A_309  : i32 {
      %parallel_loop3A_338 = arith.constant 16 : i32
      %parallel_loop3A_339 = arith.muli %parallel_loop3A_337, %parallel_loop3A_338 : i32
      %parallel_loop3A_340 = arith.constant 65536 : i32
      %parallel_loop3A_341 = arith.addi %parallel_loop3A_340, %parallel_loop3A_339 : i32
      %parallel_loop3A_342 = arith.index_cast %parallel_loop3A_341 : i32 to index
      %parallel_loop3A_343 = tpu.vector_load %arg8[%parallel_loop3A_342] {strides = array<i32>} : memref<69632xf32, #tpu.memory_space<vmem>>, vector<16xf32>,
      %parallel_loop3A_344 = arith.constant 16 : i32
      %parallel_loop3A_345 = arith.muli %parallel_loop3A_337, %parallel_loop3A_344 : i32
      %parallel_loop3A_346 = arith.index_cast %parallel_loop3A_345 : i32 to index
      %parallel_loop3A_347 = tpu.vector_load %arg8[%parallel_loop3A_346] {strides = array<i32>} : memref<69632xf32, #tpu.memory_space<vmem>>, vector<16xf32>,
      tpu.vector_store %arg8[%parallel_loop3A_346], %parallel_loop3A_343 {strides = array<i32>} : memref<69632xf32, #tpu.memory_space<vmem>>, vector<16xf32>,
    } {sc.loop_unroll_factor = 8 : i64, sc.parallel_access}
    %parallel_loop3A_310 = arith.constant 0 : i32
    %parallel_loop3A_311 = arith.constant 4096 : i32
    %parallel_loop3A_312 = arith.constant 1 : i32
    scf.for %parallel_loop3A_337 = %parallel_loop3A_310 to %parallel_loop3A_311 step %parallel_loop3A_312  : i32 {
      %parallel_loop3A_338 = arith.constant 16 : i32
      %parallel_loop3A_339 = arith.muli %parallel_loop3A_337, %parallel_loop3A_338 : i32
      %parallel_loop3A_340 = arith.constant 4096 : i32
      %parallel_loop3A_341 = arith.addi %parallel_loop3A_340, %parallel_loop3A_339 : i32
      %parallel_loop3A_342 = arith.index_cast %parallel_loop3A_341 : i32 to index
      %parallel_loop3A_343 = tpu.vector_load %arg8[%parallel_loop3A_342] {strides = array<i32>} : memref<69632xf32, #tpu.memory_space<vmem>>, vector<16xf32>,
      tpu.vector_store %arg8[%parallel_loop3A_342], %broadcast_in_dim3A_1 {strides = array<i32>} : memref<69632xf32, #tpu.memory_space<vmem>>, vector<16xf32>,
    } {sc.loop_unroll_factor = 16 : i64, sc.parallel_access}
    %add3A_313 = arith.constant 31 : i32
    %add3A_314 = arith.addi %add3A_137, %add3A_313 : i32
    %shift_right_arithmetic3A_315 = arith.constant 5 : i32
    %shift_right_arithmetic3A_316 = arith.shrsi %add3A_314, %shift_right_arithmetic3A_315 : i32
    %sub3A_317 = arith.constant 0 : i32
    %sub3A_318 = arith.subi %shift_right_arithmetic3A_316, %sub3A_317 : i32
    %sub3A_319 = arith.constant 1 : i32
    %sub3A_320 = arith.constant 1 : i32
    %sub3A_321 = arith.subi %sub3A_319, %sub3A_320 : i32
    %add3A_322 = arith.addi %sub3A_318, %sub3A_321 : i32
    %div3A_323 = arith.constant 1 : i32
    %div3A_324 = arith.divsi %add3A_322, %div3A_323 : i32
    %while3A_325 = arith.constant 1 : i32
    %while3A_326 = arith.constant 0 : i32
    %while3A_327 = arith.constant 1.52587891E-5 : f32
    %while3A_328 = arith.constant 0 : i32
    %while3A_329 = arith.subi %div3A_324, %while3A_328 : i32
    %while3A_330 = arith.addi %while3A_328, %while3A_329 : i32
    %while3A_331 = arith.constant 1 : i32
    %while3A_332 = arith.divsi %while3A_329, %while3A_331 : i32
    %while3A_333 = arith.muli %while3A_332, %while3A_331 : i32
    %while3A_334 = arith.addi %while3A_328, %while3A_333 : i32
    %while3A_335 = arith.constant 1 : i32
    scf.for %while3A_337 = %while3A_328 to %while3A_334 step %while3A_335  : i32 {
      %mul3A_338 = arith.muli %while3A_337, %while3A_325 : i32
      %add3A_339 = arith.addi %while3A_326, %mul3A_338 : i32
      %mul3A_340 = arith.constant 32 : i32
      %mul3A_341 = arith.muli %add3A_339, %mul3A_340 : i32
      %add3A_342 = arith.addi %add3A_152, %mul3A_341 : i32
      %add3A_343 = arith.constant 0 : i32
      %add3A_344 = arith.addi %add3A_342, %add3A_343 : i32
      %get3A_345 = arith.index_cast %add3A_344 : i32 to index
      %get3A_346 = tpu.vector_load %arg6[%get3A_345] {strides = array<i32>} : memref<16480xi32, #tpu.memory_space<vmem>>, vector<16xi32>,
      %get3A_347 = arith.index_cast %add3A_344 : i32 to index
      %get3A_348 = tpu.vector_load %arg7[%get3A_347] {strides = array<i32>} : memref<16480xi32, #tpu.memory_space<vmem>>, vector<16xi32>,
      %mul3A_349 = arith.constant 32 : i32
      %mul3A_350 = arith.muli %add3A_339, %mul3A_349 : i32
      %add3A_351 = arith.constant 0 : i32
      %add3A_352 = arith.addi %mul3A_350, %add3A_351 : i32
      %add3A_353 = vector.broadcast %add3A_352 : i32 to vector<16xi32>
      %add3A_354 = arith.addi %add3A_353, %iota3A : vector<16xi32>
      %lt3A = vector.broadcast %add3A_137 : i32 to vector<16xi32>
      %lt3A_355 = arith.cmpi slt, %add3A_354, %lt3A : vector<16xi32>
      %and3A_356 = arith.constant 65535 : i32
      %and3A_357 = vector.broadcast %and3A_356 : i32 to vector<16xi32>
      %and3A_358 = arith.andi %get3A_346, %and3A_357 : vector<16xi32>
      %shift_right_logical3A = arith.constant 16 : i32
      %shift_right_logical3A_359 = vector.broadcast %shift_right_logical3A : i32 to vector<16xi32>
      %shift_right_logical3A_360 = arith.shrui %get3A_346, %shift_right_logical3A_359 : vector<16xi32>
      %convert_element_type3A_361 = arith.sitofp %shift_right_logical3A_360 : vector<16xi32> to vector<16xf32>
      %mul3A_362 = vector.broadcast %while3A_327 : f32 to vector<16xf32>
      %mul3A_363 = arith.mulf %convert_element_type3A_361, %mul3A_362 : vector<16xf32>
      %and3A_364 = arith.constant 65535 : i32
      %and3A_365 = vector.broadcast %and3A_364 : i32 to vector<16xi32>
      %and3A_366 = arith.andi %get3A_348, %and3A_365 : vector<16xi32>
      %convert_element_type3A_367 = arith.sitofp %and3A_366 : vector<16xi32> to vector<16xf32>
      %mul3A_368 = vector.broadcast %while3A_327 : f32 to vector<16xf32>
      %mul3A_369 = arith.mulf %convert_element_type3A_367, %mul3A_368 : vector<16xf32>
      %shift_right_logical3A_370 = arith.constant 16 : i32
      %shift_right_logical3A_371 = vector.broadcast %shift_right_logical3A_370 : i32 to vector<16xi32>
      %shift_right_logical3A_372 = arith.shrui %get3A_348, %shift_right_logical3A_371 : vector<16xi32>
      %convert_element_type3A_373 = arith.sitofp %shift_right_logical3A_372 : vector<16xi32> to vector<16xf32>
      %mul3A_374 = vector.broadcast %while3A_327 : f32 to vector<16xf32>
      %mul3A_375 = arith.mulf %convert_element_type3A_373, %mul3A_374 : vector<16xf32>
      %sub3A_376 = arith.constant 1.000000e+00 : f32
      %sub3A_377 = vector.broadcast %sub3A_376 : f32 to vector<16xf32>
      %sub3A_378 = arith.subf %sub3A_377, %mul3A_363 : vector<16xf32>
      %sub3A_379 = arith.constant 1.000000e+00 : f32
      %sub3A_380 = vector.broadcast %sub3A_379 : f32 to vector<16xf32>
      %sub3A_381 = arith.subf %sub3A_380, %mul3A_369 : vector<16xf32>
      %sub3A_382 = arith.constant 1.000000e+00 : f32
      %sub3A_383 = vector.broadcast %sub3A_382 : f32 to vector<16xf32>
      %sub3A_384 = arith.subf %sub3A_383, %mul3A_375 : vector<16xf32>
      %mul3A_385 = arith.mulf %sub3A_378, %sub3A_381 : vector<16xf32>
      %mul3A_386 = arith.mulf %sub3A_378, %mul3A_369 : vector<16xf32>
      %mul3A_387 = arith.mulf %mul3A_363, %sub3A_381 : vector<16xf32>
      %mul3A_388 = arith.mulf %mul3A_363, %mul3A_369 : vector<16xf32>
      %add3A_389 = arith.constant 0 : i32
      %add3A_390 = vector.broadcast %add3A_389 : i32 to vector<16xi32>
      %add3A_391 = arith.addi %and3A_358, %add3A_390 : vector<16xi32>
      %mul3A_392 = arith.mulf %mul3A_385, %sub3A_384 : vector<16xf32>
      tpu.vector_store_idx %arg8[%add3A_391], %mul3A_392 masked %lt3A_355 {add = true} : memref<69632xf32, #tpu.memory_space<vmem>>[vector<16xi32>], vector<16xf32>, vector<16xi1>
      %add3A_393 = arith.constant 1 : i32
      %add3A_394 = vector.broadcast %add3A_393 : i32 to vector<16xi32>
      %add3A_395 = arith.addi %and3A_358, %add3A_394 : vector<16xi32>
      %mul3A_396 = arith.mulf %mul3A_385, %mul3A_375 : vector<16xf32>
      tpu.vector_store_idx %arg8[%add3A_395], %mul3A_396 masked %lt3A_355 {add = true} : memref<69632xf32, #tpu.memory_space<vmem>>[vector<16xi32>], vector<16xf32>, vector<16xi1>
      %add3A_397 = arith.constant 64 : i32
      %add3A_398 = vector.broadcast %add3A_397 : i32 to vector<16xi32>
      %add3A_399 = arith.addi %and3A_358, %add3A_398 : vector<16xi32>
      %mul3A_400 = arith.mulf %mul3A_386, %sub3A_384 : vector<16xf32>
      tpu.vector_store_idx %arg8[%add3A_399], %mul3A_400 masked %lt3A_355 {add = true} : memref<69632xf32, #tpu.memory_space<vmem>>[vector<16xi32>], vector<16xf32>, vector<16xi1>
      %add3A_401 = arith.constant 65 : i32
      %add3A_402 = vector.broadcast %add3A_401 : i32 to vector<16xi32>
      %add3A_403 = arith.addi %and3A_358, %add3A_402 : vector<16xi32>
      %mul3A_404 = arith.mulf %mul3A_386, %mul3A_375 : vector<16xf32>
      tpu.vector_store_idx %arg8[%add3A_403], %mul3A_404 masked %lt3A_355 {add = true} : memref<69632xf32, #tpu.memory_space<vmem>>[vector<16xi32>], vector<16xf32>, vector<16xi1>
      %add3A_405 = arith.constant 4096 : i32
      %add3A_406 = vector.broadcast %add3A_405 : i32 to vector<16xi32>
      %add3A_407 = arith.addi %and3A_358, %add3A_406 : vector<16xi32>
      %mul3A_408 = arith.mulf %mul3A_387, %sub3A_384 : vector<16xf32>
      tpu.vector_store_idx %arg8[%add3A_407], %mul3A_408 masked %lt3A_355 {add = true} : memref<69632xf32, #tpu.memory_space<vmem>>[vector<16xi32>], vector<16xf32>, vector<16xi1>
      %add3A_409 = arith.constant 4097 : i32
      %add3A_410 = vector.broadcast %add3A_409 : i32 to vector<16xi32>
      %add3A_411 = arith.addi %and3A_358, %add3A_410 : vector<16xi32>
      %mul3A_412 = arith.mulf %mul3A_387, %mul3A_375 : vector<16xf32>
      tpu.vector_store_idx %arg8[%add3A_411], %mul3A_412 masked %lt3A_355 {add = true} : memref<69632xf32, #tpu.memory_space<vmem>>[vector<16xi32>], vector<16xf32>, vector<16xi1>
      %add3A_413 = arith.constant 4160 : i32
      %add3A_414 = vector.broadcast %add3A_413 : i32 to vector<16xi32>
      %add3A_415 = arith.addi %and3A_358, %add3A_414 : vector<16xi32>
      %mul3A_416 = arith.mulf %mul3A_388, %sub3A_384 : vector<16xf32>
      tpu.vector_store_idx %arg8[%add3A_415], %mul3A_416 masked %lt3A_355 {add = true} : memref<69632xf32, #tpu.memory_space<vmem>>[vector<16xi32>], vector<16xf32>, vector<16xi1>
      %add3A_417 = arith.constant 4161 : i32
      %add3A_418 = vector.broadcast %add3A_417 : i32 to vector<16xi32>
      %add3A_419 = arith.addi %and3A_358, %add3A_418 : vector<16xi32>
      %mul3A_420 = arith.mulf %mul3A_388, %mul3A_375 : vector<16xf32>
      tpu.vector_store_idx %arg8[%add3A_419], %mul3A_420 masked %lt3A_355 {add = true} : memref<69632xf32, #tpu.memory_space<vmem>>[vector<16xi32>], vector<16xf32>, vector<16xi1>
      %mul3A_421 = arith.constant 32 : i32
      %mul3A_422 = arith.muli %add3A_339, %mul3A_421 : i32
      %add3A_423 = arith.addi %add3A_152, %mul3A_422 : i32
      %add3A_424 = arith.constant 16 : i32
      %add3A_425 = arith.addi %add3A_423, %add3A_424 : i32
      %get3A_426 = arith.index_cast %add3A_425 : i32 to index
      %get3A_427 = tpu.vector_load %arg6[%get3A_426] {strides = array<i32>} : memref<16480xi32, #tpu.memory_space<vmem>>, vector<16xi32>,
      %get3A_428 = arith.index_cast %add3A_425 : i32 to index
      %get3A_429 = tpu.vector_load %arg7[%get3A_428] {strides = array<i32>} : memref<16480xi32, #tpu.memory_space<vmem>>, vector<16xi32>,
      %mul3A_430 = arith.constant 32 : i32
      %mul3A_431 = arith.muli %add3A_339, %mul3A_430 : i32
      %add3A_432 = arith.constant 16 : i32
      %add3A_433 = arith.addi %mul3A_431, %add3A_432 : i32
      %add3A_434 = vector.broadcast %add3A_433 : i32 to vector<16xi32>
      %add3A_435 = arith.addi %add3A_434, %iota3A : vector<16xi32>
      %lt3A_436 = vector.broadcast %add3A_137 : i32 to vector<16xi32>
      %lt3A_437 = arith.cmpi slt, %add3A_435, %lt3A_436 : vector<16xi32>
      %and3A_438 = arith.constant 65535 : i32
      %and3A_439 = vector.broadcast %and3A_438 : i32 to vector<16xi32>
      %and3A_440 = arith.andi %get3A_427, %and3A_439 : vector<16xi32>
      %shift_right_logical3A_441 = arith.constant 16 : i32
      %shift_right_logical3A_442 = vector.broadcast %shift_right_logical3A_441 : i32 to vector<16xi32>
      %shift_right_logical3A_443 = arith.shrui %get3A_427, %shift_right_logical3A_442 : vector<16xi32>
      %convert_element_type3A_444 = arith.sitofp %shift_right_logical3A_443 : vector<16xi32> to vector<16xf32>
      %mul3A_445 = vector.broadcast %while3A_327 : f32 to vector<16xf32>
      %mul3A_446 = arith.mulf %convert_element_type3A_444, %mul3A_445 : vector<16xf32>
      %and3A_447 = arith.constant 65535 : i32
      %and3A_448 = vector.broadcast %and3A_447 : i32 to vector<16xi32>
      %and3A_449 = arith.andi %get3A_429, %and3A_448 : vector<16xi32>
      %convert_element_type3A_450 = arith.sitofp %and3A_449 : vector<16xi32> to vector<16xf32>
      %mul3A_451 = vector.broadcast %while3A_327 : f32 to vector<16xf32>
      %mul3A_452 = arith.mulf %convert_element_type3A_450, %mul3A_451 : vector<16xf32>
      %shift_right_logical3A_453 = arith.constant 16 : i32
      %shift_right_logical3A_454 = vector.broadcast %shift_right_logical3A_453 : i32 to vector<16xi32>
      %shift_right_logical3A_455 = arith.shrui %get3A_429, %shift_right_logical3A_454 : vector<16xi32>
      %convert_element_type3A_456 = arith.sitofp %shift_right_logical3A_455 : vector<16xi32> to vector<16xf32>
      %mul3A_457 = vector.broadcast %while3A_327 : f32 to vector<16xf32>
      %mul3A_458 = arith.mulf %convert_element_type3A_456, %mul3A_457 : vector<16xf32>
      %sub3A_459 = arith.constant 1.000000e+00 : f32
      %sub3A_460 = vector.broadcast %sub3A_459 : f32 to vector<16xf32>
      %sub3A_461 = arith.subf %sub3A_460, %mul3A_446 : vector<16xf32>
      %sub3A_462 = arith.constant 1.000000e+00 : f32
      %sub3A_463 = vector.broadcast %sub3A_462 : f32 to vector<16xf32>
      %sub3A_464 = arith.subf %sub3A_463, %mul3A_452 : vector<16xf32>
      %sub3A_465 = arith.constant 1.000000e+00 : f32
      %sub3A_466 = vector.broadcast %sub3A_465 : f32 to vector<16xf32>
      %sub3A_467 = arith.subf %sub3A_466, %mul3A_458 : vector<16xf32>
      %mul3A_468 = arith.mulf %sub3A_461, %sub3A_464 : vector<16xf32>
      %mul3A_469 = arith.mulf %sub3A_461, %mul3A_452 : vector<16xf32>
      %mul3A_470 = arith.mulf %mul3A_446, %sub3A_464 : vector<16xf32>
      %mul3A_471 = arith.mulf %mul3A_446, %mul3A_452 : vector<16xf32>
      %add3A_472 = arith.constant 0 : i32
      %add3A_473 = vector.broadcast %add3A_472 : i32 to vector<16xi32>
      %add3A_474 = arith.addi %and3A_440, %add3A_473 : vector<16xi32>
      %mul3A_475 = arith.mulf %mul3A_468, %sub3A_467 : vector<16xf32>
      tpu.vector_store_idx %arg8[%add3A_474], %mul3A_475 masked %lt3A_437 {add = true} : memref<69632xf32, #tpu.memory_space<vmem>>[vector<16xi32>], vector<16xf32>, vector<16xi1>
      %add3A_476 = arith.constant 1 : i32
      %add3A_477 = vector.broadcast %add3A_476 : i32 to vector<16xi32>
      %add3A_478 = arith.addi %and3A_440, %add3A_477 : vector<16xi32>
      %mul3A_479 = arith.mulf %mul3A_468, %mul3A_458 : vector<16xf32>
      tpu.vector_store_idx %arg8[%add3A_478], %mul3A_479 masked %lt3A_437 {add = true} : memref<69632xf32, #tpu.memory_space<vmem>>[vector<16xi32>], vector<16xf32>, vector<16xi1>
      %add3A_480 = arith.constant 64 : i32
      %add3A_481 = vector.broadcast %add3A_480 : i32 to vector<16xi32>
      %add3A_482 = arith.addi %and3A_440, %add3A_481 : vector<16xi32>
      %mul3A_483 = arith.mulf %mul3A_469, %sub3A_467 : vector<16xf32>
      tpu.vector_store_idx %arg8[%add3A_482], %mul3A_483 masked %lt3A_437 {add = true} : memref<69632xf32, #tpu.memory_space<vmem>>[vector<16xi32>], vector<16xf32>, vector<16xi1>
      %add3A_484 = arith.constant 65 : i32
      %add3A_485 = vector.broadcast %add3A_484 : i32 to vector<16xi32>
      %add3A_486 = arith.addi %and3A_440, %add3A_485 : vector<16xi32>
      %mul3A_487 = arith.mulf %mul3A_469, %mul3A_458 : vector<16xf32>
      tpu.vector_store_idx %arg8[%add3A_486], %mul3A_487 masked %lt3A_437 {add = true} : memref<69632xf32, #tpu.memory_space<vmem>>[vector<16xi32>], vector<16xf32>, vector<16xi1>
      %add3A_488 = arith.constant 4096 : i32
      %add3A_489 = vector.broadcast %add3A_488 : i32 to vector<16xi32>
      %add3A_490 = arith.addi %and3A_440, %add3A_489 : vector<16xi32>
      %mul3A_491 = arith.mulf %mul3A_470, %sub3A_467 : vector<16xf32>
      tpu.vector_store_idx %arg8[%add3A_490], %mul3A_491 masked %lt3A_437 {add = true} : memref<69632xf32, #tpu.memory_space<vmem>>[vector<16xi32>], vector<16xf32>, vector<16xi1>
      %add3A_492 = arith.constant 4097 : i32
      %add3A_493 = vector.broadcast %add3A_492 : i32 to vector<16xi32>
      %add3A_494 = arith.addi %and3A_440, %add3A_493 : vector<16xi32>
      %mul3A_495 = arith.mulf %mul3A_470, %mul3A_458 : vector<16xf32>
      tpu.vector_store_idx %arg8[%add3A_494], %mul3A_495 masked %lt3A_437 {add = true} : memref<69632xf32, #tpu.memory_space<vmem>>[vector<16xi32>], vector<16xf32>, vector<16xi1>
      %add3A_496 = arith.constant 4160 : i32
      %add3A_497 = vector.broadcast %add3A_496 : i32 to vector<16xi32>
      %add3A_498 = arith.addi %and3A_440, %add3A_497 : vector<16xi32>
      %mul3A_499 = arith.mulf %mul3A_471, %sub3A_467 : vector<16xf32>
      tpu.vector_store_idx %arg8[%add3A_498], %mul3A_499 masked %lt3A_437 {add = true} : memref<69632xf32, #tpu.memory_space<vmem>>[vector<16xi32>], vector<16xf32>, vector<16xi1>
      %add3A_500 = arith.constant 4161 : i32
      %add3A_501 = vector.broadcast %add3A_500 : i32 to vector<16xi32>
      %add3A_502 = arith.addi %and3A_440, %add3A_501 : vector<16xi32>
      %mul3A_503 = arith.mulf %mul3A_471, %mul3A_458 : vector<16xf32>
      tpu.vector_store_idx %arg8[%add3A_502], %mul3A_503 masked %lt3A_437 {add = true} : memref<69632xf32, #tpu.memory_space<vmem>>[vector<16xi32>], vector<16xf32>, vector<16xi1>
    }
    %while3A_336 = arith.constant 1 : i32
    scf.for %while3A_337 = %while3A_334 to %while3A_330 step %while3A_336  : i32 {
      %mul3A_338 = arith.muli %while3A_337, %while3A_325 : i32
      %add3A_339 = arith.addi %while3A_326, %mul3A_338 : i32
      %mul3A_340 = arith.constant 32 : i32
      %mul3A_341 = arith.muli %add3A_339, %mul3A_340 : i32
      %add3A_342 = arith.addi %add3A_152, %mul3A_341 : i32
      %add3A_343 = arith.constant 0 : i32
      %add3A_344 = arith.addi %add3A_342, %add3A_343 : i32
      %get3A_345 = arith.index_cast %add3A_344 : i32 to index
      %get3A_346 = tpu.vector_load %arg6[%get3A_345] {strides = array<i32>} : memref<16480xi32, #tpu.memory_space<vmem>>, vector<16xi32>,
      %get3A_347 = arith.index_cast %add3A_344 : i32 to index
      %get3A_348 = tpu.vector_load %arg7[%get3A_347] {strides = array<i32>} : memref<16480xi32, #tpu.memory_space<vmem>>, vector<16xi32>,
      %mul3A_349 = arith.constant 32 : i32
      %mul3A_350 = arith.muli %add3A_339, %mul3A_349 : i32
      %add3A_351 = arith.constant 0 : i32
      %add3A_352 = arith.addi %mul3A_350, %add3A_351 : i32
      %add3A_353 = vector.broadcast %add3A_352 : i32 to vector<16xi32>
      %add3A_354 = arith.addi %add3A_353, %iota3A : vector<16xi32>
      %lt3A = vector.broadcast %add3A_137 : i32 to vector<16xi32>
      %lt3A_355 = arith.cmpi slt, %add3A_354, %lt3A : vector<16xi32>
      %and3A_356 = arith.constant 65535 : i32
      %and3A_357 = vector.broadcast %and3A_356 : i32 to vector<16xi32>
      %and3A_358 = arith.andi %get3A_346, %and3A_357 : vector<16xi32>
      %shift_right_logical3A = arith.constant 16 : i32
      %shift_right_logical3A_359 = vector.broadcast %shift_right_logical3A : i32 to vector<16xi32>
      %shift_right_logical3A_360 = arith.shrui %get3A_346, %shift_right_logical3A_359 : vector<16xi32>
      %convert_element_type3A_361 = arith.sitofp %shift_right_logical3A_360 : vector<16xi32> to vector<16xf32>
      %mul3A_362 = vector.broadcast %while3A_327 : f32 to vector<16xf32>
      %mul3A_363 = arith.mulf %convert_element_type3A_361, %mul3A_362 : vector<16xf32>
      %and3A_364 = arith.constant 65535 : i32
      %and3A_365 = vector.broadcast %and3A_364 : i32 to vector<16xi32>
      %and3A_366 = arith.andi %get3A_348, %and3A_365 : vector<16xi32>
      %convert_element_type3A_367 = arith.sitofp %and3A_366 : vector<16xi32> to vector<16xf32>
      %mul3A_368 = vector.broadcast %while3A_327 : f32 to vector<16xf32>
      %mul3A_369 = arith.mulf %convert_element_type3A_367, %mul3A_368 : vector<16xf32>
      %shift_right_logical3A_370 = arith.constant 16 : i32
      %shift_right_logical3A_371 = vector.broadcast %shift_right_logical3A_370 : i32 to vector<16xi32>
      %shift_right_logical3A_372 = arith.shrui %get3A_348, %shift_right_logical3A_371 : vector<16xi32>
      %convert_element_type3A_373 = arith.sitofp %shift_right_logical3A_372 : vector<16xi32> to vector<16xf32>
      %mul3A_374 = vector.broadcast %while3A_327 : f32 to vector<16xf32>
      %mul3A_375 = arith.mulf %convert_element_type3A_373, %mul3A_374 : vector<16xf32>
      %sub3A_376 = arith.constant 1.000000e+00 : f32
      %sub3A_377 = vector.broadcast %sub3A_376 : f32 to vector<16xf32>
      %sub3A_378 = arith.subf %sub3A_377, %mul3A_363 : vector<16xf32>
      %sub3A_379 = arith.constant 1.000000e+00 : f32
      %sub3A_380 = vector.broadcast %sub3A_379 : f32 to vector<16xf32>
      %sub3A_381 = arith.subf %sub3A_380, %mul3A_369 : vector<16xf32>
      %sub3A_382 = arith.constant 1.000000e+00 : f32
      %sub3A_383 = vector.broadcast %sub3A_382 : f32 to vector<16xf32>
      %sub3A_384 = arith.subf %sub3A_383, %mul3A_375 : vector<16xf32>
      %mul3A_385 = arith.mulf %sub3A_378, %sub3A_381 : vector<16xf32>
      %mul3A_386 = arith.mulf %sub3A_378, %mul3A_369 : vector<16xf32>
      %mul3A_387 = arith.mulf %mul3A_363, %sub3A_381 : vector<16xf32>
      %mul3A_388 = arith.mulf %mul3A_363, %mul3A_369 : vector<16xf32>
      %add3A_389 = arith.constant 0 : i32
      %add3A_390 = vector.broadcast %add3A_389 : i32 to vector<16xi32>
      %add3A_391 = arith.addi %and3A_358, %add3A_390 : vector<16xi32>
      %mul3A_392 = arith.mulf %mul3A_385, %sub3A_384 : vector<16xf32>
      tpu.vector_store_idx %arg8[%add3A_391], %mul3A_392 masked %lt3A_355 {add = true} : memref<69632xf32, #tpu.memory_space<vmem>>[vector<16xi32>], vector<16xf32>, vector<16xi1>
      %add3A_393 = arith.constant 1 : i32
      %add3A_394 = vector.broadcast %add3A_393 : i32 to vector<16xi32>
      %add3A_395 = arith.addi %and3A_358, %add3A_394 : vector<16xi32>
      %mul3A_396 = arith.mulf %mul3A_385, %mul3A_375 : vector<16xf32>
      tpu.vector_store_idx %arg8[%add3A_395], %mul3A_396 masked %lt3A_355 {add = true} : memref<69632xf32, #tpu.memory_space<vmem>>[vector<16xi32>], vector<16xf32>, vector<16xi1>
      %add3A_397 = arith.constant 64 : i32
      %add3A_398 = vector.broadcast %add3A_397 : i32 to vector<16xi32>
      %add3A_399 = arith.addi %and3A_358, %add3A_398 : vector<16xi32>
      %mul3A_400 = arith.mulf %mul3A_386, %sub3A_384 : vector<16xf32>
      tpu.vector_store_idx %arg8[%add3A_399], %mul3A_400 masked %lt3A_355 {add = true} : memref<69632xf32, #tpu.memory_space<vmem>>[vector<16xi32>], vector<16xf32>, vector<16xi1>
      %add3A_401 = arith.constant 65 : i32
      %add3A_402 = vector.broadcast %add3A_401 : i32 to vector<16xi32>
      %add3A_403 = arith.addi %and3A_358, %add3A_402 : vector<16xi32>
      %mul3A_404 = arith.mulf %mul3A_386, %mul3A_375 : vector<16xf32>
      tpu.vector_store_idx %arg8[%add3A_403], %mul3A_404 masked %lt3A_355 {add = true} : memref<69632xf32, #tpu.memory_space<vmem>>[vector<16xi32>], vector<16xf32>, vector<16xi1>
      %add3A_405 = arith.constant 4096 : i32
      %add3A_406 = vector.broadcast %add3A_405 : i32 to vector<16xi32>
      %add3A_407 = arith.addi %and3A_358, %add3A_406 : vector<16xi32>
      %mul3A_408 = arith.mulf %mul3A_387, %sub3A_384 : vector<16xf32>
      tpu.vector_store_idx %arg8[%add3A_407], %mul3A_408 masked %lt3A_355 {add = true} : memref<69632xf32, #tpu.memory_space<vmem>>[vector<16xi32>], vector<16xf32>, vector<16xi1>
      %add3A_409 = arith.constant 4097 : i32
      %add3A_410 = vector.broadcast %add3A_409 : i32 to vector<16xi32>
      %add3A_411 = arith.addi %and3A_358, %add3A_410 : vector<16xi32>
      %mul3A_412 = arith.mulf %mul3A_387, %mul3A_375 : vector<16xf32>
      tpu.vector_store_idx %arg8[%add3A_411], %mul3A_412 masked %lt3A_355 {add = true} : memref<69632xf32, #tpu.memory_space<vmem>>[vector<16xi32>], vector<16xf32>, vector<16xi1>
      %add3A_413 = arith.constant 4160 : i32
      %add3A_414 = vector.broadcast %add3A_413 : i32 to vector<16xi32>
      %add3A_415 = arith.addi %and3A_358, %add3A_414 : vector<16xi32>
      %mul3A_416 = arith.mulf %mul3A_388, %sub3A_384 : vector<16xf32>
      tpu.vector_store_idx %arg8[%add3A_415], %mul3A_416 masked %lt3A_355 {add = true} : memref<69632xf32, #tpu.memory_space<vmem>>[vector<16xi32>], vector<16xf32>, vector<16xi1>
      %add3A_417 = arith.constant 4161 : i32
      %add3A_418 = vector.broadcast %add3A_417 : i32 to vector<16xi32>
      %add3A_419 = arith.addi %and3A_358, %add3A_418 : vector<16xi32>
      %mul3A_420 = arith.mulf %mul3A_388, %mul3A_375 : vector<16xf32>
      tpu.vector_store_idx %arg8[%add3A_419], %mul3A_420 masked %lt3A_355 {add = true} : memref<69632xf32, #tpu.memory_space<vmem>>[vector<16xi32>], vector<16xf32>, vector<16xi1>
      %mul3A_421 = arith.constant 32 : i32
      %mul3A_422 = arith.muli %add3A_339, %mul3A_421 : i32
      %add3A_423 = arith.addi %add3A_152, %mul3A_422 : i32
      %add3A_424 = arith.constant 16 : i32
      %add3A_425 = arith.addi %add3A_423, %add3A_424 : i32
      %get3A_426 = arith.index_cast %add3A_425 : i32 to index
      %get3A_427 = tpu.vector_load %arg6[%get3A_426] {strides = array<i32>} : memref<16480xi32, #tpu.memory_space<vmem>>, vector<16xi32>,
      %get3A_428 = arith.index_cast %add3A_425 : i32 to index
      %get3A_429 = tpu.vector_load %arg7[%get3A_428] {strides = array<i32>} : memref<16480xi32, #tpu.memory_space<vmem>>, vector<16xi32>,
      %mul3A_430 = arith.constant 32 : i32
      %mul3A_431 = arith.muli %add3A_339, %mul3A_430 : i32
      %add3A_432 = arith.constant 16 : i32
      %add3A_433 = arith.addi %mul3A_431, %add3A_432 : i32
      %add3A_434 = vector.broadcast %add3A_433 : i32 to vector<16xi32>
      %add3A_435 = arith.addi %add3A_434, %iota3A : vector<16xi32>
      %lt3A_436 = vector.broadcast %add3A_137 : i32 to vector<16xi32>
      %lt3A_437 = arith.cmpi slt, %add3A_435, %lt3A_436 : vector<16xi32>
      %and3A_438 = arith.constant 65535 : i32
      %and3A_439 = vector.broadcast %and3A_438 : i32 to vector<16xi32>
      %and3A_440 = arith.andi %get3A_427, %and3A_439 : vector<16xi32>
      %shift_right_logical3A_441 = arith.constant 16 : i32
      %shift_right_logical3A_442 = vector.broadcast %shift_right_logical3A_441 : i32 to vector<16xi32>
      %shift_right_logical3A_443 = arith.shrui %get3A_427, %shift_right_logical3A_442 : vector<16xi32>
      %convert_element_type3A_444 = arith.sitofp %shift_right_logical3A_443 : vector<16xi32> to vector<16xf32>
      %mul3A_445 = vector.broadcast %while3A_327 : f32 to vector<16xf32>
      %mul3A_446 = arith.mulf %convert_element_type3A_444, %mul3A_445 : vector<16xf32>
      %and3A_447 = arith.constant 65535 : i32
      %and3A_448 = vector.broadcast %and3A_447 : i32 to vector<16xi32>
      %and3A_449 = arith.andi %get3A_429, %and3A_448 : vector<16xi32>
      %convert_element_type3A_450 = arith.sitofp %and3A_449 : vector<16xi32> to vector<16xf32>
      %mul3A_451 = vector.broadcast %while3A_327 : f32 to vector<16xf32>
      %mul3A_452 = arith.mulf %convert_element_type3A_450, %mul3A_451 : vector<16xf32>
      %shift_right_logical3A_453 = arith.constant 16 : i32
      %shift_right_logical3A_454 = vector.broadcast %shift_right_logical3A_453 : i32 to vector<16xi32>
      %shift_right_logical3A_455 = arith.shrui %get3A_429, %shift_right_logical3A_454 : vector<16xi32>
      %convert_element_type3A_456 = arith.sitofp %shift_right_logical3A_455 : vector<16xi32> to vector<16xf32>
      %mul3A_457 = vector.broadcast %while3A_327 : f32 to vector<16xf32>
      %mul3A_458 = arith.mulf %convert_element_type3A_456, %mul3A_457 : vector<16xf32>
      %sub3A_459 = arith.constant 1.000000e+00 : f32
      %sub3A_460 = vector.broadcast %sub3A_459 : f32 to vector<16xf32>
      %sub3A_461 = arith.subf %sub3A_460, %mul3A_446 : vector<16xf32>
      %sub3A_462 = arith.constant 1.000000e+00 : f32
      %sub3A_463 = vector.broadcast %sub3A_462 : f32 to vector<16xf32>
      %sub3A_464 = arith.subf %sub3A_463, %mul3A_452 : vector<16xf32>
      %sub3A_465 = arith.constant 1.000000e+00 : f32
      %sub3A_466 = vector.broadcast %sub3A_465 : f32 to vector<16xf32>
      %sub3A_467 = arith.subf %sub3A_466, %mul3A_458 : vector<16xf32>
      %mul3A_468 = arith.mulf %sub3A_461, %sub3A_464 : vector<16xf32>
      %mul3A_469 = arith.mulf %sub3A_461, %mul3A_452 : vector<16xf32>
      %mul3A_470 = arith.mulf %mul3A_446, %sub3A_464 : vector<16xf32>
      %mul3A_471 = arith.mulf %mul3A_446, %mul3A_452 : vector<16xf32>
      %add3A_472 = arith.constant 0 : i32
      %add3A_473 = vector.broadcast %add3A_472 : i32 to vector<16xi32>
      %add3A_474 = arith.addi %and3A_440, %add3A_473 : vector<16xi32>
      %mul3A_475 = arith.mulf %mul3A_468, %sub3A_467 : vector<16xf32>
      tpu.vector_store_idx %arg8[%add3A_474], %mul3A_475 masked %lt3A_437 {add = true} : memref<69632xf32, #tpu.memory_space<vmem>>[vector<16xi32>], vector<16xf32>, vector<16xi1>
      %add3A_476 = arith.constant 1 : i32
      %add3A_477 = vector.broadcast %add3A_476 : i32 to vector<16xi32>
      %add3A_478 = arith.addi %and3A_440, %add3A_477 : vector<16xi32>
      %mul3A_479 = arith.mulf %mul3A_468, %mul3A_458 : vector<16xf32>
      tpu.vector_store_idx %arg8[%add3A_478], %mul3A_479 masked %lt3A_437 {add = true} : memref<69632xf32, #tpu.memory_space<vmem>>[vector<16xi32>], vector<16xf32>, vector<16xi1>
      %add3A_480 = arith.constant 64 : i32
      %add3A_481 = vector.broadcast %add3A_480 : i32 to vector<16xi32>
      %add3A_482 = arith.addi %and3A_440, %add3A_481 : vector<16xi32>
      %mul3A_483 = arith.mulf %mul3A_469, %sub3A_467 : vector<16xf32>
      tpu.vector_store_idx %arg8[%add3A_482], %mul3A_483 masked %lt3A_437 {add = true} : memref<69632xf32, #tpu.memory_space<vmem>>[vector<16xi32>], vector<16xf32>, vector<16xi1>
      %add3A_484 = arith.constant 65 : i32
      %add3A_485 = vector.broadcast %add3A_484 : i32 to vector<16xi32>
      %add3A_486 = arith.addi %and3A_440, %add3A_485 : vector<16xi32>
      %mul3A_487 = arith.mulf %mul3A_469, %mul3A_458 : vector<16xf32>
      tpu.vector_store_idx %arg8[%add3A_486], %mul3A_487 masked %lt3A_437 {add = true} : memref<69632xf32, #tpu.memory_space<vmem>>[vector<16xi32>], vector<16xf32>, vector<16xi1>
      %add3A_488 = arith.constant 4096 : i32
      %add3A_489 = vector.broadcast %add3A_488 : i32 to vector<16xi32>
      %add3A_490 = arith.addi %and3A_440, %add3A_489 : vector<16xi32>
      %mul3A_491 = arith.mulf %mul3A_470, %sub3A_467 : vector<16xf32>
      tpu.vector_store_idx %arg8[%add3A_490], %mul3A_491 masked %lt3A_437 {add = true} : memref<69632xf32, #tpu.memory_space<vmem>>[vector<16xi32>], vector<16xf32>, vector<16xi1>
      %add3A_492 = arith.constant 4097 : i32
      %add3A_493 = vector.broadcast %add3A_492 : i32 to vector<16xi32>
      %add3A_494 = arith.addi %and3A_440, %add3A_493 : vector<16xi32>
      %mul3A_495 = arith.mulf %mul3A_470, %mul3A_458 : vector<16xf32>
      tpu.vector_store_idx %arg8[%add3A_494], %mul3A_495 masked %lt3A_437 {add = true} : memref<69632xf32, #tpu.memory_space<vmem>>[vector<16xi32>], vector<16xf32>, vector<16xi1>
      %add3A_496 = arith.constant 4160 : i32
      %add3A_497 = vector.broadcast %add3A_496 : i32 to vector<16xi32>
      %add3A_498 = arith.addi %and3A_440, %add3A_497 : vector<16xi32>
      %mul3A_499 = arith.mulf %mul3A_471, %sub3A_467 : vector<16xf32>
      tpu.vector_store_idx %arg8[%add3A_498], %mul3A_499 masked %lt3A_437 {add = true} : memref<69632xf32, #tpu.memory_space<vmem>>[vector<16xi32>], vector<16xf32>, vector<16xi1>
      %add3A_500 = arith.constant 4161 : i32
      %add3A_501 = vector.broadcast %add3A_500 : i32 to vector<16xi32>
      %add3A_502 = arith.addi %and3A_440, %add3A_501 : vector<16xi32>
      %mul3A_503 = arith.mulf %mul3A_471, %mul3A_458 : vector<16xf32>
      tpu.vector_store_idx %arg8[%add3A_502], %mul3A_503 masked %lt3A_437 {add = true} : memref<69632xf32, #tpu.memory_space<vmem>>[vector<16xi32>], vector<16xf32>, vector<16xi1>
    }
    "tpu.region"() ({
      %run_scoped3A = tpu.sem_alloc : memref<!tpu.dma_semaphore, #tpu.memory_space<semaphore_mem>>
      %dma_start3A_337 = arith.constant 0 : i32
      %dma_start3A_338 = tpu.memref_slice %arg8[%dma_start3A_337] : memref<69632xf32, #tpu.memory_space<vmem>> -> memref<65536xf32, #tpu.memory_space<vmem>>
      %dma_start3A_339 = arith.constant 196608 : i32
      %dma_start3A_340 = tpu.memref_slice %arg5[%add3A, %dma_start3A_339] : memref<32x262144xf32, #tpu.memory_space<hbm>> -> memref<1x65536xf32, #tpu.memory_space<hbm>>
      %dma_start3A_341 = tpu.memref_squeeze %dma_start3A_340 : memref<1x65536xf32, #tpu.memory_space<hbm>> -> memref<65536xf32, #tpu.memory_space<hbm>>
      %dma_start3A_342 = arith.constant 196608 : i32
      %dma_start3A_343 = tpu.memref_slice %arg5[%add3A, %dma_start3A_342] : memref<32x262144xf32, #tpu.memory_space<hbm>> -> memref<1x65536xf32, #tpu.memory_space<hbm>>
      %dma_start3A_344 = tpu.memref_squeeze %dma_start3A_343 : memref<1x65536xf32, #tpu.memory_space<hbm>> -> memref<65536xf32, #tpu.memory_space<hbm>>
      %dma_start3A_345 = arith.constant 0 : i32
      %dma_start3A_346 = tpu.memref_slice %arg8[%dma_start3A_345] : memref<69632xf32, #tpu.memory_space<vmem>> -> memref<65536xf32, #tpu.memory_space<vmem>>
      tpu.enqueue_dma source(%dma_start3A_346 : memref<65536xf32, #tpu.memory_space<vmem>>) target(%dma_start3A_344 : memref<65536xf32, #tpu.memory_space<hbm>>) target_semaphore(%run_scoped3A : memref<!tpu.dma_semaphore, #tpu.memory_space<semaphore_mem>>)
      %dma_wait3A_347 = arith.constant 0 : i32
      %dma_wait3A_348 = tpu.memref_slice %arg8[%dma_wait3A_347] : memref<69632xf32, #tpu.memory_space<vmem>> -> memref<65536xf32, #tpu.memory_space<vmem>>
      %dma_wait3A_349 = arith.constant 196608 : i32
      %dma_wait3A_350 = tpu.memref_slice %arg5[%add3A, %dma_wait3A_349] : memref<32x262144xf32, #tpu.memory_space<hbm>> -> memref<1x65536xf32, #tpu.memory_space<hbm>>
      %dma_wait3A_351 = tpu.memref_squeeze %dma_wait3A_350 : memref<1x65536xf32, #tpu.memory_space<hbm>> -> memref<65536xf32, #tpu.memory_space<hbm>>
      %dma_wait3A_352 = arith.constant 196608 : i32
      %dma_wait3A_353 = tpu.memref_slice %arg5[%add3A, %dma_wait3A_352] : memref<32x262144xf32, #tpu.memory_space<hbm>> -> memref<1x65536xf32, #tpu.memory_space<hbm>>
      %dma_wait3A_354 = tpu.memref_squeeze %dma_wait3A_353 : memref<1x65536xf32, #tpu.memory_space<hbm>> -> memref<65536xf32, #tpu.memory_space<hbm>>
      %dma_wait3A_355 = arith.constant 0 : i32
      %dma_wait3A_356 = tpu.memref_slice %arg8[%dma_wait3A_355] : memref<69632xf32, #tpu.memory_space<vmem>> -> memref<65536xf32, #tpu.memory_space<vmem>>
      tpu.wait_dma2 semaphore(%run_scoped3A : memref<!tpu.dma_semaphore, #tpu.memory_space<semaphore_mem>>) src(%dma_wait3A_356 : memref<65536xf32, #tpu.memory_space<vmem>>) dst(%dma_wait3A_354 : memref<65536xf32, #tpu.memory_space<hbm>>)
      tpu.yield
    }) : () -> ()
    return
  }
}

</mosaic_0001>

<sc_bundles>
// kernel: kernel.3.cloned.1.call-start
scs
__scs_entry_jumppad:
0x0: {  	(pc) =	sbr.rel $0x88, $3  }
0x1: {  	(tag) =	ssettag $0x0;
	lr =	simm.s32 $0x1  }
0x2: {  	[smem:$0x3FA0] =	sst lr;
	_ =	strace $0xD0000000  }
0x3: {  	_ = 	snop  }
0x4: {  	_ = 	snop  }
0x5: {  	_ = 	snop  }
0x6: {  	_ = 	snop  }
0x7: {  	_ = 	snop  }
__scs_overlays_trampoline_lowered:
0x8: {  	[smem:$0x3FAF] =	sst s0  }
0x9: {  	[smem:$0x3FB0] =	sst s1  }
0xa: {  	[smem:$0x3FB1] =	sst s2  }
0xb: {  	[smem:$0x3FB2] =	sst s3  }
0xc: {  	[smem:$0x3FB3] =	sst s4  }
0xd: {  	[smem:$0x3FB4] =	sst s5  }
0xe: {  	[smem:$0x3FB5] =	sst s6  }
0xf: {  	[smem:$0x3FB6] =	sst s7  }
0x10: {  	[smem:$0x3FB7] =	sst s8  }
0x11: {  	[smem:$0x3FB8] =	sst s9;
	s0 =	simm.s32 @!p0 $0x0  }
0x12: {  	s1 =	sld [smem:$0x3F9E];
	s0 =	simm.s32 @p0 $0x1  }
0x13: {  	[smem:$0x3FB9] =	sst s0;
	s0 =	simm.s32 @!p1 $0x0  }
0x14: {  	s2 =	sld [smem:$0x3F9D];
	s0 =	simm.s32 @p1 $0x1  }
0x15: {  	[smem:$0x3FBA] =	sst s0;
	s0 =	simm.s32 @!p2 $0x0  }
0x16: {  	s3 =	sld [smem:$0x3FDB];
	s0 =	simm.s32 @p2 $0x1  }
0x17: {  	s4 =	simm.s32 $0x1BF5;
	[smem:$0x3FBC] =	sst s0  }
0x18: {  	s0 =	sld [smem:$0x3F9F];
	_ =	swait.ge [sflag:s4], $0x0  }
0x19: {  	s7 =	sld [smem:$0x3FA0]  }
0x1a: {  	s8 =	sadd.s32 $0xFFFFE003, lr  }
0x1b: {  	s9 =	sadd.s32 $0xFFFFFEF7, lr;
	s5 =	simm.s32 $0xFFFFFFFF;
	p2 =	slt.u32 s8, $0xFFFFF086  }
0x1c: {  	p1 =	slt.u32 s9, $0xF7A;
	s5 =	simm.s32 @!p2 $0x0  }
0x1d: {  	s5 =	simm.s32 @p1 $0x1;
	p0 =	seq.s32 s7, s2  }
0x1e: {  	s7 =	smul.u32 @!p0 $0xF7A, s2;
	p2 =	seq.s32 @!p0 s5, $0x0  }
0x1f: {  	s9 =	smul.u32 $0xF7A, s1;
	s8 =	simm.s32 @!p0 $0x1BF5;
	p2 =	por !p2, p0  }
0x20: {  	[sflag:s8] =	ssyncset.s32 @!p0 $0xFFFFF086;
	s6 =	sadd.s32 @!p0 s3, s7;
	s7 =	simm.s32 @!p0 $0x108  }
0x21: {  	s3 =	sadd.s32 s3, s9;
	s6 =	sadd.s32 @!p0 $0x88, s6;
	s7 =	simm.s32 @p2 $0x1082  }
0x22: {  	[simem:s7], [sflag:s8] =	dma.local @!p0 [hbm:s6], $0xF7A  }
0x23: {  	s9 =	sor.u32 $0xD0000000, s2;
	s6 =	simm.s32 $0x108;
	_ =	swait.ge @!p0 [sflag:s8], $0x0  }
0x24: {  	s3 =	sadd.s32 $0x88, s3;
	s6 =	simm.s32 @!p1 $0x1082;
	[sflag:s4] =	ssyncset.s32 $0xFFFFF086  }
0x25: {  	[simem:s6], [sflag:s4] =	dma.local [hbm:s3], $0xF7A  }
0x26: {  	[smem:$0x3FA0] =	sst s1;
	(tag) =	ssettag s2;
	_ =	strace s9  }
0x27: {  	s1 =	sld [smem:$0x3FB0]  }
0x28: {  	s2 =	sld [smem:$0x3FB1]  }
0x29: {  	s4 =	sld [smem:$0x3FB3]  }
0x2a: {  	p0 =	seq.s32 s5, $0x0;
	s5 =	sld [smem:$0x3FB4]  }
0x2b: {  	s6 =	sld [smem:$0x3FB5]  }
0x2c: {  	s7 =	sld [smem:$0x3FB6]  }
0x2d: {  	s3 =	simm.s32 $0x108;
	s8 =	sld [smem:$0x3FB7]  }
0x2e: {  	s3 =	simm.s32 @!p0 $0x1082;
	s9 =	sld [smem:$0x3FB8]  }
0x2f: {  	lr =	sadd.s32 s0, s3;
	s0 =	sld [smem:$0x3FAF]  }
0x30: {  	s3 =	sld [smem:$0x3FB2]  }
0x31: {  	[smem:$0x3FBB] =	sst s10  }
0x32: {  	s10 =	sld [smem:$0x3FB9];
	_ =	sdelay $0x3  }
0x33: {  	p0 =	seq.s32 s10, $0x1;
	s10 =	sld [smem:$0x3FBB];
	_ =	sdelay $0x3  }
0x34: {  	[smem:$0x3FBB] =	sst s10  }
0x35: {  	s10 =	sld [smem:$0x3FBA];
	_ =	sdelay $0x3  }
0x36: {  	p1 =	seq.s32 s10, $0x1;
	s10 =	sld [smem:$0x3FBB];
	_ =	sdelay $0x3  }
0x37: {  	[smem:$0x3FBB] =	sst s10  }
0x38: {  	s10 =	sld [smem:$0x3FBC]  }
0x39: {  	_ = 	snop;
	(pc) =	sbr.ind lr, $3  }
0x3a: {  	_ = 	snop  }
0x3b: {  	_ = 	snop  }
0x3c: {  	p2 =	seq.s32 s10, $0x1;
	s10 =	sld [smem:$0x3FBB]  }
0x3d: {  	_ =	shalt  }
0x3e: {  	_ =	shalt  }
0x3f: {  	_ =	shalt  }
0x40: {  	_ =	shalt  }
0x41: {  	_ =	shalt  }
0x42: {  	_ =	shalt  }
0x43: {  	_ =	shalt  }
0x44: {  	_ =	shalt  }
0x45: {  	_ =	shalt  }
0x46: {  	_ =	shalt  }
0x47: {  	_ =	shalt  }
0x48: {  	_ =	shalt  }
0x49: {  	_ =	shalt  }
0x4a: {  	_ =	shalt  }
0x4b: {  	_ =	shalt  }
0x4c: {  	_ =	shalt  }
0x4d: {  	_ =	shalt  }
0x4e: {  	_ =	shalt  }
0x4f: {  	_ =	shalt  }
0x50: {  	_ =	shalt  }
0x51: {  	_ =	shalt  }
0x52: {  	_ =	shalt  }
0x53: {  	_ =	shalt  }
0x54: {  	_ =	shalt  }
0x55: {  	_ =	shalt  }
0x56: {  	_ =	shalt  }
0x57: {  	_ =	shalt  }
0x58: {  	_ =	shalt  }
0x59: {  	_ =	shalt  }
0x5a: {  	_ =	shalt  }
0x5b: {  	_ =	shalt  }
0x5c: {  	_ =	shalt  }
0x5d: {  	_ =	shalt  }
0x5e: {  	_ =	shalt  }
0x5f: {  	_ =	shalt  }
0x60: {  	_ =	shalt  }
0x61: {  	_ =	shalt  }
0x62: {  	_ =	shalt  }
0x63: {  	_ =	shalt  }
0x64: {  	_ =	shalt  }
0x65: {  	_ =	shalt  }
0x66: {  	_ =	shalt  }
0x67: {  	_ =	shalt  }
0x68: {  	_ =	shalt  }
0x69: {  	_ =	shalt  }
0x6a: {  	_ =	shalt  }
0x6b: {  	_ =	shalt  }
0x6c: {  	_ =	shalt  }
0x6d: {  	_ =	shalt  }
0x6e: {  	_ =	shalt  }
0x6f: {  	_ =	shalt  }
0x70: {  	_ =	shalt  }
0x71: {  	_ =	shalt  }
0x72: {  	_ =	shalt  }
0x73: {  	_ =	shalt  }
0x74: {  	_ =	shalt  }
0x75: {  	_ =	shalt  }
0x76: {  	_ =	shalt  }
0x77: {  	_ =	shalt  }
0x78: {  	_ =	shalt  }
0x79: {  	_ =	shalt  }
0x7a: {  	_ =	shalt  }
0x7b: {  	_ =	shalt  }
0x7c: {  	_ =	shalt  }
0x7d: {  	_ =	shalt  }
0x7e: {  	_ =	shalt  }
0x7f: {  	_ =	shalt  }
0x80: {  	_ =	shalt  }
0x81: {  	_ =	shalt  }
0x82: {  	_ =	shalt  }
0x83: {  	_ =	shalt  }
0x84: {  	_ =	shalt  }
0x85: {  	_ =	shalt  }
0x86: {  	_ =	shalt  }
0x87: {  	_ =	shalt  }
.Lfunc_end0:
.L_simem_size_0:
called_computation_lowered:
.L_overlay_start_0:
0x88: {  	s2 =	sld [smem:$0x3FD9]  }
0x89: {  	s3 =	sld [smem:$0x3FFE];
	_ =	sdelay $0x1  }
0x8a: {  	s1 =	srdreg.scid  }
0x8b: {  	s0 =	sand.u32 $0x1, s1  }
0x8c: {  	s17 =	sshll.u32 s0, $0xA;
	s2 =	sadd.s32 s3, s2  }
0x8d: {  	s2 =	sadd.s32 s2, s17  }
0x8e: {  	[smem:$0x3FC7] =	sst s2  }
0x8f: {  	_ = 	snop  }
0x90: {  	s2 =	sld [smem:$0x3FD0];
	(tm) =	ssettm $0x1  }
0x91: {  	s18 =	sld [smem:$0x3FFB];
	_ =	sdelay $0x3  }
0x92: {  	_ =	strace s18  }
0x93: {  	s3 =	sld [smem:$0x3FFC];
	_ =	sdelay $0x3  }
0x94: {  	_ =	strace s3  }
0x95: {  	s3 =	sld [smem:$0x3FFD];
	_ =	sdelay $0x3  }
0x96: {  	_ =	strace s3  }
0x97: {  	_ =	strace $0x8FFFFFFF  }
0x98: {  	s19 =	sld [smem:$0x3FDB];
	_ =	sdelay $0x1  }
0x99: {  	s4 =	simm.s32 $_scs_section_size  }
0x9a: {  	s5 =	simm.s32 $_size__tile_overlayer_lowered;
	s6 =	simm.s32 $_tile_overlayer_lowered  }
0x9b: {  	s22 =	simm.s32 $0x1BFF;
	s21 =	sshll.u32 s6, $0x1;
	s3 =	sadd.s32 s4, s19  }
0x9c: {  	s7 =	simm.s32 $0x0;
	s20 =	sshll.u32 s5, $0x1;
	s5 =	sadd.s32 s21, s3  }
0x9d: {  	[timem:s7], [sflag:s22] =	dma.local [hbm:s5], s20  }
0x9e: {  	_ =	swait.ge [sflag:s22], s20  }
0x9f: {  	s4 =	ssub.s32 $0x0, s20;
	[sflag:s22] =	ssyncset.done $0x0  }
0xa0: {  	[sflag:s22] =	ssyncadd.s32 s4;
	_ =	sdelay $0x1  }
0xa1: {  	s23 =	simm.s32 $0x1B8B  }
0xa2: {  	_ =	swait.ge [sflag:s23], $0x1  }
0xa3: {  	[sflag:s23] =	ssyncset.done $0x0  }
0xa4: {  	s25 =	simm.s32 $0x1B8E;
	s24 =	sld [smem:$0x3FFE];
	[sflag:s23] =	ssyncadd.s32 $0xFFFFFFFF  }
0xa5: {  	s26 =	simm.s32 $execute0_lowered;
	[smem:$0x3FD2] =	sst s25  }
0xa6: {  	s5 =	sshll.u32 s26, $0x1;
	_ =	strace $0x80000046;
	[dreg:$0x1] =	wrdreg $0xFFFFFFFF  }
0xa7: {  	s28 =	simm.s32 $_size_execute0_lowered;
	s3 =	sadd.s32 s3, s5;
	[dreg:$0x0] =	wrdreg $0x0  }
0xa8: {  	s5 =	sshll.u32 s28, $0x1;
	[dreg:$0x2] =	wrdreg s3  }
0xa9: {  	[dreg:$0x3] =	wrdreg s5  }
0xaa: {  	[dreg:$0x4] =	wrdreg $0xC0  }
0xab: {  	_ =	task [dreg:s7], $0x5FFFF  }
0xac: {  	[dreg:$0x1] =	wrdreg $0xFFFFFFFF  }
0xad: {  	[dreg:$0x0] =	wrdreg $0x60  }
0xae: {  	[dreg:$0x2] =	wrdreg s24  }
0xaf: {  	[dreg:$0x3] =	wrdreg s2  }
0xb0: {  	[dreg:$0x4] =	wrdreg $0x9  }
0xb1: {  	_ =	task.clear_ibuf [dreg:s7], $0x5FFFF;
	_ =	strace $0x90000046  }
0xb2: {  	s29 =	simm.s32 $0x9;
	_ =	strace $0x80000048  }
0xb3: {  	_ =	swait.ge [sflag:s29], $0x1  }
0xb4: {  	[sflag:s29] =	ssyncadd.s32 $0xFFFFFFFF  }
0xb5: {  	_ =	strace $0x90000048  }
0xb6: {  	_ =	sfence  }
0xb7: {  	s30 =	sld [smem:$0x0];
	_ =	sdelay $0x2  }
0xb8: {  	s31 =	sshll.u32 s1, $0xD;
	s1 =	sshrl.u32 s1, $0x2  }
0xb9: {  	s3 =	sand.u32 $0x4000, s31;
	s1 =	sadd.s32 s1, s30  }
0xba: {  	s0 =	sor.u32 s3, s0;
	s1 =	sshll.u32 s1, $0x11  }
0xbb: {  	s0 =	sor.u32 s1, s0  }
0xbc: {  	s0 =	sadd.s32 $0x8F2B, s0  }
0xbd: {  	[sflag:s0] =	ssyncadd.remote.s32 $0x1  }
0xbe: {  	_ =	sfence.sel $0xFFFF  }
0xbf: {  	[dreg:$0x0] =	wrdreg $0xFFFFFFFF;
	(pc) =	sbr.abs _section_cstart, $3  }
0xc0: {  	[dreg:$0x1] =	wrdreg $0xFFFFFFFF  }
0xc1: {  	_ =	task.clear_ibuf [dreg:s7], $0x2FFFF;
	_ =	strace $0x9FFFFFFF  }
0xc2: {  	(tm) =	ssettm $0x7FFFFFFF  }
0xc3: {  	_ =	shalt  }
tec
execute0_lowered:
.L_overlay_start_1:
0x0: {  	(tag) =	ssettag $0x1  }
0x1: {  	s0 =	rddreg [dreg:$0x0]  }
0x2: {  	s1 =	rddreg [dreg:$0x1]  }
0x3: {  	s3 =	srdreg.scid;
	s5 =	stileid.u32;
	s2 =	simm.s32 $0x0  }
0x4: {  	s3 =	sand.u32 $0x1, s3;
	s4 =	sshll.u32 s5, $0x8;
	s5 =	sshrl.u32 s5, $0x2  }
0x5: {  	[smem:$0x7FF] =	sst s2;
	s6 =	sshll.u32 s3, $0x7;
	s4 =	sand.u32 $0x300, s4  }
0x6: {  	s23 =	sshll.u32 s5, $0x11;
	_ =	strace $0x80000047;
	s3 =	ssub.s32 $0x2, s3  }
0x7: {  	s5 =	sshll.u32 s5, $0x15;
	s4 =	sor.u32 s6, s4;
	s24 =	sshrl.u32 s3, $0x1  }
0x8: {  	s6 =	sor.u32 s23, s4;
	s4 =	sor.u32 s5, s4;
	s3 =	ssub.s32 s3, s24  }
0x9: {  	s6 =	sshrl.u32 s6, $0x3;
	s4 =	sshrl.u32 s4, $0x3;
	s31 =	smax.u32 s3, $0x1  }
0xa: {  	s0 =	sadd.s32 s6, s0;
	s1 =	sadd.s32 s1, s4;
	[dreg:$0xa] =	wrdreg s31  }
0xb: {  	s25 =	sadd.s32 $0x20600, s0;
	[dreg:$0x4] =	wrdreg s1  }
0xc: {  	s26 =	sadd.s32 $0x10600, s0;
	[dreg:$0x3] =	wrdreg s25  }
.Ltmp0:
0xd: {  	s0 =	sadd.s32 $0x600, s0;
	[dreg:$0x5] =	wrdreg s26;
	(pc) =	sbr.rel .LBB2_1-.Ltmp0, $4  }
0xe: {  	s28 =	sadd.s32 $0x10000, s1;
	[dreg:$0x6] =	wrdreg s0  }
0xf: {  	s29 =	sadd.s32 $0x20000, s1;
	[dreg:$0x7] =	wrdreg s28  }
0x10: {  	s9 =	simm.s32 $0x80;
	v0 =	vimm.s32 $0x0;
	v3 =	vimm.f32 $-0.0e+00;
	vm0 =	vcmask $0x300;
	s30 =	sadd.s32 $0x30000, s1;
	[dreg:$0x8] =	wrdreg s29  }
0x11: {  	s10 =	simm.s32 $0x400;
	s13 =	simm.s32 $0x8100;
	v1 =	vimm.f32 $0.0e+00;
	v2 =	vlaneseq.u32;
	v3 =	vsel vm0, $0xBF800000, v3;
	[dreg:$0x9] =	wrdreg s30  }
.LBB2_40:
0x12: {  	_ = 	snop  }
0x13: {  	v4 =	vadd.s32 $0x1, v5;
	v13 =	vsub.f32 $1.000000000e+00, v7;
	v14 =	vmul.f32 v12, v11  }
0x14: {  	v15 =	vadd.s32 $0x40, v5;
	v6 =	vand.u32 $0x7F, v6  }
0x15: {  	v56 =	vmul.f32 v9, v11;
	v17 =	vadd.s32 $0x41, v5;
	v16 =	vmul.f32 v14, v13  }
0x16: {  	v6 =	vor.u32 v6, v10;
	v14 =	vmul.f32 v14, v7  }
0x17: {  	v57 =	vmul.f32 v12, v8;
	v59 =	vadd.s32 $0x1001, v5;
	v58 =	vmul.f32 v13, v56;
	[tilespmem:v5+s13+$0x0] =	vst.idx.add.f32.msk vm0, v16  }
0x18: {  	v11 =	vmul.f32 v56, v7;
	[tilespmem:v4+s13+$0x0] =	vst.idx.add.f32.msk vm0, v14;
	v4 =	vadd.s32 $0x1040, v5  }
0x19: {  	v60 =	vmul.f32 v9, v8;
	v61 =	vmul.f32 v57, v13;
	v5 =	vadd.s32 $0x1041, v5;
	[tilespmem:v15+s13+$0x0] =	vst.idx.add.f32.msk vm0, v58  }
0x1a: {  	v10 =	vmul.f32 v57, v7;
	[tilespmem:v17+s13+$0x0] =	vst.idx.add.f32.msk vm0, v11  }
0x1b: {  	v62 =	vmul.f32 v13, v60;
	[tilespmem:v6+s13+$0x0] =	vst.idx.add.f32.msk vm0, v61  }
0x1c: {  	v63 =	vmul.f32 v60, v7;
	[tilespmem:v59+s13+$0x0] =	vst.idx.add.f32.msk vm0, v10  }
0x1d: {  	[tilespmem:v4+s13+$0x0] =	vst.idx.add.f32.msk vm0, v62  }
0x1e: {  	[tilespmem:v5+s13+$0x0] =	vst.idx.add.f32.msk vm0, v63  }
.LBB2_41:
0x1f: {  	s0 =	rddreg [dreg:$0x9]  }
0x20: {  	[hbm4b:s0+s9] =	stream.strided.scatter [tilespmem:s13], [sflag:$0x4], $0x10000, s10, s9, $0x38;
	[tilespmem:$0x19100] =	vst v63  }
0x21: {  	_ =	swait.ge [sflag:s11], $0x10000  }
0x22: {  	s2 =	sadd.s32 $0x1, s2;
	s31 =	rddreg [dreg:$0xa]  }
0x23: {  	p0 =	sne.s32 s2, s31  }
.Ltmp1:
0x24: {  	_ = 	snop;
	(pc) =	sbr.rel @!p0 .LBB2_42-.Ltmp1, $3  }
0x25: {  	_ =	sdelay $0x1  }
0x26: {  	[sflag:s11] =	ssyncset.done $0x0  }
0x27: {  	[sflag:s11] =	ssyncadd.s32 $0xFFFF0000  }
.LBB2_1:
0x28: {  	s0 =	rddreg [dreg:$0x3]  }
0x29: {  	[tilespmem:s13], [sflag:$0x1] =	stream.strided.gather [hbm4b:s0+s9], $0x4000, s10, s9, $0x38;
	[tilespmem:$0x19100] =	vst v63  }
0x2a: {  	s26 =	rddreg [dreg:$0x5];
	s1 =	simm.s32 $0xC100  }
0x2b: {  	[tilespmem:s1], [sflag:$0x2] =	stream.strided.gather [hbm4b:s26+s9], $0x4000, s10, s9, $0x38;
	[tilespmem:$0x19100] =	vst v63  }
0x2c: {  	s28 =	rddreg [dreg:$0x6];
	s29 =	simm.s32 $0x10100;
	s30 =	simm.s32 $0x1  }
0x2d: {  	[tilespmem:s29], [sflag:$0x3] =	stream.strided.gather [hbm4b:s28+s9], $0x4000, s10, s9, $0x38;
	[tilespmem:$0x19100] =	vst v63  }
0x2e: {  	_ =	swait.ge [sflag:s30], $0x4000  }
0x2f: {  	[sflag:s30] =	ssyncset.done $0x0  }
0x30: {  	s31 =	simm.s32 $0x8120;
	[sflag:s30] =	ssyncadd.s32 $0xFFFFC000  }
0x31: {  	v4 =	vld [tilespmem:s31+$0xFFFFFFF0]  }
0x32: {  	v5 =	vld [tilespmem:s31+$0x10]  }
0x33: {  	v6 =	vld [tilespmem:s31+$0x0];
	_ =	sdelay $0x1  }
0x34: {  	v7 =	vld [tilespmem:s31+$0xFFFFFFE0];
	_ =	sdelay $0x1  }
0x35: {  	v4 =	vmul.f32 $3.200000000e+01, v4;
	v5 =	vmul.f32 $3.200000000e+01, v5  }
0x36: {  	v6 =	vmul.f32 $3.200000000e+01, v6  }
0x37: {  	v8 =	vtrunc.f32 v4;
	v10 =	vtrunc.f32 v5  }
0x38: {  	v9 =	vcvt.f32.s32 v8;
	vm0 =	vlt.f32 v4, v8;
	v4 =	vmul.f32 $3.200000000e+01, v7  }
0x39: {  	v8 =	vtrunc.f32 v6;
	v11 =	vcvt.f32.s32 v10;
	v7 =	vsel vm0, $0xFFFFFFFF, v0  }
0x3a: {  	vm1 =	vlt.f32 v5, v10;
	v13 =	vcvt.f32.s32 v8;
	v7 =	vadd.s32 v7, v9  }
0x3b: {  	vm3 =	vlt.f32 v6, v8;
	v9 =	vtrunc.f32 v4;
	v7 =	vadd.s32 $0x20, v7  }
0x3c: {  	v12 =	vcvt.f32.s32 v9;
	vm0 =	vlt.f32 v4, v9;
	v4 =	vsel vm1, $0xFFFFFFFF, v0  }
0x3d: {  	v7 =	vshra.s32 v7, $0x4;
	v5 =	vsel vm0, $0xFFFFFFFF, v0;
	v4 =	vadd.s32 v4, v11  }
0x3e: {  	vm2 =	veq.s32 v7, $0x0;
	v5 =	vadd.s32 v5, v12;
	vm1 =	veq.s32 v7, $0x2  }
0x3f: {  	v4 =	vadd.s32 $0x20, v4;
	vm0 =	veq.s32 v7, $0x3;
	vm4 =	veq.s32 v7, $0x1  }
0x40: {  	v7 =	vsel vm3, $0xFFFFFFFF, v0;
	v8 =	vsel vm2, $0x1, v0;
	v5 =	vadd.s32 $0x20, v5  }
0x41: {  	v9 =	vshra.s32 v4, $0x4;
	v4 =	vsel vm0, $0x1, v0;
	v11 =	vsel vm4, $0x1, v0  }
0x42: {  	v10 =	vsel vm1, $0x1, v0;
	v12 =	vadd.s32 v7, v13;
	vm2 =	veq.s32 v9, $0x1  }
0x43: {  	vm0 =	veq.s32 v9, $0x3;
	v5 =	vshra.s32 v5, $0x4;
	vm1 =	veq.s32 v9, $0x2  }
0x44: {  	v6 =	vsel vm0, $0x1, v0;
	vm0 =	veq.s32 v9, $0x0;
	vm3 =	veq.s32 v5, $0x0  }
0x45: {  	v9 =	vsel vm2, $0x1, v0;
	v7 =	vsel vm1, $0x1, v0;
	vm1 =	veq.s32 v5, $0x1  }
0x46: {  	vm2 =	veq.s32 v5, $0x3;
	v13 =	vsel vm3, $0x1, v0;
	v16 =	vsel vm1, $0x1, v0  }
0x47: {  	vm1 =	veq.s32 v5, $0x2;
	v5 =	vsel vm2, $0x1, v0;
	v13 =	vadd.s32 v13, v0  }
0x48: {  	v15 =	vsel vm1, $0x1, v0;
	v13 =	vadd.s32 v8, v13;
	v8 =	vadd.s32 $0x20, v12  }
0x49: {  	v16 =	vadd.s32 v16, v0;
	v12 =	vadd.s32 v5, v0;
	v14 =	vshra.s32 v8, $0x4  }
0x4a: {  	s3 =	simm.s32 $0x8160;
	s0 =	simm.s32 $0x0;
	v5 =	vimm.s32 $0x0;
	vm1 =	veq.s32 v14, $0x0;
	vm2 =	veq.s32 v14, $0x3  }
.LBB2_2:
0x4b: {  	v8 =	vld [tilespmem:s3+$0xFFFFFFF0];
	s0 =	sadd.s32 $0x4, s0;
	v11 =	vadd.s32 v11, v16;
	vm3 =	veq.s32 v14, $0x2;
	v16 =	vsel vm2, $0x1, v0;
	s1 =	simm.s32 $0x9130  }
0x4c: {  	v5 =	vadd.s32 v15, v5;
	v15 =	vsel vm1, $0x1, v0;
	v17 =	vld [tilespmem:s3+$0x10];
	p0 =	slt.u32 s0, $0xFC;
	v18 =	vsel vm3, $0x1, v0  }
0x4d: {  	vm1 =	veq.s32 v14, $0x1;
	v14 =	vsel vm0, $0x1, v0;
	v13 =	vadd.s32 v15, v13;
	v19 =	vld [tilespmem:s3+$0x0]  }
0x4e: {  	v4 =	vadd.s32 v4, v12;
	v5 =	vadd.s32 v10, v5;
	v10 =	vsel vm1, $0x1, v0;
	v15 =	vld [tilespmem:s3+$0xFFFFFFE0]  }
0x4f: {  	v4 =	vadd.s32 v16, v4;
	v10 =	vadd.s32 v10, v11;
	v5 =	vadd.s32 v18, v5  }
0x50: {  	v16 =	vadd.s32 v9, v10;
	v5 =	vadd.s32 v7, v5;
	v11 =	vmul.f32 $3.200000000e+01, v8  }
0x51: {  	v12 =	vadd.s32 v14, v13;
	v14 =	vadd.s32 v6, v4;
	v7 =	vmul.f32 $3.200000000e+01, v17  }
0x52: {  	v8 =	vimm.s32 $0x0;
	v4 =	vtrunc.f32 v11;
	v6 =	vmul.f32 $3.200000000e+01, v19  }
0x53: {  	v9 =	vmul.f32 $3.200000000e+01, v15;
	v10 =	vcvt.f32.s32 v4;
	vm0 =	vlt.f32 v11, v4  }
0x54: {  	v13 =	vtrunc.f32 v7;
	v4 =	vsel vm0, $0xFFFFFFFF, v0;
	v11 =	vtrunc.f32 v6  }
0x55: {  	v15 =	vtrunc.f32 v9;
	v4 =	vadd.s32 v4, v10;
	v10 =	vcvt.f32.s32 v13  }
0x56: {  	v18 =	vcvt.f32.s32 v11;
	v17 =	vcvt.f32.s32 v15;
	v4 =	vadd.s32 $0x20, v4  }
0x57: {  	vm1 =	vlt.f32 v7, v13;
	vm0 =	vlt.f32 v9, v15;
	v9 =	vshra.s32 v4, $0x4  }
0x58: {  	vm3 =	vlt.f32 v6, v11;
	v4 =	vsel vm1, $0xFFFFFFFF, v0;
	vm2 =	veq.s32 v9, $0x0  }
0x59: {  	v6 =	vsel vm0, $0xFFFFFFFF, v0;
	v4 =	vadd.s32 v4, v10;
	v13 =	vsel vm2, $0x1, v0  }
0x5a: {  	v6 =	vadd.s32 v6, v17;
	vm1 =	veq.s32 v9, $0x2;
	v4 =	vadd.s32 $0x20, v4  }
0x5b: {  	vm0 =	veq.s32 v9, $0x3;
	v7 =	vadd.s32 $0x20, v6;
	v15 =	vshra.s32 v4, $0x4  }
0x5c: {  	v4 =	vsel vm0, $0x1, v0;
	vm2 =	veq.s32 v15, $0x1;
	vm0 =	veq.s32 v15, $0x3  }
0x5d: {  	vm4 =	veq.s32 v9, $0x1;
	v9 =	vsel vm3, $0xFFFFFFFF, v0;
	v6 =	vsel vm0, $0x1, v0  }
0x5e: {  	v11 =	vsel vm4, $0x1, v0;
	v17 =	vshra.s32 v7, $0x4;
	vm0 =	veq.s32 v15, $0x0  }
0x5f: {  	v10 =	vsel vm1, $0x1, v0;
	vm3 =	veq.s32 v17, $0x0;
	vm1 =	veq.s32 v15, $0x2  }
0x60: {  	v15 =	vadd.s32 v9, v18;
	v9 =	vsel vm2, $0x1, v0;
	v7 =	vsel vm1, $0x1, v0  }
.Ltmp2:
0x61: {  	v18 =	vsel vm3, $0x1, v0;
	vm1 =	veq.s32 v17, $0x1;
	vm2 =	veq.s32 v17, $0x3;
	(pc) =	sbr.rel @p0 .LBB2_2-.Ltmp2, $4  }
0x62: {  	v12 =	vadd.s32 v18, v12;
	v18 =	vsel vm1, $0x1, v0;
	vm1 =	veq.s32 v17, $0x2  }
0x63: {  	v17 =	vsel vm2, $0x1, v0;
	v19 =	vadd.s32 $0x20, v15;
	v13 =	vadd.s32 v13, v12  }
0x64: {  	v15 =	vsel vm1, $0x1, v0;
	v12 =	vadd.s32 v17, v14;
	v14 =	vshra.s32 v19, $0x4  }
0x65: {  	s3 =	sadd.s32 $0x40, s3;
	v16 =	vadd.s32 v18, v16;
	vm1 =	veq.s32 v14, $0x0;
	vm2 =	veq.s32 v14, $0x3  }
0x66: {  	s0 =	simm.s32 $0x0;
	v11 =	vadd.s32 v11, v16;
	v16 =	vsel vm1, $0x1, v0;
	v17 =	vld [tilespmem:s1+$0xFFFFFFE0];
	vm1 =	veq.s32 v14, $0x2  }
0x67: {  	s0 =	sand.u32 $0xFC0, s0;
	v13 =	vadd.s32 v16, v13;
	v16 =	vsel vm2, $0x1, v0;
	vm2 =	veq.s32 v14, $0x1  }
0x68: {  	v5 =	vadd.s32 v15, v5;
	v4 =	vadd.s32 v4, v12;
	v15 =	vld [tilespmem:s0+$0x9100];
	v12 =	vsel vm2, $0x1, v0  }
0x69: {  	v5 =	vadd.s32 v10, v5;
	v14 =	vsel vm1, $0x1, v0;
	v11 =	vadd.s32 v12, v11  }
0x6a: {  	v5 =	vadd.s32 v14, v5;
	v14 =	vadd.s32 v16, v4;
	v4 =	vadd.s32 v9, v11;
	v9 =	vld [tilespmem:s1+$0xFFFFFFF0]  }
0x6b: {  	v11 =	vmul.f32 $3.200000000e+01, v17  }
0x6c: {  	v10 =	vld [tilespmem:s1+$0x0];
	v12 =	vsel vm0, $0x1, v0;
	v5 =	vadd.s32 v7, v5  }
0x6d: {  	v7 =	vadd.s32 v12, v13;
	v12 =	vmul.f32 $3.200000000e+01, v15;
	v13 =	vtrunc.f32 v11  }
0x6e: {  	v6 =	vadd.s32 v6, v14;
	v15 =	vcvt.f32.s32 v13  }
0x6f: {  	vm0 =	vlt.f32 v11, v13;
	v14 =	vtrunc.f32 v12;
	v9 =	vmul.f32 $3.200000000e+01, v9  }
0x70: {  	v11 =	vcvt.f32.s32 v14;
	vm1 =	vlt.f32 v12, v14;
	v12 =	vsel vm0, $0xFFFFFFFF, v0  }
0x71: {  	v10 =	vmul.f32 $3.200000000e+01, v10;
	v13 =	vsel vm1, $0xFFFFFFFF, v0;
	v12 =	vadd.s32 v12, v15  }
0x72: {  	v14 =	vtrunc.f32 v9;
	v11 =	vadd.s32 v13, v11;
	v12 =	vadd.s32 $0x20, v12  }
0x73: {  	v13 =	vtrunc.f32 v10;
	v11 =	vadd.s32 $0x20, v11;
	v12 =	vshra.s32 v12, $0x4  }
0x74: {  	vm0 =	vlt.f32 v10, v13;
	v13 =	vcvt.f32.s32 v13;
	v10 =	vshra.s32 v11, $0x4  }
0x75: {  	vm1 =	veq.s32 v12, $0x3;
	v11 =	vsel vm0, $0xFFFFFFFF, v0;
	vm3 =	veq.s32 v12, $0x1  }
0x76: {  	vm0 =	veq.s32 v10, $0x0;
	vm2 =	veq.s32 v10, $0x1;
	vm4 =	veq.s32 v10, $0x2  }
0x77: {  	v16 =	vsel vm1, $0x1, v0;
	v15 =	vsel vm0, $0x1, v0;
	vm0 =	veq.s32 v10, $0x3  }
0x78: {  	vm1 =	veq.s32 v12, $0x0;
	v10 =	vsel vm0, $0x1, v0;
	vm0 =	vlt.f32 v9, v14  }
0x79: {  	v14 =	vcvt.f32.s32 v14;
	v10 =	vadd.s32 v10, v8;
	v17 =	vsel vm0, $0xFFFFFFFF, v0  }
0x7a: {  	v9 =	vadd.s32 v16, v10;
	v10 =	vadd.s32 v11, v13;
	v11 =	vadd.s32 v15, v8  }
0x7b: {  	v13 =	vsel vm4, $0x1, v0;
	v15 =	vsel vm2, $0x1, v0;
	v16 =	vsel vm1, $0x1, v0  }
0x7c: {  	v14 =	vadd.s32 v17, v14;
	vm1 =	veq.s32 v12, $0x2;
	v10 =	vadd.s32 $0x20, v10  }
0x7d: {  	v11 =	vadd.s32 v16, v11;
	v16 =	vsel vm3, $0x1, v0;
	v18 =	vadd.s32 v15, v8  }
0x7e: {  	v14 =	vadd.s32 $0x20, v14;
	v13 =	vadd.s32 v13, v8;
	v15 =	vshra.s32 v10, $0x4  }
0x7f: {  	v10 =	vadd.s32 v16, v18;
	v14 =	vshra.s32 v14, $0x4;
	v16 =	vsel vm1, $0x1, v0  }
0x80: {  	s3 =	simm.s32 $0x0;
	vm0 =	veq.s32 v15, $0x0;
	vm2 =	veq.s32 v15, $0x1;
	v13 =	vadd.s32 v16, v13  }
0x81: {  	s4 =	simm.s32 $0x9170;
	s5 =	simm.s32 $0x40;
	s1 =	simm.s32 $0xA130;
	v12 =	vsel vm0, $0x1, v0;
	vm0 =	veq.s32 v14, $0x0;
	v16 =	vsel vm2, $0x1, v0  }
.LBB2_4:
0x82: {  	s6 =	sand.u32 $0xFC0, s5;
	v17 =	vld [tilespmem:s4+$0xFFFFFFE0];
	s3 =	sadd.s32 $0x4, s3;
	vm1 =	veq.s32 v14, $0x1;
	vm2 =	veq.s32 v15, $0x3  }
0x83: {  	v18 =	vld [tilespmem:s6+$0x9100];
	p0 =	slt.u32 s3, $0xFC;
	v19 =	vsel vm1, $0x1, v0;
	vm1 =	veq.s32 v15, $0x2;
	v15 =	vsel vm2, $0x1, v0  }
0x84: {  	v21 =	vsel vm0, $0x1, v0;
	vm0 =	veq.s32 v14, $0x3;
	v20 =	vld [tilespmem:s4+$0x0];
	v10 =	vadd.s32 v19, v10  }
0x85: {  	vm2 =	veq.s32 v14, $0x2;
	v14 =	vsel vm0, $0x1, v0;
	v19 =	vld [tilespmem:s4+$0xFFFFFFF0];
	v10 =	vadd.s32 v16, v10  }
0x86: {  	v9 =	vadd.s32 v14, v9;
	v14 =	vsel vm1, $0x1, v0;
	v16 =	vsel vm2, $0x1, v0  }
0x87: {  	v11 =	vadd.s32 v21, v11;
	v9 =	vadd.s32 v15, v9;
	v17 =	vmul.f32 $3.200000000e+01, v17  }
0x88: {  	v11 =	vadd.s32 v12, v11;
	v13 =	vadd.s32 v16, v13;
	v15 =	vmul.f32 $3.200000000e+01, v18  }
0x89: {  	v13 =	vadd.s32 v14, v13;
	v12 =	vtrunc.f32 v17;
	v16 =	vmul.f32 $3.200000000e+01, v20  }
0x8a: {  	v14 =	vtrunc.f32 v15;
	v18 =	vcvt.f32.s32 v12;
	vm0 =	vlt.f32 v17, v12  }
0x8b: {  	v12 =	vcvt.f32.s32 v14;
	vm1 =	vlt.f32 v15, v14;
	v14 =	vsel vm0, $0xFFFFFFFF, v0  }
0x8c: {  	v17 =	vmul.f32 $3.200000000e+01, v19;
	v15 =	vsel vm1, $0xFFFFFFFF, v0;
	v14 =	vadd.s32 v14, v18  }
0x8d: {  	v12 =	vadd.s32 v15, v12;
	v14 =	vadd.s32 $0x20, v14;
	v15 =	vtrunc.f32 v16  }
0x8e: {  	v12 =	vadd.s32 $0x20, v12;
	v14 =	vshra.s32 v14, $0x4;
	vm0 =	vlt.f32 v16, v15  }
0x8f: {  	v12 =	vshra.s32 v12, $0x4;
	vm1 =	veq.s32 v14, $0x3;
	v16 =	vsel vm0, $0xFFFFFFFF, v0  }
0x90: {  	v18 =	vtrunc.f32 v17;
	vm0 =	veq.s32 v12, $0x0;
	vm2 =	veq.s32 v12, $0x1  }
0x91: {  	vm3 =	veq.s32 v14, $0x1;
	v19 =	vsel vm0, $0x1, v0;
	vm0 =	veq.s32 v12, $0x3  }
0x92: {  	v15 =	vcvt.f32.s32 v15;
	vm4 =	veq.s32 v12, $0x2;
	v12 =	vsel vm0, $0x1, v0  }
0x93: {  	vm0 =	vlt.f32 v17, v18;
	v9 =	vadd.s32 v12, v9;
	v12 =	vsel vm1, $0x1, v0  }
0x94: {  	vm1 =	veq.s32 v14, $0x0;
	v9 =	vadd.s32 v12, v9;
	v12 =	vadd.s32 v16, v15  }
0x95: {  	v11 =	vadd.s32 v19, v11;
	v16 =	vsel vm4, $0x1, v0;
	v12 =	vadd.s32 $0x20, v12  }
0x96: {  	v18 =	vcvt.f32.s32 v18;
	v15 =	vsel vm2, $0x1, v0;
	v17 =	vsel vm1, $0x1, v0  }
0x97: {  	v19 =	vsel vm0, $0xFFFFFFFF, v0;
	v11 =	vadd.s32 v17, v11;
	v17 =	vsel vm3, $0x1, v0  }
.Ltmp3:
0x98: {  	v18 =	vadd.s32 v19, v18;
	v10 =	vadd.s32 v15, v10;
	v15 =	vshra.s32 v12, $0x4;
	(pc) =	sbr.rel @p0 .LBB2_4-.Ltmp3, $4  }
0x99: {  	v10 =	vadd.s32 v17, v10;
	v12 =	vadd.s32 $0x20, v18;
	vm0 =	veq.s32 v15, $0x0  }
0x9a: {  	vm1 =	veq.s32 v14, $0x2;
	v14 =	vshra.s32 v12, $0x4;
	vm2 =	veq.s32 v15, $0x1  }
0x9b: {  	v13 =	vadd.s32 v16, v13;
	v16 =	vsel vm1, $0x1, v0;
	v12 =	vsel vm0, $0x1, v0  }
0x9c: {  	s5 =	sadd.s32 $0x40, s5;
	s4 =	sadd.s32 $0x40, s4;
	v13 =	vadd.s32 v16, v13;
	vm0 =	veq.s32 v14, $0x0;
	v16 =	vsel vm2, $0x1, v0  }
0x9d: {  	v17 =	vld [tilespmem:s1+$0xFFFFFFE0];
	vm1 =	veq.s32 v14, $0x1  }
0x9e: {  	vm2 =	veq.s32 v15, $0x3;
	v19 =	vsel vm0, $0x1, v0;
	vm0 =	veq.s32 v14, $0x3;
	v20 =	vld [tilespmem:s1+$0xFFFFFFF0]  }
0x9f: {  	v18 =	vsel vm1, $0x1, v0;
	vm1 =	veq.s32 v15, $0x2;
	v15 =	vsel vm2, $0x1, v0  }
0xa0: {  	vm2 =	veq.s32 v14, $0x2;
	v14 =	vsel vm0, $0x1, v0;
	v11 =	vadd.s32 v19, v11;
	v19 =	vld [tilespmem:s0+$0xA100]  }
0xa1: {  	v10 =	vadd.s32 v18, v10;
	v18 =	vld [tilespmem:s1+$0x0];
	v9 =	vadd.s32 v14, v9;
	v14 =	vsel vm1, $0x1, v0  }
0xa2: {  	v10 =	vadd.s32 v16, v10;
	v16 =	vsel vm2, $0x1, v0;
	v17 =	vmul.f32 $3.200000000e+01, v17  }
0xa3: {  	v12 =	vadd.s32 v12, v11;
	v13 =	vadd.s32 v16, v13;
	v16 =	vmul.f32 $3.200000000e+01, v20  }
0xa4: {  	v9 =	vadd.s32 v15, v9;
	v11 =	vadd.s32 v14, v13;
	v15 =	vtrunc.f32 v17  }
0xa5: {  	v14 =	vtrunc.f32 v16;
	v20 =	vcvt.f32.s32 v15;
	vm0 =	vlt.f32 v17, v15  }
0xa6: {  	v15 =	vmul.f32 $3.200000000e+01, v18;
	v17 =	vmul.f32 $3.200000000e+01, v19;
	v13 =	vsel vm0, $0xFFFFFFFF, v0  }
0xa7: {  	vm0 =	vlt.f32 v16, v14;
	v16 =	vcvt.f32.s32 v14;
	v13 =	vadd.s32 v13, v20  }
0xa8: {  	v19 =	vsel vm0, $0xFFFFFFFF, v0;
	v14 =	vtrunc.f32 v17;
	v13 =	vadd.s32 $0x20, v13  }
0xa9: {  	v20 =	vcvt.f32.s32 v14;
	v16 =	vadd.s32 v19, v16;
	v18 =	vshra.s32 v13, $0x4  }
0xaa: {  	v16 =	vadd.s32 $0x20, v16;
	vm0 =	veq.s32 v18, $0x1;
	vm1 =	veq.s32 v18, $0x3  }
0xab: {  	vm2 =	veq.s32 v18, $0x2;
	v16 =	vshra.s32 v16, $0x4;
	v13 =	vsel vm0, $0x1, v0  }
0xac: {  	vm0 =	vlt.f32 v17, v14;
	v17 =	vtrunc.f32 v15;
	v14 =	vsel vm2, $0x1, v0  }
0xad: {  	vm3 =	veq.s32 v16, $0x1;
	vm4 =	veq.s32 v16, $0x2;
	vm5 =	veq.s32 v16, $0x3  }
0xae: {  	v21 =	vsel vm0, $0xFFFFFFFF, v0;
	v22 =	vcvt.f32.s32 v17;
	vm0 =	vlt.f32 v15, v17  }
0xaf: {  	v15 =	vsel vm1, $0x1, v0;
	v24 =	vsel vm5, $0x1, v0;
	v20 =	vadd.s32 v21, v20  }
0xb0: {  	v17 =	vadd.s32 $0x20, v20;
	v20 =	vsel vm0, $0xFFFFFFFF, v0;
	vm0 =	veq.s32 v18, $0x0  }
0xb1: {  	v19 =	vshra.s32 v17, $0x4;
	v18 =	vadd.s32 v20, v22;
	v20 =	vsel vm4, $0x1, v0  }
0xb2: {  	vm1 =	veq.s32 v19, $0x0;
	vm2 =	veq.s32 v19, $0x1;
	vm6 =	veq.s32 v19, $0x3  }
0xb3: {  	v17 =	vsel vm1, $0x1, v0;
	vm1 =	veq.s32 v19, $0x2;
	v19 =	vsel vm3, $0x1, v0  }
0xb4: {  	v21 =	vadd.s32 v17, v8;
	v17 =	vsel vm2, $0x1, v0;
	vm2 =	veq.s32 v16, $0x0  }
0xb5: {  	v16 =	vadd.s32 $0x20, v18;
	v18 =	vsel vm6, $0x1, v0;
	v23 =	vsel vm2, $0x1, v0  }
0xb6: {  	s3 =	simm.s32 $0xA170;
	s4 =	simm.s32 $0x40;
	s1 =	simm.s32 $0x0;
	v22 =	vshra.s32 v16, $0x4;
	v25 =	vadd.s32 v18, v8;
	v16 =	vimm.s32 $0x0  }
.LBB2_6:
0xb7: {  	s5 =	sand.u32 $0xFC0, s4;
	v18 =	vld [tilespmem:s3+$0xFFFFFFE0];
	s1 =	sadd.s32 $0x4, s1;
	v26 =	vsel vm1, $0x1, v0;
	v27 =	vsel vm0, $0x1, v0;
	vm0 =	veq.s32 v22, $0x3;
	s0 =	simm.s32 $0xB130  }
0xb8: {  	v15 =	vadd.s32 v15, v25;
	v28 =	vld [tilespmem:s3+$0x0];
	p0 =	slt.u32 s1, $0xFC;
	v8 =	vadd.s32 v26, v8;
	v25 =	vsel vm0, $0x1, v0  }
0xb9: {  	vm1 =	veq.s32 v22, $0x2;
	v21 =	vadd.s32 v27, v21;
	vm0 =	veq.s32 v22, $0x0;
	v26 =	vld [tilespmem:s3+$0xFFFFFFF0]  }
0xba: {  	v29 =	vsel vm1, $0x1, v0;
	v21 =	vadd.s32 v23, v21;
	v23 =	vsel vm0, $0x1, v0;
	v27 =	vld [tilespmem:s5+$0xA100]  }
0xbb: {  	v15 =	vadd.s32 v24, v15;
	vm0 =	veq.s32 v22, $0x1;
	v21 =	vadd.s32 v23, v21  }
0xbc: {  	v8 =	vadd.s32 v14, v8;
	v14 =	vsel vm0, $0x1, v0;
	v18 =	vmul.f32 $3.200000000e+01, v18  }
0xbd: {  	v24 =	vadd.s32 v25, v15;
	v8 =	vadd.s32 v20, v8;
	v22 =	vmul.f32 $3.200000000e+01, v28  }
0xbe: {  	v8 =	vadd.s32 v29, v8;
	v15 =	vtrunc.f32 v18;
	v20 =	vmul.f32 $3.200000000e+01, v26  }
0xbf: {  	v23 =	vmul.f32 $3.200000000e+01, v27;
	v25 =	vcvt.f32.s32 v15;
	vm0 =	vlt.f32 v18, v15  }
0xc0: {  	v16 =	vadd.s32 v17, v16;
	v15 =	vsel vm0, $0xFFFFFFFF, v0;
	v18 =	vtrunc.f32 v20  }
0xc1: {  	v13 =	vadd.s32 v13, v16;
	v15 =	vadd.s32 v15, v25;
	vm0 =	vlt.f32 v20, v18  }
0xc2: {  	v13 =	vadd.s32 v19, v13;
	v17 =	vcvt.f32.s32 v18;
	v15 =	vadd.s32 $0x20, v15  }
0xc3: {  	v16 =	vadd.s32 v14, v13;
	v19 =	vsel vm0, $0xFFFFFFFF, v0;
	v18 =	vshra.s32 v15, $0x4  }
0xc4: {  	v14 =	vtrunc.f32 v23;
	vm0 =	veq.s32 v18, $0x1;
	vm1 =	veq.s32 v18, $0x3  }
0xc5: {  	v15 =	vcvt.f32.s32 v14;
	v13 =	vsel vm0, $0x1, v0;
	vm0 =	veq.s32 v18, $0x2  }
0xc6: {  	v20 =	vtrunc.f32 v22;
	vm2 =	vlt.f32 v23, v14;
	v14 =	vsel vm0, $0x1, v0  }
0xc7: {  	v25 =	vcvt.f32.s32 v20;
	v23 =	vsel vm2, $0xFFFFFFFF, v0;
	vm0 =	vlt.f32 v22, v20  }
0xc8: {  	v20 =	vadd.s32 v23, v15;
	v15 =	vsel vm1, $0x1, v0;
	v22 =	vsel vm0, $0xFFFFFFFF, v0  }
0xc9: {  	v17 =	vadd.s32 v19, v17;
	v20 =	vadd.s32 $0x20, v20;
	vm0 =	veq.s32 v18, $0x0  }
0xca: {  	v17 =	vadd.s32 $0x20, v17;
	v18 =	vimm.s32 $0x0;
	v19 =	vshra.s32 v20, $0x4  }
0xcb: {  	v20 =	vshra.s32 v17, $0x4;
	v22 =	vadd.s32 v22, v25;
	vm1 =	veq.s32 v19, $0x0  }
0xcc: {  	vm2 =	veq.s32 v19, $0x1;
	v17 =	vsel vm1, $0x1, v0;
	vm1 =	veq.s32 v19, $0x2  }
.Ltmp4:
0xcd: {  	vm3 =	veq.s32 v20, $0x1;
	vm4 =	veq.s32 v20, $0x2;
	v21 =	vadd.s32 v17, v21;
	(pc) =	sbr.rel @p0 .LBB2_6-.Ltmp4, $4  }
0xce: {  	vm5 =	veq.s32 v20, $0x3;
	v17 =	vsel vm2, $0x1, v0;
	vm2 =	veq.s32 v20, $0x0  }
0xcf: {  	vm6 =	veq.s32 v19, $0x3;
	v19 =	vadd.s32 $0x20, v22;
	v20 =	vsel vm4, $0x1, v0  }
0xd0: {  	v25 =	vsel vm6, $0x1, v0;
	v22 =	vshra.s32 v19, $0x4;
	v23 =	vsel vm2, $0x1, v0  }
0xd1: {  	s4 =	sadd.s32 $0x40, s4;
	s3 =	sadd.s32 $0x40, s3;
	s5 =	simm.s32 $0x0;
	v25 =	vadd.s32 v25, v24;
	v19 =	vsel vm3, $0x1, v0;
	v24 =	vsel vm5, $0x1, v0  }
0xd2: {  	v26 =	vsel vm1, $0x1, v0;
	v27 =	vsel vm0, $0x1, v0;
	vm0 =	veq.s32 v22, $0x3  }
0xd3: {  	s1 =	sand.u32 $0xFC0, s5;
	v15 =	vadd.s32 v15, v25;
	vm1 =	veq.s32 v22, $0x2;
	v8 =	vadd.s32 v26, v8;
	v26 =	vld [tilespmem:s0+$0xFFFFFFE0]  }
0xd4: {  	v25 =	vsel vm0, $0x1, v0;
	v21 =	vadd.s32 v27, v21;
	v27 =	vld [tilespmem:s1+$0xB100];
	vm0 =	veq.s32 v22, $0x0  }
0xd5: {  	v28 =	vsel vm1, $0x1, v0;
	v21 =	vadd.s32 v23, v21;
	v23 =	vsel vm0, $0x1, v0  }
0xd6: {  	v24 =	vadd.s32 v24, v15;
	v8 =	vadd.s32 v14, v8;
	v15 =	vadd.s32 v23, v21;
	v21 =	vld [tilespmem:s0+$0x0]  }
0xd7: {  	vm0 =	veq.s32 v22, $0x1;
	v14 =	vadd.s32 v17, v16;
	v8 =	vadd.s32 v20, v8;
	v20 =	vld [tilespmem:s0+$0xFFFFFFF0]  }
0xd8: {  	v22 =	vsel vm0, $0x1, v0;
	v13 =	vadd.s32 v13, v14;
	v23 =	vmul.f32 $3.200000000e+01, v26  }
0xd9: {  	v16 =	vadd.s32 v28, v8;
	v8 =	vadd.s32 v19, v13;
	v26 =	vmul.f32 $3.200000000e+01, v27  }
0xda: {  	v17 =	vadd.s32 v22, v8;
	v8 =	vtrunc.f32 v23  }
0xdb: {  	v13 =	vtrunc.f32 v26;
	v21 =	vmul.f32 $3.200000000e+01, v21  }
0xdc: {  	v14 =	vadd.s32 v25, v24;
	v20 =	vmul.f32 $3.200000000e+01, v20;
	v19 =	vcvt.f32.s32 v13  }
0xdd: {  	vm0 =	vlt.f32 v26, v13;
	vm1 =	vlt.f32 v23, v8;
	v8 =	vcvt.f32.s32 v8  }
0xde: {  	v13 =	vsel vm0, $0xFFFFFFFF, v0;
	v22 =	vtrunc.f32 v21;
	v23 =	vtrunc.f32 v20  }
0xdf: {  	v13 =	vadd.s32 v13, v19;
	v19 =	vsel vm1, $0xFFFFFFFF, v0;
	v24 =	vcvt.f32.s32 v22  }
0xe0: {  	vm2 =	vlt.f32 v20, v23;
	v23 =	vcvt.f32.s32 v23;
	v13 =	vadd.s32 $0x20, v13  }
0xe1: {  	v8 =	vadd.s32 v19, v8;
	v27 =	vsel vm2, $0xFFFFFFFF, v0;
	v13 =	vshra.s32 v13, $0x4  }
0xe2: {  	v8 =	vadd.s32 $0x20, v8;
	v23 =	vadd.s32 v27, v23;
	vm0 =	veq.s32 v13, $0x0  }
0xe3: {  	vm1 =	veq.s32 v13, $0x1;
	v25 =	vshra.s32 v8, $0x4;
	vm3 =	veq.s32 v13, $0x2  }
0xe4: {  	v23 =	vadd.s32 $0x20, v23;
	v20 =	vsel vm0, $0x1, v0;
	vm0 =	veq.s32 v13, $0x3  }
0xe5: {  	v26 =	vsel vm1, $0x1, v0;
	vm1 =	veq.s32 v25, $0x2;
	v63 =	vsel vm3, $0x1, v0  }
0xe6: {  	v8 =	vsel vm0, $0x1, v0;
	vm0 =	veq.s32 v25, $0x3;
	v19 =	vsel vm1, $0x1, v0  }
0xe7: {  	v20 =	vadd.s32 v20, v18;
	v13 =	vsel vm0, $0x1, v0;
	vm0 =	veq.s32 v25, $0x1  }
0xe8: {  	v26 =	vadd.s32 v26, v18;
	v8 =	vadd.s32 v8, v18;
	v27 =	vsel vm0, $0x1, v0  }
0xe9: {  	v18 =	vadd.s32 v63, v18;
	vm0 =	vlt.f32 v21, v22;
	v21 =	vadd.s32 v27, v26  }
0xea: {  	v26 =	vshra.s32 v23, $0x4;
	v22 =	vsel vm0, $0xFFFFFFFF, v0;
	vm0 =	veq.s32 v25, $0x0  }
0xeb: {  	vm2 =	veq.s32 v26, $0x2;
	vm1 =	veq.s32 v26, $0x0;
	vm3 =	veq.s32 v26, $0x1  }
0xec: {  	v24 =	vadd.s32 v22, v24;
	v25 =	vsel vm0, $0x1, v0;
	vm0 =	veq.s32 v26, $0x3  }
0xed: {  	s3 =	simm.s32 $0x40;
	s1 =	simm.s32 $0xB170;
	s0 =	simm.s32 $0x0;
	v23 =	vsel vm3, $0x1, v0;
	v22 =	vsel vm2, $0x1, v0;
	v24 =	vadd.s32 $0x20, v24  }
.LBB2_8:
0xee: {  	s4 =	sand.u32 $0xFC0, s3;
	v26 =	vld [tilespmem:s1+$0xFFFFFFE0];
	s0 =	sadd.s32 $0x4, s0;
	v20 =	vadd.s32 v25, v20;
	v25 =	vsel vm1, $0x1, v0;
	v27 =	vsel vm0, $0x1, v0  }
0xef: {  	v18 =	vadd.s32 v19, v18;
	v8 =	vadd.s32 v13, v8;
	v13 =	vadd.s32 v23, v21;
	v28 =	vld [tilespmem:s4+$0xB100];
	p0 =	slt.u32 s0, $0xFC  }
0xf0: {  	v21 =	vshra.s32 v24, $0x4;
	v18 =	vadd.s32 v22, v18;
	v8 =	vadd.s32 v27, v8;
	v19 =	vld [tilespmem:s1+$0x0]  }
0xf1: {  	vm0 =	veq.s32 v21, $0x0;
	vm1 =	veq.s32 v21, $0x1;
	vm2 =	veq.s32 v21, $0x3;
	v22 =	vld [tilespmem:s1+$0xFFFFFFF0]  }
0xf2: {  	v20 =	vadd.s32 v25, v20;
	v23 =	vsel vm0, $0x1, v0;
	vm0 =	veq.s32 v21, $0x2  }
0xf3: {  	v24 =	vsel vm1, $0x1, v0;
	v25 =	vsel vm2, $0x1, v0;
	v21 =	vmul.f32 $3.200000000e+01, v26  }
0xf4: {  	v20 =	vadd.s32 v23, v20;
	v23 =	vsel vm0, $0x1, v0;
	v26 =	vmul.f32 $3.200000000e+01, v28  }
0xf5: {  	v8 =	vadd.s32 v25, v8;
	v27 =	vtrunc.f32 v21;
	v28 =	vmul.f32 $3.200000000e+01, v19  }
0xf6: {  	v18 =	vadd.s32 v23, v18;
	v19 =	vtrunc.f32 v26;
	vm0 =	vlt.f32 v21, v27  }
0xf7: {  	v23 =	vadd.s32 v24, v13;
	v21 =	vcvt.f32.s32 v19;
	vm1 =	vlt.f32 v26, v19  }
0xf8: {  	v22 =	vmul.f32 $3.200000000e+01, v22;
	v19 =	vcvt.f32.s32 v27;
	v13 =	vsel vm1, $0xFFFFFFFF, v0  }
0xf9: {  	v24 =	vtrunc.f32 v28;
	v13 =	vadd.s32 v13, v21;
	v21 =	vsel vm0, $0xFFFFFFFF, v0  }
0xfa: {  	v13 =	vadd.s32 $0x20, v13;
	v19 =	vadd.s32 v21, v19;
	v21 =	vtrunc.f32 v22  }
0xfb: {  	v25 =	vcvt.f32.s32 v24;
	v13 =	vshra.s32 v13, $0x4;
	v19 =	vadd.s32 $0x20, v19  }
0xfc: {  	vm2 =	vlt.f32 v22, v21;
	vm0 =	veq.s32 v13, $0x0;
	vm1 =	veq.s32 v13, $0x1  }
0xfd: {  	v26 =	vshra.s32 v19, $0x4;
	v22 =	vsel vm0, $0x1, v0;
	vm0 =	veq.s32 v13, $0x3  }
0xfe: {  	vm3 =	veq.s32 v13, $0x2;
	v13 =	vsel vm0, $0x1, v0;
	vm0 =	veq.s32 v26, $0x3  }
0xff: {  	v27 =	vsel vm1, $0x1, v0;
	vm1 =	veq.s32 v26, $0x2;
	v8 =	vadd.s32 v13, v8  }
0x100: {  	v21 =	vcvt.f32.s32 v21;
	v19 =	vsel vm1, $0x1, v0;
	v13 =	vsel vm0, $0x1, v0  }
0x101: {  	v20 =	vadd.s32 v22, v20;
	v22 =	vsel vm2, $0xFFFFFFFF, v0;
	vm0 =	veq.s32 v26, $0x1  }
0x102: {  	v29 =	vsel vm3, $0x1, v0;
	v21 =	vadd.s32 v22, v21;
	v30 =	vsel vm0, $0x1, v0  }
0x103: {  	v22 =	vadd.s32 v27, v23;
	v23 =	vadd.s32 $0x20, v21;
	vm0 =	vlt.f32 v28, v24  }
.Ltmp5:
0x104: {  	v21 =	vadd.s32 v30, v22;
	v24 =	vshra.s32 v23, $0x4;
	v22 =	vsel vm0, $0xFFFFFFFF, v0;
	(pc) =	sbr.rel @p0 .LBB2_8-.Ltmp5, $4  }
0x105: {  	v18 =	vadd.s32 v29, v18;
	vm0 =	veq.s32 v26, $0x0;
	vm2 =	veq.s32 v24, $0x2  }
0x106: {  	vm1 =	veq.s32 v24, $0x0;
	vm3 =	veq.s32 v24, $0x1;
	v26 =	vadd.s32 v22, v25  }
0x107: {  	v25 =	vsel vm0, $0x1, v0;
	v23 =	vsel vm3, $0x1, v0  }
0x108: {  	s3 =	sadd.s32 $0x40, s3;
	s1 =	sadd.s32 $0x40, s1;
	vm0 =	veq.s32 v24, $0x3;
	v22 =	vsel vm2, $0x1, v0;
	v24 =	vadd.s32 $0x20, v26  }
0x109: {  	(xrf0) =	vadd.scan.msk.s32 $0xffff, v7  }
0x10a: {  	(xrf0) =	vadd.scan.msk.s32 $0xffff, v4  }
0x10b: {  	(xrf0) =	vadd.scan.msk.s32 $0xffff, v5  }
0x10c: {  	(xrf0) =	vadd.scan.msk.s32 $0xffff, v6  }
0x10d: {  	(xrf0) =	vadd.scan.msk.s32 $0xffff, v12  }
0x10e: {  	v7 =	vadd.s32 v19, v18;
	(xrf0) =	vadd.scan.msk.s32 $0xffff, v10  }
0x10f: {  	v4 =	vshra.s32 v24, $0x4;
	v7 =	vadd.s32 v22, v7;
	v6 =	vsel vm1, $0x1, v0;
	v10, _, _ =	vpop (xrf0);
	(xrf0) =	vadd.scan.msk.s32 $0xffff, v11  }
0x110: {  	v5 =	vadd.s32 v25, v20;
	vm2 =	veq.s32 v4, $0x1;
	(v2sf) =	vpush v10, $0xF;
	v10, _, _ =	vpop (xrf0);
	(xrf0) =	vadd.scan.msk.s32 $0xffff, v9  }
0x111: {  	vm1 =	veq.s32 v4, $0x0;
	v5 =	vadd.s32 v6, v5;
	(v2sf) =	vpush v10, $0xF;
	v9, _, _ =	vpop (xrf0);
	(xrf0) =	vadd.scan.msk.s32 $0xffff, v15  }
0x112: {  	v11 =	vadd.s32 v23, v21;
	v10 =	vsel vm2, $0x1, v0;
	(v2sf) =	vpush v9, $0xF;
	v6, _, _ =	vpop (xrf0);
	(xrf0) =	vadd.scan.msk.s32 $0xffff, v17  }
0x113: {  	v9 =	vsel vm1, $0x1, v0;
	vm1 =	veq.s32 v4, $0x2;
	(v2sf) =	vpush v6, $0xF;
	v6, _, _ =	vpop (xrf0);
	(xrf0) =	vadd.scan.msk.s32 $0xffff, v16  }
0x114: {  	v5 =	vadd.s32 v9, v5;
	v9 =	vsel vm1, $0x1, v0;
	(v2sf) =	vpush v6, $0xF;
	v6, _, _ =	vpop (xrf0);
	(xrf0) =	vadd.scan.msk.s32 $0xffff, v14  }
0x115: {  	v10 =	vadd.s32 v10, v11;
	(v2sf) =	vpush v6, $0xF;
	v6, _, _ =	vpop (xrf0);
	(xrf0) =	vadd.scan.msk.s32 $0xffff, v5;
	v5 =	vadd.s32 v9, v7  }
0x116: {  	(v2sf) =	vpush v6, $0xF;
	v6, _, _ =	vpop (xrf0);
	(xrf0) =	vadd.scan.msk.s32 $0xffff, v10  }
0x117: {  	(v2sf) =	vpush v6, $0xF;
	v6, _, _ =	vpop (xrf0);
	(xrf0) =	vadd.scan.msk.s32 $0xffff, v5  }
0x118: {  	v5, _, _ =	vpop (xrf0);
	(v2sf) =	vpush v6, $0xF  }
0x119: {  	v6, _, _ =	vpop (xrf0);
	(v2sf) =	vpush v5, $0xF  }
0x11a: {  	v5, _, _ =	vpop (xrf0);
	(v2sf) =	vpush v6, $0xF  }
0x11b: {  	v6, _, _ =	vpop (xrf0);
	(v2sf) =	vpush v5, $0xF  }
0x11c: {  	v5, _, _ =	vpop (xrf0);
	(v2sf) =	vpush v6, $0xF  }
0x11d: {  	(v2sf) =	vpush v5, $0xF;
	v5, _, _ =	vpop (xrf0)  }
0x11e: {  	(v2sf) =	vpush v5, $0xF  }
0x11f: {  	s15 =	spop (v2sf)  }
0x120: {  	s9 =	spop (v2sf)  }
0x121: {  	s3 =	spop (v2sf)  }
0x122: {  	s17 =	spop (v2sf)  }
0x123: {  	s1 =	spop (v2sf)  }
0x124: {  	s7 =	spop (v2sf)  }
0x125: {  	s6 =	spop (v2sf)  }
0x126: {  	s21 =	spop (v2sf)  }
0x127: {  	s12 =	spop (v2sf)  }
0x128: {  	s4 =	spop (v2sf)  }
0x129: {  	s5 =	spop (v2sf)  }
0x12a: {  	s31 =	spop (v2sf)  }
0x12b: {  	s0 =	spop (v2sf)  }
0x12c: {  	s11 =	spop (v2sf)  }
0x12d: {  	s8 =	simm.s32 $0x2;
	s10 =	spop (v2sf)  }
0x12e: {  	_ =	swait.ge [sflag:s8], $0x4000  }
0x12f: {  	[sflag:s8] =	ssyncset.done $0x0  }
0x130: {  	s19 =	simm.s32 $0x3;
	[sflag:s8] =	ssyncadd.s32 $0xFFFFC000  }
0x131: {  	_ =	swait.ge [sflag:s19], $0x4000  }
0x132: {  	[sflag:s19] =	ssyncset.done $0x0  }
0x133: {  	s16 =	simm.s32 $0x0;
	s20 =	simm.s32 $0x8100;
	[sflag:s19] =	ssyncadd.s32 $0xFFFFC000  }
0x134: {  	s8 =	sand.u32 $0xFF0, s16;
	v10 =	vld [tilespmem:s20+$0x0]  }
0x135: {  	v14 =	vld [tilespmem:s8+$0xC100]  }
0x136: {  	v16 =	vld [tilespmem:s8+$0x10100];
	_ =	sdelay $0x3  }
0x137: {  	v5 =	vmul.f32 $3.200000000e+01, v10  }
0x138: {  	v6 =	vmul.f32 $3.200000000e+01, v14;
	v7 =	vmul.f32 $3.200000000e+01, v16  }
0x139: {  	v9 =	vtrunc.f32 v5  }
0x13a: {  	v11 =	vtrunc.f32 v6;
	v12 =	vtrunc.f32 v7  }
0x13b: {  	v15 =	vcvt.f32.s32 v9;
	vm1 =	vlt.f32 v5, v9;
	v9 =	vcvt.f32.s32 v11  }
0x13c: {  	v17 =	vcvt.f32.s32 v12;
	vm2 =	vlt.f32 v7, v12;
	v12 =	vsel vm1, $0xFFFFFFFF, v0  }
0x13d: {  	vm1 =	vlt.f32 v6, v11;
	v11 =	vsel vm2, $0xFFFFFFFF, v0;
	v12 =	vadd.s32 v15, v12  }
0x13e: {  	v11 =	vadd.s32 v17, v11;
	v17 =	vcvt.s32.f32 v12  }
0x13f: {  	v15 =	vsel vm1, $0xFFFFFFFF, v0  }
0x140: {  	v9 =	vadd.s32 v9, v15;
	v15 =	vcvt.s32.f32 v11;
	v5 =	vsub.f32 v5, v17  }
0x141: {  	v18 =	vcvt.s32.f32 v9  }
0x142: {  	v7 =	vsub.f32 v7, v15;
	v5 =	vmul.f32 $6.553600000e+04, v5  }
0x143: {  	v12 =	vadd.s32 $0x20, v12;
	v9 =	vshll.u32 v9, $0x6;
	v6 =	vsub.f32 v6, v18  }
0x144: {  	v15 =	vshra.s32 v12, $0x4;
	v7 =	vmul.f32 $6.553600000e+04, v7;
	v5 =	vtrunc.f32 v5  }
0x145: {  	v12 =	vshll.u32 v12, $0xC;
	v6 =	vmul.f32 $6.553600000e+04, v6;
	v5 =	vcvt.f32.s32 v5  }
0x146: {  	v9 =	vadd.s32 v9, v11;
	vm8 =	veq.s32 v15, $0x0;
	v7 =	vtrunc.f32 v7  }
0x147: {  	v6 =	vtrunc.f32 v6;
	v7 =	vcvt.f32.s32 v7;
	vm1 =	vlt.s32 v5, $0xFFFF  }
0x148: {  	s14 =	sadd.s32 s15, s1;
	v9 =	vadd.s32 v12, v9;
	v6 =	vcvt.f32.s32 v6;
	v5 =	vnsel vm1, $0xFFFF, v5  }
0x149: {  	s1 =	sadd.s32 s14, s12;
	v9 =	vadd.s32 $0x820, v9;
	vm1 =	vlt.s32 v7, $0xFFFF;
	v5 =	vshll.u32 v5, $0x10  }
0x14a: {  	s22 =	sadd.s32 s9, s7;
	s0 =	sadd.s32 s1, s0;
	vm2 =	vlt.s32 v6, $0xFFFF;
	v7 =	vnsel vm1, $0xFFFF, v7;
	v11 =	vor.u32 v9, v5  }
0x14b: {  	s12 =	sadd.s32 s4, s22;
	s24 =	sadd.s32 $0xF, s0;
	v6 =	vnsel vm2, $0xFFFF, v6;
	v7 =	vshll.u32 v7, $0x10;
	[tilespmem:s16+$0x0] =	vst.msk vm8, v11  }
0x14c: {  	s28 =	sadd.s32 s11, s12;
	v6 =	vor.u32 v6, v7;
	[dreg:$0xb] =	wrdreg s24  }
0x14d: {  	s25 =	sadd.s32 $0xF, s28;
	v7 =	vadd.s32 $0xFFFF0000, v9;
	[tilespmem:s16+$0x4080] =	vst.msk vm8, v6  }
0x14e: {  	s23 =	sadd.s32 s3, s6;
	s19 =	sand.u32 $0xFFFFFFF0, s24;
	vm9 =	veq.s32 v15, $0x1;
	v7 =	vor.u32 v7, v5;
	[dreg:$0xc] =	wrdreg s25  }
0x14f: {  	s11 =	sadd.s32 s5, s23;
	s26 =	sand.u32 $0xFFFFFFF0, s25;
	[tilespmem:s19+$0x0] =	vst.msk vm9, v7  }
0x150: {  	s11 =	sadd.s32 s10, s11;
	[dreg:$0xd] =	wrdreg s26  }
0x151: {  	[dreg:$0x10] =	wrdreg s11  }
0x152: {  	s29 =	sadd.s32 $0xF, s11;
	v7 =	vadd.s32 $0xFFFE0000, v9;
	[tilespmem:s19+$0x4080] =	vst.msk vm9, v6  }
0x153: {  	vm10 =	veq.s32 v15, $0x2;
	s25 =	sadd.s32 s19, s26;
	v7 =	vor.u32 v7, v5;
	[dreg:$0xe] =	wrdreg s29  }
0x154: {  	s10 =	sand.u32 $0xFFFFFFF0, s29;
	[tilespmem:s25+$0x0] =	vst.msk vm10, v7  }
0x155: {  	v7 =	vadd.s32 $0xFFFD0000, v9;
	[dreg:$0xf] =	wrdreg s10  }
0x156: {  	vm11 =	veq.s32 v15, $0x3;
	s22 =	sadd.s32 s10, s25;
	v5 =	vor.u32 v7, v5;
	[tilespmem:s25+$0x4080] =	vst.msk vm10, v6  }
0x157: {  	[tilespmem:s22+$0x0] =	vst.msk vm11, v5  }
0x158: {  	[tilespmem:s22+$0x4080] =	vst.msk vm11, v6  }
0x159: {  	v12 =	vld [tilespmem:s8+$0x9100];
	_ =	sdelay $0x1  }
0x15a: {  	v9 =	vld [tilespmem:s8+$0xD100]  }
0x15b: {  	v11 =	vld [tilespmem:s8+$0x11100];
	_ =	sdelay $0x1  }
0x15c: {  	v5 =	vmul.f32 $3.200000000e+01, v12;
	_ =	sdelay $0x1  }
0x15d: {  	v6 =	vmul.f32 $3.200000000e+01, v9;
	v15 =	vtrunc.f32 v5  }
0x15e: {  	v7 =	vmul.f32 $3.200000000e+01, v11;
	v19 =	vcvt.f32.s32 v15;
	vm1 =	vlt.f32 v5, v15  }
0x15f: {  	v15 =	vsel vm1, $0xFFFFFFFF, v0  }
0x160: {  	v17 =	vtrunc.f32 v6;
	v18 =	vtrunc.f32 v7;
	v15 =	vadd.s32 v19, v15  }
0x161: {  	v21 =	vcvt.f32.s32 v18;
	vm1 =	vlt.f32 v7, v18;
	v19 =	vcvt.s32.f32 v15  }
0x162: {  	v20 =	vcvt.f32.s32 v17;
	vm2 =	vlt.f32 v6, v17;
	v17 =	vsel vm1, $0xFFFFFFFF, v0  }
0x163: {  	v18 =	vsel vm2, $0xFFFFFFFF, v0;
	v17 =	vadd.s32 v21, v17;
	v5 =	vsub.f32 v5, v19  }
0x164: {  	v18 =	vadd.s32 v20, v18;
	v20 =	vcvt.s32.f32 v17  }
0x165: {  	v19 =	vcvt.s32.f32 v18;
	v5 =	vmul.f32 $6.553600000e+04, v5  }
0x166: {  	v15 =	vadd.s32 $0x20, v15;
	v7 =	vsub.f32 v7, v20  }
0x167: {  	v18 =	vshll.u32 v18, $0x6;
	v6 =	vsub.f32 v6, v19;
	v5 =	vtrunc.f32 v5  }
0x168: {  	v17 =	vadd.s32 v18, v17;
	v7 =	vmul.f32 $6.553600000e+04, v7;
	v5 =	vcvt.f32.s32 v5  }
0x169: {  	v19 =	vshra.s32 v15, $0x4;
	v15 =	vshll.u32 v15, $0xC;
	v6 =	vmul.f32 $6.553600000e+04, v6  }
0x16a: {  	v15 =	vadd.s32 v15, v17;
	v7 =	vtrunc.f32 v7;
	vm2 =	vlt.s32 v5, $0xFFFF  }
0x16b: {  	v6 =	vtrunc.f32 v6;
	v7 =	vcvt.f32.s32 v7;
	v5 =	vnsel vm2, $0xFFFF, v5  }
0x16c: {  	v17 =	vadd.s32 $0x820, v15;
	v6 =	vcvt.f32.s32 v6;
	v5 =	vshll.u32 v5, $0x10  }
0x16d: {  	vm1 =	veq.s32 v19, $0x0;
	vm2 =	vlt.s32 v7, $0xFFFF;
	v17 =	vor.u32 v17, v5  }
0x16e: {  	vm3 =	vlt.s32 v6, $0xFFFF;
	v7 =	vnsel vm2, $0xFFFF, v7;
	[tilespmem:s15+$0x0] =	vst.msk vm1, v17;
	v17 =	vimm.s32 $0x0  }
0x16f: {  	v6 =	vnsel vm3, $0xFFFF, v6;
	v7 =	vshll.u32 v7, $0x10;
	v17 =	vsel vm1, $0xFFFFFFFF, v17  }
0x170: {  	v6 =	vor.u32 v6, v7;
	v7 =	vadd.s32 $0xFFFF0820, v15;
	[tilespmem:$0x1FFE0] =	vst v17  }
0x171: {  	s11 =	sadd.s32 s9, s19;
	vm3 =	veq.s32 v19, $0x1;
	v7 =	vor.u32 v7, v5;
	[tilespmem:s15+$0x4080] =	vst.msk vm1, v6  }
0x172: {  	[tilespmem:s11+$0x0] =	vst.msk vm3, v7;
	v7 =	vadd.s32 $0xFFFE0820, v15  }
0x173: {  	s18 =	sadd.s32 s3, s25;
	vm4 =	veq.s32 v19, $0x2;
	[tilespmem:s11+$0x4080] =	vst.msk vm3, v6;
	v7 =	vor.u32 v7, v5  }
0x174: {  	[tilespmem:s18+$0x0] =	vst.msk vm4, v7  }
0x175: {  	v7 =	vadd.s32 $0xFFFD0820, v15;
	[dreg:$0x11] =	wrdreg s17  }
0x176: {  	vm7 =	veq.s32 v19, $0x3;
	s17 =	sadd.s32 s17, s22;
	v7 =	vor.u32 v7, v5;
	[tilespmem:s18+$0x4080] =	vst.msk vm4, v6  }
0x177: {  	[tilespmem:s17+$0x0] =	vst.msk vm7, v7  }
0x178: {  	[tilespmem:s17+$0x4080] =	vst.msk vm7, v6  }
0x179: {  	v29 =	vld [tilespmem:s8+$0xA100];
	_ =	sdelay $0x1  }
0x17a: {  	v19 =	vld [tilespmem:s8+$0xE100]  }
0x17b: {  	v17 =	vld [tilespmem:s8+$0x12100]  }
0x17c: {  	v8 =	vadd.s32 v13, v8;
	v10 =	vand.u32 $0x7FFFFFFF, v10;
	v14 =	vand.u32 $0x7FFFFFFF, v14  }
0x17d: {  	v12 =	vand.u32 $0x7FFFFFFF, v12;
	v15 =	vsel vm0, $0x1, v0;
	v18 =	vmul.f32 $3.200000000e+01, v29  }
0x17e: {  	v9 =	vand.u32 $0x7FFFFFFF, v9;
	vm0 =	veq.s32 v4, $0x3;
	v4 =	vadd.s32 v15, v8  }
0x17f: {  	v8 =	vsel vm0, $0x1, v0;
	v21 =	vmul.f32 $3.200000000e+01, v19;
	v23 =	vtrunc.f32 v18  }
0x180: {  	v22 =	vmul.f32 $3.200000000e+01, v17;
	v26 =	vcvt.f32.s32 v23;
	vm0 =	vlt.f32 v18, v23  }
0x181: {  	v10 =	vadd.f32 v14, v10;
	v12 =	vadd.f32 v9, v12;
	v23 =	vsel vm0, $0xFFFFFFFF, v0  }
0x182: {  	v24 =	vtrunc.f32 v21;
	v25 =	vtrunc.f32 v22;
	v23 =	vadd.s32 v26, v23  }
0x183: {  	v28 =	vcvt.f32.s32 v25;
	vm0 =	vlt.f32 v22, v25;
	v26 =	vcvt.s32.f32 v23  }
0x184: {  	v27 =	vcvt.f32.s32 v24;
	vm2 =	vlt.f32 v21, v24;
	v24 =	vsel vm0, $0xFFFFFFFF, v0  }
0x185: {  	v25 =	vsel vm2, $0xFFFFFFFF, v0;
	v24 =	vadd.s32 v28, v24;
	v18 =	vsub.f32 v18, v26  }
0x186: {  	v20 =	vand.u32 $0x7FFFFFFF, v16;
	v14 =	vadd.s32 v27, v25;
	v25 =	vcvt.s32.f32 v24  }
0x187: {  	v10 =	vadd.f32 v20, v10;
	v26 =	vcvt.s32.f32 v14;
	v18 =	vmul.f32 $6.553600000e+04, v18  }
0x188: {  	v4 =	vadd.s32 v8, v4;
	v23 =	vadd.s32 $0x20, v23;
	v22 =	vsub.f32 v22, v25  }
0x189: {  	v14 =	vshll.u32 v14, $0x6;
	v21 =	vsub.f32 v21, v26;
	v18 =	vtrunc.f32 v18  }
0x18a: {  	v25 =	vshra.s32 v23, $0x4;
	v22 =	vmul.f32 $6.553600000e+04, v22;
	v18 =	vcvt.f32.s32 v18  }
0x18b: {  	v23 =	vshll.u32 v23, $0xC;
	v14 =	vadd.s32 v14, v24;
	v21 =	vmul.f32 $6.553600000e+04, v21  }
0x18c: {  	s30 =	simm.s32 $0x10;
	s20 =	simm.s32 $0x8110;
	v14 =	vadd.s32 v23, v14;
	v22 =	vtrunc.f32 v22;
	vm2 =	vlt.s32 v18, $0xFFFF  }
0x18d: {  	s3 =	sand.u32 $0xFF0, s30;
	v5 =	vld [tilespmem:s20+$0x0];
	v21 =	vtrunc.f32 v21;
	v22 =	vcvt.f32.s32 v22;
	v18 =	vnsel vm2, $0xFFFF, v18  }
0x18e: {  	v6 =	vld [tilespmem:s3+$0x10100];
	v23 =	vadd.s32 $0x820, v14;
	v21 =	vcvt.f32.s32 v21;
	v18 =	vshll.u32 v18, $0x10  }
0x18f: {  	v7 =	vld [tilespmem:s3+$0xC100];
	vm0 =	veq.s32 v25, $0x0;
	vm2 =	vlt.s32 v22, $0xFFFF;
	v23 =	vor.u32 v23, v18  }
0x190: {  	vm5 =	vlt.s32 v21, $0xFFFF;
	v22 =	vnsel vm2, $0xFFFF, v22;
	[tilespmem:s14+$0x0] =	vst.msk vm0, v23;
	v23 =	vimm.s32 $0x0  }
0x191: {  	v21 =	vnsel vm5, $0xFFFF, v21;
	v22 =	vshll.u32 v22, $0x10;
	v23 =	vsel vm0, $0xFFFFFFFF, v23  }
0x192: {  	v8 =	vimm.s32 $0x0;
	v20 =	vor.u32 v21, v22;
	v21 =	vadd.s32 $0xFFFF0820, v14;
	[tilespmem:$0x1FFF0] =	vst v23  }
0x193: {  	s23 =	sadd.s32 s7, s11;
	v16 =	vmul.f32 $3.200000000e+01, v6;
	vm2 =	veq.s32 v25, $0x1;
	v21 =	vor.u32 v21, v18;
	[tilespmem:s14+$0x4080] =	vst.msk vm0, v20  }
0x194: {  	v13 =	vmul.f32 $3.200000000e+01, v5;
	v15 =	vmul.f32 $3.200000000e+01, v7;
	[tilespmem:s23+$0x0] =	vst.msk vm2, v21;
	v21 =	vadd.s32 $0xFFFE0820, v14  }
0x195: {  	s12 =	sadd.s32 s6, s18;
	v30 =	vtrunc.f32 v16;
	vm5 =	veq.s32 v25, $0x2;
	[tilespmem:s23+$0x4080] =	vst.msk vm2, v20;
	v21 =	vor.u32 v21, v18  }
0x196: {  	v9 =	vand.u32 $0x7FFFFFFF, v29;
	v27 =	vtrunc.f32 v13;
	v28 =	vtrunc.f32 v15;
	[tilespmem:s12+$0x0] =	vst.msk vm5, v21  }
0x197: {  	vm6 =	vlt.f32 v13, v27;
	v22 =	vcvt.f32.s32 v27;
	v14 =	vadd.s32 $0xFFFD0820, v14;
	[tilespmem:s12+$0x4080] =	vst.msk vm5, v20  }
0x198: {  	s24 =	sadd.s32 s21, s17;
	v14 =	vor.u32 v14, v18;
	v21 =	vsel vm6, $0xFFFFFFFF, v0;
	vm6 =	veq.s32 v25, $0x3;
	[dreg:$0x12] =	wrdreg s21  }
0x199: {  	vm12 =	vlt.f32 v15, v28;
	v27 =	vmpcnt.ones.xlane vm8;
	v23 =	vcvt.f32.s32 v28;
	[tilespmem:s24+$0x0] =	vst.msk vm6, v14  }
0x19a: {  	vm13 =	vlt.f32 v16, v30;
	v24 =	vcvt.f32.s32 v30;
	v18 =	vsel vm12, $0xFFFFFFFF, v0;
	[tilespmem:s24+$0x4080] =	vst.msk vm6, v20  }
0x19b: {  	(v2sf) =	vpush v27, $0x0;
	v14 =	vadd.s32 v22, v21;
	v22 =	vadd.s32 v23, v18;
	v18 =	vld [tilespmem:s8+$0xF100]  }
0x19c: {  	v28 =	vmpcnt.ones.xlane vm10;
	v27 =	vmpcnt.ones.xlane vm11;
	v25 =	vsel vm13, $0xFFFFFFFF, v0;
	v20 =	vld [tilespmem:s8+$0xB100]  }
0x19d: {  	vm12 =	veq.f32 v10, $0.0e+00;
	v21 =	vadd.s32 v24, v25;
	v25 =	vcvt.s32.f32 v14  }
0x19e: {  	v10 =	vsel vm12, $0x1, v0;
	v23 =	vadd.s32 $0x20, v14;
	v14 =	vmpcnt.ones.xlane vm9  }
0x19f: {  	v24 =	vcvt.s32.f32 v22;
	v26 =	vcvt.s32.f32 v21;
	v25 =	vsub.f32 v13, v25  }
0x1a0: {  	s26 =	simm.s32 $0x20;
	s6 =	sadd.s32 s5, s12;
	s7 =	sadd.s32 s4, s23;
	(v2sf) =	vpush v14, $0x0;
	v13 =	vand.u32 $0x7FFFFFFF, v11;
	v11 =	vand.u32 $0x7FFFFFFF, v19  }
0x1a1: {  	s4 =	smov.u32 s1;
	s9 =	smov.u32 s6;
	s5 =	sadd.s32 s31, s24;
	v11 =	vadd.f32 v11, v9;
	v19 =	vand.u32 $0x7FFFFFFF, v20;
	v29 =	vand.u32 $0x7FFFFFFF, v18  }
0x1a2: {  	s10 =	smov.u32 s7;
	s21 =	smov.u32 s19;
	v14 =	vand.u32 $0x7FFFFFFF, v17;
	v9 =	vld [tilespmem:s8+$0x13100];
	v12 =	vadd.f32 v13, v12;
	s8 =	smov.u32 s5;
	v13 =	vadd.f32 v29, v19  }
.LBB2_10:
0x1a3: {  	_ = 	snop  }
0x1a4: {  	v8 =	vadd.s32 v10, v8;
	v17 =	vmul.f32 $3.200000000e+01, v18;
	v11 =	vadd.f32 v14, v11  }
0x1a5: {  	(v2sf) =	vpush v28, $0x0;
	vm8 =	veq.f32 v12, $0.0e+00;
	v28 =	vmpcnt.ones.xlane vm4  }
0x1a6: {  	(v2sf) =	vpush v27, $0x0;
	v10 =	vsel vm8, $0x1, v0;
	vm8 =	veq.f32 v11, $0.0e+00  }
0x1a7: {  	v8 =	vadd.s32 v10, v8;
	v11 =	vsub.f32 v16, v26;
	v14 =	vand.u32 $0x7FFFFFFF, v9  }
0x1a8: {  	v10 =	vsel vm8, $0x1, v0;
	v16 =	vmul.f32 $3.200000000e+01, v9;
	v12 =	vadd.f32 v14, v13  }
0x1a9: {  	v8 =	vadd.s32 v10, v8;
	v13 =	vmul.f32 $6.553600000e+04, v25;
	v14 =	vshll.u32 v22, $0x6  }
0x1aa: {  	v11 =	vmul.f32 $6.553600000e+04, v11;
	vm8 =	veq.f32 v12, $0.0e+00;
	v12 =	vsub.f32 v15, v24  }
0x1ab: {  	v14 =	vadd.s32 v14, v21;
	v15 =	vshll.u32 v23, $0xC;
	v13 =	vtrunc.f32 v13  }
0x1ac: {  	v11 =	vtrunc.f32 v11;
	v10 =	vsel vm8, $0x1, v0;
	v12 =	vmul.f32 $6.553600000e+04, v12  }
0x1ad: {  	v13 =	vcvt.f32.s32 v13;
	v11 =	vcvt.f32.s32 v11;
	v14 =	vadd.s32 v15, v14  }
0x1ae: {  	v8 =	vadd.s32 v10, v8;
	v10 =	vshra.s32 v23, $0x4;
	v12 =	vtrunc.f32 v12  }
0x1af: {  	v14 =	vadd.s32 $0x820, v14;
	vm9 =	vlt.s32 v13, $0xFFFF;
	v12 =	vcvt.f32.s32 v12  }
0x1b0: {  	vm8 =	veq.s32 v10, $0x0;
	vm15 =	vlt.s32 v11, $0xFFFF;
	v13 =	vnsel vm9, $0xFFFF, v13  }
0x1b1: {  	v11 =	vnsel vm15, $0xFFFF, v11;
	s29 =	spop (v2sf);
	v13 =	vshll.u32 v13, $0x10;
	vm10 =	vlt.s32 v12, $0xFFFF  }
0x1b2: {  	v11 =	vshll.u32 v11, $0x10;
	v15 =	vor.u32 v14, v13;
	s16 =	sadd.s32 s16, s29;
	v12 =	vnsel vm10, $0xFFFF, v12  }
0x1b3: {  	s30 =	spop (v2sf);
	[tilespmem:s16+$0x0] =	vst.msk vm8, v15;
	v15 =	vmul.f32 $3.200000000e+01, v20;
	v11 =	vor.u32 v12, v11;
	v12 =	vadd.s32 $0xFFFF0000, v14  }
0x1b4: {  	v9 =	vadd.s32 $0xFFFE0000, v14;
	vm9 =	veq.s32 v10, $0x1;
	s21 =	sadd.s32 s21, s30;
	[tilespmem:s16+$0x4080] =	vst.msk vm8, v11;
	v12 =	vor.u32 v12, v13  }
0x1b5: {  	vm11 =	veq.s32 v10, $0x3;
	v9 =	vor.u32 v9, v13;
	s29 =	spop (v2sf);
	[tilespmem:s21+$0x0] =	vst.msk vm9, v12;
	v12 =	vtrunc.f32 v15  }
0x1b6: {  	vm10 =	veq.s32 v10, $0x2;
	s25 =	sadd.s32 s25, s29;
	[tilespmem:s21+$0x4080] =	vst.msk vm9, v11;
	v18 =	vcvt.f32.s32 v12;
	vm12 =	vlt.f32 v15, v12  }
0x1b7: {  	v26 =	vld [tilespmem:$0x1FFE0];
	v12 =	vtrunc.f32 v16;
	[tilespmem:s25+$0x0] =	vst.msk vm10, v9;
	v9 =	vadd.s32 $0xFFFD0000, v14;
	v10 =	vsel vm12, $0xFFFFFFFF, v0  }
0x1b8: {  	s30 =	spop (v2sf);
	vm12 =	vlt.f32 v16, v12;
	v9 =	vor.u32 v9, v13;
	v14 =	vadd.s32 v18, v10  }
0x1b9: {  	s22 =	sadd.s32 s22, s30;
	[tilespmem:s25+$0x4080] =	vst.msk vm10, v11;
	v10 =	vcvt.f32.s32 v12;
	v12 =	vtrunc.f32 v17;
	v18 =	vsel vm12, $0xFFFFFFFF, v0  }
0x1ba: {  	[tilespmem:s22+$0x0] =	vst.msk vm11, v9;
	v9 =	vadd.s32 $0x20, v14;
	v19 =	vcvt.f32.s32 v12;
	vm0 =	vlt.f32 v17, v12  }
0x1bb: {  	v24 =	vcvt.s32.f32 v14;
	[tilespmem:s22+$0x4080] =	vst.msk vm11, v11;
	v20 =	vshra.s32 v9, $0x4;
	v10 =	vadd.s32 v10, v18  }
0x1bc: {  	v23 =	vsel vm0, $0xFFFFFFFF, v0;
	vm0 =	vnez.u8 v26;
	v9 =	vshll.u32 v9, $0xC;
	v11 =	vld [tilespmem:s3+$0xD100]  }
0x1bd: {  	v12 =	vld [tilespmem:s3+$0x9100];
	vm15 =	veq.s32 v20, $0x0;
	vm14 =	veq.s32 v20, $0x1;
	vm13 =	veq.s32 v20, $0x2  }
0x1be: {  	v13 =	vld [tilespmem:s3+$0x11100];
	v14 =	vadd.s32 v19, v23;
	v19 =	vcvt.s32.f32 v10;
	v26 =	vmpcnt.ones.xlane vm0  }
0x1bf: {  	vm12 =	veq.s32 v20, $0x3;
	v21 =	vmpcnt.ones.xlane vm15;
	v22 =	vmpcnt.ones.xlane vm14  }
0x1c0: {  	v15 =	vsub.f32 v15, v24;
	v18 =	vmpcnt.ones.xlane vm13;
	v20 =	vmpcnt.ones.xlane vm12  }
0x1c1: {  	v23 =	vcvt.s32.f32 v14;
	v14 =	vshll.u32 v14, $0x6;
	(v2sf) =	vpush v21, $0x0  }
0x1c2: {  	v16 =	vsub.f32 v16, v19;
	(v2sf) =	vpush v22, $0x0;
	v21 =	vmul.f32 $3.200000000e+01, v12  }
0x1c3: {  	v22 =	vmul.f32 $3.200000000e+01, v11;
	(v2sf) =	vpush v18, $0x0;
	v18 =	vmul.f32 $3.200000000e+01, v13  }
0x1c4: {  	v15 =	vmul.f32 $6.553600000e+04, v15;
	(v2sf) =	vpush v20, $0x0;
	v20 =	vtrunc.f32 v21  }
0x1c5: {  	v10 =	vadd.s32 v14, v10;
	v25 =	vtrunc.f32 v22;
	v24 =	vtrunc.f32 v18  }
0x1c6: {  	(v2sf) =	vpush v26, $0x0;
	v19 =	vcvt.f32.s32 v20;
	v27 =	vcvt.f32.s32 v25  }
0x1c7: {  	vm0 =	vlt.f32 v22, v25;
	vm1 =	vlt.f32 v21, v20;
	v20 =	vmpcnt.ones.xlane vm3  }
0x1c8: {  	v26 =	vcvt.f32.s32 v24;
	v25 =	vsel vm1, $0xFFFFFFFF, v0;
	vm1 =	vlt.f32 v18, v24  }
0x1c9: {  	v17 =	vsub.f32 v17, v23;
	v24 =	vsel vm1, $0xFFFFFFFF, v0;
	(v2sf) =	vpush v20, $0x0  }
0x1ca: {  	v19 =	vadd.s32 v19, v25;
	v20 =	vsel vm0, $0xFFFFFFFF, v0;
	v24 =	vadd.s32 v26, v24  }
0x1cb: {  	v25 =	vcvt.s32.f32 v19;
	v26 =	vmpcnt.ones.xlane vm7;
	(v2sf) =	vpush v28, $0x0  }
0x1cc: {  	v9 =	vadd.s32 v9, v10;
	v20 =	vadd.s32 v27, v20;
	v27 =	vcvt.s32.f32 v24  }
0x1cd: {  	v23 =	vcvt.s32.f32 v20;
	v21 =	vsub.f32 v21, v25;
	(v2sf) =	vpush v26, $0x0  }
0x1ce: {  	v16 =	vmul.f32 $6.553600000e+04, v16;
	v15 =	vtrunc.f32 v15;
	v18 =	vsub.f32 v18, v27  }
0x1cf: {  	v20 =	vshll.u32 v20, $0x6;
	v22 =	vsub.f32 v22, v23;
	v21 =	vmul.f32 $6.553600000e+04, v21  }
0x1d0: {  	v19 =	vadd.s32 $0x20, v19;
	v20 =	vadd.s32 v20, v24;
	v18 =	vmul.f32 $6.553600000e+04, v18  }
0x1d1: {  	v23 =	vshra.s32 v19, $0x4;
	v22 =	vmul.f32 $6.553600000e+04, v22;
	v21 =	vtrunc.f32 v21  }
0x1d2: {  	v19 =	vshll.u32 v19, $0xC;
	s30 =	spop (v2sf);
	v21 =	vcvt.f32.s32 v21;
	v18 =	vtrunc.f32 v18  }
0x1d3: {  	vm1 =	veq.s32 v23, $0x0;
	v22 =	vtrunc.f32 v22;
	s1 =	sadd.s32 s1, s30;
	s30 =	spop (v2sf);
	v18 =	vcvt.f32.s32 v18  }
0x1d4: {  	v19 =	vadd.s32 v19, v20;
	v20 =	vcvt.f32.s32 v22;
	s7 =	sadd.s32 s7, s30;
	s30 =	spop (v2sf);
	vm0 =	vlt.s32 v21, $0xFFFF  }
0x1d5: {  	v22 =	vadd.s32 $0x820, v19;
	s6 =	sadd.s32 s6, s30;
	s30 =	spop (v2sf);
	v21 =	vnsel vm0, $0xFFFF, v21;
	vm0 =	vlt.s32 v18, $0xFFFF  }
0x1d6: {  	vm3 =	vlt.s32 v20, $0xFFFF;
	s5 =	sadd.s32 s5, s30;
	v21 =	vshll.u32 v21, $0x10;
	v18 =	vnsel vm0, $0xFFFF, v18;
	s30 =	spop (v2sf)  }
0x1d7: {  	v20 =	vnsel vm3, $0xFFFF, v20;
	v18 =	vshll.u32 v18, $0x10;
	v22 =	vor.u32 v22, v21;
	s15 =	sadd.s32 s15, s30  }
0x1d8: {  	v17 =	vmul.f32 $6.553600000e+04, v17;
	v18 =	vor.u32 v20, v18;
	[tilespmem:s15+$0x0] =	vst.msk vm1, v22;
	v20 =	vadd.s32 $0xFFFF0820, v19;
	s30 =	spop (v2sf)  }
0x1d9: {  	v16 =	vtrunc.f32 v16;
	vm3 =	veq.s32 v23, $0x1;
	[tilespmem:s15+$0x4080] =	vst.msk vm1, v18;
	v20 =	vor.u32 v20, v21;
	s11 =	sadd.s32 s11, s30  }
0x1da: {  	v15 =	vcvt.f32.s32 v15;
	v16 =	vcvt.f32.s32 v16;
	s30 =	spop (v2sf);
	[tilespmem:s11+$0x0] =	vst.msk vm3, v20;
	v20 =	vadd.s32 $0xFFFE0820, v19  }
0x1db: {  	v17 =	vtrunc.f32 v17;
	vm4 =	veq.s32 v23, $0x2;
	s18 =	sadd.s32 s18, s30;
	[tilespmem:s11+$0x4080] =	vst.msk vm3, v18;
	v20 =	vor.u32 v20, v21  }
0x1dc: {  	s20 =	sadd.s32 $0x10, s20;
	v17 =	vcvt.f32.s32 v17;
	v24 =	vadd.s32 $0xFFFE0820, v9;
	v19 =	vadd.s32 $0xFFFD0820, v19;
	s30 =	spop (v2sf);
	[tilespmem:s18+$0x0] =	vst.msk vm4, v20  }
0x1dd: {  	s29 =	sand.u32 $0xFF0, s26;
	vm7 =	veq.s32 v23, $0x3;
	v22 =	vimm.s32 $0x0;
	v19 =	vor.u32 v19, v21;
	s17 =	sadd.s32 s17, s30;
	v20 =	vld [tilespmem:s20+$0x0];
	[tilespmem:s18+$0x4080] =	vst.msk vm4, v18  }
0x1de: {  	vm0 =	vlt.s32 v15, $0xFFFF;
	v23 =	vadd.s32 $0xFFFF0820, v9;
	v22 =	vsel vm1, $0xFFFFFFFF, v22;
	v21 =	vld [tilespmem:s29+$0xC100];
	[tilespmem:s17+$0x0] =	vst.msk vm7, v19  }
0x1df: {  	v15 =	vnsel vm0, $0xFFFF, v15;
	vm0 =	vlt.s32 v17, $0xFFFF;
	vm1 =	vlt.s32 v16, $0xFFFF;
	[tilespmem:$0x1FFE0] =	vst v22;
	v22 =	vld [tilespmem:s29+$0x10100]  }
0x1e0: {  	v10 =	vshll.u32 v15, $0x10;
	v15 =	vadd.s32 $0x820, v9;
	v16 =	vnsel vm1, $0xFFFF, v16  }
0x1e1: {  	v9 =	vadd.s32 $0xFFFD0820, v9;
	v16 =	vshll.u32 v16, $0x10;
	[tilespmem:s17+$0x4080] =	vst.msk vm7, v18;
	v18 =	vnsel vm0, $0xFFFF, v17  }
0x1e2: {  	v15 =	vor.u32 v15, v10;
	v14 =	vld [tilespmem:s3+$0xE100];
	v18 =	vor.u32 v18, v16;
	v16 =	vor.u32 v23, v10  }
0x1e3: {  	v19 =	vld [tilespmem:s3+$0xA100];
	v23 =	vor.u32 v24, v10;
	v10 =	vor.u32 v9, v10;
	v24 =	vand.u32 $0x7FFFFFFF, v6  }
0x1e4: {  	v17 =	vld [tilespmem:s3+$0x12100];
	[tilespmem:s4+$0x0] =	vst.msk vm15, v15;
	v9 =	vmul.f32 $3.200000000e+01, v20;
	v6 =	vmovc v22;
	v22 =	vand.u32 $0x7FFFFFFF, v5;
	v5 =	vmovc v20;
	v20 =	vand.u32 $0x7FFFFFFF, v7  }
0x1e5: {  	[tilespmem:s4+$0x4080] =	vst.msk vm15, v18;
	v20 =	vadd.f32 v20, v22;
	v22 =	vld [tilespmem:$0x1FFF0]  }
0x1e6: {  	[tilespmem:s10+$0x0] =	vst.msk vm14, v16  }
0x1e7: {  	[tilespmem:s10+$0x4080] =	vst.msk vm14, v18  }
0x1e8: {  	v15 =	vmul.f32 $3.200000000e+01, v21;
	[tilespmem:s9+$0x0] =	vst.msk vm13, v23;
	v25 =	vmul.f32 $3.200000000e+01, v19  }
0x1e9: {  	v26 =	vmul.f32 $3.200000000e+01, v14;
	v27 =	vmul.f32 $3.200000000e+01, v17;
	[tilespmem:s9+$0x4080] =	vst.msk vm13, v18  }
0x1ea: {  	[tilespmem:s8+$0x0] =	vst.msk vm12, v10;
	v10 =	vmpcnt.ones.xlane vm2;
	v28 =	vtrunc.f32 v25;
	vm0 =	vnez.u8 v22  }
0x1eb: {  	v29 =	vtrunc.f32 v26;
	v22 =	vmpcnt.ones.xlane vm0  }
0x1ec: {  	v12 =	vand.u32 $0x7FFFFFFF, v12;
	v7 =	vmovc v21;
	v21 =	vtrunc.f32 v27;
	v23 =	vcvt.f32.s32 v28  }
0x1ed: {  	v30 =	vcvt.f32.s32 v29;
	vm1 =	vlt.f32 v25, v28;
	(v2sf) =	vpush v22, $0x0  }
0x1ee: {  	[tilespmem:s8+$0x4080] =	vst.msk vm12, v18;
	v28 =	vmpcnt.ones.xlane vm5;
	v18 =	vsel vm1, $0xFFFFFFFF, v0;
	vm1 =	vlt.f32 v27, v21  }
0x1ef: {  	vm0 =	vlt.f32 v26, v29;
	v22 =	vcvt.f32.s32 v21;
	v21 =	vsel vm1, $0xFFFFFFFF, v0  }
0x1f0: {  	(v2sf) =	vpush v10, $0x0;
	v10 =	vadd.s32 v23, v18;
	v18 =	vsel vm0, $0xFFFFFFFF, v0  }
0x1f1: {  	v23 =	vmpcnt.ones.xlane vm6;
	v21 =	vadd.s32 v22, v21;
	v22 =	vcvt.s32.f32 v10  }
0x1f2: {  	(v2sf) =	vpush v28, $0x0;
	v18 =	vadd.s32 v30, v18;
	v29 =	vcvt.s32.f32 v21  }
0x1f3: {  	v11 =	vand.u32 $0x7FFFFFFF, v11;
	v22 =	vsub.f32 v25, v22;
	v25 =	vcvt.s32.f32 v18  }
0x1f4: {  	v13 =	vand.u32 $0x7FFFFFFF, v13;
	(v2sf) =	vpush v23, $0x0;
	v27 =	vsub.f32 v27, v29  }
0x1f5: {  	v18 =	vshll.u32 v18, $0x6;
	v25 =	vsub.f32 v26, v25;
	v22 =	vmul.f32 $6.553600000e+04, v22  }
0x1f6: {  	v10 =	vadd.s32 $0x20, v10;
	v18 =	vadd.s32 v18, v21;
	v27 =	vmul.f32 $6.553600000e+04, v27  }
0x1f7: {  	v26 =	vshra.s32 v10, $0x4;
	v22 =	vtrunc.f32 v22;
	v25 =	vmul.f32 $6.553600000e+04, v25  }
0x1f8: {  	v10 =	vshll.u32 v10, $0xC;
	v21 =	vcvt.f32.s32 v22;
	v22 =	vtrunc.f32 v27  }
0x1f9: {  	vm2 =	veq.s32 v26, $0x0;
	v25 =	vtrunc.f32 v25;
	v22 =	vcvt.f32.s32 v22  }
0x1fa: {  	v10 =	vadd.s32 v10, v18;
	vm0 =	vlt.s32 v21, $0xFFFF;
	v18 =	vcvt.f32.s32 v25  }
0x1fb: {  	v25 =	vadd.s32 $0x820, v10;
	v21 =	vnsel vm0, $0xFFFF, v21;
	vm0 =	vlt.s32 v22, $0xFFFF  }
0x1fc: {  	v21 =	vshll.u32 v21, $0x10;
	vm1 =	vlt.s32 v18, $0xFFFF;
	v22 =	vnsel vm0, $0xFFFF, v22;
	s30 =	spop (v2sf)  }
0x1fd: {  	v18 =	vnsel vm1, $0xFFFF, v18;
	v22 =	vshll.u32 v22, $0x10;
	v25 =	vor.u32 v25, v21;
	s14 =	sadd.s32 s14, s30  }
0x1fe: {  	v12 =	vadd.f32 v11, v12;
	v18 =	vor.u32 v18, v22;
	[tilespmem:s14+$0x0] =	vst.msk vm2, v25;
	v25 =	vimm.s32 $0x0  }
0x1ff: {  	v16 =	vmul.f32 $3.200000000e+01, v6;
	v22 =	vadd.s32 $0xFFFF0820, v10;
	s30 =	spop (v2sf);
	v25 =	vsel vm2, $0xFFFFFFFF, v25;
	[tilespmem:s14+$0x4080] =	vst.msk vm2, v18  }
0x200: {  	v20 =	vadd.f32 v24, v20;
	v22 =	vor.u32 v22, v21;
	s23 =	sadd.s32 s23, s30;
	vm2 =	veq.s32 v26, $0x1;
	[tilespmem:$0x1FFF0] =	vst v25  }
0x201: {  	v28 =	vtrunc.f32 v9;
	v30 =	vtrunc.f32 v16;
	s30 =	spop (v2sf);
	[tilespmem:s23+$0x0] =	vst.msk vm2, v22;
	v22 =	vadd.s32 $0xFFFE0820, v10  }
0x202: {  	v23 =	vtrunc.f32 v15;
	vm5 =	veq.s32 v26, $0x2;
	s12 =	sadd.s32 s12, s30;
	[tilespmem:s23+$0x4080] =	vst.msk vm2, v18;
	v22 =	vor.u32 v22, v21  }
0x203: {  	v24 =	vcvt.f32.s32 v28;
	vm12 =	vlt.f32 v16, v30;
	s30 =	spop (v2sf);
	v10 =	vadd.s32 $0xFFFD0820, v10;
	[tilespmem:s12+$0x0] =	vst.msk vm5, v22  }
0x204: {  	vm6 =	veq.s32 v26, $0x3;
	vm0 =	vlt.f32 v9, v28;
	s24 =	sadd.s32 s24, s30;
	v10 =	vor.u32 v10, v21;
	[tilespmem:s12+$0x4080] =	vst.msk vm5, v18  }
0x205: {  	vm1 =	vlt.f32 v15, v23;
	v26 =	vsel vm12, $0xFFFFFFFF, v0;
	v25 =	vcvt.f32.s32 v23;
	[tilespmem:s24+$0x0] =	vst.msk vm6, v10  }
0x206: {  	v23 =	vcvt.f32.s32 v30;
	v21 =	vsel vm1, $0xFFFFFFFF, v0;
	v22 =	vsel vm0, $0xFFFFFFFF, v0;
	[tilespmem:s24+$0x4080] =	vst.msk vm6, v18  }
0x207: {  	vm0 =	veq.f32 v20, $0.0e+00;
	v20 =	vadd.s32 v24, v22;
	v22 =	vadd.s32 v25, v21;
	v18 =	vld [tilespmem:s3+$0xF100]  }
0x208: {  	v21 =	vadd.s32 v23, v26;
	v25 =	vcvt.s32.f32 v20;
	v23 =	vadd.s32 $0x20, v20;
	v20 =	vld [tilespmem:s3+$0xB100]  }
0x209: {  	p0 =	sne.s32 s26, $0xFF0;
	v11 =	vand.u32 $0x7FFFFFFF, v19;
	v14 =	vand.u32 $0x7FFFFFFF, v14;
	v27 =	vmpcnt.ones.xlane vm8  }
.Ltmp6:
0x20a: {  	v12 =	vadd.f32 v13, v12;
	v11 =	vadd.f32 v14, v11;
	v29 =	vmpcnt.ones.xlane vm9;
	(pc) =	sbr.rel @p0 .LBB2_10-.Ltmp6, $4  }
0x20b: {  	v14 =	vand.u32 $0x7FFFFFFF, v17;
	v28 =	vmpcnt.ones.xlane vm10;
	(v2sf) =	vpush v27, $0x0  }
0x20c: {  	v27 =	vmpcnt.ones.xlane vm11;
	(v2sf) =	vpush v29, $0x0;
	v10 =	vsel vm0, $0x1, v0  }
0x20d: {  	s26 =	sadd.s32 $0x10, s26;
	s4 =	smov.u32 s1;
	s10 =	smov.u32 s7;
	v24 =	vcvt.s32.f32 v22;
	v19 =	vand.u32 $0x7FFFFFFF, v20;
	v29 =	vand.u32 $0x7FFFFFFF, v18  }
0x20e: {  	s9 =	smov.u32 s6;
	s8 =	smov.u32 s5;
	v26 =	vcvt.s32.f32 v21;
	v25 =	vsub.f32 v9, v25;
	v9 =	vld [tilespmem:s3+$0x13100];
	s3 =	smov.u32 s29;
	v13 =	vadd.f32 v29, v19  }
0x20f: {  	(v2sf) =	vpush v28, $0x0;
	_ =	sdelay $0x1  }
0x210: {  	(v2sf) =	vpush v27, $0x0  }
0x211: {  	v16 =	vsub.f32 v16, v26  }
0x212: {  	v15 =	vsub.f32 v15, v24;
	v17 =	vmul.f32 $6.553600000e+04, v25  }
0x213: {  	v19 =	vshra.s32 v23, $0x4;
	v22 =	vshll.u32 v22, $0x6;
	v16 =	vmul.f32 $6.553600000e+04, v16  }
0x214: {  	v63 =	vshll.u32 v23, $0xC;
	v15 =	vmul.f32 $6.553600000e+04, v15;
	v17 =	vtrunc.f32 v17  }
0x215: {  	v21 =	vadd.s32 v22, v21;
	v17 =	vcvt.f32.s32 v17;
	v16 =	vtrunc.f32 v16  }
0x216: {  	vm12 =	veq.s32 v19, $0x0;
	v15 =	vtrunc.f32 v15;
	v16 =	vcvt.f32.s32 v16  }
0x217: {  	v21 =	vadd.s32 v63, v21;
	v15 =	vcvt.f32.s32 v15;
	vm0 =	vlt.s32 v17, $0xFFFF  }
0x218: {  	v21 =	vadd.s32 $0x820, v21;
	v17 =	vnsel vm0, $0xFFFF, v17;
	vm10 =	vlt.s32 v16, $0xFFFF  }
0x219: {  	vm1 =	vlt.s32 v15, $0xFFFF;
	v17 =	vshll.u32 v17, $0x10;
	v16 =	vnsel vm10, $0xFFFF, v16;
	s20 =	spop (v2sf)  }
0x21a: {  	v15 =	vnsel vm1, $0xFFFF, v15;
	v24 =	vor.u32 v21, v17;
	v16 =	vshll.u32 v16, $0x10;
	s16 =	sadd.s32 s16, s20  }
0x21b: {  	v25 =	vadd.s32 $0xFFFF0000, v21;
	v15 =	vor.u32 v15, v16;
	s26 =	spop (v2sf);
	[tilespmem:s16+$0x0] =	vst.msk vm12, v24  }
0x21c: {  	vm13 =	veq.s32 v19, $0x1;
	v16 =	vor.u32 v25, v17;
	s29 =	sadd.s32 s21, s26;
	[tilespmem:s16+$0x4080] =	vst.msk vm12, v15  }
0x21d: {  	v26 =	vadd.s32 $0xFFFE0000, v21;
	s30 =	spop (v2sf);
	[tilespmem:s29+$0x0] =	vst.msk vm13, v16  }
0x21e: {  	v23 =	vmul.f32 $3.200000000e+01, v20;
	vm14 =	veq.s32 v19, $0x2;
	v16 =	vor.u32 v26, v17;
	[tilespmem:s29+$0x4080] =	vst.msk vm13, v15;
	s21 =	sadd.s32 s25, s30  }
0x21f: {  	v27 =	vadd.s32 $0xFFFD0000, v21;
	s25 =	spop (v2sf);
	[tilespmem:s21+$0x0] =	vst.msk vm14, v16  }
0x220: {  	vm15 =	veq.s32 v19, $0x3;
	v20 =	vtrunc.f32 v23;
	v16 =	vor.u32 v27, v17;
	s26 =	sadd.s32 s22, s25;
	[tilespmem:s21+$0x4080] =	vst.msk vm14, v15  }
0x221: {  	v28 =	vcvt.f32.s32 v20;
	vm11 =	vlt.f32 v23, v20;
	[tilespmem:s26+$0x0] =	vst.msk vm15, v16  }
0x222: {  	v29 =	vsel vm11, $0xFFFFFFFF, v0;
	[tilespmem:s26+$0x4080] =	vst.msk vm15, v15  }
0x223: {  	v24 =	vadd.s32 v28, v29;
	v15 =	vld [tilespmem:s3+$0xD100]  }
0x224: {  	v22 =	vadd.s32 $0x20, v24;
	v16 =	vld [tilespmem:s3+$0x9100]  }
0x225: {  	v30 =	vshra.s32 v22, $0x4;
	v17 =	vld [tilespmem:s3+$0x11100]  }
0x226: {  	v42 =	vmpcnt.ones.xlane vm3;
	vm11 =	veq.s32 v30, $0x0;
	v41 =	vld [tilespmem:$0x1FFE0]  }
0x227: {  	v46 =	vmpcnt.ones.xlane vm7;
	vm10 =	veq.s32 v30, $0x1;
	v31 =	vmpcnt.ones.xlane vm11  }
0x228: {  	vm9 =	veq.s32 v30, $0x2;
	vm8 =	veq.s32 v30, $0x3;
	v32 =	vmpcnt.ones.xlane vm10  }
0x229: {  	v33 =	vmpcnt.ones.xlane vm9;
	v36 =	vmpcnt.ones.xlane vm8;
	(v2sf) =	vpush v31, $0x0  }
0x22a: {  	v31 =	vmpcnt.ones.xlane vm4;
	(v2sf) =	vpush v32, $0x0;
	v34 =	vmul.f32 $3.200000000e+01, v16  }
0x22b: {  	v35 =	vmul.f32 $3.200000000e+01, v15;
	v37 =	vmul.f32 $3.200000000e+01, v17;
	vm0 =	vnez.u8 v41  }
0x22c: {  	(v2sf) =	vpush v33, $0x0;
	v28 =	vmpcnt.ones.xlane vm0;
	v38 =	vtrunc.f32 v34  }
0x22d: {  	(v2sf) =	vpush v36, $0x0;
	v39 =	vtrunc.f32 v35;
	v40 =	vtrunc.f32 v37  }
0x22e: {  	v29 =	vcvt.f32.s32 v38;
	v30 =	vcvt.f32.s32 v39;
	(v2sf) =	vpush v28, $0x0  }
0x22f: {  	vm0 =	vlt.f32 v35, v39;
	vm1 =	vlt.f32 v34, v38;
	v43 =	vcvt.f32.s32 v40  }
0x230: {  	v19 =	vsel vm1, $0xFFFFFFFF, v0;
	vm1 =	vlt.f32 v37, v40;
	(v2sf) =	vpush v42, $0x0  }
0x231: {  	v44 =	vsel vm0, $0xFFFFFFFF, v0;
	v26 =	vsel vm1, $0xFFFFFFFF, v0;
	v19 =	vadd.s32 v29, v19  }
0x232: {  	(v2sf) =	vpush v31, $0x0;
	v26 =	vadd.s32 v43, v26;
	v45 =	vcvt.s32.f32 v19  }
0x233: {  	v27 =	vadd.s32 v30, v44;
	v47 =	vcvt.s32.f32 v26  }
0x234: {  	v48 =	vcvt.s32.f32 v27;
	(v2sf) =	vpush v46, $0x0;
	v20 =	vsub.f32 v34, v45  }
0x235: {  	v21 =	vsub.f32 v37, v47  }
0x236: {  	v19 =	vadd.s32 $0x20, v19;
	v25 =	vsub.f32 v35, v48;
	v20 =	vmul.f32 $6.553600000e+04, v20  }
0x237: {  	v27 =	vshll.u32 v27, $0x6;
	v49 =	vshra.s32 v19, $0x4;
	v21 =	vmul.f32 $6.553600000e+04, v21  }
0x238: {  	v19 =	vshll.u32 v19, $0xC;
	v25 =	vmul.f32 $6.553600000e+04, v25;
	v20 =	vtrunc.f32 v20  }
0x239: {  	v26 =	vadd.s32 v27, v26;
	s22 =	spop (v2sf);
	v20 =	vcvt.f32.s32 v20;
	v21 =	vtrunc.f32 v21  }
0x23a: {  	vm3 =	veq.s32 v49, $0x0;
	s21 =	spop (v2sf);
	v25 =	vtrunc.f32 v25;
	v21 =	vcvt.f32.s32 v21  }
0x23b: {  	v19 =	vadd.s32 v19, v26;
	s20 =	spop (v2sf);
	v25 =	vcvt.f32.s32 v25;
	vm4 =	vlt.s32 v20, $0xFFFF  }
0x23c: {  	v26 =	vadd.s32 $0x820, v19;
	s16 =	spop (v2sf);
	v20 =	vnsel vm4, $0xFFFF, v20;
	vm7 =	vlt.s32 v21, $0xFFFF  }
0x23d: {  	vm4 =	vlt.s32 v25, $0xFFFF;
	v20 =	vshll.u32 v20, $0x10;
	v21 =	vnsel vm7, $0xFFFF, v21;
	s29 =	spop (v2sf)  }
0x23e: {  	v25 =	vnsel vm4, $0xFFFF, v25;
	v21 =	vshll.u32 v21, $0x10;
	v26 =	vor.u32 v26, v20;
	s15 =	sadd.s32 s15, s29  }
0x23f: {  	v50 =	vadd.s32 $0xFFFF0820, v19;
	v21 =	vor.u32 v25, v21;
	s30 =	spop (v2sf);
	[tilespmem:s15+$0x0] =	vst.msk vm3, v26  }
0x240: {  	vm4 =	veq.s32 v49, $0x1;
	v25 =	vor.u32 v50, v20;
	s11 =	sadd.s32 s11, s30;
	[tilespmem:s15+$0x4080] =	vst.msk vm3, v21  }
0x241: {  	v51 =	vadd.s32 $0xFFFE0820, v19;
	s26 =	spop (v2sf);
	[tilespmem:s11+$0x0] =	vst.msk vm4, v25  }
0x242: {  	vm7 =	veq.s32 v49, $0x2;
	s29 =	sadd.s32 s18, s26;
	v25 =	vor.u32 v51, v20;
	[tilespmem:s11+$0x4080] =	vst.msk vm4, v21  }
0x243: {  	v19 =	vadd.s32 $0xFFFD0820, v19;
	s30 =	spop (v2sf);
	[tilespmem:s29+$0x0] =	vst.msk vm7, v25  }
0x244: {  	vm1 =	veq.s32 v49, $0x3;
	v19 =	vor.u32 v19, v20;
	s15 =	sadd.s32 s17, s30;
	[tilespmem:s29+$0x4080] =	vst.msk vm7, v21  }
0x245: {  	v25 =	vmul.f32 $3.200000000e+01, v9;
	[tilespmem:s15+$0x0] =	vst.msk vm1, v19  }
0x246: {  	[tilespmem:s15+$0x4080] =	vst.msk vm1, v21  }
0x247: {  	v52 =	vtrunc.f32 v25;
	v20 =	vld [tilespmem:s3+$0xE100]  }
0x248: {  	v37 =	vmpcnt.ones.xlane vm5;
	v55 =	vcvt.f32.s32 v52;
	vm5 =	vlt.f32 v25, v52;
	v21 =	vld [tilespmem:s3+$0xA100]  }
0x249: {  	v24 =	vcvt.s32.f32 v24;
	v34 =	vld [tilespmem:$0x1FFF0];
	v43 =	vsel vm5, $0xFFFFFFFF, v0  }
0x24a: {  	v18 =	vmul.f32 $3.200000000e+01, v18;
	v19 =	vld [tilespmem:s3+$0x12100];
	v29 =	vadd.s32 v55, v43  }
0x24b: {  	v58 =	vmpcnt.ones.xlane vm2;
	v23 =	vsub.f32 v23, v24;
	v49 =	vcvt.s32.f32 v29  }
0x24c: {  	v62 =	vmpcnt.ones.xlane vm6;
	v42 =	vtrunc.f32 v18  }
0x24d: {  	v23 =	vmul.f32 $6.553600000e+04, v23;
	v45 =	vcvt.f32.s32 v42;
	v25 =	vsub.f32 v25, v49  }
0x24e: {  	v53 =	vmul.f32 $3.200000000e+01, v21;
	v54 =	vmul.f32 $3.200000000e+01, v20;
	vm0 =	vnez.u8 v34  }
0x24f: {  	v56 =	vmul.f32 $3.200000000e+01, v19;
	v34 =	vmpcnt.ones.xlane vm0  }
0x250: {  	v25 =	vmul.f32 $6.553600000e+04, v25;
	v57 =	vtrunc.f32 v53  }
0x251: {  	v22 =	vshll.u32 v22, $0xC;
	v32 =	vtrunc.f32 v54;
	v33 =	vtrunc.f32 v56  }
0x252: {  	v35 =	vcvt.f32.s32 v57;
	v36 =	vcvt.f32.s32 v32;
	(v2sf) =	vpush v34, $0x0  }
0x253: {  	vm0 =	vlt.f32 v54, v32;
	vm2 =	vlt.f32 v53, v57;
	v59 =	vcvt.f32.s32 v33  }
0x254: {  	v31 =	vsel vm2, $0xFFFFFFFF, v0;
	vm2 =	vlt.f32 v56, v33;
	(v2sf) =	vpush v58, $0x0  }
0x255: {  	v60 =	vsel vm0, $0xFFFFFFFF, v0;
	v33 =	vsel vm2, $0xFFFFFFFF, v0;
	v31 =	vadd.s32 v35, v31  }
0x256: {  	(v2sf) =	vpush v37, $0x0;
	v33 =	vadd.s32 v59, v33;
	v61 =	vcvt.s32.f32 v31  }
0x257: {  	v25 =	vtrunc.f32 v25;
	v63 =	vadd.s32 v36, v60;
	v40 =	vcvt.s32.f32 v33  }
0x258: {  	v41 =	vcvt.s32.f32 v63;
	(v2sf) =	vpush v62, $0x0;
	v27 =	vsub.f32 v53, v61  }
0x259: {  	v57 =	vmpcnt.ones.xlane vm12;
	v25 =	vcvt.f32.s32 v25;
	v30 =	vsub.f32 v56, v40  }
0x25a: {  	v31 =	vadd.s32 $0x20, v31;
	v28 =	vsub.f32 v54, v41;
	v27 =	vmul.f32 $6.553600000e+04, v27  }
0x25b: {  	v26 =	vshll.u32 v63, $0x6;
	v44 =	vshra.s32 v31, $0x4;
	v30 =	vmul.f32 $6.553600000e+04, v30  }
0x25c: {  	v31 =	vshll.u32 v31, $0xC;
	v28 =	vmul.f32 $6.553600000e+04, v28;
	v27 =	vtrunc.f32 v27  }
0x25d: {  	v26 =	vadd.s32 v26, v33;
	v27 =	vcvt.f32.s32 v27;
	v30 =	vtrunc.f32 v30  }
0x25e: {  	vm0 =	veq.s32 v44, $0x0;
	v28 =	vtrunc.f32 v28;
	v30 =	vcvt.f32.s32 v30  }
0x25f: {  	v26 =	vadd.s32 v31, v26;
	v28 =	vcvt.f32.s32 v28;
	vm6 =	vlt.s32 v27, $0xFFFF  }
0x260: {  	v31 =	vadd.s32 $0x820, v26;
	v27 =	vnsel vm6, $0xFFFF, v27;
	vm2 =	vlt.s32 v30, $0xFFFF  }
0x261: {  	vm5 =	vlt.s32 v28, $0xFFFF;
	v27 =	vshll.u32 v27, $0x10;
	v30 =	vnsel vm2, $0xFFFF, v30;
	s17 =	spop (v2sf)  }
0x262: {  	v28 =	vnsel vm5, $0xFFFF, v28;
	v30 =	vshll.u32 v30, $0x10;
	v31 =	vor.u32 v31, v27;
	s11 =	sadd.s32 s14, s17  }
0x263: {  	v58 =	vmpcnt.ones.xlane vm13;
	v46 =	vadd.s32 $0xFFFF0820, v26;
	v28 =	vor.u32 v28, v30;
	s18 =	spop (v2sf);
	[tilespmem:s11+$0x0] =	vst.msk vm0, v31  }
0x264: {  	v59 =	vmpcnt.ones.xlane vm14;
	vm2 =	veq.s32 v44, $0x1;
	v30 =	vor.u32 v46, v27;
	s23 =	sadd.s32 s23, s18;
	[tilespmem:s11+$0x4080] =	vst.msk vm0, v28  }
0x265: {  	(v2sf) =	vpush v57, $0x0;
	v47 =	vadd.s32 $0xFFFE0820, v26;
	vm5 =	vlt.f32 v18, v42;
	s25 =	spop (v2sf);
	[tilespmem:s23+$0x0] =	vst.msk vm2, v30  }
0x266: {  	v48 =	vsel vm5, $0xFFFFFFFF, v0;
	vm5 =	veq.s32 v44, $0x2;
	s26 =	sadd.s32 s12, s25;
	v30 =	vor.u32 v47, v27;
	[tilespmem:s23+$0x4080] =	vst.msk vm2, v28  }
0x267: {  	v54 =	vtrunc.f32 v23;
	v50 =	vadd.s32 $0xFFFD0820, v26;
	v51 =	vadd.s32 v45, v48;
	s29 =	spop (v2sf);
	[tilespmem:s26+$0x0] =	vst.msk vm5, v30  }
0x268: {  	vm6 =	veq.s32 v44, $0x3;
	v24 =	vor.u32 v50, v27;
	v52 =	vcvt.s32.f32 v51;
	s30 =	sadd.s32 s24, s29;
	[tilespmem:s26+$0x4080] =	vst.msk vm5, v28  }
0x269: {  	v62 =	vmpcnt.ones.xlane vm15;
	(v2sf) =	vpush v58, $0x0;
	v55 =	vcvt.f32.s32 v54;
	[tilespmem:s30+$0x0] =	vst.msk vm6, v24  }
0x26a: {  	(v2sf) =	vpush v59, $0x0;
	v26 =	vshll.u32 v51, $0x6;
	v53 =	vsub.f32 v18, v52;
	[tilespmem:s30+$0x4080] =	vst.msk vm6, v28  }
0x26b: {  	v57 =	vmpcnt.ones.xlane vm3;
	(v2sf) =	vpush v62, $0x0;
	v26 =	vadd.s32 v26, v29;
	v23 =	vld [tilespmem:s3+$0xB100]  }
0x26c: {  	vm12 =	vlt.s32 v55, $0xFFFF;
	v22 =	vadd.s32 v22, v26;
	v56 =	vmul.f32 $6.553600000e+04, v53;
	v18 =	vld [tilespmem:s3+$0x13100]  }
0x26d: {  	v27 =	vnsel vm12, $0xFFFF, v55;
	vm12 =	vlt.s32 v25, $0xFFFF;
	v52 =	vadd.s32 $0x820, v22;
	v24 =	vld [tilespmem:s3+$0xF100]  }
0x26e: {  	v54 =	vadd.s32 $0xFFFE0820, v22;
	v25 =	vnsel vm12, $0xFFFF, v25;
	v28 =	vtrunc.f32 v56  }
0x26f: {  	v27 =	vshll.u32 v27, $0x10;
	v53 =	vadd.s32 $0xFFFF0820, v22;
	v28 =	vcvt.f32.s32 v28  }
0x270: {  	v22 =	vadd.s32 $0xFFFD0820, v22;
	v25 =	vshll.u32 v25, $0x10;
	v36 =	vor.u32 v54, v27  }
0x271: {  	vm12 =	vlt.s32 v28, $0xFFFF;
	v60 =	vmul.f32 $3.200000000e+01, v23;
	v61 =	vmul.f32 $3.200000000e+01, v18  }
0x272: {  	v22 =	vor.u32 v22, v27;
	v28 =	vnsel vm12, $0xFFFF, v28;
	v63 =	vmul.f32 $3.200000000e+01, v24  }
0x273: {  	v25 =	vor.u32 v28, v25;
	v45 =	vtrunc.f32 v60;
	v38 =	vtrunc.f32 v61  }
0x274: {  	v39 =	vtrunc.f32 v63;
	vm13 =	vlt.f32 v61, v38;
	v46 =	vcvt.f32.s32 v38  }
0x275: {  	vm12 =	vlt.f32 v60, v45;
	v37 =	vcvt.f32.s32 v45;
	v41 =	vsel vm13, $0xFFFFFFFF, v0  }
0x276: {  	v48 =	vcvt.f32.s32 v39;
	v40 =	vsel vm12, $0xFFFFFFFF, v0;
	v29 =	vadd.s32 v46, v41  }
0x277: {  	vm12 =	vlt.f32 v63, v39;
	v47 =	vadd.s32 v37, v40;
	v50 =	vcvt.s32.f32 v29  }
0x278: {  	v38 =	vor.u32 v52, v27;
	v42 =	vsel vm12, $0xFFFFFFFF, v0;
	v49 =	vcvt.s32.f32 v47  }
0x279: {  	v37 =	vadd.s32 v48, v42;
	v26 =	vadd.s32 $0x20, v47;
	v34 =	vsub.f32 v61, v50  }
0x27a: {  	v39 =	vor.u32 v53, v27;
	v51 =	vcvt.s32.f32 v37;
	v58 =	vshra.s32 v26, $0x4  }
0x27b: {  	v26 =	vshll.u32 v26, $0xC;
	v33 =	vsub.f32 v60, v49;
	v55 =	vmul.f32 $6.553600000e+04, v34  }
0x27c: {  	vm14 =	veq.s32 v58, $0x1;
	v60 =	vmpcnt.ones.xlane vm4;
	v61 =	vmpcnt.ones.xlane vm7  }
0x27d: {  	vm7 =	veq.s32 v58, $0x3;
	v33 =	vmul.f32 $6.553600000e+04, v33;
	v27 =	vtrunc.f32 v55  }
0x27e: {  	v28 =	vsub.f32 v63, v51;
	v62 =	vmpcnt.ones.xlane vm14;
	v27 =	vcvt.f32.s32 v27  }
0x27f: {  	v63 =	vshll.u32 v37, $0x6;
	v37 =	vmpcnt.ones.xlane vm7;
	v56 =	vtrunc.f32 v33  }
0x280: {  	[tilespmem:s4+$0x0] =	vst.msk vm11, v38;
	v28 =	vmul.f32 $6.553600000e+04, v28;
	v30 =	vcvt.f32.s32 v56;
	vm12 =	vlt.s32 v27, $0xFFFF  }
0x281: {  	[tilespmem:s4+$0x4080] =	vst.msk vm11, v25;
	v29 =	vadd.s32 v63, v29;
	v27 =	vnsel vm12, $0xFFFF, v27;
	vm12 =	veq.s32 v58, $0x0  }
0x282: {  	[tilespmem:s10+$0x0] =	vst.msk vm10, v39;
	v28 =	vtrunc.f32 v28;
	vm15 =	vlt.s32 v30, $0xFFFF;
	v59 =	vmpcnt.ones.xlane vm12  }
0x283: {  	[tilespmem:s10+$0x4080] =	vst.msk vm10, v25;
	v28 =	vcvt.f32.s32 v28;
	v30 =	vnsel vm15, $0xFFFF, v30;
	vm15 =	veq.s32 v58, $0x2  }
0x284: {  	[tilespmem:s9+$0x0] =	vst.msk vm9, v36;
	v26 =	vadd.s32 v26, v29;
	v36 =	vmpcnt.ones.xlane vm15;
	(v2sf) =	vpush v59, $0x0  }
0x285: {  	[tilespmem:s9+$0x4080] =	vst.msk vm9, v25;
	v39 =	vadd.s32 $0x820, v26;
	vm13 =	vlt.s32 v28, $0xFFFF;
	(v2sf) =	vpush v62, $0x0  }
0x286: {  	[tilespmem:s8+$0x0] =	vst.msk vm8, v22;
	v28 =	vnsel vm13, $0xFFFF, v28;
	v38 =	vshll.u32 v30, $0x10;
	(v2sf) =	vpush v36, $0x0  }
0x287: {  	s1 =	sadd.s32 s1, s22;
	[tilespmem:s8+$0x4080] =	vst.msk vm8, v25;
	v40 =	vshll.u32 v27, $0x10;
	v41 =	vor.u32 v39, v38;
	(v2sf) =	vpush v37, $0x0  }
0x288: {  	v42 =	vadd.s32 $0xFFFF0820, v26;
	v25 =	vor.u32 v28, v40;
	[tilespmem:s1+$0x0] =	vst.msk vm12, v41;
	(v2sf) =	vpush v57, $0x0  }
0x289: {  	v43 =	vmpcnt.ones.xlane vm1;
	s8 =	sadd.s32 s7, s21;
	v28 =	vor.u32 v42, v38;
	[tilespmem:s1+$0x4080] =	vst.msk vm12, v25;
	(v2sf) =	vpush v60, $0x0  }
0x28a: {  	v44 =	vmpcnt.ones.xlane vm0;
	v45 =	vadd.s32 $0xFFFE0820, v26;
	[tilespmem:s8+$0x0] =	vst.msk vm14, v28;
	(v2sf) =	vpush v61, $0x0  }
0x28b: {  	v46 =	vmpcnt.ones.xlane vm2;
	s9 =	sadd.s32 s6, s20;
	v47 =	vor.u32 v45, v38;
	[tilespmem:s8+$0x4080] =	vst.msk vm14, v25;
	(v2sf) =	vpush v43, $0x0  }
0x28c: {  	v48 =	vmpcnt.ones.xlane vm5;
	v26 =	vadd.s32 $0xFFFD0820, v26;
	[tilespmem:s9+$0x0] =	vst.msk vm15, v47;
	(v2sf) =	vpush v44, $0x0  }
0x28d: {  	s10 =	sadd.s32 s5, s16;
	v49 =	vmpcnt.ones.xlane vm6;
	v22 =	vor.u32 v26, v38;
	[tilespmem:s9+$0x4080] =	vst.msk vm15, v25;
	(v2sf) =	vpush v46, $0x0  }
0x28e: {  	v5 =	vand.u32 $0x7FFFFFFF, v5;
	v7 =	vand.u32 $0x7FFFFFFF, v7;
	[tilespmem:s10+$0x0] =	vst.msk vm7, v22;
	(v2sf) =	vpush v48, $0x0  }
0x28f: {  	v5 =	vadd.f32 v7, v5;
	s11 =	spop (v2sf);
	s3 =	simm.s32 $0x8180;
	[tilespmem:s10+$0x4080] =	vst.msk vm7, v25;
	(v2sf) =	vpush v49, $0x0  }
0x290: {  	v11 =	vadd.f32 v14, v11;
	v8 =	vadd.s32 v10, v8;
	v6 =	vand.u32 $0x7FFFFFFF, v6;
	s12 =	spop (v2sf);
	[tilespmem:s3+$0xFFFFFF80] =	vst v1  }
0x291: {  	v5 =	vadd.f32 v6, v5;
	v6 =	vand.u32 $0x7FFFFFFF, v16;
	s14 =	spop (v2sf);
	v50 =	vand.u32 $0x7FFFFFFF, v9;
	[tilespmem:s3+$0x70] =	vst v1  }
0x292: {  	v54 =	vand.u32 $0x7FFFFFFF, v15;
	s15 =	spop (v2sf);
	vm9 =	veq.f32 v12, $0.0e+00;
	v9 =	vadd.f32 v50, v13;
	[tilespmem:s3+$0x60] =	vst v1  }
0x293: {  	v6 =	vadd.f32 v54, v6;
	vm10 =	veq.f32 v11, $0.0e+00;
	v51 =	vsel vm9, $0x1, v0;
	[tilespmem:s3+$0x50] =	vst v1;
	s16 =	spop (v2sf)  }
0x294: {  	v52 =	vsel vm10, $0x1, v0;
	v8 =	vadd.s32 v51, v8;
	vm11 =	veq.f32 v9, $0.0e+00;
	[tilespmem:s3+$0x40] =	vst v1;
	s17 =	spop (v2sf)  }
0x295: {  	v7 =	vadd.s32 v52, v8;
	v53 =	vsel vm11, $0x1, v0;
	v55 =	vand.u32 $0x7FFFFFFF, v17;
	[tilespmem:s3+$0x30] =	vst v1;
	s18 =	spop (v2sf)  }
0x296: {  	v7 =	vadd.s32 v53, v7;
	v56 =	vand.u32 $0x7FFFFFFF, v21;
	v57 =	vand.u32 $0x7FFFFFFF, v20;
	[tilespmem:s3+$0x20] =	vst v1;
	s20 =	spop (v2sf)  }
0x297: {  	v58 =	vand.u32 $0x7FFFFFFF, v23;
	v59 =	vand.u32 $0x7FFFFFFF, v24;
	v8 =	vadd.f32 v57, v56;
	[tilespmem:s3+$0x10] =	vst v1;
	s21 =	spop (v2sf)  }
0x298: {  	v6 =	vadd.f32 v55, v6;
	v10 =	vadd.f32 v59, v58;
	v60 =	vand.u32 $0x7FFFFFFF, v19;
	[tilespmem:s3+$0x0] =	vst v1;
	s22 =	spop (v2sf)  }
0x299: {  	vm12 =	veq.f32 v5, $0.0e+00;
	v61 =	vand.u32 $0x7FFFFFFF, v18;
	v5 =	vadd.f32 v60, v8;
	[tilespmem:s3+$0xFFFFFFF0] =	vst v1;
	s23 =	spop (v2sf)  }
0x29a: {  	vm13 =	veq.f32 v6, $0.0e+00;
	v62 =	vsel vm12, $0x1, v0;
	v6 =	vadd.f32 v61, v10;
	[tilespmem:s3+$0xFFFFFFE0] =	vst v1;
	s24 =	spop (v2sf)  }
0x29b: {  	v63 =	vsel vm13, $0x1, v0;
	v7 =	vadd.s32 v62, v7;
	[tilespmem:s3+$0xFFFFFFD0] =	vst v1;
	vm14 =	veq.f32 v5, $0.0e+00;
	s25 =	spop (v2sf)  }
0x29c: {  	[tilespmem:s3+$0xFFFFFFC0] =	vst v1;
	v5 =	vadd.s32 v63, v7;
	vm15 =	veq.f32 v6, $0.0e+00;
	v7 =	vsel vm14, $0x1, v0;
	s26 =	spop (v2sf)  }
0x29d: {  	[tilespmem:s3+$0xFFFFFFB0] =	vst v1;
	v6 =	vsel vm15, $0x1, v0;
	v5 =	vadd.s32 v7, v5;
	s29 =	spop (v2sf)  }
0x29e: {  	s1 =	simm.s32 $0x0;
	[tilespmem:s3+$0xFFFFFFA0] =	vst v1;
	v5 =	vadd.s32 v6, v5;
	s30 =	spop (v2sf)  }
.LBB2_12:
0x29f: {  	s1 =	sadd.s32 $0x10, s1;
	[tilespmem:s3+$0xFFFFFF90] =	vst v1;
	s3 =	sadd.s32 $0x100, s3  }
0x2a0: {  	[tilespmem:s3+$0xFFFFFF80] =	vst v1;
	p0 =	slt.u32 s1, $0x10F0  }
0x2a1: {  	[tilespmem:s3+$0x70] =	vst v1  }
0x2a2: {  	[tilespmem:s3+$0x60] =	vst v1  }
0x2a3: {  	[tilespmem:s3+$0x50] =	vst v1  }
0x2a4: {  	[tilespmem:s3+$0x40] =	vst v1  }
0x2a5: {  	[tilespmem:s3+$0x30] =	vst v1  }
0x2a6: {  	[tilespmem:s3+$0x20] =	vst v1  }
0x2a7: {  	[tilespmem:s3+$0x10] =	vst v1  }
0x2a8: {  	[tilespmem:s3+$0x0] =	vst v1  }
0x2a9: {  	[tilespmem:s3+$0xFFFFFFF0] =	vst v1  }
.Ltmp7:
0x2aa: {  	[tilespmem:s3+$0xFFFFFFE0] =	vst v1;
	(pc) =	sbr.rel @p0 .LBB2_12-.Ltmp7, $4  }
0x2ab: {  	[tilespmem:s3+$0xFFFFFFD0] =	vst v1  }
0x2ac: {  	[tilespmem:s3+$0xFFFFFFC0] =	vst v1  }
0x2ad: {  	[tilespmem:s3+$0xFFFFFFB0] =	vst v1  }
0x2ae: {  	[tilespmem:s3+$0xFFFFFFA0] =	vst v1  }
0x2af: {  	(xrf0) =	vadd.scan.msk.s32 $0xffff, v4  }
0x2b0: {  	(xrf0) =	vadd.scan.msk.s32 $0xffff, v5;
	_ =	sdelay $0x4  }
0x2b1: {  	v4, _, _ =	vpop (xrf0)  }
0x2b2: {  	(v2sf) =	vpush v4, $0xF;
	v4, _, _ =	vpop (xrf0)  }
0x2b3: {  	(v2sf) =	vpush v4, $0xF;
	_ =	sdelay $0x7  }
0x2b4: {  	s1 =	sadd.s32 $0x1F, s0  }
0x2b5: {  	s6 =	sshra.s32 s1, $0x5  }
0x2b6: {  	p0 =	slt.s32 s6, $0x1  }
.Ltmp8:
0x2b7: {  	_ = 	snop;
	(pc) =	sbr.rel @p0 .LBB2_17-.Ltmp8, $4  }
0x2b8: {  	_ = 	snop  }
0x2b9: {  	[tilespmem:s3+$0xFFFFFF90] =	vst v1;
	s9 =	simm.s32 $0x80  }
0x2ba: {  	s10 =	simm.s32 $0x400;
	s12 =	rddreg [dreg:$0xb];
	s1 =	spop (v2sf)  }
0x2bb: {  	s11 =	simm.s32 $0x4;
	s14 =	rddreg [dreg:$0xc];
	s3 =	spop (v2sf)  }
0x2bc: {  	s4 =	simm.s32 $0x10  }
0x2bd: {  	s5 =	simm.s32 $0x4090;
	v5 =	vld [tilespmem:s4+$0xFFFFFFF0]  }
0x2be: {  	v4 =	vld [tilespmem:s5+$0xFFFFFFF0];
	_ =	sdelay $0x4  }
0x2bf: {  	v6 =	vshrl.u32 v5, $0x10;
	v7 =	vand.u32 $0xFFFF, v4  }
0x2c0: {  	s7 =	simm.s32 $0x0;
	v4 =	vshrl.u32 v4, $0x10;
	v6 =	vcvt.s32.f32 v6;
	v7 =	vcvt.s32.f32 v7  }
0x2c1: {  	v9 =	vor.u32 s7, v2;
	v8 =	vcvt.s32.f32 v4  }
0x2c2: {  	v4 =	vmov s0;
	v6 =	vmul.f32 $1.525878910e-05, v6;
	v7 =	vmul.f32 $1.525878910e-05, v7  }
0x2c3: {  	vm0 =	vlt.s32 v9, v4  }
0x2c4: {  	v8 =	vmul.f32 $1.525878910e-05, v8;
	v10 =	vsub.f32 $1.000000000e+00, v6;
	v11 =	vsub.f32 $1.000000000e+00, v7  }
0x2c5: {  	v9 =	vand.u32 $0x7F, v5;
	v5 =	vand.u32 $0xFFFF, v5  }
0x2c6: {  	v14 =	vadd.s32 $0x1, v5;
	v12 =	vsub.f32 $1.000000000e+00, v8;
	v13 =	vmul.f32 v11, v10  }
0x2c7: {  	v15 =	vadd.s32 $0x1000, v5;
	v16 =	vadd.s32 $0x40, v5;
	v18 =	vadd.s32 $0x41, v5  }
0x2c8: {  	v15 =	vand.u32 $0x1FF80, v15;
	v10 =	vmul.f32 v7, v10;
	v17 =	vmul.f32 v13, v12  }
0x2c9: {  	v9 =	vor.u32 v9, v15;
	v13 =	vmul.f32 v13, v8  }
0x2ca: {  	v63 =	vadd.s32 $0x1001, v5;
	v11 =	vmul.f32 v11, v6;
	v15 =	vmul.f32 v12, v10;
	[tilespmem:v5+s13+$0x0] =	vst.idx.add.f32.msk vm0, v17  }
0x2cb: {  	v10 =	vmul.f32 v10, v8;
	[tilespmem:v14+s13+$0x0] =	vst.idx.add.f32.msk vm0, v13;
	v13 =	vadd.s32 $0x1040, v5  }
0x2cc: {  	v6 =	vmul.f32 v7, v6;
	v7 =	vmul.f32 v11, v12;
	v5 =	vadd.s32 $0x1041, v5;
	[tilespmem:v16+s13+$0x0] =	vst.idx.add.f32.msk vm0, v15  }
0x2cd: {  	v11 =	vmul.f32 v11, v8;
	[tilespmem:v18+s13+$0x0] =	vst.idx.add.f32.msk vm0, v10  }
0x2ce: {  	v10 =	vmul.f32 v12, v6;
	[tilespmem:v9+s13+$0x0] =	vst.idx.add.f32.msk vm0, v7  }
0x2cf: {  	v6 =	vmul.f32 v6, v8;
	[tilespmem:v63+s13+$0x0] =	vst.idx.add.f32.msk vm0, v11  }
0x2d0: {  	[tilespmem:v13+s13+$0x0] =	vst.idx.add.f32.msk vm0, v10  }
0x2d1: {  	[tilespmem:v5+s13+$0x0] =	vst.idx.add.f32.msk vm0, v6  }
0x2d2: {  	v6 =	vld [tilespmem:s4+$0x0]  }
0x2d3: {  	v7 =	vld [tilespmem:s5+$0x0];
	_ =	sdelay $0x3  }
0x2d4: {  	v5 =	vshrl.u32 v6, $0x10  }
0x2d5: {  	p0 =	sne.s32 s6, $0x1;
	v8 =	vcvt.s32.f32 v5;
	v5 =	vand.u32 $0xFFFF, v7  }
.Ltmp9:
0x2d6: {  	v7 =	vshrl.u32 v7, $0x10;
	v9 =	vcvt.s32.f32 v5;
	(pc) =	sbr.rel @!p0 .LBB2_16-.Ltmp9, $4  }
0x2d7: {  	v12 =	vor.u32 s4, v2;
	v5 =	vand.u32 $0xFFFF, v6;
	v7 =	vcvt.s32.f32 v7  }
0x2d8: {  	v8 =	vmul.f32 $1.525878910e-05, v8;
	v10 =	vadd.s32 $0x1000, v5;
	v9 =	vmul.f32 $1.525878910e-05, v9  }
0x2d9: {  	vm0 =	vlt.s32 v12, v4;
	v10 =	vand.u32 $0x1FF80, v10  }
0x2da: {  	s0 =	sadd.s32 $0xFFFFFFFF, s6;
	s6 =	simm.s32 $0x10;
	v7 =	vmul.f32 $1.525878910e-05, v7;
	v11 =	vsub.f32 $1.000000000e+00, v8;
	v12 =	vsub.f32 $1.000000000e+00, v9  }
.LBB2_15:
0x2db: {  	v13 =	vmul.f32 v9, v8;
	v14 =	vadd.s32 $0x1, v5;
	s4 =	sadd.s32 $0x20, s4;
	s5 =	sadd.s32 $0x20, s5;
	s6 =	sadd.s32 $0x20, s6  }
0x2dc: {  	p0 =	sne.s32 s0, $0x1;
	s0 =	sadd.s32 $0xFFFFFFFF, s0;
	v15 =	vsub.f32 $1.000000000e+00, v7;
	v16 =	vmul.f32 v12, v11;
	v8 =	vmul.f32 v12, v8  }
0x2dd: {  	v6 =	vand.u32 $0x7F, v6;
	v12 =	vadd.s32 $0x40, v5;
	v17 =	vmul.f32 v13, v7  }
0x2de: {  	v9 =	vmul.f32 v9, v11;
	v18 =	vadd.s32 $0x41, v5;
	v11 =	vmul.f32 v16, v15  }
0x2df: {  	v6 =	vor.u32 v6, v10;
	v16 =	vmul.f32 v16, v7;
	v19 =	vmul.f32 v8, v15  }
0x2e0: {  	v10 =	vmul.f32 v15, v9;
	v9 =	vmul.f32 v9, v7;
	[tilespmem:v5+s13+$0x0] =	vst.idx.add.f32.msk vm0, v11;
	v11 =	vadd.s32 $0x1001, v5  }
0x2e1: {  	v7 =	vmul.f32 v8, v7;
	v8 =	vadd.s32 $0x1040, v5;
	[tilespmem:v14+s13+$0x0] =	vst.idx.add.f32.msk vm0, v16  }
0x2e2: {  	v5 =	vadd.s32 $0x1041, v5;
	[tilespmem:v12+s13+$0x0] =	vst.idx.add.f32.msk vm0, v10  }
0x2e3: {  	[tilespmem:v18+s13+$0x0] =	vst.idx.add.f32.msk vm0, v9  }
0x2e4: {  	[tilespmem:v6+s13+$0x0] =	vst.idx.add.f32.msk vm0, v19;
	v6 =	vmul.f32 v15, v13  }
0x2e5: {  	[tilespmem:v11+s13+$0x0] =	vst.idx.add.f32.msk vm0, v7  }
0x2e6: {  	[tilespmem:v8+s13+$0x0] =	vst.idx.add.f32.msk vm0, v6  }
0x2e7: {  	[tilespmem:v5+s13+$0x0] =	vst.idx.add.f32.msk vm0, v17;
	_ =	sdelay $0x1  }
0x2e8: {  	v5 =	vld [tilespmem:s4+$0xFFFFFFF0]  }
0x2e9: {  	v6 =	vld [tilespmem:s5+$0xFFFFFFF0];
	_ =	sdelay $0x3  }
0x2ea: {  	v7 =	vshrl.u32 v5, $0x10  }
0x2eb: {  	v7 =	vcvt.s32.f32 v7;
	v8 =	vand.u32 $0xFFFF, v6;
	v6 =	vshrl.u32 v6, $0x10  }
0x2ec: {  	v8 =	vcvt.s32.f32 v8;
	v6 =	vcvt.s32.f32 v6  }
0x2ed: {  	v7 =	vmul.f32 $1.525878910e-05, v7  }
0x2ee: {  	v8 =	vmul.f32 $1.525878910e-05, v8  }
0x2ef: {  	s7 =	sadd.s32 $0xFFFFFFF0, s6;
	v9 =	vand.u32 $0x7F, v5;
	v6 =	vmul.f32 $1.525878910e-05, v6  }
0x2f0: {  	v10 =	vor.u32 s7, v2;
	v11 =	vsub.f32 $1.000000000e+00, v7;
	v12 =	vsub.f32 $1.000000000e+00, v8  }
0x2f1: {  	vm0 =	vlt.s32 v10, v4;
	v5 =	vand.u32 $0xFFFF, v5;
	v10 =	vmul.f32 v8, v7  }
0x2f2: {  	v15 =	vadd.s32 $0x1000, v5;
	v13 =	vsub.f32 $1.000000000e+00, v6;
	v14 =	vmul.f32 v12, v11  }
0x2f3: {  	v8 =	vmul.f32 v8, v11;
	v7 =	vmul.f32 v12, v7;
	v11 =	vadd.s32 $0x1, v5  }
0x2f4: {  	v16 =	vadd.s32 $0x40, v5;
	v17 =	vadd.s32 $0x41, v5;
	v12 =	vmul.f32 v14, v13  }
0x2f5: {  	v15 =	vand.u32 $0x1FF80, v15;
	v18 =	vmul.f32 v13, v8;
	v14 =	vmul.f32 v14, v6  }
0x2f6: {  	v9 =	vor.u32 v9, v15;
	v19 =	vmul.f32 v7, v13;
	v7 =	vmul.f32 v7, v6  }
0x2f7: {  	v8 =	vmul.f32 v8, v6;
	v6 =	vmul.f32 v10, v6;
	[tilespmem:v5+s13+$0x0] =	vst.idx.add.f32.msk vm0, v12;
	v12 =	vadd.s32 $0x1001, v5  }
0x2f8: {  	[tilespmem:v11+s13+$0x0] =	vst.idx.add.f32.msk vm0, v14;
	v11 =	vadd.s32 $0x1040, v5  }
0x2f9: {  	v5 =	vadd.s32 $0x1041, v5;
	[tilespmem:v16+s13+$0x0] =	vst.idx.add.f32.msk vm0, v18  }
0x2fa: {  	[tilespmem:v17+s13+$0x0] =	vst.idx.add.f32.msk vm0, v8;
	v8 =	vmul.f32 v13, v10  }
0x2fb: {  	[tilespmem:v9+s13+$0x0] =	vst.idx.add.f32.msk vm0, v19  }
0x2fc: {  	[tilespmem:v12+s13+$0x0] =	vst.idx.add.f32.msk vm0, v7  }
0x2fd: {  	[tilespmem:v11+s13+$0x0] =	vst.idx.add.f32.msk vm0, v8  }
0x2fe: {  	[tilespmem:v5+s13+$0x0] =	vst.idx.add.f32.msk vm0, v6  }
0x2ff: {  	v6 =	vld [tilespmem:s4+$0x0]  }
0x300: {  	v7 =	vld [tilespmem:s5+$0x0];
	_ =	sdelay $0x3  }
0x301: {  	v5 =	vand.u32 $0xFFFF, v6;
	v8 =	vshrl.u32 v6, $0x10  }
0x302: {  	v8 =	vcvt.s32.f32 v8;
	v9 =	vand.u32 $0xFFFF, v7;
	v7 =	vshrl.u32 v7, $0x10  }
.Ltmp10:
0x303: {  	v10 =	vadd.s32 $0x1000, v5;
	v9 =	vcvt.s32.f32 v9;
	v7 =	vcvt.s32.f32 v7;
	(pc) =	sbr.rel @p0 .LBB2_15-.Ltmp10, $4  }
0x304: {  	v10 =	vand.u32 $0x1FF80, v10;
	v8 =	vmul.f32 $1.525878910e-05, v8  }
0x305: {  	v9 =	vmul.f32 $1.525878910e-05, v9  }
0x306: {  	v12 =	vor.u32 s6, v2;
	v11 =	vsub.f32 $1.000000000e+00, v8  }
0x307: {  	vm0 =	vlt.s32 v12, v4;
	v7 =	vmul.f32 $1.525878910e-05, v7;
	v12 =	vsub.f32 $1.000000000e+00, v9  }
.LBB2_16:
0x308: {  	_ = 	snop  }
0x309: {  	v4 =	vadd.s32 $0x1, v5;
	v13 =	vsub.f32 $1.000000000e+00, v7;
	v14 =	vmul.f32 v12, v11  }
0x30a: {  	v15 =	vadd.s32 $0x40, v5;
	v6 =	vand.u32 $0x7F, v6  }
0x30b: {  	v17 =	vadd.s32 $0x41, v5;
	v56 =	vmul.f32 v9, v11;
	v16 =	vmul.f32 v14, v13  }
0x30c: {  	v6 =	vor.u32 v6, v10;
	v14 =	vmul.f32 v14, v7  }
0x30d: {  	v59 =	vadd.s32 $0x1001, v5;
	v57 =	vmul.f32 v12, v8;
	v58 =	vmul.f32 v13, v56;
	[tilespmem:v5+s13+$0x0] =	vst.idx.add.f32.msk vm0, v16  }
0x30e: {  	v11 =	vmul.f32 v56, v7;
	[tilespmem:v4+s13+$0x0] =	vst.idx.add.f32.msk vm0, v14;
	v4 =	vadd.s32 $0x1040, v5  }
0x30f: {  	v60 =	vmul.f32 v9, v8;
	v61 =	vmul.f32 v57, v13;
	v5 =	vadd.s32 $0x1041, v5;
	[tilespmem:v15+s13+$0x0] =	vst.idx.add.f32.msk vm0, v58  }
0x310: {  	v10 =	vmul.f32 v57, v7;
	[tilespmem:v17+s13+$0x0] =	vst.idx.add.f32.msk vm0, v11  }
0x311: {  	v62 =	vmul.f32 v13, v60;
	[tilespmem:v6+s13+$0x0] =	vst.idx.add.f32.msk vm0, v61  }
0x312: {  	v63 =	vmul.f32 v60, v7;
	[tilespmem:v59+s13+$0x0] =	vst.idx.add.f32.msk vm0, v10  }
0x313: {  	[tilespmem:v4+s13+$0x0] =	vst.idx.add.f32.msk vm0, v62  }
0x314: {  	[tilespmem:v5+s13+$0x0] =	vst.idx.add.f32.msk vm0, v63  }
.LBB2_17:
0x315: {  	s0 =	rddreg [dreg:$0x4]  }
0x316: {  	[hbm4b:s0+s9] =	stream.strided.scatter [tilespmem:s13], [sflag:$0x4], $0x10000, s10, s9, $0x38;
	[tilespmem:$0x19100] =	vst v63  }
0x317: {  	_ =	swait.ge [sflag:s11], $0x10000  }
0x318: {  	[sflag:s11] =	ssyncset.done $0x0  }
0x319: {  	s4 =	simm.s32 $0x18100;
	[sflag:s11] =	ssyncadd.s32 $0xFFFF0000  }
0x31a: {  	v7 =	vld [tilespmem:s4+$0x70]  }
0x31b: {  	v8 =	vld [tilespmem:s4+$0x10]  }
0x31c: {  	v9 =	vld [tilespmem:s4+$0x20]  }
0x31d: {  	s30 =	rddreg [dreg:$0x11];
	v4 =	vld [tilespmem:s4+$0x30]  }
0x31e: {  	s5 =	rddreg [dreg:$0x12];
	v5 =	vld [tilespmem:s4+$0x40]  }
0x31f: {  	s0 =	sadd.s32 s30, s5;
	v6 =	vld [tilespmem:s4+$0x50];
	[tilespmem:s4+$0xFFFF0070] =	vst v7  }
0x320: {  	s6 =	simm.s32 $0x18180;
	s5 =	simm.s32 $0x0;
	s0 =	sadd.s32 s31, s0;
	[tilespmem:s4+$0xFFFF0010] =	vst v8;
	v7 =	vld [tilespmem:s4+$0x60]  }
0x321: {  	s0 =	sadd.s32 s1, s0;
	s1 =	scvt.s32.f32 s3;
	s3 =	simm.s32 $0x91F0;
	v8 =	vld [tilespmem:s4+$0x0];
	[tilespmem:s4+$0xFFFF0020] =	vst v9  }
.LBB2_18:
0x322: {  	v9 =	vld [tilespmem:s6+$0x70];
	s5 =	sadd.s32 $0x8, s5;
	[tilespmem:s4+$0xFFFF0030] =	vst v4  }
0x323: {  	v10 =	vld [tilespmem:s6+$0x10];
	p0 =	slt.u32 s5, $0xF8;
	[tilespmem:s4+$0xFFFF0040] =	vst v5  }
0x324: {  	v11 =	vld [tilespmem:s6+$0x20];
	[tilespmem:s4+$0xFFFF0050] =	vst v6  }
.Ltmp11:
0x325: {  	v4 =	vld [tilespmem:s6+$0x30];
	[tilespmem:s4+$0xFFFF0060] =	vst v7;
	(pc) =	sbr.rel @p0 .LBB2_18-.Ltmp11, $4  }
0x326: {  	v5 =	vld [tilespmem:s6+$0x40];
	[tilespmem:s4+$0xFFFF0000] =	vst v8;
	s4 =	smov.u32 s6  }
0x327: {  	v6 =	vld [tilespmem:s6+$0x50];
	[tilespmem:s6+$0xFFFF0070] =	vst v9  }
0x328: {  	[tilespmem:s6+$0xFFFF0010] =	vst v10;
	v7 =	vld [tilespmem:s6+$0x60]  }
0x329: {  	s6 =	sadd.s32 $0x80, s6;
	v8 =	vld [tilespmem:s4+$0x0];
	[tilespmem:s4+$0xFFFF0020] =	vst v11  }
0x32a: {  	[tilespmem:s4+$0xFFFF0030] =	vst v4  }
0x32b: {  	[tilespmem:s4+$0xFFFF0040] =	vst v5  }
0x32c: {  	[tilespmem:s4+$0xFFFF0050] =	vst v6  }
0x32d: {  	[tilespmem:s4+$0xFFFF0060] =	vst v7  }
0x32e: {  	[tilespmem:s4+$0xFFFF0000] =	vst v8  }
0x32f: {  	[tilespmem:s3+$0xFFFFFF10] =	vst v1  }
0x330: {  	[tilespmem:s3+$0x0] =	vst v1  }
0x331: {  	[tilespmem:s3+$0xFFFFFFF0] =	vst v1  }
0x332: {  	[tilespmem:s3+$0xFFFFFFE0] =	vst v1  }
0x333: {  	[tilespmem:s3+$0xFFFFFFD0] =	vst v1  }
0x334: {  	[tilespmem:s3+$0xFFFFFFC0] =	vst v1  }
0x335: {  	[tilespmem:s3+$0xFFFFFFB0] =	vst v1  }
0x336: {  	[tilespmem:s3+$0xFFFFFFA0] =	vst v1  }
0x337: {  	[tilespmem:s3+$0xFFFFFF90] =	vst v1  }
0x338: {  	[tilespmem:s3+$0xFFFFFF80] =	vst v1  }
0x339: {  	[tilespmem:s3+$0xFFFFFF70] =	vst v1  }
0x33a: {  	[tilespmem:s3+$0xFFFFFF60] =	vst v1  }
0x33b: {  	[tilespmem:s3+$0xFFFFFF50] =	vst v1  }
0x33c: {  	[tilespmem:s3+$0xFFFFFF40] =	vst v1  }
0x33d: {  	s4 =	simm.s32 $0x0;
	[tilespmem:s3+$0xFFFFFF30] =	vst v1  }
.LBB2_20:
0x33e: {  	s4 =	sadd.s32 $0x10, s4;
	[tilespmem:s3+$0xFFFFFF20] =	vst v1;
	s3 =	sadd.s32 $0x100, s3  }
0x33f: {  	[tilespmem:s3+$0xFFFFFF10] =	vst v1;
	p0 =	slt.u32 s4, $0xFF0  }
0x340: {  	[tilespmem:s3+$0x0] =	vst v1  }
0x341: {  	[tilespmem:s3+$0xFFFFFFF0] =	vst v1  }
0x342: {  	[tilespmem:s3+$0xFFFFFFE0] =	vst v1  }
0x343: {  	[tilespmem:s3+$0xFFFFFFD0] =	vst v1  }
0x344: {  	[tilespmem:s3+$0xFFFFFFC0] =	vst v1  }
0x345: {  	[tilespmem:s3+$0xFFFFFFB0] =	vst v1  }
0x346: {  	[tilespmem:s3+$0xFFFFFFA0] =	vst v1  }
0x347: {  	[tilespmem:s3+$0xFFFFFF90] =	vst v1  }
0x348: {  	[tilespmem:s3+$0xFFFFFF80] =	vst v1  }
.Ltmp12:
0x349: {  	[tilespmem:s3+$0xFFFFFF70] =	vst v1;
	(pc) =	sbr.rel @p0 .LBB2_20-.Ltmp12, $4  }
0x34a: {  	[tilespmem:s3+$0xFFFFFF60] =	vst v1  }
0x34b: {  	[tilespmem:s3+$0xFFFFFF50] =	vst v1  }
0x34c: {  	[tilespmem:s3+$0xFFFFFF40] =	vst v1  }
0x34d: {  	[tilespmem:s3+$0xFFFFFF30] =	vst v1  }
0x34e: {  	s4 =	sadd.s32 $0x1F, s28  }
0x34f: {  	s7 =	sshra.s32 s4, $0x5  }
0x350: {  	p0 =	slt.s32 s7, $0x1  }
.Ltmp13:
0x351: {  	_ = 	snop;
	(pc) =	sbr.rel @p0 .LBB2_25-.Ltmp13, $3  }
0x352: {  	_ =	sdelay $0x1  }
0x353: {  	s31 =	sshll.u32 s12, $0x2  }
0x354: {  	[tilespmem:s3+$0xFFFFFF20] =	vst v1;
	s3 =	sshra.s32 s31, $0x2  }
0x355: {  	s5 =	sand.u32 $0xFFFFFFF0, s3  }
0x356: {  	s4 =	sadd.s32 $0x10, s5  }
0x357: {  	s5 =	sadd.s32 $0x4090, s5;
	v5 =	vld [tilespmem:s4+$0xFFFFFFF0]  }
0x358: {  	v4 =	vld [tilespmem:s5+$0xFFFFFFF0];
	_ =	sdelay $0x4  }
0x359: {  	v6 =	vshrl.u32 v5, $0x10;
	v7 =	vand.u32 $0xFFFF, v4  }
0x35a: {  	s6 =	simm.s32 $0x0;
	v4 =	vshrl.u32 v4, $0x10;
	v6 =	vcvt.s32.f32 v6;
	v7 =	vcvt.s32.f32 v7  }
0x35b: {  	v9 =	vor.u32 s6, v2;
	v8 =	vcvt.s32.f32 v4  }
0x35c: {  	v4 =	vmov s28;
	v6 =	vmul.f32 $1.525878910e-05, v6;
	v7 =	vmul.f32 $1.525878910e-05, v7  }
0x35d: {  	vm0 =	vlt.s32 v9, v4  }
0x35e: {  	v8 =	vmul.f32 $1.525878910e-05, v8;
	v10 =	vsub.f32 $1.000000000e+00, v6;
	v11 =	vsub.f32 $1.000000000e+00, v7  }
0x35f: {  	v9 =	vand.u32 $0x7F, v5;
	v5 =	vand.u32 $0xFFFF, v5  }
0x360: {  	v14 =	vadd.s32 $0x1, v5;
	v12 =	vsub.f32 $1.000000000e+00, v8;
	v13 =	vmul.f32 v11, v10  }
0x361: {  	v15 =	vadd.s32 $0x1000, v5;
	v16 =	vadd.s32 $0x40, v5;
	v18 =	vadd.s32 $0x41, v5  }
0x362: {  	v15 =	vand.u32 $0x1FF80, v15;
	v10 =	vmul.f32 v7, v10;
	v17 =	vmul.f32 v13, v12  }
0x363: {  	v9 =	vor.u32 v9, v15;
	v13 =	vmul.f32 v13, v8  }
0x364: {  	v63 =	vadd.s32 $0x1001, v5;
	v11 =	vmul.f32 v11, v6;
	v15 =	vmul.f32 v12, v10;
	[tilespmem:v5+s13+$0x0] =	vst.idx.add.f32.msk vm0, v17  }
0x365: {  	v10 =	vmul.f32 v10, v8;
	[tilespmem:v14+s13+$0x0] =	vst.idx.add.f32.msk vm0, v13;
	v13 =	vadd.s32 $0x1040, v5  }
0x366: {  	v6 =	vmul.f32 v7, v6;
	v7 =	vmul.f32 v11, v12;
	v5 =	vadd.s32 $0x1041, v5;
	[tilespmem:v16+s13+$0x0] =	vst.idx.add.f32.msk vm0, v15  }
0x367: {  	v11 =	vmul.f32 v11, v8;
	[tilespmem:v18+s13+$0x0] =	vst.idx.add.f32.msk vm0, v10  }
0x368: {  	v10 =	vmul.f32 v12, v6;
	[tilespmem:v9+s13+$0x0] =	vst.idx.add.f32.msk vm0, v7  }
0x369: {  	v6 =	vmul.f32 v6, v8;
	[tilespmem:v63+s13+$0x0] =	vst.idx.add.f32.msk vm0, v11  }
0x36a: {  	[tilespmem:v13+s13+$0x0] =	vst.idx.add.f32.msk vm0, v10  }
0x36b: {  	[tilespmem:v5+s13+$0x0] =	vst.idx.add.f32.msk vm0, v6  }
0x36c: {  	v6 =	vld [tilespmem:s4+$0x0]  }
0x36d: {  	v7 =	vld [tilespmem:s5+$0x0];
	_ =	sdelay $0x3  }
0x36e: {  	v5 =	vshrl.u32 v6, $0x10  }
0x36f: {  	p0 =	sne.s32 s7, $0x1;
	v8 =	vcvt.s32.f32 v5;
	v5 =	vand.u32 $0xFFFF, v7  }
.Ltmp14:
0x370: {  	s6 =	simm.s32 $0x10;
	v7 =	vshrl.u32 v7, $0x10;
	v9 =	vcvt.s32.f32 v5;
	(pc) =	sbr.rel @!p0 .LBB2_24-.Ltmp14, $4  }
0x371: {  	v12 =	vor.u32 s6, v2;
	v5 =	vand.u32 $0xFFFF, v6;
	v7 =	vcvt.s32.f32 v7  }
0x372: {  	v8 =	vmul.f32 $1.525878910e-05, v8;
	v10 =	vadd.s32 $0x1000, v5;
	v9 =	vmul.f32 $1.525878910e-05, v9  }
0x373: {  	vm0 =	vlt.s32 v12, v4;
	v10 =	vand.u32 $0x1FF80, v10  }
0x374: {  	s7 =	sadd.s32 $0xFFFFFFFF, s7;
	v7 =	vmul.f32 $1.525878910e-05, v7;
	v11 =	vsub.f32 $1.000000000e+00, v8;
	v12 =	vsub.f32 $1.000000000e+00, v9  }
.LBB2_23:
0x375: {  	v13 =	vmul.f32 v9, v8;
	v14 =	vadd.s32 $0x1, v5;
	s6 =	sadd.s32 $0x20, s6;
	s4 =	sadd.s32 $0x20, s4;
	s5 =	sadd.s32 $0x20, s5  }
0x376: {  	p0 =	sne.s32 s7, $0x1;
	s7 =	sadd.s32 $0xFFFFFFFF, s7;
	v15 =	vsub.f32 $1.000000000e+00, v7;
	v16 =	vmul.f32 v12, v11;
	v8 =	vmul.f32 v12, v8  }
0x377: {  	v6 =	vand.u32 $0x7F, v6;
	v12 =	vadd.s32 $0x40, v5;
	v17 =	vmul.f32 v13, v7  }
0x378: {  	v9 =	vmul.f32 v9, v11;
	v18 =	vadd.s32 $0x41, v5;
	v11 =	vmul.f32 v16, v15  }
0x379: {  	v6 =	vor.u32 v6, v10;
	v16 =	vmul.f32 v16, v7;
	v19 =	vmul.f32 v8, v15  }
0x37a: {  	v10 =	vmul.f32 v15, v9;
	v9 =	vmul.f32 v9, v7;
	[tilespmem:v5+s13+$0x0] =	vst.idx.add.f32.msk vm0, v11;
	v11 =	vadd.s32 $0x1001, v5  }
0x37b: {  	v7 =	vmul.f32 v8, v7;
	v8 =	vadd.s32 $0x1040, v5;
	[tilespmem:v14+s13+$0x0] =	vst.idx.add.f32.msk vm0, v16  }
0x37c: {  	v5 =	vadd.s32 $0x1041, v5;
	[tilespmem:v12+s13+$0x0] =	vst.idx.add.f32.msk vm0, v10  }
0x37d: {  	[tilespmem:v18+s13+$0x0] =	vst.idx.add.f32.msk vm0, v9  }
0x37e: {  	[tilespmem:v6+s13+$0x0] =	vst.idx.add.f32.msk vm0, v19;
	v6 =	vmul.f32 v15, v13  }
0x37f: {  	[tilespmem:v11+s13+$0x0] =	vst.idx.add.f32.msk vm0, v7  }
0x380: {  	[tilespmem:v8+s13+$0x0] =	vst.idx.add.f32.msk vm0, v6  }
0x381: {  	[tilespmem:v5+s13+$0x0] =	vst.idx.add.f32.msk vm0, v17;
	_ =	sdelay $0x1  }
0x382: {  	v5 =	vld [tilespmem:s4+$0xFFFFFFF0]  }
0x383: {  	v6 =	vld [tilespmem:s5+$0xFFFFFFF0];
	_ =	sdelay $0x3  }
0x384: {  	v7 =	vshrl.u32 v5, $0x10  }
0x385: {  	v7 =	vcvt.s32.f32 v7;
	v8 =	vand.u32 $0xFFFF, v6;
	v6 =	vshrl.u32 v6, $0x10  }
0x386: {  	v8 =	vcvt.s32.f32 v8;
	v6 =	vcvt.s32.f32 v6  }
0x387: {  	v7 =	vmul.f32 $1.525878910e-05, v7  }
0x388: {  	v8 =	vmul.f32 $1.525878910e-05, v8  }
0x389: {  	s8 =	sadd.s32 $0xFFFFFFF0, s6;
	v9 =	vand.u32 $0x7F, v5;
	v6 =	vmul.f32 $1.525878910e-05, v6  }
0x38a: {  	v10 =	vor.u32 s8, v2;
	v11 =	vsub.f32 $1.000000000e+00, v7;
	v12 =	vsub.f32 $1.000000000e+00, v8  }
0x38b: {  	vm0 =	vlt.s32 v10, v4;
	v5 =	vand.u32 $0xFFFF, v5;
	v10 =	vmul.f32 v8, v7  }
0x38c: {  	v15 =	vadd.s32 $0x1000, v5;
	v13 =	vsub.f32 $1.000000000e+00, v6;
	v14 =	vmul.f32 v12, v11  }
0x38d: {  	v8 =	vmul.f32 v8, v11;
	v7 =	vmul.f32 v12, v7;
	v11 =	vadd.s32 $0x1, v5  }
0x38e: {  	v16 =	vadd.s32 $0x40, v5;
	v17 =	vadd.s32 $0x41, v5;
	v12 =	vmul.f32 v14, v13  }
0x38f: {  	v15 =	vand.u32 $0x1FF80, v15;
	v18 =	vmul.f32 v13, v8;
	v14 =	vmul.f32 v14, v6  }
0x390: {  	v9 =	vor.u32 v9, v15;
	v19 =	vmul.f32 v7, v13;
	v7 =	vmul.f32 v7, v6  }
0x391: {  	v8 =	vmul.f32 v8, v6;
	v6 =	vmul.f32 v10, v6;
	[tilespmem:v5+s13+$0x0] =	vst.idx.add.f32.msk vm0, v12;
	v12 =	vadd.s32 $0x1001, v5  }
0x392: {  	[tilespmem:v11+s13+$0x0] =	vst.idx.add.f32.msk vm0, v14;
	v11 =	vadd.s32 $0x1040, v5  }
0x393: {  	v5 =	vadd.s32 $0x1041, v5;
	[tilespmem:v16+s13+$0x0] =	vst.idx.add.f32.msk vm0, v18  }
0x394: {  	[tilespmem:v17+s13+$0x0] =	vst.idx.add.f32.msk vm0, v8;
	v8 =	vmul.f32 v13, v10  }
0x395: {  	[tilespmem:v9+s13+$0x0] =	vst.idx.add.f32.msk vm0, v19  }
0x396: {  	[tilespmem:v12+s13+$0x0] =	vst.idx.add.f32.msk vm0, v7  }
0x397: {  	[tilespmem:v11+s13+$0x0] =	vst.idx.add.f32.msk vm0, v8  }
0x398: {  	[tilespmem:v5+s13+$0x0] =	vst.idx.add.f32.msk vm0, v6  }
0x399: {  	v6 =	vld [tilespmem:s4+$0x0]  }
0x39a: {  	v7 =	vld [tilespmem:s5+$0x0];
	_ =	sdelay $0x3  }
0x39b: {  	v5 =	vand.u32 $0xFFFF, v6;
	v8 =	vshrl.u32 v6, $0x10  }
0x39c: {  	v8 =	vcvt.s32.f32 v8;
	v9 =	vand.u32 $0xFFFF, v7;
	v7 =	vshrl.u32 v7, $0x10  }
.Ltmp15:
0x39d: {  	v10 =	vadd.s32 $0x1000, v5;
	v9 =	vcvt.s32.f32 v9;
	v7 =	vcvt.s32.f32 v7;
	(pc) =	sbr.rel @p0 .LBB2_23-.Ltmp15, $4  }
0x39e: {  	v10 =	vand.u32 $0x1FF80, v10;
	v8 =	vmul.f32 $1.525878910e-05, v8  }
0x39f: {  	v9 =	vmul.f32 $1.525878910e-05, v9  }
0x3a0: {  	v12 =	vor.u32 s6, v2;
	v11 =	vsub.f32 $1.000000000e+00, v8  }
0x3a1: {  	vm0 =	vlt.s32 v12, v4;
	v7 =	vmul.f32 $1.525878910e-05, v7;
	v12 =	vsub.f32 $1.000000000e+00, v9  }
.LBB2_24:
0x3a2: {  	_ = 	snop  }
0x3a3: {  	v4 =	vadd.s32 $0x1, v5;
	v13 =	vsub.f32 $1.000000000e+00, v7;
	v14 =	vmul.f32 v12, v11  }
0x3a4: {  	v15 =	vadd.s32 $0x40, v5;
	v6 =	vand.u32 $0x7F, v6  }
0x3a5: {  	v17 =	vadd.s32 $0x41, v5;
	v56 =	vmul.f32 v9, v11;
	v16 =	vmul.f32 v14, v13  }
0x3a6: {  	v6 =	vor.u32 v6, v10;
	v14 =	vmul.f32 v14, v7  }
0x3a7: {  	v59 =	vadd.s32 $0x1001, v5;
	v57 =	vmul.f32 v12, v8;
	v58 =	vmul.f32 v13, v56;
	[tilespmem:v5+s13+$0x0] =	vst.idx.add.f32.msk vm0, v16  }
0x3a8: {  	v11 =	vmul.f32 v56, v7;
	[tilespmem:v4+s13+$0x0] =	vst.idx.add.f32.msk vm0, v14;
	v4 =	vadd.s32 $0x1040, v5  }
0x3a9: {  	v60 =	vmul.f32 v9, v8;
	v61 =	vmul.f32 v57, v13;
	v5 =	vadd.s32 $0x1041, v5;
	[tilespmem:v15+s13+$0x0] =	vst.idx.add.f32.msk vm0, v58  }
0x3aa: {  	v10 =	vmul.f32 v57, v7;
	[tilespmem:v17+s13+$0x0] =	vst.idx.add.f32.msk vm0, v11  }
0x3ab: {  	v62 =	vmul.f32 v13, v60;
	[tilespmem:v6+s13+$0x0] =	vst.idx.add.f32.msk vm0, v61  }
0x3ac: {  	v63 =	vmul.f32 v60, v7;
	[tilespmem:v59+s13+$0x0] =	vst.idx.add.f32.msk vm0, v10  }
0x3ad: {  	[tilespmem:v4+s13+$0x0] =	vst.idx.add.f32.msk vm0, v62  }
0x3ae: {  	[tilespmem:v5+s13+$0x0] =	vst.idx.add.f32.msk vm0, v63  }
.LBB2_25:
0x3af: {  	s4 =	rddreg [dreg:$0x7]  }
0x3b0: {  	[hbm4b:s4+s9] =	stream.strided.scatter [tilespmem:s13], [sflag:$0x4], $0x10000, s10, s9, $0x38;
	[tilespmem:$0x19100] =	vst v63  }
0x3b1: {  	_ =	swait.ge [sflag:s11], $0x10000  }
0x3b2: {  	[sflag:s11] =	ssyncset.done $0x0  }
0x3b3: {  	s5 =	simm.s32 $0x18100;
	[sflag:s11] =	ssyncadd.s32 $0xFFFF0000  }
0x3b4: {  	v7 =	vld [tilespmem:s5+$0x70]  }
0x3b5: {  	v8 =	vld [tilespmem:s5+$0x10]  }
0x3b6: {  	v9 =	vld [tilespmem:s5+$0x20]  }
0x3b7: {  	v5 =	vld [tilespmem:s5+$0x30]  }
0x3b8: {  	v4 =	vld [tilespmem:s5+$0x40]  }
0x3b9: {  	v6 =	vld [tilespmem:s5+$0x50];
	[tilespmem:s5+$0xFFFF0070] =	vst v7  }
0x3ba: {  	[tilespmem:s5+$0xFFFF0010] =	vst v8;
	v7 =	vld [tilespmem:s5+$0x60]  }
0x3bb: {  	s6 =	simm.s32 $0x0;
	s7 =	simm.s32 $0x18180;
	v8 =	vld [tilespmem:s5+$0x0];
	[tilespmem:s5+$0xFFFF0020] =	vst v9  }
.LBB2_26:
0x3bc: {  	v9 =	vld [tilespmem:s7+$0x70];
	s6 =	sadd.s32 $0x8, s6;
	[tilespmem:s5+$0xFFFF0030] =	vst v5  }
0x3bd: {  	v10 =	vld [tilespmem:s7+$0x10];
	p0 =	slt.u32 s6, $0xF8;
	[tilespmem:s5+$0xFFFF0040] =	vst v4  }
0x3be: {  	v11 =	vld [tilespmem:s7+$0x20];
	[tilespmem:s5+$0xFFFF0050] =	vst v6  }
.Ltmp16:
0x3bf: {  	v5 =	vld [tilespmem:s7+$0x30];
	[tilespmem:s5+$0xFFFF0060] =	vst v7;
	(pc) =	sbr.rel @p0 .LBB2_26-.Ltmp16, $4  }
0x3c0: {  	v4 =	vld [tilespmem:s7+$0x40];
	[tilespmem:s5+$0xFFFF0000] =	vst v8;
	s5 =	smov.u32 s7  }
0x3c1: {  	s4 =	simm.s32 $0x91F0;
	v6 =	vld [tilespmem:s7+$0x50];
	[tilespmem:s7+$0xFFFF0070] =	vst v9  }
0x3c2: {  	[tilespmem:s7+$0xFFFF0010] =	vst v10;
	v7 =	vld [tilespmem:s7+$0x60]  }
0x3c3: {  	s7 =	sadd.s32 $0x80, s7;
	v8 =	vld [tilespmem:s5+$0x0];
	[tilespmem:s5+$0xFFFF0020] =	vst v11  }
0x3c4: {  	[tilespmem:s5+$0xFFFF0030] =	vst v5  }
0x3c5: {  	[tilespmem:s5+$0xFFFF0040] =	vst v4  }
0x3c6: {  	[tilespmem:s5+$0xFFFF0050] =	vst v6  }
0x3c7: {  	[tilespmem:s5+$0xFFFF0060] =	vst v7  }
0x3c8: {  	[tilespmem:s5+$0xFFFF0000] =	vst v8  }
0x3c9: {  	[tilespmem:s4+$0xFFFFFF10] =	vst v1  }
0x3ca: {  	[tilespmem:s4+$0x0] =	vst v1  }
0x3cb: {  	[tilespmem:s4+$0xFFFFFFF0] =	vst v1  }
0x3cc: {  	[tilespmem:s4+$0xFFFFFFE0] =	vst v1  }
0x3cd: {  	[tilespmem:s4+$0xFFFFFFD0] =	vst v1  }
0x3ce: {  	[tilespmem:s4+$0xFFFFFFC0] =	vst v1  }
0x3cf: {  	[tilespmem:s4+$0xFFFFFFB0] =	vst v1  }
0x3d0: {  	[tilespmem:s4+$0xFFFFFFA0] =	vst v1  }
0x3d1: {  	[tilespmem:s4+$0xFFFFFF90] =	vst v1  }
0x3d2: {  	[tilespmem:s4+$0xFFFFFF80] =	vst v1  }
0x3d3: {  	[tilespmem:s4+$0xFFFFFF70] =	vst v1  }
0x3d4: {  	[tilespmem:s4+$0xFFFFFF60] =	vst v1  }
0x3d5: {  	[tilespmem:s4+$0xFFFFFF50] =	vst v1  }
0x3d6: {  	[tilespmem:s4+$0xFFFFFF40] =	vst v1  }
0x3d7: {  	s5 =	simm.s32 $0x0;
	[tilespmem:s4+$0xFFFFFF30] =	vst v1  }
.LBB2_28:
0x3d8: {  	s5 =	sadd.s32 $0x10, s5;
	[tilespmem:s4+$0xFFFFFF20] =	vst v1;
	s4 =	sadd.s32 $0x100, s4  }
0x3d9: {  	[tilespmem:s4+$0xFFFFFF10] =	vst v1;
	p0 =	slt.u32 s5, $0xFF0  }
0x3da: {  	[tilespmem:s4+$0x0] =	vst v1  }
0x3db: {  	[tilespmem:s4+$0xFFFFFFF0] =	vst v1  }
0x3dc: {  	[tilespmem:s4+$0xFFFFFFE0] =	vst v1  }
0x3dd: {  	[tilespmem:s4+$0xFFFFFFD0] =	vst v1  }
0x3de: {  	[tilespmem:s4+$0xFFFFFFC0] =	vst v1  }
0x3df: {  	[tilespmem:s4+$0xFFFFFFB0] =	vst v1  }
0x3e0: {  	[tilespmem:s4+$0xFFFFFFA0] =	vst v1  }
0x3e1: {  	[tilespmem:s4+$0xFFFFFF90] =	vst v1  }
0x3e2: {  	[tilespmem:s4+$0xFFFFFF80] =	vst v1  }
.Ltmp17:
0x3e3: {  	[tilespmem:s4+$0xFFFFFF70] =	vst v1;
	(pc) =	sbr.rel @p0 .LBB2_28-.Ltmp17, $4  }
0x3e4: {  	[tilespmem:s4+$0xFFFFFF60] =	vst v1  }
0x3e5: {  	[tilespmem:s4+$0xFFFFFF50] =	vst v1  }
0x3e6: {  	[tilespmem:s4+$0xFFFFFF40] =	vst v1  }
0x3e7: {  	[tilespmem:s4+$0xFFFFFF30] =	vst v1  }
0x3e8: {  	s7 =	rddreg [dreg:$0x10]  }
0x3e9: {  	s5 =	sadd.s32 $0x1F, s7  }
0x3ea: {  	s5 =	sshra.s32 s5, $0x5  }
0x3eb: {  	p0 =	slt.s32 s5, $0x1  }
.Ltmp18:
0x3ec: {  	_ = 	snop;
	(pc) =	sbr.rel @p0 .LBB2_33-.Ltmp18, $2  }
0x3ed: {  	_ =	sdelay $0x2  }
0x3ee: {  	[tilespmem:s4+$0xFFFFFF20] =	vst v1  }
0x3ef: {  	s3 =	sand.u32 $0xFFFFFFF0, s3  }
0x3f0: {  	s4 =	sadd.s32 $0x4080, s3;
	v4 =	vmov s3  }
0x3f1: {  	v5 =	vmov s4  }
0x3f2: {  	s30 =	sshll.u32 s14, $0x2  }
0x3f3: {  	s3 =	sand.u32 $0xFFFFFFC0, s30  }
0x3f4: {  	s31 =	sshra.s32 s3, $0x2  }
0x3f5: {  	v7 =	vld.idx.msk [tilespmem:v4+s31+$0x0 ss:$0x1], $0xffff  }
0x3f6: {  	v6 =	vld.idx.msk [tilespmem:v5+s31+$0x0 ss:$0x1], $0xffff;
	_ =	sdelay $0x4  }
0x3f7: {  	v8 =	vshrl.u32 v7, $0x10;
	v9 =	vand.u32 $0xFFFF, v6  }
0x3f8: {  	s6 =	simm.s32 $0x0;
	v8 =	vcvt.s32.f32 v8;
	v6 =	vshrl.u32 v6, $0x10;
	v9 =	vcvt.s32.f32 v9  }
0x3f9: {  	v11 =	vor.u32 s6, v2;
	v10 =	vcvt.s32.f32 v6  }
0x3fa: {  	v6 =	vmov s7;
	v8 =	vmul.f32 $1.525878910e-05, v8;
	v9 =	vmul.f32 $1.525878910e-05, v9  }
0x3fb: {  	vm0 =	vlt.s32 v11, v6  }
0x3fc: {  	v10 =	vmul.f32 $1.525878910e-05, v10;
	v12 =	vsub.f32 $1.000000000e+00, v8;
	v13 =	vsub.f32 $1.000000000e+00, v9  }
0x3fd: {  	v11 =	vand.u32 $0x7F, v7;
	v7 =	vand.u32 $0xFFFF, v7  }
0x3fe: {  	v16 =	vadd.s32 $0x1, v7;
	v14 =	vsub.f32 $1.000000000e+00, v10;
	v15 =	vmul.f32 v13, v12  }
0x3ff: {  	v17 =	vadd.s32 $0x40, v7;
	v18 =	vadd.s32 $0x1000, v7;
	v20 =	vadd.s32 $0x41, v7  }
0x400: {  	v18 =	vand.u32 $0x1FF80, v18;
	v12 =	vmul.f32 v9, v12;
	v19 =	vmul.f32 v15, v14  }
0x401: {  	v11 =	vor.u32 v11, v18;
	v15 =	vmul.f32 v15, v10  }
0x402: {  	v63 =	vadd.s32 $0x1001, v7;
	v13 =	vmul.f32 v13, v8;
	v62 =	vmul.f32 v14, v12;
	[tilespmem:v7+s13+$0x0] =	vst.idx.add.f32.msk vm0, v19  }
0x403: {  	v12 =	vmul.f32 v12, v10;
	[tilespmem:v16+s13+$0x0] =	vst.idx.add.f32.msk vm0, v15;
	v15 =	vadd.s32 $0x1040, v7  }
0x404: {  	v8 =	vmul.f32 v9, v8;
	v9 =	vmul.f32 v13, v14;
	v7 =	vadd.s32 $0x1041, v7;
	[tilespmem:v17+s13+$0x0] =	vst.idx.add.f32.msk vm0, v62  }
0x405: {  	v13 =	vmul.f32 v13, v10;
	[tilespmem:v20+s13+$0x0] =	vst.idx.add.f32.msk vm0, v12  }
0x406: {  	[tilespmem:v11+s13+$0x0] =	vst.idx.add.f32.msk vm0, v9;
	v9 =	vmul.f32 v14, v8  }
0x407: {  	v8 =	vmul.f32 v8, v10;
	[tilespmem:v63+s13+$0x0] =	vst.idx.add.f32.msk vm0, v13  }
0x408: {  	[tilespmem:v15+s13+$0x0] =	vst.idx.add.f32.msk vm0, v9  }
0x409: {  	[tilespmem:v7+s13+$0x0] =	vst.idx.add.f32.msk vm0, v8  }
0x40a: {  	v13 =	vld.idx.msk [tilespmem:v4+s31+$0x10 ss:$0x1], $0xffff  }
0x40b: {  	v7 =	vld.idx.msk [tilespmem:v5+s31+$0x10 ss:$0x1], $0xffff;
	_ =	sdelay $0x3  }
0x40c: {  	v8 =	vshrl.u32 v13, $0x10  }
0x40d: {  	v9 =	vand.u32 $0xFFFF, v7;
	v8 =	vcvt.s32.f32 v8  }
0x40e: {  	p0 =	sne.s32 s5, $0x1;
	v9 =	vcvt.s32.f32 v9  }
.Ltmp19:
0x40f: {  	v7 =	vshrl.u32 v7, $0x10;
	v8 =	vmul.f32 $1.525878910e-05, v8;
	(pc) =	sbr.rel @!p0 .LBB2_32-.Ltmp19, $4  }
0x410: {  	s4 =	simm.s32 $0x10;
	v7 =	vcvt.s32.f32 v7;
	v9 =	vmul.f32 $1.525878910e-05, v9  }
0x411: {  	v10 =	vor.u32 s4, v2;
	v14 =	vsub.f32 $1.000000000e+00, v8  }
0x412: {  	vm0 =	vlt.s32 v10, v6;
	v7 =	vmul.f32 $1.525878910e-05, v7;
	v11 =	vsub.f32 $1.000000000e+00, v9  }
0x413: {  	s5 =	sadd.s32 $0xFFFFFFFF, s5;
	v10 =	vand.u32 $0xFFFF, v13;
	v13 =	vand.u32 $0x7F, v13;
	v12 =	vmul.f32 v9, v14  }
.LBB2_31:
0x414: {  	p0 =	sne.s32 s5, $0x1;
	v15 =	vsub.f32 $1.000000000e+00, v7;
	v14 =	vmul.f32 v11, v14;
	v16 =	vadd.s32 $0x1, v10;
	s4 =	sadd.s32 $0x20, s4;
	s3 =	sadd.s32 $0x80, s3  }
0x415: {  	s5 =	sadd.s32 $0xFFFFFFFF, s5;
	v17 =	vadd.s32 $0x40, v10;
	v19 =	vadd.s32 $0x1000, v10;
	v18 =	vmul.f32 v12, v7  }
0x416: {  	v21 =	vadd.s32 $0x41, v10;
	v19 =	vand.u32 $0x1FF80, v19;
	v20 =	vmul.f32 v14, v15  }
0x417: {  	s6 =	sshra.s32 s3, $0x2;
	v14 =	vmul.f32 v14, v7;
	v13 =	vor.u32 v13, v19  }
0x418: {  	v11 =	vmul.f32 v11, v8;
	v12 =	vmul.f32 v15, v12;
	v19 =	vadd.s32 $0x1001, v10;
	[tilespmem:v10+s13+$0x0] =	vst.idx.add.f32.msk vm0, v20  }
0x419: {  	v8 =	vmul.f32 v9, v8;
	v9 =	vadd.s32 $0x1040, v10;
	[tilespmem:v16+s13+$0x0] =	vst.idx.add.f32.msk vm0, v14  }
0x41a: {  	v10 =	vadd.s32 $0x1041, v10;
	[tilespmem:v17+s13+$0x0] =	vst.idx.add.f32.msk vm0, v12;
	v12 =	vmul.f32 v11, v15;
	v11 =	vmul.f32 v11, v7  }
0x41b: {  	[tilespmem:v21+s13+$0x0] =	vst.idx.add.f32.msk vm0, v18  }
0x41c: {  	[tilespmem:v13+s13+$0x0] =	vst.idx.add.f32.msk vm0, v12;
	v12 =	vmul.f32 v15, v8  }
0x41d: {  	v7 =	vmul.f32 v8, v7;
	[tilespmem:v19+s13+$0x0] =	vst.idx.add.f32.msk vm0, v11  }
0x41e: {  	[tilespmem:v9+s13+$0x0] =	vst.idx.add.f32.msk vm0, v12  }
0x41f: {  	[tilespmem:v10+s13+$0x0] =	vst.idx.add.f32.msk vm0, v7  }
0x420: {  	v7 =	vld.idx.msk [tilespmem:v4+s6+$0x0 ss:$0x1], $0xffff  }
0x421: {  	v8 =	vld.idx.msk [tilespmem:v5+s6+$0x0 ss:$0x1], $0xffff;
	_ =	sdelay $0x4  }
0x422: {  	v9 =	vshrl.u32 v7, $0x10  }
0x423: {  	v9 =	vcvt.s32.f32 v9;
	v10 =	vand.u32 $0xFFFF, v8;
	v8 =	vshrl.u32 v8, $0x10  }
0x424: {  	v10 =	vcvt.s32.f32 v10;
	v8 =	vcvt.s32.f32 v8  }
0x425: {  	v9 =	vmul.f32 $1.525878910e-05, v9  }
0x426: {  	v10 =	vmul.f32 $1.525878910e-05, v10  }
0x427: {  	s7 =	sadd.s32 $0xFFFFFFF0, s4;
	v11 =	vand.u32 $0x7F, v7;
	v8 =	vmul.f32 $1.525878910e-05, v8  }
0x428: {  	v12 =	vor.u32 s7, v2;
	v13 =	vsub.f32 $1.000000000e+00, v9;
	v14 =	vsub.f32 $1.000000000e+00, v10  }
0x429: {  	vm0 =	vlt.s32 v12, v6;
	v7 =	vand.u32 $0xFFFF, v7;
	v12 =	vmul.f32 v10, v9  }
0x42a: {  	v17 =	vadd.s32 $0x40, v7;
	v15 =	vsub.f32 $1.000000000e+00, v8;
	v16 =	vmul.f32 v14, v13  }
0x42b: {  	v10 =	vmul.f32 v10, v13;
	v9 =	vmul.f32 v14, v9;
	v13 =	vadd.s32 $0x1, v7  }
0x42c: {  	v18 =	vadd.s32 $0x41, v7;
	v19 =	vadd.s32 $0x1000, v7;
	v14 =	vmul.f32 v16, v15  }
0x42d: {  	v19 =	vand.u32 $0x1FF80, v19;
	v20 =	vmul.f32 v15, v10;
	v16 =	vmul.f32 v16, v8  }
0x42e: {  	v11 =	vor.u32 v11, v19;
	v21 =	vmul.f32 v9, v15;
	v9 =	vmul.f32 v9, v8  }
0x42f: {  	v10 =	vmul.f32 v10, v8;
	v8 =	vmul.f32 v12, v8;
	[tilespmem:v7+s13+$0x0] =	vst.idx.add.f32.msk vm0, v14;
	v14 =	vadd.s32 $0x1001, v7  }
0x430: {  	[tilespmem:v13+s13+$0x0] =	vst.idx.add.f32.msk vm0, v16;
	v13 =	vadd.s32 $0x1040, v7  }
0x431: {  	v7 =	vadd.s32 $0x1041, v7;
	[tilespmem:v17+s13+$0x0] =	vst.idx.add.f32.msk vm0, v20  }
0x432: {  	[tilespmem:v18+s13+$0x0] =	vst.idx.add.f32.msk vm0, v10  }
0x433: {  	v10 =	vmul.f32 v15, v12;
	[tilespmem:v11+s13+$0x0] =	vst.idx.add.f32.msk vm0, v21  }
0x434: {  	[tilespmem:v14+s13+$0x0] =	vst.idx.add.f32.msk vm0, v9  }
0x435: {  	[tilespmem:v13+s13+$0x0] =	vst.idx.add.f32.msk vm0, v10  }
0x436: {  	[tilespmem:v7+s13+$0x0] =	vst.idx.add.f32.msk vm0, v8  }
0x437: {  	v13 =	vld.idx.msk [tilespmem:v4+s6+$0x10 ss:$0x1], $0xffff  }
0x438: {  	v7 =	vld.idx.msk [tilespmem:v5+s6+$0x10 ss:$0x1], $0xffff;
	_ =	sdelay $0x4  }
0x439: {  	v8 =	vshrl.u32 v13, $0x10  }
0x43a: {  	v8 =	vcvt.s32.f32 v8;
	v9 =	vand.u32 $0xFFFF, v7;
	v7 =	vshrl.u32 v7, $0x10  }
0x43b: {  	v9 =	vcvt.s32.f32 v9;
	v7 =	vcvt.s32.f32 v7  }
.Ltmp20:
0x43c: {  	v8 =	vmul.f32 $1.525878910e-05, v8;
	(pc) =	sbr.rel @p0 .LBB2_31-.Ltmp20, $4  }
0x43d: {  	v9 =	vmul.f32 $1.525878910e-05, v9  }
0x43e: {  	v10 =	vor.u32 s4, v2;
	v14 =	vsub.f32 $1.000000000e+00, v8  }
0x43f: {  	vm0 =	vlt.s32 v10, v6;
	v7 =	vmul.f32 $1.525878910e-05, v7;
	v11 =	vsub.f32 $1.000000000e+00, v9  }
0x440: {  	v10 =	vand.u32 $0xFFFF, v13;
	v13 =	vand.u32 $0x7F, v13;
	v12 =	vmul.f32 v9, v14  }
.LBB2_32:
0x441: {  	_ = 	snop  }
0x442: {  	v4 =	vsub.f32 $1.000000000e+00, v7;
	v5 =	vmul.f32 v11, v14;
	v6 =	vadd.s32 $0x1, v10  }
0x443: {  	v55 =	vadd.s32 $0x40, v10;
	v15 =	vadd.s32 $0x1000, v10  }
0x444: {  	v17 =	vadd.s32 $0x41, v10;
	v15 =	vand.u32 $0x1FF80, v15;
	v16 =	vmul.f32 v5, v4  }
0x445: {  	v5 =	vmul.f32 v5, v7;
	v13 =	vor.u32 v13, v15  }
0x446: {  	v56 =	vmul.f32 v11, v8;
	v58 =	vadd.s32 $0x1001, v10;
	v57 =	vmul.f32 v4, v12;
	[tilespmem:v10+s13+$0x0] =	vst.idx.add.f32.msk vm0, v16  }
0x447: {  	v59 =	vmul.f32 v12, v7;
	[tilespmem:v6+s13+$0x0] =	vst.idx.add.f32.msk vm0, v5;
	v5 =	vadd.s32 $0x1040, v10  }
0x448: {  	v60 =	vmul.f32 v9, v8;
	v62 =	vadd.s32 $0x1041, v10;
	v61 =	vmul.f32 v56, v4;
	[tilespmem:v55+s13+$0x0] =	vst.idx.add.f32.msk vm0, v57  }
0x449: {  	v63 =	vmul.f32 v56, v7;
	[tilespmem:v17+s13+$0x0] =	vst.idx.add.f32.msk vm0, v59  }
0x44a: {  	v4 =	vmul.f32 v4, v60;
	[tilespmem:v13+s13+$0x0] =	vst.idx.add.f32.msk vm0, v61  }
0x44b: {  	v6 =	vmul.f32 v60, v7;
	[tilespmem:v58+s13+$0x0] =	vst.idx.add.f32.msk vm0, v63  }
0x44c: {  	[tilespmem:v5+s13+$0x0] =	vst.idx.add.f32.msk vm0, v4  }
0x44d: {  	[tilespmem:v62+s13+$0x0] =	vst.idx.add.f32.msk vm0, v6  }
.LBB2_33:
0x44e: {  	v4 =	vld [tilespmem:$0x8920];
	_ =	sdelay $0x2  }
0x44f: {  	v5 =	vmul.f32 s1, v3;
	_ =	sdelay $0x1  }
0x450: {  	v4 =	vadd.f32 v5, v4;
	_ =	sdelay $0x1  }
0x451: {  	s31 =	rddreg [dreg:$0x8];
	[tilespmem:$0x8920] =	vst v4  }
0x452: {  	[hbm4b:s31+s9] =	stream.strided.scatter [tilespmem:s13], [sflag:$0x4], $0x10000, s10, s9, $0x38;
	[tilespmem:$0x19100] =	vst v63  }
0x453: {  	_ =	swait.ge [sflag:s11], $0x10000  }
0x454: {  	[sflag:s11] =	ssyncset.done $0x0  }
0x455: {  	s3 =	simm.s32 $0x18100;
	[sflag:s11] =	ssyncadd.s32 $0xFFFF0000  }
0x456: {  	v7 =	vld [tilespmem:s3+$0x70]  }
0x457: {  	v8 =	vld [tilespmem:s3+$0x10]  }
0x458: {  	v9 =	vld [tilespmem:s3+$0x20]  }
0x459: {  	v5 =	vld [tilespmem:s3+$0x30]  }
0x45a: {  	v4 =	vld [tilespmem:s3+$0x40]  }
0x45b: {  	v6 =	vld [tilespmem:s3+$0x50];
	[tilespmem:s3+$0xFFFF0070] =	vst v7  }
0x45c: {  	[tilespmem:s3+$0xFFFF0010] =	vst v8;
	v7 =	vld [tilespmem:s3+$0x60]  }
0x45d: {  	s4 =	simm.s32 $0x0;
	s5 =	simm.s32 $0x18180;
	v8 =	vld [tilespmem:s3+$0x0];
	[tilespmem:s3+$0xFFFF0020] =	vst v9  }
.LBB2_34:
0x45e: {  	v9 =	vld [tilespmem:s5+$0x70];
	s4 =	sadd.s32 $0x8, s4;
	[tilespmem:s3+$0xFFFF0030] =	vst v5  }
0x45f: {  	v10 =	vld [tilespmem:s5+$0x10];
	p0 =	slt.u32 s4, $0xF8;
	[tilespmem:s3+$0xFFFF0040] =	vst v4  }
0x460: {  	v11 =	vld [tilespmem:s5+$0x20];
	[tilespmem:s3+$0xFFFF0050] =	vst v6  }
.Ltmp21:
0x461: {  	v5 =	vld [tilespmem:s5+$0x30];
	[tilespmem:s3+$0xFFFF0060] =	vst v7;
	(pc) =	sbr.rel @p0 .LBB2_34-.Ltmp21, $4  }
0x462: {  	v4 =	vld [tilespmem:s5+$0x40];
	[tilespmem:s3+$0xFFFF0000] =	vst v8;
	s3 =	smov.u32 s5  }
0x463: {  	s1 =	simm.s32 $0x91F0;
	v6 =	vld [tilespmem:s5+$0x50];
	[tilespmem:s5+$0xFFFF0070] =	vst v9  }
0x464: {  	[tilespmem:s5+$0xFFFF0010] =	vst v10;
	v7 =	vld [tilespmem:s5+$0x60]  }
0x465: {  	s5 =	sadd.s32 $0x80, s5;
	v8 =	vld [tilespmem:s3+$0x0];
	[tilespmem:s3+$0xFFFF0020] =	vst v11  }
0x466: {  	[tilespmem:s3+$0xFFFF0030] =	vst v5  }
0x467: {  	[tilespmem:s3+$0xFFFF0040] =	vst v4  }
0x468: {  	[tilespmem:s3+$0xFFFF0050] =	vst v6  }
0x469: {  	[tilespmem:s3+$0xFFFF0060] =	vst v7  }
0x46a: {  	[tilespmem:s3+$0xFFFF0000] =	vst v8  }
0x46b: {  	[tilespmem:s1+$0xFFFFFF10] =	vst v1  }
0x46c: {  	[tilespmem:s1+$0x0] =	vst v1  }
0x46d: {  	[tilespmem:s1+$0xFFFFFFF0] =	vst v1  }
0x46e: {  	[tilespmem:s1+$0xFFFFFFE0] =	vst v1  }
0x46f: {  	[tilespmem:s1+$0xFFFFFFD0] =	vst v1  }
0x470: {  	[tilespmem:s1+$0xFFFFFFC0] =	vst v1  }
0x471: {  	[tilespmem:s1+$0xFFFFFFB0] =	vst v1  }
0x472: {  	[tilespmem:s1+$0xFFFFFFA0] =	vst v1  }
0x473: {  	[tilespmem:s1+$0xFFFFFF90] =	vst v1  }
0x474: {  	[tilespmem:s1+$0xFFFFFF80] =	vst v1  }
0x475: {  	[tilespmem:s1+$0xFFFFFF70] =	vst v1  }
0x476: {  	[tilespmem:s1+$0xFFFFFF60] =	vst v1  }
0x477: {  	[tilespmem:s1+$0xFFFFFF50] =	vst v1  }
0x478: {  	[tilespmem:s1+$0xFFFFFF40] =	vst v1  }
0x479: {  	s3 =	simm.s32 $0x0;
	[tilespmem:s1+$0xFFFFFF30] =	vst v1  }
.LBB2_36:
0x47a: {  	s3 =	sadd.s32 $0x10, s3;
	[tilespmem:s1+$0xFFFFFF20] =	vst v1;
	s1 =	sadd.s32 $0x100, s1  }
0x47b: {  	[tilespmem:s1+$0xFFFFFF10] =	vst v1;
	p0 =	slt.u32 s3, $0xFF0  }
0x47c: {  	[tilespmem:s1+$0x0] =	vst v1  }
0x47d: {  	[tilespmem:s1+$0xFFFFFFF0] =	vst v1  }
0x47e: {  	[tilespmem:s1+$0xFFFFFFE0] =	vst v1  }
0x47f: {  	[tilespmem:s1+$0xFFFFFFD0] =	vst v1  }
0x480: {  	[tilespmem:s1+$0xFFFFFFC0] =	vst v1  }
0x481: {  	[tilespmem:s1+$0xFFFFFFB0] =	vst v1  }
0x482: {  	[tilespmem:s1+$0xFFFFFFA0] =	vst v1  }
0x483: {  	[tilespmem:s1+$0xFFFFFF90] =	vst v1  }
0x484: {  	[tilespmem:s1+$0xFFFFFF80] =	vst v1  }
.Ltmp22:
0x485: {  	[tilespmem:s1+$0xFFFFFF70] =	vst v1;
	(pc) =	sbr.rel @p0 .LBB2_36-.Ltmp22, $4  }
0x486: {  	[tilespmem:s1+$0xFFFFFF60] =	vst v1  }
0x487: {  	[tilespmem:s1+$0xFFFFFF50] =	vst v1  }
0x488: {  	[tilespmem:s1+$0xFFFFFF40] =	vst v1  }
0x489: {  	[tilespmem:s1+$0xFFFFFF30] =	vst v1  }
0x48a: {  	s3 =	sadd.s32 $0x1F, s0  }
0x48b: {  	s4 =	sshra.s32 s3, $0x5  }
0x48c: {  	p0 =	slt.s32 s4, $0x1  }
.Ltmp23:
0x48d: {  	_ = 	snop;
	(pc) =	sbr.rel @p0 .LBB2_41-.Ltmp23, $2  }
0x48e: {  	_ =	sdelay $0x2  }
0x48f: {  	[tilespmem:s1+$0xFFFFFF20] =	vst v1  }
0x490: {  	s1 =	sshrl.u32 s14, $0x4;
	s3 =	sshrl.u32 s12, $0x4;
	s29 =	rddreg [dreg:$0xe]  }
0x491: {  	s5 =	rddreg [dreg:$0xd];
	s1 =	sadd.s32 s3, s1;
	s3 =	sshrl.u32 s29, $0x4  }
0x492: {  	s30 =	rddreg [dreg:$0xf];
	s5 =	sadd.s32 s19, s5;
	s1 =	sadd.s32 s3, s1  }
0x493: {  	s3 =	sadd.s32 s30, s5;
	s1 =	sshll.u32 s1, $0x6  }
0x494: {  	s3 =	sshll.u32 s3, $0x2;
	s1 =	sshra.s32 s1, $0x2  }
0x495: {  	s3 =	sshra.s32 s3, $0x2;
	s1 =	sadd.s32 $0x10, s1  }
0x496: {  	s3 =	sadd.s32 $0x4080, s3;
	v5 =	vld [tilespmem:s1+$0xFFFFFFF0]  }
0x497: {  	v4 =	vld [tilespmem:s3+$0x0];
	_ =	sdelay $0x4  }
0x498: {  	v6 =	vshrl.u32 v5, $0x10;
	v7 =	vand.u32 $0xFFFF, v4  }
0x499: {  	s31 =	simm.s32 $0x0;
	v4 =	vshrl.u32 v4, $0x10;
	v6 =	vcvt.s32.f32 v6;
	v7 =	vcvt.s32.f32 v7  }
0x49a: {  	v9 =	vor.u32 s31, v2;
	v8 =	vcvt.s32.f32 v4  }
0x49b: {  	v4 =	vmov s0;
	v6 =	vmul.f32 $1.525878910e-05, v6;
	v7 =	vmul.f32 $1.525878910e-05, v7  }
0x49c: {  	vm0 =	vlt.s32 v9, v4  }
0x49d: {  	v8 =	vmul.f32 $1.525878910e-05, v8;
	v10 =	vsub.f32 $1.000000000e+00, v6;
	v11 =	vsub.f32 $1.000000000e+00, v7  }
0x49e: {  	v9 =	vand.u32 $0x7F, v5;
	v5 =	vand.u32 $0xFFFF, v5  }
0x49f: {  	v14 =	vadd.s32 $0x1, v5;
	v12 =	vsub.f32 $1.000000000e+00, v8;
	v13 =	vmul.f32 v11, v10  }
0x4a0: {  	v15 =	vadd.s32 $0x1000, v5;
	v16 =	vadd.s32 $0x40, v5;
	v18 =	vadd.s32 $0x41, v5  }
0x4a1: {  	v15 =	vand.u32 $0x1FF80, v15;
	v10 =	vmul.f32 v7, v10;
	v17 =	vmul.f32 v13, v12  }
0x4a2: {  	v9 =	vor.u32 v9, v15;
	v13 =	vmul.f32 v13, v8  }
0x4a3: {  	v63 =	vadd.s32 $0x1001, v5;
	v11 =	vmul.f32 v11, v6;
	v15 =	vmul.f32 v12, v10;
	[tilespmem:v5+s13+$0x0] =	vst.idx.add.f32.msk vm0, v17  }
0x4a4: {  	v10 =	vmul.f32 v10, v8;
	[tilespmem:v14+s13+$0x0] =	vst.idx.add.f32.msk vm0, v13;
	v13 =	vadd.s32 $0x1040, v5  }
0x4a5: {  	v6 =	vmul.f32 v7, v6;
	v7 =	vmul.f32 v11, v12;
	v5 =	vadd.s32 $0x1041, v5;
	[tilespmem:v16+s13+$0x0] =	vst.idx.add.f32.msk vm0, v15  }
0x4a6: {  	v11 =	vmul.f32 v11, v8;
	[tilespmem:v18+s13+$0x0] =	vst.idx.add.f32.msk vm0, v10  }
0x4a7: {  	v10 =	vmul.f32 v12, v6;
	[tilespmem:v9+s13+$0x0] =	vst.idx.add.f32.msk vm0, v7  }
0x4a8: {  	v6 =	vmul.f32 v6, v8;
	[tilespmem:v63+s13+$0x0] =	vst.idx.add.f32.msk vm0, v11  }
0x4a9: {  	[tilespmem:v13+s13+$0x0] =	vst.idx.add.f32.msk vm0, v10  }
0x4aa: {  	[tilespmem:v5+s13+$0x0] =	vst.idx.add.f32.msk vm0, v6  }
0x4ab: {  	v6 =	vld [tilespmem:s1+$0x0]  }
0x4ac: {  	v7 =	vld [tilespmem:s3+$0x10];
	_ =	sdelay $0x3  }
0x4ad: {  	v5 =	vshrl.u32 v6, $0x10  }
0x4ae: {  	p0 =	sne.s32 s4, $0x1;
	v8 =	vcvt.s32.f32 v5;
	v5 =	vand.u32 $0xFFFF, v7  }
.Ltmp24:
0x4af: {  	s0 =	simm.s32 $0x10;
	v7 =	vshrl.u32 v7, $0x10;
	v9 =	vcvt.s32.f32 v5;
	(pc) =	sbr.rel @!p0 .LBB2_40-.Ltmp24, $4  }
0x4b0: {  	v12 =	vor.u32 s0, v2;
	v5 =	vand.u32 $0xFFFF, v6;
	v7 =	vcvt.s32.f32 v7  }
0x4b1: {  	v8 =	vmul.f32 $1.525878910e-05, v8;
	v10 =	vadd.s32 $0x1000, v5;
	v9 =	vmul.f32 $1.525878910e-05, v9  }
0x4b2: {  	vm0 =	vlt.s32 v12, v4;
	v10 =	vand.u32 $0x1FF80, v10  }
0x4b3: {  	s4 =	sadd.s32 $0xFFFFFFFF, s4;
	v7 =	vmul.f32 $1.525878910e-05, v7;
	v11 =	vsub.f32 $1.000000000e+00, v8;
	v12 =	vsub.f32 $1.000000000e+00, v9  }
.LBB2_39:
0x4b4: {  	v13 =	vmul.f32 v9, v8;
	v14 =	vadd.s32 $0x1, v5;
	s0 =	sadd.s32 $0x20, s0;
	s3 =	sadd.s32 $0x20, s3;
	s1 =	sadd.s32 $0x20, s1  }
0x4b5: {  	p0 =	sne.s32 s4, $0x1;
	s4 =	sadd.s32 $0xFFFFFFFF, s4;
	v15 =	vsub.f32 $1.000000000e+00, v7;
	v16 =	vmul.f32 v12, v11;
	v8 =	vmul.f32 v12, v8  }
0x4b6: {  	v12 =	vadd.s32 $0x40, v5;
	v6 =	vand.u32 $0x7F, v6;
	v17 =	vmul.f32 v13, v7  }
0x4b7: {  	v9 =	vmul.f32 v9, v11;
	v18 =	vadd.s32 $0x41, v5;
	v11 =	vmul.f32 v16, v15  }
0x4b8: {  	v6 =	vor.u32 v6, v10;
	v16 =	vmul.f32 v16, v7;
	v19 =	vmul.f32 v8, v15  }
0x4b9: {  	v10 =	vmul.f32 v15, v9;
	v9 =	vmul.f32 v9, v7;
	[tilespmem:v5+s13+$0x0] =	vst.idx.add.f32.msk vm0, v11;
	v11 =	vadd.s32 $0x1001, v5  }
0x4ba: {  	v7 =	vmul.f32 v8, v7;
	v8 =	vadd.s32 $0x1040, v5;
	[tilespmem:v14+s13+$0x0] =	vst.idx.add.f32.msk vm0, v16  }
0x4bb: {  	v5 =	vadd.s32 $0x1041, v5;
	[tilespmem:v12+s13+$0x0] =	vst.idx.add.f32.msk vm0, v10  }
0x4bc: {  	[tilespmem:v18+s13+$0x0] =	vst.idx.add.f32.msk vm0, v9  }
0x4bd: {  	[tilespmem:v6+s13+$0x0] =	vst.idx.add.f32.msk vm0, v19;
	v6 =	vmul.f32 v15, v13  }
0x4be: {  	[tilespmem:v11+s13+$0x0] =	vst.idx.add.f32.msk vm0, v7  }
0x4bf: {  	[tilespmem:v8+s13+$0x0] =	vst.idx.add.f32.msk vm0, v6  }
0x4c0: {  	[tilespmem:v5+s13+$0x0] =	vst.idx.add.f32.msk vm0, v17;
	_ =	sdelay $0x1  }
0x4c1: {  	v5 =	vld [tilespmem:s1+$0xFFFFFFF0]  }
0x4c2: {  	v6 =	vld [tilespmem:s3+$0x0];
	_ =	sdelay $0x3  }
0x4c3: {  	v7 =	vshrl.u32 v5, $0x10  }
0x4c4: {  	v7 =	vcvt.s32.f32 v7;
	v8 =	vand.u32 $0xFFFF, v6;
	v6 =	vshrl.u32 v6, $0x10  }
0x4c5: {  	v8 =	vcvt.s32.f32 v8;
	v6 =	vcvt.s32.f32 v6  }
0x4c6: {  	v7 =	vmul.f32 $1.525878910e-05, v7  }
0x4c7: {  	v8 =	vmul.f32 $1.525878910e-05, v8  }
0x4c8: {  	s5 =	sadd.s32 $0xFFFFFFF0, s0;
	v9 =	vand.u32 $0x7F, v5;
	v6 =	vmul.f32 $1.525878910e-05, v6  }
0x4c9: {  	v10 =	vor.u32 s5, v2;
	v11 =	vsub.f32 $1.000000000e+00, v7;
	v12 =	vsub.f32 $1.000000000e+00, v8  }
0x4ca: {  	vm0 =	vlt.s32 v10, v4;
	v5 =	vand.u32 $0xFFFF, v5;
	v10 =	vmul.f32 v8, v7  }
0x4cb: {  	v15 =	vadd.s32 $0x1000, v5;
	v13 =	vsub.f32 $1.000000000e+00, v6;
	v14 =	vmul.f32 v12, v11  }
0x4cc: {  	v8 =	vmul.f32 v8, v11;
	v7 =	vmul.f32 v12, v7;
	v11 =	vadd.s32 $0x1, v5  }
0x4cd: {  	v16 =	vadd.s32 $0x40, v5;
	v17 =	vadd.s32 $0x41, v5;
	v12 =	vmul.f32 v14, v13  }
0x4ce: {  	v15 =	vand.u32 $0x1FF80, v15;
	v18 =	vmul.f32 v13, v8;
	v14 =	vmul.f32 v14, v6  }
0x4cf: {  	v9 =	vor.u32 v9, v15;
	v19 =	vmul.f32 v7, v13;
	v7 =	vmul.f32 v7, v6  }
0x4d0: {  	v8 =	vmul.f32 v8, v6;
	v6 =	vmul.f32 v10, v6;
	[tilespmem:v5+s13+$0x0] =	vst.idx.add.f32.msk vm0, v12;
	v12 =	vadd.s32 $0x1001, v5  }
0x4d1: {  	[tilespmem:v11+s13+$0x0] =	vst.idx.add.f32.msk vm0, v14;
	v11 =	vadd.s32 $0x1040, v5  }
0x4d2: {  	v5 =	vadd.s32 $0x1041, v5;
	[tilespmem:v16+s13+$0x0] =	vst.idx.add.f32.msk vm0, v18  }
0x4d3: {  	[tilespmem:v17+s13+$0x0] =	vst.idx.add.f32.msk vm0, v8;
	v8 =	vmul.f32 v13, v10  }
0x4d4: {  	[tilespmem:v9+s13+$0x0] =	vst.idx.add.f32.msk vm0, v19  }
0x4d5: {  	[tilespmem:v12+s13+$0x0] =	vst.idx.add.f32.msk vm0, v7  }
0x4d6: {  	[tilespmem:v11+s13+$0x0] =	vst.idx.add.f32.msk vm0, v8  }
0x4d7: {  	[tilespmem:v5+s13+$0x0] =	vst.idx.add.f32.msk vm0, v6  }
0x4d8: {  	v6 =	vld [tilespmem:s1+$0x0]  }
0x4d9: {  	v7 =	vld [tilespmem:s3+$0x10];
	_ =	sdelay $0x3  }
0x4da: {  	v5 =	vand.u32 $0xFFFF, v6;
	v8 =	vshrl.u32 v6, $0x10  }
0x4db: {  	v8 =	vcvt.s32.f32 v8;
	v9 =	vand.u32 $0xFFFF, v7;
	v7 =	vshrl.u32 v7, $0x10  }
.Ltmp25:
0x4dc: {  	v10 =	vadd.s32 $0x1000, v5;
	v9 =	vcvt.s32.f32 v9;
	v7 =	vcvt.s32.f32 v7;
	(pc) =	sbr.rel @p0 .LBB2_39-.Ltmp25, $4  }
0x4dd: {  	v10 =	vand.u32 $0x1FF80, v10;
	v8 =	vmul.f32 $1.525878910e-05, v8  }
0x4de: {  	v9 =	vmul.f32 $1.525878910e-05, v9  }
0x4df: {  	v12 =	vor.u32 s0, v2;
	v11 =	vsub.f32 $1.000000000e+00, v8  }
0x4e0: {  	vm0 =	vlt.s32 v12, v4;
	v7 =	vmul.f32 $1.525878910e-05, v7;
	v12 =	vsub.f32 $1.000000000e+00, v9  }
.Ltmp26:
0x4e1: {  	_ = 	snop;
	(pc) =	sbr.rel .LBB2_40-.Ltmp26, $1  }
0x4e2: {  	_ =	sdelay $0x3  }
.LBB2_42:
0x4e3: {  	_ =	sfence.sel $0x180000  }
0x4e4: {  	[bflag:$0x0] =	sbarrier.arrive $0xFFFF  }
0x4e5: {  	_ =	strace $0x90000047  }
0x4e6: {  	s0 =	stileid.u32;
	[bflag:$0x2] =	sbarrier.arrive $0xFFFF  }
0x4e7: {  	p0 =	sne.s32 s0, $0x0;
	s0 =	rddreg [dreg:$0x2]  }
0x4e8: {  	s0 =	sadd.s32 @!p0 $0x100000, s0  }
0x4e9: {  	[sflag:s0] =	ssyncadd.tile.s32 @!p0 $0x1;
	_ =	shalt  }
.Lfunc_end2:
_tile_overlayer_lowered:
.L_overlay_start_2:
0x4ea: {  	(tag) =	ssettag $0x2  }
0x4eb: {  	s0 =	rddreg [dreg:$0x0];
	s2 =	stileid.u32  }
0x4ec: {  	s1 =	rddreg [dreg:$0x1];
	p0 =	sne.s32 s2, $0x0  }
0x4ed: {  	s3 =	rddreg [dreg:$0x2];
	[bflag:$0x3] =	sbarrier.arrive $0xFFFF;
	s2 =	simm.s32 @!p0 $0x1C04  }
0x4ee: {  	[timem:s3], [sflag:s2] =	dma.local @!p0 [hbm:s0], s1  }
0x4ef: {  	s0 =	simm.s32 @!p0 $0x4  }
0x4f0: {  	_ =	swait.ge @!p0 [sflag:s0], s1  }
0x4f1: {  	s1 =	ssub.s32 @!p0 $0x0, s1;
	[sflag:s0] =	ssyncset.done @!p0 $0x0  }
0x4f2: {  	[sflag:s0] =	ssyncadd.s32 @!p0 s1  }
0x4f3: {  	[bflag:$0x3] =	sbarrier.arrive $0xFFFF  }
0x4f4: {  	_ =	shalt  }

</sc_bundles>
